<compile_context>
chip_gen: v7x
topology: tpu7x:2x2x1
jax: 0.10.2.dev20260603
libtpu: 0.0.44.dev20260713+nightly
codegen_flags: <defaults>
</compile_context>

<pallas_src>
import jax
import jax.numpy as jnp
from jax import lax
from jax.experimental import pallas as pl
from jax.experimental.pallas import tpu as pltpu
from jax.experimental.pallas import tpu_sc as plsc

N = 10000
E = 320000
IN_DIM = 128
H = 8
D = 16
HD = H * D
ALPHA = 0.2

BR = 1000
GRID = N // BR
CH = 32
NIT = 640
EP = NIT * CH
EPAD = 16 * EP
PAD = EPAD - E
SDW = 2 * CH
TW = 128
ACC_W = 128
ZR = 16
RB = 624
DUMMY = 2 * N


def _pre_body(x_ref, wt_ref, a1w_ref, a2w_ref, t_ref, m_ref):
    i = pl.program_id(0)
    ft = jnp.dot(x_ref[...], wt_ref[...], preferred_element_type=jnp.float32)
    a1 = jnp.dot(ft, a1w_ref[...], preferred_element_type=jnp.float32)
    a2 = jnp.dot(ft, a2w_ref[...], preferred_element_type=jnp.float32)
    pad = jnp.zeros((BR, 32), jnp.float32)
    t_ref[0] = jnp.concatenate([ft[:, :64], a1[:, :16], a2[:, :16], pad], axis=1)
    t_ref[1] = jnp.concatenate([ft[:, 64:], a1[:, :16], a2[:, :16], pad], axis=1)

    @pl.when(i == 0)
    def _():
        m_ref[...] = jnp.full((2, 128), -jnp.inf, jnp.float32)

    m1 = jnp.max(a1, axis=0, keepdims=True)
    m2 = jnp.max(a2, axis=0, keepdims=True)
    m_ref[0:1, :] = jnp.maximum(m_ref[0:1, :], m1)
    m_ref[1:2, :] = jnp.maximum(m_ref[1:2, :], m2)


_tc_pre = pl.pallas_call(
    _pre_body,
    grid=(GRID,),
    in_specs=[
        pl.BlockSpec((BR, IN_DIM), lambda i: (i, 0)),
        pl.BlockSpec((IN_DIM, HD), lambda i: (0, 0)),
        pl.BlockSpec((HD, 128), lambda i: (0, 0)),
        pl.BlockSpec((HD, 128), lambda i: (0, 0)),
    ],
    out_specs=[
        pl.BlockSpec((2, BR, TW), lambda i: (0, i, 0)),
        pl.BlockSpec((2, 128), lambda i: (0, 0)),
    ],
    out_shape=[
        jax.ShapeDtypeStruct((2, N, TW), jnp.float32),
        jax.ShapeDtypeStruct((2, 128), jnp.float32),
    ],
)


def _sc_body(t_hbm, m_hbm, sd_hbm, acc_out,
             sdrow, cb0, cb1, msg0, msg1, msg2, msg3,
             dsv, mbuf, acc,
             gsem0, gsem1,
             ssem0, ssem1, ssem2, ssem3,
             isem0, isem1, isem2, isem3, isem4, isem5, isem6, isem7):
    c = lax.axis_index("c")
    s = lax.axis_index("s")
    iota = lax.broadcasted_iota(jnp.int32, (16,), 0)
    zeros16 = jnp.zeros((16,), jnp.float32)
    c4 = c * 4
    qidx = [jnp.broadcast_to(c4 + j, (16,)) for j in range(4)]
    rotidx = (iota + c4) & 15

    combs = (cb0, cb1)
    msgs = (msg0, msg1, msg2, msg3)
    gsems = (gsem0, gsem1)
    ssems = (ssem0, ssem1, ssem2, ssem3)
    isems = (isem0, isem1, isem2, isem3, isem4, isem5, isem6, isem7)

    def _zrow(r, _):
        for k in range(ACC_W // 16):
            msg0[r, pl.ds(k * 16, 16)] = zeros16
            msg1[r, pl.ds(k * 16, 16)] = zeros16
            msg2[r, pl.ds(k * 16, 16)] = zeros16
            msg3[r, pl.ds(k * 16, 16)] = zeros16
        return 0
    lax.fori_loop(0, CH, _zrow, 0)

    nch = jnp.where(s < 15, RB // ZR, (N - 15 * RB) // ZR)

    def _zacc(k, _):
        r0 = pl.multiple_of(s * RB + k * ZR, ZR)
        pltpu.sync_copy(msg0.at[pl.ds(0, ZR), :], acc.at[pl.ds(r0, ZR), :])
        return 0
    lax.fori_loop(0, nch, _zacc, 0)

    pltpu.sync_copy(m_hbm, mbuf)
    msum = mbuf[0, pl.ds(0, 16)] + mbuf[1, pl.ds(0, 16)]
    m16 = jnp.maximum(msum, msum * ALPHA)
    plsc.subcore_barrier()

    sd0 = (c * 16 + s) * (NIT * SDW)

    def idx_copy(i, b8):
        pltpu.async_copy(sd_hbm.at[pl.ds(sd0 + i * SDW, SDW)],
                         sdrow.at[pl.ds(b8 * SDW, SDW)], isems[b8])

    def idx_wait(i, b8):
        pltpu.make_async_copy(sd_hbm.at[pl.ds(sd0 + i * SDW, SDW)],
                              sdrow.at[pl.ds(b8 * SDW, SDW)], isems[b8]).wait()

    def start_gather(i, b4, b8):
        pltpu.async_copy(
            t_hbm.at[sdrow.at[pl.ds(b8 * SDW, 2 * SDW)]],
            combs[b4], gsems[b4])

    def wait_gather(i, b4, b8):
        pltpu.make_async_copy(
            t_hbm.at[sdrow.at[pl.ds(b8 * SDW, 2 * SDW)]],
            combs[b4], gsems[b4]).wait()

    def wait_scatter(b4):
        pltpu.make_async_copy(
            msgs[b4], acc.at[dsv.at[b4]], ssems[b4]).wait()

    for k in range(8):
        idx_copy(k, k)
    for k in range(4):
        idx_wait(k, k)
    start_gather(0, 0, 0)
    start_gather(2, 1, 2)

    def step(i8, _):
        for b in range(8):
            b4 = b % 4
            pb = (b // 2) % 2
            half = b % 2
            i = i8 * 8 + b
            if half == 0:
                wait_gather(i, pb, b)
            if b < 4:
                @pl.when(i8 >= 1)
                def _():
                    wait_scatter(b4)
            else:
                wait_scatter(b4)

            for k in range(CH // 16):
                dsv[b4, pl.ds(k * 16, 16)] = \
                    sdrow[pl.ds(b * SDW + CH + k * 16, 16)]

            cb = combs[pb]
            msg = msgs[b4]

            h0 = half * SDW

            @plsc.parallel_loop(0, CH, 1, unroll=4)
            def edge(e):
                va1 = cb[h0 + e, pl.ds(64, 16)]
                va2 = cb[h0 + CH + e, pl.ds(80, 16)]
                t = va1 + va2
                logit = jnp.maximum(t, t * ALPHA)
                p = jnp.exp(logit - m16)
                for j in range(4):
                    ftb = cb[h0 + e, pl.ds(j * 16, 16)]
                    q = jnp.take_along_axis(p, qidx[j], axis=0)
                    msg[e, pl.ds(j * 16, 16)] = ftb * q
                msg[e, pl.ds(64, 16)] = jnp.take_along_axis(p, rotidx, axis=0)

            pltpu.async_copy(msg, acc.at[dsv.at[b4]], ssems[b4], add=True)

            if half == 1:
                @pl.when(i8 * 8 + b + 3 < NIT)
                def _():
                    idx_wait(i + 3, (b + 3) % 8)
                    idx_wait(i + 4, (b + 4) % 8)
                    start_gather(i + 3, pb, (b + 3) % 8)

            @pl.when(i8 * 8 + b + 8 < NIT)
            def _():
                idx_copy(i + 8, b)
        return 0
    lax.fori_loop(0, NIT // 8, step, 0)

    for b4 in range(4):
        wait_scatter(b4)
    plsc.subcore_barrier()

    def _wout(k, _):
        r0 = pl.multiple_of(s * RB + k * ZR, ZR)
        pltpu.sync_copy(acc.at[pl.ds(r0, ZR), :],
                        acc_out.at[pl.ds(c * N + r0, ZR), :])
        return 0
    lax.fori_loop(0, nch, _wout, 0)


_sc_edge = pl.kernel(
    _sc_body,
    out_type=jax.ShapeDtypeStruct((2 * N, ACC_W), jnp.float32),
    mesh=plsc.VectorSubcoreMesh(core_axis_name="c", subcore_axis_name="s"),
    compiler_params=pltpu.CompilerParams(needs_layout_passes=False),
    scratch_types=(
        [pltpu.VMEM((8 * SDW,), jnp.int32)]
        + [pltpu.VMEM((2 * SDW, TW), jnp.float32) for _ in range(2)]
        + [pltpu.VMEM((CH, ACC_W), jnp.float32) for _ in range(4)]
        + [
            pltpu.VMEM((4, CH), jnp.int32),
            pltpu.VMEM((2, 128), jnp.float32),
            pltpu.VMEM_SHARED((N, ACC_W), jnp.float32),
        ]
        + [pltpu.SemaphoreType.DMA for _ in range(14)]
    ),
)


def _post_body(acc0_ref, acc1_ref, s_ref, out_ref):
    sel = s_ref[...]
    n0 = acc0_ref[:, 0:64]
    z0 = acc0_ref[:, 64:68]
    n1 = acc1_ref[:, 0:64]
    z1 = acc1_ref[:, 64:68]
    r0 = n0 / jnp.dot(z0, sel, preferred_element_type=jnp.float32)
    r1 = n1 / jnp.dot(z1, sel, preferred_element_type=jnp.float32)
    out_ref[...] = jnp.concatenate([r0, r1], axis=1)


_tc_post = pl.pallas_call(
    _post_body,
    grid=(GRID,),
    in_specs=[
        pl.BlockSpec((BR, ACC_W), lambda i: (i, 0)),
        pl.BlockSpec((BR, ACC_W), lambda i: (N // BR + i, 0)),
        pl.BlockSpec((4, 64), lambda i: (0, 0)),
    ],
    out_specs=pl.BlockSpec((BR, HD), lambda i: (i, 0)),
    out_shape=jax.ShapeDtypeStruct((N, HD), jnp.float32),
)


@jax.jit
def kernel(inputs, edge_index, W, attn_l, attn_r):
    wt = W.T
    al = attn_l[:, :, 0]
    ar = attn_r[:, :, 0]
    eye = jnp.eye(H, dtype=jnp.float32)
    a1w = jnp.einsum('hd,hk->hdk', al, eye).reshape(HD, H)
    a2w = jnp.einsum('hd,hk->hdk', ar, eye).reshape(HD, H)
    zpad = jnp.zeros((HD, 128 - 2 * H), jnp.float32)
    a1w = jnp.concatenate([a1w, a1w, zpad], axis=1)
    a2w = jnp.concatenate([a2w, a2w, zpad], axis=1)
    sel = jnp.einsum('jk,d->kjd', jnp.eye(4, dtype=jnp.float32),
                     jnp.ones((D,), jnp.float32)).reshape(4, 64)

    tpack, m = _tc_pre(inputs, wt, a1w, a2w)
    dummy = jnp.zeros((8, TW), jnp.float32).at[:, 64:80].set(-1e30)
    table = jnp.concatenate([tpack.reshape(2 * N, TW), dummy], axis=0)
    src = edge_index[0]
    dst = edge_index[1]
    spad = jnp.full((PAD,), DUMMY, jnp.int32)
    dpad = jnp.zeros((PAD,), jnp.int32)
    srcb = jnp.concatenate([src, spad, src + N, spad]).reshape(2, EPAD // CH, CH)
    dstp = jnp.concatenate([dst, dpad]).reshape(EPAD // CH, CH)
    dst2 = jnp.stack([dstp, dstp])
    sd = jnp.concatenate([srcb, dst2], axis=-1).reshape(-1)

    acc = _sc_edge(table, m, sd)
    out = _tc_post(acc, acc, sel)
    return out.reshape(N, H, D)

# --- scband reference (transcript-rebuilt; emitter-appended) ---
"""Pipeline reference for scband-graph-attention-52604759441487 (READ-ONLY COPY).

The authoritative reference and input builder live on the scoring server;
editing this copy changes nothing except your own understanding.
"""

import jax, jax.numpy as jnp
import numpy as np

N = 10000
E = 320000
IN_DIM = 128
H = 8
D = 16
ALPHA = 0.2


def setup_inputs(seed: int = 0) -> dict:
    key = jax.random.key(seed)
    k1, k2, k3, k4, k5 = jax.random.split(key, 5)
    inputs = jax.random.normal(k1, (N, IN_DIM), dtype=jnp.float32)
    edge_index = jax.random.randint(k2, (2, E), 0, N, dtype=jnp.int32)
    # xavier_uniform-like init with gain=1.414
    limit_W = 1.414 * np.sqrt(6.0 / (IN_DIM + H * D))
    W = jax.random.uniform(k3, (H * D, IN_DIM), dtype=jnp.float32, minval=-limit_W, maxval=limit_W)
    limit_a = 1.414 * np.sqrt(6.0 / (D + 1))
    attn_l = jax.random.uniform(k4, (H, D, 1), dtype=jnp.float32, minval=-limit_a, maxval=limit_a)
    attn_r = jax.random.uniform(k5, (H, D, 1), dtype=jnp.float32, minval=-limit_a, maxval=limit_a)
    return {"inputs": inputs, "edge_index": edge_index, "W": W, "attn_l": attn_l, "attn_r": attn_r}


def reference(inputs, edge_index, W, attn_l, attn_r):
    # ft = fc(h).reshape(N, H, D)
    ft = (inputs @ W.T).reshape(N, H, D)
    # a1 = bmm(head_ft, attn_l) ; a2 = bmm(head_ft, attn_r)  -> [N, H, 1]
    a1 = jnp.einsum('nhd,hdo->nho', ft, attn_l)
    a2 = jnp.einsum('nhd,hdo->nho', ft, attn_r)
    src = edge_index[0]
    dst = edge_index[1]
    # edge_attn_logits: leaky_relu(a1[src] + a2[dst])
    logits = jax.nn.leaky_relu(a1[src] + a2[dst], negative_slope=ALPHA)  # [E, H, 1]
    # fetch_max_logits: per-dst-node max over incoming edges
    max_logits = jax.ops.segment_max(logits, dst, num_segments=N)  # [N, H, 1]
    # edge_attn_exp: exp(a - max_attn_logits[dst])  (no attn dropout: attn_drop=0)
    a_exp = jnp.exp(logits - max_logits[dst])  # [E, H, 1]
    # update_all: sum(ft[src] * a_drop) and sum(a) at dst
    msg = ft[src] * a_exp  # [E, H, D]
    num = jax.ops.segment_sum(msg, dst, num_segments=N)  # [N, H, D]
    z = jax.ops.segment_sum(a_exp, dst, num_segments=N)  # [N, H, 1]
    ret = num / z
    return ret

if __name__ == "__main__":
    import jax
    _d = setup_inputs()
    print(jax.jit(kernel)(*tuple(_d.values())))

</pallas_src>

<mosaic_0001>
#map = affine_map<(d0, d1) -> (0, 0)>
#map1 = affine_map<(d0, d1) -> (0)>
module attributes {stable_mosaic.version = 14 : i64} {
  func.func @_sc_body(%arg0: i32, %arg1: i32, %arg2: memref<20008x128xf32, #tpu.memory_space<hbm>>, %arg3: memref<2x128xf32, #tpu.memory_space<hbm>>, %arg4: memref<1310720xi32, #tpu.memory_space<hbm>>, %arg5: memref<20000x128xf32, #tpu.memory_space<hbm>>, %arg6: memref<512xi32, #tpu.memory_space<vmem>>, %arg7: memref<128x128xf32, #tpu.memory_space<vmem>>, %arg8: memref<128x128xf32, #tpu.memory_space<vmem>>, %arg9: memref<32x128xf32, #tpu.memory_space<vmem>>, %arg10: memref<32x128xf32, #tpu.memory_space<vmem>>, %arg11: memref<32x128xf32, #tpu.memory_space<vmem>>, %arg12: memref<32x128xf32, #tpu.memory_space<vmem>>, %arg13: memref<4x32xi32, #tpu.memory_space<vmem>>, %arg14: memref<2x128xf32, #tpu.memory_space<vmem>>, %arg15: memref<10000x128xf32, #tpu.memory_space<vmem_shared>>, %arg16: memref<!tpu.dma_semaphore, #tpu.memory_space<semaphore_mem>>, %arg17: memref<!tpu.dma_semaphore, #tpu.memory_space<semaphore_mem>>, %arg18: memref<!tpu.dma_semaphore, #tpu.memory_space<semaphore_mem>>, %arg19: memref<!tpu.dma_semaphore, #tpu.memory_space<semaphore_mem>>, %arg20: memref<!tpu.dma_semaphore, #tpu.memory_space<semaphore_mem>>, %arg21: memref<!tpu.dma_semaphore, #tpu.memory_space<semaphore_mem>>, %arg22: memref<!tpu.dma_semaphore, #tpu.memory_space<semaphore_mem>>, %arg23: memref<!tpu.dma_semaphore, #tpu.memory_space<semaphore_mem>>, %arg24: memref<!tpu.dma_semaphore, #tpu.memory_space<semaphore_mem>>, %arg25: memref<!tpu.dma_semaphore, #tpu.memory_space<semaphore_mem>>, %arg26: memref<!tpu.dma_semaphore, #tpu.memory_space<semaphore_mem>>, %arg27: memref<!tpu.dma_semaphore, #tpu.memory_space<semaphore_mem>>, %arg28: memref<!tpu.dma_semaphore, #tpu.memory_space<semaphore_mem>>, %arg29: memref<!tpu.dma_semaphore, #tpu.memory_space<semaphore_mem>>) attributes {dimension_semantics = [#tpu.dimension_semantics<core_parallel>, #tpu.dimension_semantics<subcore_parallel>], iteration_bounds = array<i64: 2, 16>, scalar_prefetch = 0 : i64, scratch_operands = 24 : i64, tpu.core_type = #tpu.core_type<sc_vector_subcore>, window_params = [{transform_indices = #map}, {transform_indices = #map}, {transform_indices = #map1}, {transform_indices = #map}]} {
    %iota3A = tpu.iota {dimensions = array<i32: 0>} : vector<16xi32>
    %broadcast_in_dim3A = arith.constant 0.000000e+00 : f32
    %broadcast_in_dim3A_0 = vector.broadcast %broadcast_in_dim3A : f32 to vector<16xf32>
    %mul3A = arith.constant 4 : i32
    %mul3A_1 = arith.muli %arg0, %mul3A : i32
    %add3A = arith.constant 0 : i32
    %add3A_2 = arith.addi %mul3A_1, %add3A : i32
    %broadcast_in_dim3A_3 = vector.broadcast %add3A_2 : i32 to vector<16xi32>
    %add3A_4 = arith.constant 1 : i32
    %add3A_5 = arith.addi %mul3A_1, %add3A_4 : i32
    %broadcast_in_dim3A_6 = vector.broadcast %add3A_5 : i32 to vector<16xi32>
    %add3A_7 = arith.constant 2 : i32
    %add3A_8 = arith.addi %mul3A_1, %add3A_7 : i32
    %broadcast_in_dim3A_9 = vector.broadcast %add3A_8 : i32 to vector<16xi32>
    %add3A_10 = arith.constant 3 : i32
    %add3A_11 = arith.addi %mul3A_1, %add3A_10 : i32
    %broadcast_in_dim3A_12 = vector.broadcast %add3A_11 : i32 to vector<16xi32>
    %add3A_13 = vector.broadcast %mul3A_1 : i32 to vector<16xi32>
    %add3A_14 = arith.addi %iota3A, %add3A_13 : vector<16xi32>
    %and3A = arith.constant 15 : i32
    %and3A_15 = vector.broadcast %and3A : i32 to vector<16xi32>
    %and3A_16 = arith.andi %add3A_14, %and3A_15 : vector<16xi32>
    %scan3A = arith.constant 0 : i32
    %scan3A_17 = arith.constant 0 : i32
    %scan3A_18 = arith.constant 32 : i32
    %scan3A_19 = arith.addi %scan3A_17, %scan3A_18 : i32
    %scan3A_20 = arith.constant 1 : i32
    %scan3A_21 = scf.for %scan3A_204 = %scan3A_17 to %scan3A_19 step %scan3A_20 iter_args(%scan3A_205 = %scan3A) -> (i32)  : i32 {
      %swap3A = arith.index_cast %scan3A_204 : i32 to index
      %swap3A_206 = arith.constant 0 : index
      %swap3A_207 = tpu.vector_load %arg9[%swap3A, %swap3A_206] {strides = array<i32>} : memref<32x128xf32, #tpu.memory_space<vmem>>, vector<16xf32>,
      tpu.vector_store %arg9[%swap3A, %swap3A_206], %broadcast_in_dim3A_0 {strides = array<i32>} : memref<32x128xf32, #tpu.memory_space<vmem>>, vector<16xf32>,
      %swap3A_208 = arith.index_cast %scan3A_204 : i32 to index
      %swap3A_209 = arith.constant 0 : index
      %swap3A_210 = tpu.vector_load %arg10[%swap3A_208, %swap3A_209] {strides = array<i32>} : memref<32x128xf32, #tpu.memory_space<vmem>>, vector<16xf32>,
      tpu.vector_store %arg10[%swap3A_208, %swap3A_209], %broadcast_in_dim3A_0 {strides = array<i32>} : memref<32x128xf32, #tpu.memory_space<vmem>>, vector<16xf32>,
      %swap3A_211 = arith.index_cast %scan3A_204 : i32 to index
      %swap3A_212 = arith.constant 0 : index
      %swap3A_213 = tpu.vector_load %arg11[%swap3A_211, %swap3A_212] {strides = array<i32>} : memref<32x128xf32, #tpu.memory_space<vmem>>, vector<16xf32>,
      tpu.vector_store %arg11[%swap3A_211, %swap3A_212], %broadcast_in_dim3A_0 {strides = array<i32>} : memref<32x128xf32, #tpu.memory_space<vmem>>, vector<16xf32>,
      %swap3A_214 = arith.index_cast %scan3A_204 : i32 to index
      %swap3A_215 = arith.constant 0 : index
      %swap3A_216 = tpu.vector_load %arg12[%swap3A_214, %swap3A_215] {strides = array<i32>} : memref<32x128xf32, #tpu.memory_space<vmem>>, vector<16xf32>,
      tpu.vector_store %arg12[%swap3A_214, %swap3A_215], %broadcast_in_dim3A_0 {strides = array<i32>} : memref<32x128xf32, #tpu.memory_space<vmem>>, vector<16xf32>,
      %swap3A_217 = arith.index_cast %scan3A_204 : i32 to index
      %swap3A_218 = arith.constant 16 : index
      %swap3A_219 = tpu.vector_load %arg9[%swap3A_217, %swap3A_218] {strides = array<i32>} : memref<32x128xf32, #tpu.memory_space<vmem>>, vector<16xf32>,
      tpu.vector_store %arg9[%swap3A_217, %swap3A_218], %broadcast_in_dim3A_0 {strides = array<i32>} : memref<32x128xf32, #tpu.memory_space<vmem>>, vector<16xf32>,
      %swap3A_220 = arith.index_cast %scan3A_204 : i32 to index
      %swap3A_221 = arith.constant 16 : index
      %swap3A_222 = tpu.vector_load %arg10[%swap3A_220, %swap3A_221] {strides = array<i32>} : memref<32x128xf32, #tpu.memory_space<vmem>>, vector<16xf32>,
      tpu.vector_store %arg10[%swap3A_220, %swap3A_221], %broadcast_in_dim3A_0 {strides = array<i32>} : memref<32x128xf32, #tpu.memory_space<vmem>>, vector<16xf32>,
      %swap3A_223 = arith.index_cast %scan3A_204 : i32 to index
      %swap3A_224 = arith.constant 16 : index
      %swap3A_225 = tpu.vector_load %arg11[%swap3A_223, %swap3A_224] {strides = array<i32>} : memref<32x128xf32, #tpu.memory_space<vmem>>, vector<16xf32>,
      tpu.vector_store %arg11[%swap3A_223, %swap3A_224], %broadcast_in_dim3A_0 {strides = array<i32>} : memref<32x128xf32, #tpu.memory_space<vmem>>, vector<16xf32>,
      %swap3A_226 = arith.index_cast %scan3A_204 : i32 to index
      %swap3A_227 = arith.constant 16 : index
      %swap3A_228 = tpu.vector_load %arg12[%swap3A_226, %swap3A_227] {strides = array<i32>} : memref<32x128xf32, #tpu.memory_space<vmem>>, vector<16xf32>,
      tpu.vector_store %arg12[%swap3A_226, %swap3A_227], %broadcast_in_dim3A_0 {strides = array<i32>} : memref<32x128xf32, #tpu.memory_space<vmem>>, vector<16xf32>,
      %swap3A_229 = arith.index_cast %scan3A_204 : i32 to index
      %swap3A_230 = arith.constant 32 : index
      %swap3A_231 = tpu.vector_load %arg9[%swap3A_229, %swap3A_230] {strides = array<i32>} : memref<32x128xf32, #tpu.memory_space<vmem>>, vector<16xf32>,
      tpu.vector_store %arg9[%swap3A_229, %swap3A_230], %broadcast_in_dim3A_0 {strides = array<i32>} : memref<32x128xf32, #tpu.memory_space<vmem>>, vector<16xf32>,
      %swap3A_232 = arith.index_cast %scan3A_204 : i32 to index
      %swap3A_233 = arith.constant 32 : index
      %swap3A_234 = tpu.vector_load %arg10[%swap3A_232, %swap3A_233] {strides = array<i32>} : memref<32x128xf32, #tpu.memory_space<vmem>>, vector<16xf32>,
      tpu.vector_store %arg10[%swap3A_232, %swap3A_233], %broadcast_in_dim3A_0 {strides = array<i32>} : memref<32x128xf32, #tpu.memory_space<vmem>>, vector<16xf32>,
      %swap3A_235 = arith.index_cast %scan3A_204 : i32 to index
      %swap3A_236 = arith.constant 32 : index
      %swap3A_237 = tpu.vector_load %arg11[%swap3A_235, %swap3A_236] {strides = array<i32>} : memref<32x128xf32, #tpu.memory_space<vmem>>, vector<16xf32>,
      tpu.vector_store %arg11[%swap3A_235, %swap3A_236], %broadcast_in_dim3A_0 {strides = array<i32>} : memref<32x128xf32, #tpu.memory_space<vmem>>, vector<16xf32>,
      %swap3A_238 = arith.index_cast %scan3A_204 : i32 to index
      %swap3A_239 = arith.constant 32 : index
      %swap3A_240 = tpu.vector_load %arg12[%swap3A_238, %swap3A_239] {strides = array<i32>} : memref<32x128xf32, #tpu.memory_space<vmem>>, vector<16xf32>,
      tpu.vector_store %arg12[%swap3A_238, %swap3A_239], %broadcast_in_dim3A_0 {strides = array<i32>} : memref<32x128xf32, #tpu.memory_space<vmem>>, vector<16xf32>,
      %swap3A_241 = arith.index_cast %scan3A_204 : i32 to index
      %swap3A_242 = arith.constant 48 : index
      %swap3A_243 = tpu.vector_load %arg9[%swap3A_241, %swap3A_242] {strides = array<i32>} : memref<32x128xf32, #tpu.memory_space<vmem>>, vector<16xf32>,
      tpu.vector_store %arg9[%swap3A_241, %swap3A_242], %broadcast_in_dim3A_0 {strides = array<i32>} : memref<32x128xf32, #tpu.memory_space<vmem>>, vector<16xf32>,
      %swap3A_244 = arith.index_cast %scan3A_204 : i32 to index
      %swap3A_245 = arith.constant 48 : index
      %swap3A_246 = tpu.vector_load %arg10[%swap3A_244, %swap3A_245] {strides = array<i32>} : memref<32x128xf32, #tpu.memory_space<vmem>>, vector<16xf32>,
      tpu.vector_store %arg10[%swap3A_244, %swap3A_245], %broadcast_in_dim3A_0 {strides = array<i32>} : memref<32x128xf32, #tpu.memory_space<vmem>>, vector<16xf32>,
      %swap3A_247 = arith.index_cast %scan3A_204 : i32 to index
      %swap3A_248 = arith.constant 48 : index
      %swap3A_249 = tpu.vector_load %arg11[%swap3A_247, %swap3A_248] {strides = array<i32>} : memref<32x128xf32, #tpu.memory_space<vmem>>, vector<16xf32>,
      tpu.vector_store %arg11[%swap3A_247, %swap3A_248], %broadcast_in_dim3A_0 {strides = array<i32>} : memref<32x128xf32, #tpu.memory_space<vmem>>, vector<16xf32>,
      %swap3A_250 = arith.index_cast %scan3A_204 : i32 to index
      %swap3A_251 = arith.constant 48 : index
      %swap3A_252 = tpu.vector_load %arg12[%swap3A_250, %swap3A_251] {strides = array<i32>} : memref<32x128xf32, #tpu.memory_space<vmem>>, vector<16xf32>,
      tpu.vector_store %arg12[%swap3A_250, %swap3A_251], %broadcast_in_dim3A_0 {strides = array<i32>} : memref<32x128xf32, #tpu.memory_space<vmem>>, vector<16xf32>,
      %swap3A_253 = arith.index_cast %scan3A_204 : i32 to index
      %swap3A_254 = arith.constant 64 : index
      %swap3A_255 = tpu.vector_load %arg9[%swap3A_253, %swap3A_254] {strides = array<i32>} : memref<32x128xf32, #tpu.memory_space<vmem>>, vector<16xf32>,
      tpu.vector_store %arg9[%swap3A_253, %swap3A_254], %broadcast_in_dim3A_0 {strides = array<i32>} : memref<32x128xf32, #tpu.memory_space<vmem>>, vector<16xf32>,
      %swap3A_256 = arith.index_cast %scan3A_204 : i32 to index
      %swap3A_257 = arith.constant 64 : index
      %swap3A_258 = tpu.vector_load %arg10[%swap3A_256, %swap3A_257] {strides = array<i32>} : memref<32x128xf32, #tpu.memory_space<vmem>>, vector<16xf32>,
      tpu.vector_store %arg10[%swap3A_256, %swap3A_257], %broadcast_in_dim3A_0 {strides = array<i32>} : memref<32x128xf32, #tpu.memory_space<vmem>>, vector<16xf32>,
      %swap3A_259 = arith.index_cast %scan3A_204 : i32 to index
      %swap3A_260 = arith.constant 64 : index
      %swap3A_261 = tpu.vector_load %arg11[%swap3A_259, %swap3A_260] {strides = array<i32>} : memref<32x128xf32, #tpu.memory_space<vmem>>, vector<16xf32>,
      tpu.vector_store %arg11[%swap3A_259, %swap3A_260], %broadcast_in_dim3A_0 {strides = array<i32>} : memref<32x128xf32, #tpu.memory_space<vmem>>, vector<16xf32>,
      %swap3A_262 = arith.index_cast %scan3A_204 : i32 to index
      %swap3A_263 = arith.constant 64 : index
      %swap3A_264 = tpu.vector_load %arg12[%swap3A_262, %swap3A_263] {strides = array<i32>} : memref<32x128xf32, #tpu.memory_space<vmem>>, vector<16xf32>,
      tpu.vector_store %arg12[%swap3A_262, %swap3A_263], %broadcast_in_dim3A_0 {strides = array<i32>} : memref<32x128xf32, #tpu.memory_space<vmem>>, vector<16xf32>,
      %swap3A_265 = arith.index_cast %scan3A_204 : i32 to index
      %swap3A_266 = arith.constant 80 : index
      %swap3A_267 = tpu.vector_load %arg9[%swap3A_265, %swap3A_266] {strides = array<i32>} : memref<32x128xf32, #tpu.memory_space<vmem>>, vector<16xf32>,
      tpu.vector_store %arg9[%swap3A_265, %swap3A_266], %broadcast_in_dim3A_0 {strides = array<i32>} : memref<32x128xf32, #tpu.memory_space<vmem>>, vector<16xf32>,
      %swap3A_268 = arith.index_cast %scan3A_204 : i32 to index
      %swap3A_269 = arith.constant 80 : index
      %swap3A_270 = tpu.vector_load %arg10[%swap3A_268, %swap3A_269] {strides = array<i32>} : memref<32x128xf32, #tpu.memory_space<vmem>>, vector<16xf32>,
      tpu.vector_store %arg10[%swap3A_268, %swap3A_269], %broadcast_in_dim3A_0 {strides = array<i32>} : memref<32x128xf32, #tpu.memory_space<vmem>>, vector<16xf32>,
      %swap3A_271 = arith.index_cast %scan3A_204 : i32 to index
      %swap3A_272 = arith.constant 80 : index
      %swap3A_273 = tpu.vector_load %arg11[%swap3A_271, %swap3A_272] {strides = array<i32>} : memref<32x128xf32, #tpu.memory_space<vmem>>, vector<16xf32>,
      tpu.vector_store %arg11[%swap3A_271, %swap3A_272], %broadcast_in_dim3A_0 {strides = array<i32>} : memref<32x128xf32, #tpu.memory_space<vmem>>, vector<16xf32>,
      %swap3A_274 = arith.index_cast %scan3A_204 : i32 to index
      %swap3A_275 = arith.constant 80 : index
      %swap3A_276 = tpu.vector_load %arg12[%swap3A_274, %swap3A_275] {strides = array<i32>} : memref<32x128xf32, #tpu.memory_space<vmem>>, vector<16xf32>,
      tpu.vector_store %arg12[%swap3A_274, %swap3A_275], %broadcast_in_dim3A_0 {strides = array<i32>} : memref<32x128xf32, #tpu.memory_space<vmem>>, vector<16xf32>,
      %swap3A_277 = arith.index_cast %scan3A_204 : i32 to index
      %swap3A_278 = arith.constant 96 : index
      %swap3A_279 = tpu.vector_load %arg9[%swap3A_277, %swap3A_278] {strides = array<i32>} : memref<32x128xf32, #tpu.memory_space<vmem>>, vector<16xf32>,
      tpu.vector_store %arg9[%swap3A_277, %swap3A_278], %broadcast_in_dim3A_0 {strides = array<i32>} : memref<32x128xf32, #tpu.memory_space<vmem>>, vector<16xf32>,
      %swap3A_280 = arith.index_cast %scan3A_204 : i32 to index
      %swap3A_281 = arith.constant 96 : index
      %swap3A_282 = tpu.vector_load %arg10[%swap3A_280, %swap3A_281] {strides = array<i32>} : memref<32x128xf32, #tpu.memory_space<vmem>>, vector<16xf32>,
      tpu.vector_store %arg10[%swap3A_280, %swap3A_281], %broadcast_in_dim3A_0 {strides = array<i32>} : memref<32x128xf32, #tpu.memory_space<vmem>>, vector<16xf32>,
      %swap3A_283 = arith.index_cast %scan3A_204 : i32 to index
      %swap3A_284 = arith.constant 96 : index
      %swap3A_285 = tpu.vector_load %arg11[%swap3A_283, %swap3A_284] {strides = array<i32>} : memref<32x128xf32, #tpu.memory_space<vmem>>, vector<16xf32>,
      tpu.vector_store %arg11[%swap3A_283, %swap3A_284], %broadcast_in_dim3A_0 {strides = array<i32>} : memref<32x128xf32, #tpu.memory_space<vmem>>, vector<16xf32>,
      %swap3A_286 = arith.index_cast %scan3A_204 : i32 to index
      %swap3A_287 = arith.constant 96 : index
      %swap3A_288 = tpu.vector_load %arg12[%swap3A_286, %swap3A_287] {strides = array<i32>} : memref<32x128xf32, #tpu.memory_space<vmem>>, vector<16xf32>,
      tpu.vector_store %arg12[%swap3A_286, %swap3A_287], %broadcast_in_dim3A_0 {strides = array<i32>} : memref<32x128xf32, #tpu.memory_space<vmem>>, vector<16xf32>,
      %swap3A_289 = arith.index_cast %scan3A_204 : i32 to index
      %swap3A_290 = arith.constant 112 : index
      %swap3A_291 = tpu.vector_load %arg9[%swap3A_289, %swap3A_290] {strides = array<i32>} : memref<32x128xf32, #tpu.memory_space<vmem>>, vector<16xf32>,
      tpu.vector_store %arg9[%swap3A_289, %swap3A_290], %broadcast_in_dim3A_0 {strides = array<i32>} : memref<32x128xf32, #tpu.memory_space<vmem>>, vector<16xf32>,
      %swap3A_292 = arith.index_cast %scan3A_204 : i32 to index
      %swap3A_293 = arith.constant 112 : index
      %swap3A_294 = tpu.vector_load %arg10[%swap3A_292, %swap3A_293] {strides = array<i32>} : memref<32x128xf32, #tpu.memory_space<vmem>>, vector<16xf32>,
      tpu.vector_store %arg10[%swap3A_292, %swap3A_293], %broadcast_in_dim3A_0 {strides = array<i32>} : memref<32x128xf32, #tpu.memory_space<vmem>>, vector<16xf32>,
      %swap3A_295 = arith.index_cast %scan3A_204 : i32 to index
      %swap3A_296 = arith.constant 112 : index
      %swap3A_297 = tpu.vector_load %arg11[%swap3A_295, %swap3A_296] {strides = array<i32>} : memref<32x128xf32, #tpu.memory_space<vmem>>, vector<16xf32>,
      tpu.vector_store %arg11[%swap3A_295, %swap3A_296], %broadcast_in_dim3A_0 {strides = array<i32>} : memref<32x128xf32, #tpu.memory_space<vmem>>, vector<16xf32>,
      %swap3A_298 = arith.index_cast %scan3A_204 : i32 to index
      %swap3A_299 = arith.constant 112 : index
      %swap3A_300 = tpu.vector_load %arg12[%swap3A_298, %swap3A_299] {strides = array<i32>} : memref<32x128xf32, #tpu.memory_space<vmem>>, vector<16xf32>,
      tpu.vector_store %arg12[%swap3A_298, %swap3A_299], %broadcast_in_dim3A_0 {strides = array<i32>} : memref<32x128xf32, #tpu.memory_space<vmem>>, vector<16xf32>,
      %scan3A_301 = arith.constant 0 : i32
      scf.yield %scan3A_301 : i32
    }
    %scan3A_22 = arith.constant 32 : i32
    %lt3A = arith.constant 15 : i32
    %lt3A_23 = arith.cmpi slt, %arg1, %lt3A : i32
    %jit3A = arith.constant 39 : i32
    %jit3A_24 = arith.constant 40 : i32
    %select_n3A = arith.select %lt3A_23, %jit3A, %jit3A_24 : i32
    %while3A = arith.constant 0 : i32
    %while3A_25 = arith.constant 0 : i32
    %while3A_26 = arith.subi %select_n3A, %while3A : i32
    %while3A_27 = arith.addi %while3A, %while3A_26 : i32
    %while3A_28 = arith.constant 1 : i32
    %while3A_29 = arith.divsi %while3A_26, %while3A_28 : i32
    %while3A_30 = arith.muli %while3A_29, %while3A_28 : i32
    %while3A_31 = arith.addi %while3A, %while3A_30 : i32
    %while3A_32 = arith.constant 1 : i32
    %while3A_33 = scf.for %while3A_204 = %while3A to %while3A_31 step %while3A_32 iter_args(%while3A_205 = %while3A_25) -> (i32)  : i32 {
      %mul3A_206 = arith.constant 624 : i32
      %mul3A_207 = arith.muli %arg1, %mul3A_206 : i32
      %mul3A_208 = arith.constant 16 : i32
      %mul3A_209 = arith.muli %while3A_204, %mul3A_208 : i32
      %add3A_210 = arith.addi %mul3A_207, %mul3A_209 : i32
      %multiple_of3A = tpu.assume_multiple %add3A_210, 16 : i32
      "tpu.region"() ({
        %run_scoped3A = tpu.sem_alloc : memref<!tpu.dma_semaphore, #tpu.memory_space<semaphore_mem>>
        %dma_start3A_212 = arith.constant 0 : i32
        %dma_start3A_213 = arith.constant 0 : i32
        %dma_start3A_214 = tpu.memref_slice %arg9[%dma_start3A_212, %dma_start3A_213] : memref<32x128xf32, #tpu.memory_space<vmem>> -> memref<16x128xf32, #tpu.memory_space<vmem>>
        %dma_start3A_215 = arith.constant 0 : i32
        %dma_start3A_216 = tpu.memref_slice %arg15[%multiple_of3A, %dma_start3A_215] : memref<10000x128xf32, #tpu.memory_space<vmem_shared>> -> memref<16x128xf32, #tpu.memory_space<vmem_shared>>
        %dma_start3A_217 = arith.constant 0 : i32
        %dma_start3A_218 = tpu.memref_slice %arg15[%multiple_of3A, %dma_start3A_217] : memref<10000x128xf32, #tpu.memory_space<vmem_shared>> -> memref<16x128xf32, #tpu.memory_space<vmem_shared>>
        %dma_start3A_219 = arith.constant 0 : i32
        %dma_start3A_220 = arith.constant 0 : i32
        %dma_start3A_221 = tpu.memref_slice %arg9[%dma_start3A_219, %dma_start3A_220] : memref<32x128xf32, #tpu.memory_space<vmem>> -> memref<16x128xf32, #tpu.memory_space<vmem>>
        tpu.enqueue_dma source(%dma_start3A_221 : memref<16x128xf32, #tpu.memory_space<vmem>>) target(%dma_start3A_218 : memref<16x128xf32, #tpu.memory_space<vmem_shared>>) target_semaphore(%run_scoped3A : memref<!tpu.dma_semaphore, #tpu.memory_space<semaphore_mem>>)
        %dma_wait3A_222 = arith.constant 0 : i32
        %dma_wait3A_223 = arith.constant 0 : i32
        %dma_wait3A_224 = tpu.memref_slice %arg9[%dma_wait3A_222, %dma_wait3A_223] : memref<32x128xf32, #tpu.memory_space<vmem>> -> memref<16x128xf32, #tpu.memory_space<vmem>>
        %dma_wait3A_225 = arith.constant 0 : i32
        %dma_wait3A_226 = tpu.memref_slice %arg15[%multiple_of3A, %dma_wait3A_225] : memref<10000x128xf32, #tpu.memory_space<vmem_shared>> -> memref<16x128xf32, #tpu.memory_space<vmem_shared>>
        %dma_wait3A_227 = arith.constant 0 : i32
        %dma_wait3A_228 = tpu.memref_slice %arg15[%multiple_of3A, %dma_wait3A_227] : memref<10000x128xf32, #tpu.memory_space<vmem_shared>> -> memref<16x128xf32, #tpu.memory_space<vmem_shared>>
        %dma_wait3A_229 = arith.constant 0 : i32
        %dma_wait3A_230 = arith.constant 0 : i32
        %dma_wait3A_231 = tpu.memref_slice %arg9[%dma_wait3A_229, %dma_wait3A_230] : memref<32x128xf32, #tpu.memory_space<vmem>> -> memref<16x128xf32, #tpu.memory_space<vmem>>
        tpu.wait_dma2 semaphore(%run_scoped3A : memref<!tpu.dma_semaphore, #tpu.memory_space<semaphore_mem>>) src(%dma_wait3A_231 : memref<16x128xf32, #tpu.memory_space<vmem>>) dst(%dma_wait3A_228 : memref<16x128xf32, #tpu.memory_space<vmem_shared>>)
        tpu.yield
      }) : () -> ()
      %while3A_211 = arith.constant 0 : i32
      scf.yield %while3A_211 : i32
    }
    %while3A_34 = arith.constant 1 : i32
    %while3A_35 = scf.for %while3A_204 = %while3A_31 to %while3A_27 step %while3A_34 iter_args(%while3A_205 = %while3A_33) -> (i32)  : i32 {
      %mul3A_206 = arith.constant 624 : i32
      %mul3A_207 = arith.muli %arg1, %mul3A_206 : i32
      %mul3A_208 = arith.constant 16 : i32
      %mul3A_209 = arith.muli %while3A_204, %mul3A_208 : i32
      %add3A_210 = arith.addi %mul3A_207, %mul3A_209 : i32
      %multiple_of3A = tpu.assume_multiple %add3A_210, 16 : i32
      "tpu.region"() ({
        %run_scoped3A = tpu.sem_alloc : memref<!tpu.dma_semaphore, #tpu.memory_space<semaphore_mem>>
        %dma_start3A_212 = arith.constant 0 : i32
        %dma_start3A_213 = arith.constant 0 : i32
        %dma_start3A_214 = tpu.memref_slice %arg9[%dma_start3A_212, %dma_start3A_213] : memref<32x128xf32, #tpu.memory_space<vmem>> -> memref<16x128xf32, #tpu.memory_space<vmem>>
        %dma_start3A_215 = arith.constant 0 : i32
        %dma_start3A_216 = tpu.memref_slice %arg15[%multiple_of3A, %dma_start3A_215] : memref<10000x128xf32, #tpu.memory_space<vmem_shared>> -> memref<16x128xf32, #tpu.memory_space<vmem_shared>>
        %dma_start3A_217 = arith.constant 0 : i32
        %dma_start3A_218 = tpu.memref_slice %arg15[%multiple_of3A, %dma_start3A_217] : memref<10000x128xf32, #tpu.memory_space<vmem_shared>> -> memref<16x128xf32, #tpu.memory_space<vmem_shared>>
        %dma_start3A_219 = arith.constant 0 : i32
        %dma_start3A_220 = arith.constant 0 : i32
        %dma_start3A_221 = tpu.memref_slice %arg9[%dma_start3A_219, %dma_start3A_220] : memref<32x128xf32, #tpu.memory_space<vmem>> -> memref<16x128xf32, #tpu.memory_space<vmem>>
        tpu.enqueue_dma source(%dma_start3A_221 : memref<16x128xf32, #tpu.memory_space<vmem>>) target(%dma_start3A_218 : memref<16x128xf32, #tpu.memory_space<vmem_shared>>) target_semaphore(%run_scoped3A : memref<!tpu.dma_semaphore, #tpu.memory_space<semaphore_mem>>)
        %dma_wait3A_222 = arith.constant 0 : i32
        %dma_wait3A_223 = arith.constant 0 : i32
        %dma_wait3A_224 = tpu.memref_slice %arg9[%dma_wait3A_222, %dma_wait3A_223] : memref<32x128xf32, #tpu.memory_space<vmem>> -> memref<16x128xf32, #tpu.memory_space<vmem>>
        %dma_wait3A_225 = arith.constant 0 : i32
        %dma_wait3A_226 = tpu.memref_slice %arg15[%multiple_of3A, %dma_wait3A_225] : memref<10000x128xf32, #tpu.memory_space<vmem_shared>> -> memref<16x128xf32, #tpu.memory_space<vmem_shared>>
        %dma_wait3A_227 = arith.constant 0 : i32
        %dma_wait3A_228 = tpu.memref_slice %arg15[%multiple_of3A, %dma_wait3A_227] : memref<10000x128xf32, #tpu.memory_space<vmem_shared>> -> memref<16x128xf32, #tpu.memory_space<vmem_shared>>
        %dma_wait3A_229 = arith.constant 0 : i32
        %dma_wait3A_230 = arith.constant 0 : i32
        %dma_wait3A_231 = tpu.memref_slice %arg9[%dma_wait3A_229, %dma_wait3A_230] : memref<32x128xf32, #tpu.memory_space<vmem>> -> memref<16x128xf32, #tpu.memory_space<vmem>>
        tpu.wait_dma2 semaphore(%run_scoped3A : memref<!tpu.dma_semaphore, #tpu.memory_space<semaphore_mem>>) src(%dma_wait3A_231 : memref<16x128xf32, #tpu.memory_space<vmem>>) dst(%dma_wait3A_228 : memref<16x128xf32, #tpu.memory_space<vmem_shared>>)
        tpu.yield
      }) : () -> ()
      %while3A_211 = arith.constant 0 : i32
      scf.yield %while3A_211 : i32
    }
    "tpu.region"() ({
      %run_scoped3A = tpu.sem_alloc : memref<!tpu.dma_semaphore, #tpu.memory_space<semaphore_mem>>
      tpu.enqueue_dma source(%arg3 : memref<2x128xf32, #tpu.memory_space<hbm>>) target(%arg14 : memref<2x128xf32, #tpu.memory_space<vmem>>) target_semaphore(%run_scoped3A : memref<!tpu.dma_semaphore, #tpu.memory_space<semaphore_mem>>)
      tpu.wait_dma2 semaphore(%run_scoped3A : memref<!tpu.dma_semaphore, #tpu.memory_space<semaphore_mem>>) src(%arg3 : memref<2x128xf32, #tpu.memory_space<hbm>>) dst(%arg14 : memref<2x128xf32, #tpu.memory_space<vmem>>)
      tpu.yield
    }) : () -> ()
    %get3A = arith.constant 0 : i32
    %get3A_36 = arith.index_cast %get3A : i32 to index
    %get3A_37 = arith.constant 0 : index
    %get3A_38 = tpu.vector_load %arg14[%get3A_36, %get3A_37] {strides = array<i32>} : memref<2x128xf32, #tpu.memory_space<vmem>>, vector<16xf32>,
    %get3A_39 = arith.constant 1 : i32
    %get3A_40 = arith.index_cast %get3A_39 : i32 to index
    %get3A_41 = arith.constant 0 : index
    %get3A_42 = tpu.vector_load %arg14[%get3A_40, %get3A_41] {strides = array<i32>} : memref<2x128xf32, #tpu.memory_space<vmem>>, vector<16xf32>,
    %add3A_43 = arith.addf %get3A_38, %get3A_42 : vector<16xf32>
    %mul3A_44 = arith.constant 2.000000e-01 : f32
    %mul3A_45 = vector.broadcast %mul3A_44 : f32 to vector<16xf32>
    %mul3A_46 = arith.mulf %add3A_43, %mul3A_45 : vector<16xf32>
    %max3A = arith.maximumf %add3A_43, %mul3A_46 : vector<16xf32>
    %barrier3A = arith.constant 0 : index
    tpu.barrier barrier_id(%barrier3A)
    %mul3A_47 = arith.constant 16 : i32
    %mul3A_48 = arith.muli %arg0, %mul3A_47 : i32
    %add3A_49 = arith.addi %mul3A_48, %arg1 : i32
    %mul3A_50 = arith.constant 40960 : i32
    %mul3A_51 = arith.muli %add3A_49, %mul3A_50 : i32
    %add3A_52 = arith.constant 0 : i32
    %add3A_53 = arith.addi %mul3A_51, %add3A_52 : i32
    %dma_start3A = arith.constant 0 : i32
    %dma_start3A_54 = tpu.memref_slice %arg6[%dma_start3A] : memref<512xi32, #tpu.memory_space<vmem>> -> memref<64xi32, #tpu.memory_space<vmem>>
    %dma_start3A_55 = tpu.memref_slice %arg4[%add3A_53] : memref<1310720xi32, #tpu.memory_space<hbm>> -> memref<64xi32, #tpu.memory_space<hbm>>
    %dma_start3A_56 = arith.constant 0 : i32
    %dma_start3A_57 = tpu.memref_slice %arg6[%dma_start3A_56] : memref<512xi32, #tpu.memory_space<vmem>> -> memref<64xi32, #tpu.memory_space<vmem>>
    %dma_start3A_58 = tpu.memref_slice %arg4[%add3A_53] : memref<1310720xi32, #tpu.memory_space<hbm>> -> memref<64xi32, #tpu.memory_space<hbm>>
    tpu.enqueue_dma source(%dma_start3A_58 : memref<64xi32, #tpu.memory_space<hbm>>) target(%dma_start3A_57 : memref<64xi32, #tpu.memory_space<vmem>>) target_semaphore(%arg22 : memref<!tpu.dma_semaphore, #tpu.memory_space<semaphore_mem>>)
    %add3A_59 = arith.constant 64 : i32
    %add3A_60 = arith.addi %mul3A_51, %add3A_59 : i32
    %dma_start3A_61 = arith.constant 64 : i32
    %dma_start3A_62 = tpu.memref_slice %arg6[%dma_start3A_61] : memref<512xi32, #tpu.memory_space<vmem>> -> memref<64xi32, #tpu.memory_space<vmem>>
    %dma_start3A_63 = tpu.memref_slice %arg4[%add3A_60] : memref<1310720xi32, #tpu.memory_space<hbm>> -> memref<64xi32, #tpu.memory_space<hbm>>
    %dma_start3A_64 = arith.constant 64 : i32
    %dma_start3A_65 = tpu.memref_slice %arg6[%dma_start3A_64] : memref<512xi32, #tpu.memory_space<vmem>> -> memref<64xi32, #tpu.memory_space<vmem>>
    %dma_start3A_66 = tpu.memref_slice %arg4[%add3A_60] : memref<1310720xi32, #tpu.memory_space<hbm>> -> memref<64xi32, #tpu.memory_space<hbm>>
    tpu.enqueue_dma source(%dma_start3A_66 : memref<64xi32, #tpu.memory_space<hbm>>) target(%dma_start3A_65 : memref<64xi32, #tpu.memory_space<vmem>>) target_semaphore(%arg23 : memref<!tpu.dma_semaphore, #tpu.memory_space<semaphore_mem>>)
    %add3A_67 = arith.constant 128 : i32
    %add3A_68 = arith.addi %mul3A_51, %add3A_67 : i32
    %dma_start3A_69 = arith.constant 128 : i32
    %dma_start3A_70 = tpu.memref_slice %arg6[%dma_start3A_69] : memref<512xi32, #tpu.memory_space<vmem>> -> memref<64xi32, #tpu.memory_space<vmem>>
    %dma_start3A_71 = tpu.memref_slice %arg4[%add3A_68] : memref<1310720xi32, #tpu.memory_space<hbm>> -> memref<64xi32, #tpu.memory_space<hbm>>
    %dma_start3A_72 = arith.constant 128 : i32
    %dma_start3A_73 = tpu.memref_slice %arg6[%dma_start3A_72] : memref<512xi32, #tpu.memory_space<vmem>> -> memref<64xi32, #tpu.memory_space<vmem>>
    %dma_start3A_74 = tpu.memref_slice %arg4[%add3A_68] : memref<1310720xi32, #tpu.memory_space<hbm>> -> memref<64xi32, #tpu.memory_space<hbm>>
    tpu.enqueue_dma source(%dma_start3A_74 : memref<64xi32, #tpu.memory_space<hbm>>) target(%dma_start3A_73 : memref<64xi32, #tpu.memory_space<vmem>>) target_semaphore(%arg24 : memref<!tpu.dma_semaphore, #tpu.memory_space<semaphore_mem>>)
    %add3A_75 = arith.constant 192 : i32
    %add3A_76 = arith.addi %mul3A_51, %add3A_75 : i32
    %dma_start3A_77 = arith.constant 192 : i32
    %dma_start3A_78 = tpu.memref_slice %arg6[%dma_start3A_77] : memref<512xi32, #tpu.memory_space<vmem>> -> memref<64xi32, #tpu.memory_space<vmem>>
    %dma_start3A_79 = tpu.memref_slice %arg4[%add3A_76] : memref<1310720xi32, #tpu.memory_space<hbm>> -> memref<64xi32, #tpu.memory_space<hbm>>
    %dma_start3A_80 = arith.constant 192 : i32
    %dma_start3A_81 = tpu.memref_slice %arg6[%dma_start3A_80] : memref<512xi32, #tpu.memory_space<vmem>> -> memref<64xi32, #tpu.memory_space<vmem>>
    %dma_start3A_82 = tpu.memref_slice %arg4[%add3A_76] : memref<1310720xi32, #tpu.memory_space<hbm>> -> memref<64xi32, #tpu.memory_space<hbm>>
    tpu.enqueue_dma source(%dma_start3A_82 : memref<64xi32, #tpu.memory_space<hbm>>) target(%dma_start3A_81 : memref<64xi32, #tpu.memory_space<vmem>>) target_semaphore(%arg25 : memref<!tpu.dma_semaphore, #tpu.memory_space<semaphore_mem>>)
    %add3A_83 = arith.constant 256 : i32
    %add3A_84 = arith.addi %mul3A_51, %add3A_83 : i32
    %dma_start3A_85 = arith.constant 256 : i32
    %dma_start3A_86 = tpu.memref_slice %arg6[%dma_start3A_85] : memref<512xi32, #tpu.memory_space<vmem>> -> memref<64xi32, #tpu.memory_space<vmem>>
    %dma_start3A_87 = tpu.memref_slice %arg4[%add3A_84] : memref<1310720xi32, #tpu.memory_space<hbm>> -> memref<64xi32, #tpu.memory_space<hbm>>
    %dma_start3A_88 = arith.constant 256 : i32
    %dma_start3A_89 = tpu.memref_slice %arg6[%dma_start3A_88] : memref<512xi32, #tpu.memory_space<vmem>> -> memref<64xi32, #tpu.memory_space<vmem>>
    %dma_start3A_90 = tpu.memref_slice %arg4[%add3A_84] : memref<1310720xi32, #tpu.memory_space<hbm>> -> memref<64xi32, #tpu.memory_space<hbm>>
    tpu.enqueue_dma source(%dma_start3A_90 : memref<64xi32, #tpu.memory_space<hbm>>) target(%dma_start3A_89 : memref<64xi32, #tpu.memory_space<vmem>>) target_semaphore(%arg26 : memref<!tpu.dma_semaphore, #tpu.memory_space<semaphore_mem>>)
    %add3A_91 = arith.constant 320 : i32
    %add3A_92 = arith.addi %mul3A_51, %add3A_91 : i32
    %dma_start3A_93 = arith.constant 320 : i32
    %dma_start3A_94 = tpu.memref_slice %arg6[%dma_start3A_93] : memref<512xi32, #tpu.memory_space<vmem>> -> memref<64xi32, #tpu.memory_space<vmem>>
    %dma_start3A_95 = tpu.memref_slice %arg4[%add3A_92] : memref<1310720xi32, #tpu.memory_space<hbm>> -> memref<64xi32, #tpu.memory_space<hbm>>
    %dma_start3A_96 = arith.constant 320 : i32
    %dma_start3A_97 = tpu.memref_slice %arg6[%dma_start3A_96] : memref<512xi32, #tpu.memory_space<vmem>> -> memref<64xi32, #tpu.memory_space<vmem>>
    %dma_start3A_98 = tpu.memref_slice %arg4[%add3A_92] : memref<1310720xi32, #tpu.memory_space<hbm>> -> memref<64xi32, #tpu.memory_space<hbm>>
    tpu.enqueue_dma source(%dma_start3A_98 : memref<64xi32, #tpu.memory_space<hbm>>) target(%dma_start3A_97 : memref<64xi32, #tpu.memory_space<vmem>>) target_semaphore(%arg27 : memref<!tpu.dma_semaphore, #tpu.memory_space<semaphore_mem>>)
    %add3A_99 = arith.constant 384 : i32
    %add3A_100 = arith.addi %mul3A_51, %add3A_99 : i32
    %dma_start3A_101 = arith.constant 384 : i32
    %dma_start3A_102 = tpu.memref_slice %arg6[%dma_start3A_101] : memref<512xi32, #tpu.memory_space<vmem>> -> memref<64xi32, #tpu.memory_space<vmem>>
    %dma_start3A_103 = tpu.memref_slice %arg4[%add3A_100] : memref<1310720xi32, #tpu.memory_space<hbm>> -> memref<64xi32, #tpu.memory_space<hbm>>
    %dma_start3A_104 = arith.constant 384 : i32
    %dma_start3A_105 = tpu.memref_slice %arg6[%dma_start3A_104] : memref<512xi32, #tpu.memory_space<vmem>> -> memref<64xi32, #tpu.memory_space<vmem>>
    %dma_start3A_106 = tpu.memref_slice %arg4[%add3A_100] : memref<1310720xi32, #tpu.memory_space<hbm>> -> memref<64xi32, #tpu.memory_space<hbm>>
    tpu.enqueue_dma source(%dma_start3A_106 : memref<64xi32, #tpu.memory_space<hbm>>) target(%dma_start3A_105 : memref<64xi32, #tpu.memory_space<vmem>>) target_semaphore(%arg28 : memref<!tpu.dma_semaphore, #tpu.memory_space<semaphore_mem>>)
    %add3A_107 = arith.constant 448 : i32
    %add3A_108 = arith.addi %mul3A_51, %add3A_107 : i32
    %dma_start3A_109 = arith.constant 448 : i32
    %dma_start3A_110 = tpu.memref_slice %arg6[%dma_start3A_109] : memref<512xi32, #tpu.memory_space<vmem>> -> memref<64xi32, #tpu.memory_space<vmem>>
    %dma_start3A_111 = tpu.memref_slice %arg4[%add3A_108] : memref<1310720xi32, #tpu.memory_space<hbm>> -> memref<64xi32, #tpu.memory_space<hbm>>
    %dma_start3A_112 = arith.constant 448 : i32
    %dma_start3A_113 = tpu.memref_slice %arg6[%dma_start3A_112] : memref<512xi32, #tpu.memory_space<vmem>> -> memref<64xi32, #tpu.memory_space<vmem>>
    %dma_start3A_114 = tpu.memref_slice %arg4[%add3A_108] : memref<1310720xi32, #tpu.memory_space<hbm>> -> memref<64xi32, #tpu.memory_space<hbm>>
    tpu.enqueue_dma source(%dma_start3A_114 : memref<64xi32, #tpu.memory_space<hbm>>) target(%dma_start3A_113 : memref<64xi32, #tpu.memory_space<vmem>>) target_semaphore(%arg29 : memref<!tpu.dma_semaphore, #tpu.memory_space<semaphore_mem>>)
    %add3A_115 = arith.constant 0 : i32
    %add3A_116 = arith.addi %mul3A_51, %add3A_115 : i32
    %dma_wait3A = arith.constant 0 : i32
    %dma_wait3A_117 = tpu.memref_slice %arg6[%dma_wait3A] : memref<512xi32, #tpu.memory_space<vmem>> -> memref<64xi32, #tpu.memory_space<vmem>>
    %dma_wait3A_118 = tpu.memref_slice %arg4[%add3A_116] : memref<1310720xi32, #tpu.memory_space<hbm>> -> memref<64xi32, #tpu.memory_space<hbm>>
    %dma_wait3A_119 = arith.constant 0 : i32
    %dma_wait3A_120 = tpu.memref_slice %arg6[%dma_wait3A_119] : memref<512xi32, #tpu.memory_space<vmem>> -> memref<64xi32, #tpu.memory_space<vmem>>
    %dma_wait3A_121 = tpu.memref_slice %arg4[%add3A_116] : memref<1310720xi32, #tpu.memory_space<hbm>> -> memref<64xi32, #tpu.memory_space<hbm>>
    tpu.wait_dma2 semaphore(%arg22 : memref<!tpu.dma_semaphore, #tpu.memory_space<semaphore_mem>>) src(%dma_wait3A_121 : memref<64xi32, #tpu.memory_space<hbm>>) dst(%dma_wait3A_120 : memref<64xi32, #tpu.memory_space<vmem>>)
    %add3A_122 = arith.constant 64 : i32
    %add3A_123 = arith.addi %mul3A_51, %add3A_122 : i32
    %dma_wait3A_124 = arith.constant 64 : i32
    %dma_wait3A_125 = tpu.memref_slice %arg6[%dma_wait3A_124] : memref<512xi32, #tpu.memory_space<vmem>> -> memref<64xi32, #tpu.memory_space<vmem>>
    %dma_wait3A_126 = tpu.memref_slice %arg4[%add3A_123] : memref<1310720xi32, #tpu.memory_space<hbm>> -> memref<64xi32, #tpu.memory_space<hbm>>
    %dma_wait3A_127 = arith.constant 64 : i32
    %dma_wait3A_128 = tpu.memref_slice %arg6[%dma_wait3A_127] : memref<512xi32, #tpu.memory_space<vmem>> -> memref<64xi32, #tpu.memory_space<vmem>>
    %dma_wait3A_129 = tpu.memref_slice %arg4[%add3A_123] : memref<1310720xi32, #tpu.memory_space<hbm>> -> memref<64xi32, #tpu.memory_space<hbm>>
    tpu.wait_dma2 semaphore(%arg23 : memref<!tpu.dma_semaphore, #tpu.memory_space<semaphore_mem>>) src(%dma_wait3A_129 : memref<64xi32, #tpu.memory_space<hbm>>) dst(%dma_wait3A_128 : memref<64xi32, #tpu.memory_space<vmem>>)
    %add3A_130 = arith.constant 128 : i32
    %add3A_131 = arith.addi %mul3A_51, %add3A_130 : i32
    %dma_wait3A_132 = arith.constant 128 : i32
    %dma_wait3A_133 = tpu.memref_slice %arg6[%dma_wait3A_132] : memref<512xi32, #tpu.memory_space<vmem>> -> memref<64xi32, #tpu.memory_space<vmem>>
    %dma_wait3A_134 = tpu.memref_slice %arg4[%add3A_131] : memref<1310720xi32, #tpu.memory_space<hbm>> -> memref<64xi32, #tpu.memory_space<hbm>>
    %dma_wait3A_135 = arith.constant 128 : i32
    %dma_wait3A_136 = tpu.memref_slice %arg6[%dma_wait3A_135] : memref<512xi32, #tpu.memory_space<vmem>> -> memref<64xi32, #tpu.memory_space<vmem>>
    %dma_wait3A_137 = tpu.memref_slice %arg4[%add3A_131] : memref<1310720xi32, #tpu.memory_space<hbm>> -> memref<64xi32, #tpu.memory_space<hbm>>
    tpu.wait_dma2 semaphore(%arg24 : memref<!tpu.dma_semaphore, #tpu.memory_space<semaphore_mem>>) src(%dma_wait3A_137 : memref<64xi32, #tpu.memory_space<hbm>>) dst(%dma_wait3A_136 : memref<64xi32, #tpu.memory_space<vmem>>)
    %add3A_138 = arith.constant 192 : i32
    %add3A_139 = arith.addi %mul3A_51, %add3A_138 : i32
    %dma_wait3A_140 = arith.constant 192 : i32
    %dma_wait3A_141 = tpu.memref_slice %arg6[%dma_wait3A_140] : memref<512xi32, #tpu.memory_space<vmem>> -> memref<64xi32, #tpu.memory_space<vmem>>
    %dma_wait3A_142 = tpu.memref_slice %arg4[%add3A_139] : memref<1310720xi32, #tpu.memory_space<hbm>> -> memref<64xi32, #tpu.memory_space<hbm>>
    %dma_wait3A_143 = arith.constant 192 : i32
    %dma_wait3A_144 = tpu.memref_slice %arg6[%dma_wait3A_143] : memref<512xi32, #tpu.memory_space<vmem>> -> memref<64xi32, #tpu.memory_space<vmem>>
    %dma_wait3A_145 = tpu.memref_slice %arg4[%add3A_139] : memref<1310720xi32, #tpu.memory_space<hbm>> -> memref<64xi32, #tpu.memory_space<hbm>>
    tpu.wait_dma2 semaphore(%arg25 : memref<!tpu.dma_semaphore, #tpu.memory_space<semaphore_mem>>) src(%dma_wait3A_145 : memref<64xi32, #tpu.memory_space<hbm>>) dst(%dma_wait3A_144 : memref<64xi32, #tpu.memory_space<vmem>>)
    %dma_start3A_146 = arith.constant 0 : i32
    %dma_start3A_147 = tpu.memref_slice %arg6[%dma_start3A_146] : memref<512xi32, #tpu.memory_space<vmem>> -> memref<128xi32, #tpu.memory_space<vmem>>
    %dma_start3A_148 = arith.constant 0 : i32
    %dma_start3A_149 = arith.constant 0 : i32
    %dma_start3A_150 = tpu.memref_slice %arg2[%dma_start3A_148, %dma_start3A_149] : memref<20008x128xf32, #tpu.memory_space<hbm>> -> memref<20008x128xf32, #tpu.memory_space<hbm>>
    tpu.enqueue_indirect_dma source(%dma_start3A_150 : memref<20008x128xf32, #tpu.memory_space<hbm>>) target(%arg7 : memref<128x128xf32, #tpu.memory_space<vmem>>) offsets(%dma_start3A_147 : memref<128xi32, #tpu.memory_space<vmem>>) semaphore(%arg16 : memref<!tpu.dma_semaphore, #tpu.memory_space<semaphore_mem>>)
    %dma_start3A_151 = arith.constant 128 : i32
    %dma_start3A_152 = tpu.memref_slice %arg6[%dma_start3A_151] : memref<512xi32, #tpu.memory_space<vmem>> -> memref<128xi32, #tpu.memory_space<vmem>>
    %dma_start3A_153 = arith.constant 0 : i32
    %dma_start3A_154 = arith.constant 0 : i32
    %dma_start3A_155 = tpu.memref_slice %arg2[%dma_start3A_153, %dma_start3A_154] : memref<20008x128xf32, #tpu.memory_space<hbm>> -> memref<20008x128xf32, #tpu.memory_space<hbm>>
    tpu.enqueue_indirect_dma source(%dma_start3A_155 : memref<20008x128xf32, #tpu.memory_space<hbm>>) target(%arg8 : memref<128x128xf32, #tpu.memory_space<vmem>>) offsets(%dma_start3A_152 : memref<128xi32, #tpu.memory_space<vmem>>) semaphore(%arg17 : memref<!tpu.dma_semaphore, #tpu.memory_space<semaphore_mem>>)
    %scan3A_156 = arith.constant 0 : i32
    %scan3A_157 = arith.constant 0 : i32
    %scan3A_158 = arith.constant 80 : i32
    %scan3A_159 = arith.addi %scan3A_157, %scan3A_158 : i32
    %scan3A_160 = arith.constant 1 : i32
    %scan3A_161 = scf.for %scan3A_204 = %scan3A_157 to %scan3A_159 step %scan3A_160 iter_args(%scan3A_205 = %scan3A_156) -> (i32)  : i32 {
      %mul3A_206 = arith.constant 8 : i32
      %mul3A_207 = arith.muli %scan3A_204, %mul3A_206 : i32
      %add3A_208 = arith.constant 0 : i32
      %add3A_209 = arith.addi %mul3A_207, %add3A_208 : i32
      %dma_wait3A_210 = arith.constant 0 : i32
      %dma_wait3A_211 = tpu.memref_slice %arg6[%dma_wait3A_210] : memref<512xi32, #tpu.memory_space<vmem>> -> memref<128xi32, #tpu.memory_space<vmem>>
      %dma_wait3A_212 = arith.constant 0 : i32
      %dma_wait3A_213 = arith.constant 0 : i32
      %dma_wait3A_214 = tpu.memref_slice %arg2[%dma_wait3A_212, %dma_wait3A_213] : memref<20008x128xf32, #tpu.memory_space<hbm>> -> memref<20008x128xf32, #tpu.memory_space<hbm>>
      tpu.wait_indirect_dma semaphore(%arg16 : memref<!tpu.dma_semaphore, #tpu.memory_space<semaphore_mem>>) src(%dma_wait3A_214 : memref<20008x128xf32, #tpu.memory_space<hbm>>) dst(%arg7 : memref<128x128xf32, #tpu.memory_space<vmem>>)
      %ge3A = arith.constant 1 : i32
      %ge3A_215 = arith.cmpi sge, %scan3A_204, %ge3A : i32
      %convert_element_type3A = arith.extui %ge3A_215 : i1 to i32
      %cond3A = arith.constant 0 : i32
      %cond3A_216 = arith.cmpi ne, %convert_element_type3A, %cond3A : i32
      scf.if %cond3A_216 {
        %dma_wait3A_610 = arith.constant 0 : i32
        %dma_wait3A_611 = arith.constant 0 : i32
        %dma_wait3A_612 = tpu.memref_slice %arg13[%dma_wait3A_610, %dma_wait3A_611] : memref<4x32xi32, #tpu.memory_space<vmem>> -> memref<1x32xi32, #tpu.memory_space<vmem>>
        %dma_wait3A_613 = tpu.memref_squeeze %dma_wait3A_612 : memref<1x32xi32, #tpu.memory_space<vmem>> -> memref<32xi32, #tpu.memory_space<vmem>>
        %dma_wait3A_614 = arith.constant 0 : i32
        %dma_wait3A_615 = arith.constant 0 : i32
        %dma_wait3A_616 = tpu.memref_slice %arg15[%dma_wait3A_614, %dma_wait3A_615] : memref<10000x128xf32, #tpu.memory_space<vmem_shared>> -> memref<10000x128xf32, #tpu.memory_space<vmem_shared>>
        tpu.wait_indirect_dma semaphore(%arg18 : memref<!tpu.dma_semaphore, #tpu.memory_space<semaphore_mem>>) src(%arg9 : memref<32x128xf32, #tpu.memory_space<vmem>>) dst(%dma_wait3A_616 : memref<10000x128xf32, #tpu.memory_space<vmem_shared>>)
      } else {
      }
      %get3A_217 = arith.constant 32 : index
      %get3A_218 = tpu.vector_load %arg6[%get3A_217] {strides = array<i32>} : memref<512xi32, #tpu.memory_space<vmem>>, vector<16xi32>,
      %swap3A = arith.constant 0 : i32
      %swap3A_219 = arith.index_cast %swap3A : i32 to index
      %swap3A_220 = arith.constant 0 : index
      %swap3A_221 = tpu.vector_load %arg13[%swap3A_219, %swap3A_220] {strides = array<i32>} : memref<4x32xi32, #tpu.memory_space<vmem>>, vector<16xi32>,
      tpu.vector_store %arg13[%swap3A_219, %swap3A_220], %get3A_218 {strides = array<i32>} : memref<4x32xi32, #tpu.memory_space<vmem>>, vector<16xi32>,
      %get3A_222 = arith.constant 48 : index
      %get3A_223 = tpu.vector_load %arg6[%get3A_222] {strides = array<i32>} : memref<512xi32, #tpu.memory_space<vmem>>, vector<16xi32>,
      %swap3A_224 = arith.constant 0 : i32
      %swap3A_225 = arith.index_cast %swap3A_224 : i32 to index
      %swap3A_226 = arith.constant 16 : index
      %swap3A_227 = tpu.vector_load %arg13[%swap3A_225, %swap3A_226] {strides = array<i32>} : memref<4x32xi32, #tpu.memory_space<vmem>>, vector<16xi32>,
      tpu.vector_store %arg13[%swap3A_225, %swap3A_226], %get3A_223 {strides = array<i32>} : memref<4x32xi32, #tpu.memory_space<vmem>>, vector<16xi32>,
      %parallel_loop3A = arith.constant 0 : i32
      %parallel_loop3A_228 = arith.constant 32 : i32
      %parallel_loop3A_229 = arith.constant 1 : i32
      scf.for %parallel_loop3A_610 = %parallel_loop3A to %parallel_loop3A_228 step %parallel_loop3A_229  : i32 {
        %parallel_loop3A_611 = arith.constant 0 : i32
        %parallel_loop3A_612 = arith.addi %parallel_loop3A_611, %parallel_loop3A_610 : i32
        %parallel_loop3A_613 = arith.index_cast %parallel_loop3A_612 : i32 to index
        %parallel_loop3A_614 = arith.constant 64 : index
        %parallel_loop3A_615 = tpu.vector_load %arg7[%parallel_loop3A_613, %parallel_loop3A_614] {strides = array<i32>} : memref<128x128xf32, #tpu.memory_space<vmem>>, vector<16xf32>,
        %parallel_loop3A_616 = arith.constant 32 : i32
        %parallel_loop3A_617 = arith.addi %parallel_loop3A_616, %parallel_loop3A_610 : i32
        %parallel_loop3A_618 = arith.index_cast %parallel_loop3A_617 : i32 to index
        %parallel_loop3A_619 = arith.constant 80 : index
        %parallel_loop3A_620 = tpu.vector_load %arg7[%parallel_loop3A_618, %parallel_loop3A_619] {strides = array<i32>} : memref<128x128xf32, #tpu.memory_space<vmem>>, vector<16xf32>,
        %parallel_loop3A_621 = arith.addf %parallel_loop3A_615, %parallel_loop3A_620 : vector<16xf32>
        %parallel_loop3A_622 = arith.constant 2.000000e-01 : f32
        %parallel_loop3A_623 = vector.broadcast %parallel_loop3A_622 : f32 to vector<16xf32>
        %parallel_loop3A_624 = arith.mulf %parallel_loop3A_621, %parallel_loop3A_623 : vector<16xf32>
        %parallel_loop3A_625 = arith.maximumf %parallel_loop3A_621, %parallel_loop3A_624 : vector<16xf32>
        %parallel_loop3A_626 = arith.subf %parallel_loop3A_625, %max3A : vector<16xf32>
        %parallel_loop3A_627 = math.exp %parallel_loop3A_626 : vector<16xf32>
        %parallel_loop3A_628 = arith.constant 0 : i32
        %parallel_loop3A_629 = arith.addi %parallel_loop3A_628, %parallel_loop3A_610 : i32
        %parallel_loop3A_630 = arith.index_cast %parallel_loop3A_629 : i32 to index
        %parallel_loop3A_631 = arith.constant 0 : index
        %parallel_loop3A_632 = tpu.vector_load %arg7[%parallel_loop3A_630, %parallel_loop3A_631] {strides = array<i32>} : memref<128x128xf32, #tpu.memory_space<vmem>>, vector<16xf32>,
        %parallel_loop3A_633 = arith.constant 0 : i32
        %parallel_loop3A_634 = vector.broadcast %parallel_loop3A_633 : i32 to vector<16xi32>
        %parallel_loop3A_635 = arith.cmpi slt, %broadcast_in_dim3A_3, %parallel_loop3A_634 : vector<16xi32>
        %parallel_loop3A_636 = arith.constant 16 : i32
        %parallel_loop3A_637 = vector.broadcast %parallel_loop3A_636 : i32 to vector<16xi32>
        %parallel_loop3A_638 = arith.addi %broadcast_in_dim3A_3, %parallel_loop3A_637 : vector<16xi32>
        %parallel_loop3A_639 = arith.select %parallel_loop3A_635, %parallel_loop3A_638, %broadcast_in_dim3A_3 : vector<16xi1>, vector<16xi32>
        %parallel_loop3A_640 = vector.shape_cast %parallel_loop3A_639 : vector<16xi32> to vector<16x1xi32>
        %parallel_loop3A_641 = vector.shape_cast %parallel_loop3A_640 : vector<16x1xi32> to vector<16xi32>
        %parallel_loop3A_642 = tpu.dynamic_gather %parallel_loop3A_627[%parallel_loop3A_641] in [0] : vector<16xf32>, vector<16xi32> -> vector<16xf32>
        %parallel_loop3A_643 = arith.mulf %parallel_loop3A_632, %parallel_loop3A_642 : vector<16xf32>
        %parallel_loop3A_644 = arith.index_cast %parallel_loop3A_610 : i32 to index
        %parallel_loop3A_645 = arith.constant 0 : index
        %parallel_loop3A_646 = tpu.vector_load %arg9[%parallel_loop3A_644, %parallel_loop3A_645] {strides = array<i32>} : memref<32x128xf32, #tpu.memory_space<vmem>>, vector<16xf32>,
        tpu.vector_store %arg9[%parallel_loop3A_644, %parallel_loop3A_645], %parallel_loop3A_643 {strides = array<i32>} : memref<32x128xf32, #tpu.memory_space<vmem>>, vector<16xf32>,
        %parallel_loop3A_647 = arith.constant 0 : i32
        %parallel_loop3A_648 = arith.addi %parallel_loop3A_647, %parallel_loop3A_610 : i32
        %parallel_loop3A_649 = arith.index_cast %parallel_loop3A_648 : i32 to index
        %parallel_loop3A_650 = arith.constant 16 : index
        %parallel_loop3A_651 = tpu.vector_load %arg7[%parallel_loop3A_649, %parallel_loop3A_650] {strides = array<i32>} : memref<128x128xf32, #tpu.memory_space<vmem>>, vector<16xf32>,
        %parallel_loop3A_652 = arith.constant 0 : i32
        %parallel_loop3A_653 = vector.broadcast %parallel_loop3A_652 : i32 to vector<16xi32>
        %parallel_loop3A_654 = arith.cmpi slt, %broadcast_in_dim3A_6, %parallel_loop3A_653 : vector<16xi32>
        %parallel_loop3A_655 = arith.constant 16 : i32
        %parallel_loop3A_656 = vector.broadcast %parallel_loop3A_655 : i32 to vector<16xi32>
        %parallel_loop3A_657 = arith.addi %broadcast_in_dim3A_6, %parallel_loop3A_656 : vector<16xi32>
        %parallel_loop3A_658 = arith.select %parallel_loop3A_654, %parallel_loop3A_657, %broadcast_in_dim3A_6 : vector<16xi1>, vector<16xi32>
        %parallel_loop3A_659 = vector.shape_cast %parallel_loop3A_658 : vector<16xi32> to vector<16x1xi32>
        %parallel_loop3A_660 = vector.shape_cast %parallel_loop3A_659 : vector<16x1xi32> to vector<16xi32>
        %parallel_loop3A_661 = tpu.dynamic_gather %parallel_loop3A_627[%parallel_loop3A_660] in [0] : vector<16xf32>, vector<16xi32> -> vector<16xf32>
        %parallel_loop3A_662 = arith.mulf %parallel_loop3A_651, %parallel_loop3A_661 : vector<16xf32>
        %parallel_loop3A_663 = arith.index_cast %parallel_loop3A_610 : i32 to index
        %parallel_loop3A_664 = arith.constant 16 : index
        %parallel_loop3A_665 = tpu.vector_load %arg9[%parallel_loop3A_663, %parallel_loop3A_664] {strides = array<i32>} : memref<32x128xf32, #tpu.memory_space<vmem>>, vector<16xf32>,
        tpu.vector_store %arg9[%parallel_loop3A_663, %parallel_loop3A_664], %parallel_loop3A_662 {strides = array<i32>} : memref<32x128xf32, #tpu.memory_space<vmem>>, vector<16xf32>,
        %parallel_loop3A_666 = arith.constant 0 : i32
        %parallel_loop3A_667 = arith.addi %parallel_loop3A_666, %parallel_loop3A_610 : i32
        %parallel_loop3A_668 = arith.index_cast %parallel_loop3A_667 : i32 to index
        %parallel_loop3A_669 = arith.constant 32 : index
        %parallel_loop3A_670 = tpu.vector_load %arg7[%parallel_loop3A_668, %parallel_loop3A_669] {strides = array<i32>} : memref<128x128xf32, #tpu.memory_space<vmem>>, vector<16xf32>,
        %parallel_loop3A_671 = arith.constant 0 : i32
        %parallel_loop3A_672 = vector.broadcast %parallel_loop3A_671 : i32 to vector<16xi32>
        %parallel_loop3A_673 = arith.cmpi slt, %broadcast_in_dim3A_9, %parallel_loop3A_672 : vector<16xi32>
        %parallel_loop3A_674 = arith.constant 16 : i32
        %parallel_loop3A_675 = vector.broadcast %parallel_loop3A_674 : i32 to vector<16xi32>
        %parallel_loop3A_676 = arith.addi %broadcast_in_dim3A_9, %parallel_loop3A_675 : vector<16xi32>
        %parallel_loop3A_677 = arith.select %parallel_loop3A_673, %parallel_loop3A_676, %broadcast_in_dim3A_9 : vector<16xi1>, vector<16xi32>
        %parallel_loop3A_678 = vector.shape_cast %parallel_loop3A_677 : vector<16xi32> to vector<16x1xi32>
        %parallel_loop3A_679 = vector.shape_cast %parallel_loop3A_678 : vector<16x1xi32> to vector<16xi32>
        %parallel_loop3A_680 = tpu.dynamic_gather %parallel_loop3A_627[%parallel_loop3A_679] in [0] : vector<16xf32>, vector<16xi32> -> vector<16xf32>
        %parallel_loop3A_681 = arith.mulf %parallel_loop3A_670, %parallel_loop3A_680 : vector<16xf32>
        %parallel_loop3A_682 = arith.index_cast %parallel_loop3A_610 : i32 to index
        %parallel_loop3A_683 = arith.constant 32 : index
        %parallel_loop3A_684 = tpu.vector_load %arg9[%parallel_loop3A_682, %parallel_loop3A_683] {strides = array<i32>} : memref<32x128xf32, #tpu.memory_space<vmem>>, vector<16xf32>,
        tpu.vector_store %arg9[%parallel_loop3A_682, %parallel_loop3A_683], %parallel_loop3A_681 {strides = array<i32>} : memref<32x128xf32, #tpu.memory_space<vmem>>, vector<16xf32>,
        %parallel_loop3A_685 = arith.constant 0 : i32
        %parallel_loop3A_686 = arith.addi %parallel_loop3A_685, %parallel_loop3A_610 : i32
        %parallel_loop3A_687 = arith.index_cast %parallel_loop3A_686 : i32 to index
        %parallel_loop3A_688 = arith.constant 48 : index
        %parallel_loop3A_689 = tpu.vector_load %arg7[%parallel_loop3A_687, %parallel_loop3A_688] {strides = array<i32>} : memref<128x128xf32, #tpu.memory_space<vmem>>, vector<16xf32>,
        %parallel_loop3A_690 = arith.constant 0 : i32
        %parallel_loop3A_691 = vector.broadcast %parallel_loop3A_690 : i32 to vector<16xi32>
        %parallel_loop3A_692 = arith.cmpi slt, %broadcast_in_dim3A_12, %parallel_loop3A_691 : vector<16xi32>
        %parallel_loop3A_693 = arith.constant 16 : i32
        %parallel_loop3A_694 = vector.broadcast %parallel_loop3A_693 : i32 to vector<16xi32>
        %parallel_loop3A_695 = arith.addi %broadcast_in_dim3A_12, %parallel_loop3A_694 : vector<16xi32>
        %parallel_loop3A_696 = arith.select %parallel_loop3A_692, %parallel_loop3A_695, %broadcast_in_dim3A_12 : vector<16xi1>, vector<16xi32>
        %parallel_loop3A_697 = vector.shape_cast %parallel_loop3A_696 : vector<16xi32> to vector<16x1xi32>
        %parallel_loop3A_698 = vector.shape_cast %parallel_loop3A_697 : vector<16x1xi32> to vector<16xi32>
        %parallel_loop3A_699 = tpu.dynamic_gather %parallel_loop3A_627[%parallel_loop3A_698] in [0] : vector<16xf32>, vector<16xi32> -> vector<16xf32>
        %parallel_loop3A_700 = arith.mulf %parallel_loop3A_689, %parallel_loop3A_699 : vector<16xf32>
        %parallel_loop3A_701 = arith.index_cast %parallel_loop3A_610 : i32 to index
        %parallel_loop3A_702 = arith.constant 48 : index
        %parallel_loop3A_703 = tpu.vector_load %arg9[%parallel_loop3A_701, %parallel_loop3A_702] {strides = array<i32>} : memref<32x128xf32, #tpu.memory_space<vmem>>, vector<16xf32>,
        tpu.vector_store %arg9[%parallel_loop3A_701, %parallel_loop3A_702], %parallel_loop3A_700 {strides = array<i32>} : memref<32x128xf32, #tpu.memory_space<vmem>>, vector<16xf32>,
        %parallel_loop3A_704 = arith.constant 0 : i32
        %parallel_loop3A_705 = vector.broadcast %parallel_loop3A_704 : i32 to vector<16xi32>
        %parallel_loop3A_706 = arith.cmpi slt, %and3A_16, %parallel_loop3A_705 : vector<16xi32>
        %parallel_loop3A_707 = arith.constant 16 : i32
        %parallel_loop3A_708 = vector.broadcast %parallel_loop3A_707 : i32 to vector<16xi32>
        %parallel_loop3A_709 = arith.addi %and3A_16, %parallel_loop3A_708 : vector<16xi32>
        %parallel_loop3A_710 = arith.select %parallel_loop3A_706, %parallel_loop3A_709, %and3A_16 : vector<16xi1>, vector<16xi32>
        %parallel_loop3A_711 = vector.shape_cast %parallel_loop3A_710 : vector<16xi32> to vector<16x1xi32>
        %parallel_loop3A_712 = vector.shape_cast %parallel_loop3A_711 : vector<16x1xi32> to vector<16xi32>
        %parallel_loop3A_713 = tpu.dynamic_gather %parallel_loop3A_627[%parallel_loop3A_712] in [0] : vector<16xf32>, vector<16xi32> -> vector<16xf32>
        %parallel_loop3A_714 = arith.index_cast %parallel_loop3A_610 : i32 to index
        %parallel_loop3A_715 = arith.constant 64 : index
        %parallel_loop3A_716 = tpu.vector_load %arg9[%parallel_loop3A_714, %parallel_loop3A_715] {strides = array<i32>} : memref<32x128xf32, #tpu.memory_space<vmem>>, vector<16xf32>,
        tpu.vector_store %arg9[%parallel_loop3A_714, %parallel_loop3A_715], %parallel_loop3A_713 {strides = array<i32>} : memref<32x128xf32, #tpu.memory_space<vmem>>, vector<16xf32>,
      } {sc.loop_unroll_factor = 4 : i64, sc.parallel_access}
      %dma_start3A_230 = arith.constant 0 : i32
      %dma_start3A_231 = arith.constant 0 : i32
      %dma_start3A_232 = tpu.memref_slice %arg13[%dma_start3A_230, %dma_start3A_231] : memref<4x32xi32, #tpu.memory_space<vmem>> -> memref<1x32xi32, #tpu.memory_space<vmem>>
      %dma_start3A_233 = tpu.memref_squeeze %dma_start3A_232 : memref<1x32xi32, #tpu.memory_space<vmem>> -> memref<32xi32, #tpu.memory_space<vmem>>
      %dma_start3A_234 = arith.constant 0 : i32
      %dma_start3A_235 = arith.constant 0 : i32
      %dma_start3A_236 = tpu.memref_slice %arg15[%dma_start3A_234, %dma_start3A_235] : memref<10000x128xf32, #tpu.memory_space<vmem_shared>> -> memref<10000x128xf32, #tpu.memory_space<vmem_shared>>
      tpu.enqueue_indirect_dma source(%arg9 : memref<32x128xf32, #tpu.memory_space<vmem>>) target(%dma_start3A_236 : memref<10000x128xf32, #tpu.memory_space<vmem_shared>>) offsets(%dma_start3A_233 : memref<32xi32, #tpu.memory_space<vmem>>) semaphore(%arg18 : memref<!tpu.dma_semaphore, #tpu.memory_space<semaphore_mem>>) {add = true}
      %mul3A_237 = arith.constant 8 : i32
      %mul3A_238 = arith.muli %scan3A_204, %mul3A_237 : i32
      %add3A_239 = arith.constant 0 : i32
      %add3A_240 = arith.addi %mul3A_238, %add3A_239 : i32
      %add3A_241 = arith.constant 8 : i32
      %add3A_242 = arith.addi %add3A_240, %add3A_241 : i32
      %lt3A_243 = arith.constant 640 : i32
      %lt3A_244 = arith.cmpi slt, %add3A_242, %lt3A_243 : i32
      %convert_element_type3A_245 = arith.extui %lt3A_244 : i1 to i32
      %cond3A_246 = arith.constant 0 : i32
      %cond3A_247 = arith.cmpi ne, %convert_element_type3A_245, %cond3A_246 : i32
      scf.if %cond3A_247 {
        %add3A_610 = arith.constant 8 : i32
        %add3A_611 = arith.addi %add3A_209, %add3A_610 : i32
        %mul3A_612 = arith.constant 64 : i32
        %mul3A_613 = arith.muli %add3A_611, %mul3A_612 : i32
        %add3A_614 = arith.addi %mul3A_51, %mul3A_613 : i32
        %dma_start3A_615 = arith.constant 0 : i32
        %dma_start3A_616 = tpu.memref_slice %arg6[%dma_start3A_615] : memref<512xi32, #tpu.memory_space<vmem>> -> memref<64xi32, #tpu.memory_space<vmem>>
        %dma_start3A_617 = tpu.memref_slice %arg4[%add3A_614] : memref<1310720xi32, #tpu.memory_space<hbm>> -> memref<64xi32, #tpu.memory_space<hbm>>
        %dma_start3A_618 = arith.constant 0 : i32
        %dma_start3A_619 = tpu.memref_slice %arg6[%dma_start3A_618] : memref<512xi32, #tpu.memory_space<vmem>> -> memref<64xi32, #tpu.memory_space<vmem>>
        %dma_start3A_620 = tpu.memref_slice %arg4[%add3A_614] : memref<1310720xi32, #tpu.memory_space<hbm>> -> memref<64xi32, #tpu.memory_space<hbm>>
        tpu.enqueue_dma source(%dma_start3A_620 : memref<64xi32, #tpu.memory_space<hbm>>) target(%dma_start3A_619 : memref<64xi32, #tpu.memory_space<vmem>>) target_semaphore(%arg22 : memref<!tpu.dma_semaphore, #tpu.memory_space<semaphore_mem>>)
      } else {
      }
      %mul3A_248 = arith.constant 8 : i32
      %mul3A_249 = arith.muli %scan3A_204, %mul3A_248 : i32
      %add3A_250 = arith.constant 1 : i32
      %add3A_251 = arith.addi %mul3A_249, %add3A_250 : i32
      %ge3A_252 = arith.constant 1 : i32
      %ge3A_253 = arith.cmpi sge, %scan3A_204, %ge3A_252 : i32
      %convert_element_type3A_254 = arith.extui %ge3A_253 : i1 to i32
      %cond3A_255 = arith.constant 0 : i32
      %cond3A_256 = arith.cmpi ne, %convert_element_type3A_254, %cond3A_255 : i32
      scf.if %cond3A_256 {
        %dma_wait3A_610 = arith.constant 1 : i32
        %dma_wait3A_611 = arith.constant 0 : i32
        %dma_wait3A_612 = tpu.memref_slice %arg13[%dma_wait3A_610, %dma_wait3A_611] : memref<4x32xi32, #tpu.memory_space<vmem>> -> memref<1x32xi32, #tpu.memory_space<vmem>>
        %dma_wait3A_613 = tpu.memref_squeeze %dma_wait3A_612 : memref<1x32xi32, #tpu.memory_space<vmem>> -> memref<32xi32, #tpu.memory_space<vmem>>
        %dma_wait3A_614 = arith.constant 0 : i32
        %dma_wait3A_615 = arith.constant 0 : i32
        %dma_wait3A_616 = tpu.memref_slice %arg15[%dma_wait3A_614, %dma_wait3A_615] : memref<10000x128xf32, #tpu.memory_space<vmem_shared>> -> memref<10000x128xf32, #tpu.memory_space<vmem_shared>>
        tpu.wait_indirect_dma semaphore(%arg19 : memref<!tpu.dma_semaphore, #tpu.memory_space<semaphore_mem>>) src(%arg10 : memref<32x128xf32, #tpu.memory_space<vmem>>) dst(%dma_wait3A_616 : memref<10000x128xf32, #tpu.memory_space<vmem_shared>>)
      } else {
      }
      %get3A_257 = arith.constant 96 : index
      %get3A_258 = tpu.vector_load %arg6[%get3A_257] {strides = array<i32>} : memref<512xi32, #tpu.memory_space<vmem>>, vector<16xi32>,
      %swap3A_259 = arith.constant 1 : i32
      %swap3A_260 = arith.index_cast %swap3A_259 : i32 to index
      %swap3A_261 = arith.constant 0 : index
      %swap3A_262 = tpu.vector_load %arg13[%swap3A_260, %swap3A_261] {strides = array<i32>} : memref<4x32xi32, #tpu.memory_space<vmem>>, vector<16xi32>,
      tpu.vector_store %arg13[%swap3A_260, %swap3A_261], %get3A_258 {strides = array<i32>} : memref<4x32xi32, #tpu.memory_space<vmem>>, vector<16xi32>,
      %get3A_263 = arith.constant 112 : index
      %get3A_264 = tpu.vector_load %arg6[%get3A_263] {strides = array<i32>} : memref<512xi32, #tpu.memory_space<vmem>>, vector<16xi32>,
      %swap3A_265 = arith.constant 1 : i32
      %swap3A_266 = arith.index_cast %swap3A_265 : i32 to index
      %swap3A_267 = arith.constant 16 : index
      %swap3A_268 = tpu.vector_load %arg13[%swap3A_266, %swap3A_267] {strides = array<i32>} : memref<4x32xi32, #tpu.memory_space<vmem>>, vector<16xi32>,
      tpu.vector_store %arg13[%swap3A_266, %swap3A_267], %get3A_264 {strides = array<i32>} : memref<4x32xi32, #tpu.memory_space<vmem>>, vector<16xi32>,
      %parallel_loop3A_269 = arith.constant 0 : i32
      %parallel_loop3A_270 = arith.constant 32 : i32
      %parallel_loop3A_271 = arith.constant 1 : i32
      scf.for %parallel_loop3A_610 = %parallel_loop3A_269 to %parallel_loop3A_270 step %parallel_loop3A_271  : i32 {
        %parallel_loop3A_611 = arith.constant 64 : i32
        %parallel_loop3A_612 = arith.addi %parallel_loop3A_611, %parallel_loop3A_610 : i32
        %parallel_loop3A_613 = arith.index_cast %parallel_loop3A_612 : i32 to index
        %parallel_loop3A_614 = arith.constant 64 : index
        %parallel_loop3A_615 = tpu.vector_load %arg7[%parallel_loop3A_613, %parallel_loop3A_614] {strides = array<i32>} : memref<128x128xf32, #tpu.memory_space<vmem>>, vector<16xf32>,
        %parallel_loop3A_616 = arith.constant 96 : i32
        %parallel_loop3A_617 = arith.addi %parallel_loop3A_616, %parallel_loop3A_610 : i32
        %parallel_loop3A_618 = arith.index_cast %parallel_loop3A_617 : i32 to index
        %parallel_loop3A_619 = arith.constant 80 : index
        %parallel_loop3A_620 = tpu.vector_load %arg7[%parallel_loop3A_618, %parallel_loop3A_619] {strides = array<i32>} : memref<128x128xf32, #tpu.memory_space<vmem>>, vector<16xf32>,
        %parallel_loop3A_621 = arith.addf %parallel_loop3A_615, %parallel_loop3A_620 : vector<16xf32>
        %parallel_loop3A_622 = arith.constant 2.000000e-01 : f32
        %parallel_loop3A_623 = vector.broadcast %parallel_loop3A_622 : f32 to vector<16xf32>
        %parallel_loop3A_624 = arith.mulf %parallel_loop3A_621, %parallel_loop3A_623 : vector<16xf32>
        %parallel_loop3A_625 = arith.maximumf %parallel_loop3A_621, %parallel_loop3A_624 : vector<16xf32>
        %parallel_loop3A_626 = arith.subf %parallel_loop3A_625, %max3A : vector<16xf32>
        %parallel_loop3A_627 = math.exp %parallel_loop3A_626 : vector<16xf32>
        %parallel_loop3A_628 = arith.constant 64 : i32
        %parallel_loop3A_629 = arith.addi %parallel_loop3A_628, %parallel_loop3A_610 : i32
        %parallel_loop3A_630 = arith.index_cast %parallel_loop3A_629 : i32 to index
        %parallel_loop3A_631 = arith.constant 0 : index
        %parallel_loop3A_632 = tpu.vector_load %arg7[%parallel_loop3A_630, %parallel_loop3A_631] {strides = array<i32>} : memref<128x128xf32, #tpu.memory_space<vmem>>, vector<16xf32>,
        %parallel_loop3A_633 = arith.constant 0 : i32
        %parallel_loop3A_634 = vector.broadcast %parallel_loop3A_633 : i32 to vector<16xi32>
        %parallel_loop3A_635 = arith.cmpi slt, %broadcast_in_dim3A_3, %parallel_loop3A_634 : vector<16xi32>
        %parallel_loop3A_636 = arith.constant 16 : i32
        %parallel_loop3A_637 = vector.broadcast %parallel_loop3A_636 : i32 to vector<16xi32>
        %parallel_loop3A_638 = arith.addi %broadcast_in_dim3A_3, %parallel_loop3A_637 : vector<16xi32>
        %parallel_loop3A_639 = arith.select %parallel_loop3A_635, %parallel_loop3A_638, %broadcast_in_dim3A_3 : vector<16xi1>, vector<16xi32>
        %parallel_loop3A_640 = vector.shape_cast %parallel_loop3A_639 : vector<16xi32> to vector<16x1xi32>
        %parallel_loop3A_641 = vector.shape_cast %parallel_loop3A_640 : vector<16x1xi32> to vector<16xi32>
        %parallel_loop3A_642 = tpu.dynamic_gather %parallel_loop3A_627[%parallel_loop3A_641] in [0] : vector<16xf32>, vector<16xi32> -> vector<16xf32>
        %parallel_loop3A_643 = arith.mulf %parallel_loop3A_632, %parallel_loop3A_642 : vector<16xf32>
        %parallel_loop3A_644 = arith.index_cast %parallel_loop3A_610 : i32 to index
        %parallel_loop3A_645 = arith.constant 0 : index
        %parallel_loop3A_646 = tpu.vector_load %arg10[%parallel_loop3A_644, %parallel_loop3A_645] {strides = array<i32>} : memref<32x128xf32, #tpu.memory_space<vmem>>, vector<16xf32>,
        tpu.vector_store %arg10[%parallel_loop3A_644, %parallel_loop3A_645], %parallel_loop3A_643 {strides = array<i32>} : memref<32x128xf32, #tpu.memory_space<vmem>>, vector<16xf32>,
        %parallel_loop3A_647 = arith.constant 64 : i32
        %parallel_loop3A_648 = arith.addi %parallel_loop3A_647, %parallel_loop3A_610 : i32
        %parallel_loop3A_649 = arith.index_cast %parallel_loop3A_648 : i32 to index
        %parallel_loop3A_650 = arith.constant 16 : index
        %parallel_loop3A_651 = tpu.vector_load %arg7[%parallel_loop3A_649, %parallel_loop3A_650] {strides = array<i32>} : memref<128x128xf32, #tpu.memory_space<vmem>>, vector<16xf32>,
        %parallel_loop3A_652 = arith.constant 0 : i32
        %parallel_loop3A_653 = vector.broadcast %parallel_loop3A_652 : i32 to vector<16xi32>
        %parallel_loop3A_654 = arith.cmpi slt, %broadcast_in_dim3A_6, %parallel_loop3A_653 : vector<16xi32>
        %parallel_loop3A_655 = arith.constant 16 : i32
        %parallel_loop3A_656 = vector.broadcast %parallel_loop3A_655 : i32 to vector<16xi32>
        %parallel_loop3A_657 = arith.addi %broadcast_in_dim3A_6, %parallel_loop3A_656 : vector<16xi32>
        %parallel_loop3A_658 = arith.select %parallel_loop3A_654, %parallel_loop3A_657, %broadcast_in_dim3A_6 : vector<16xi1>, vector<16xi32>
        %parallel_loop3A_659 = vector.shape_cast %parallel_loop3A_658 : vector<16xi32> to vector<16x1xi32>
        %parallel_loop3A_660 = vector.shape_cast %parallel_loop3A_659 : vector<16x1xi32> to vector<16xi32>
        %parallel_loop3A_661 = tpu.dynamic_gather %parallel_loop3A_627[%parallel_loop3A_660] in [0] : vector<16xf32>, vector<16xi32> -> vector<16xf32>
        %parallel_loop3A_662 = arith.mulf %parallel_loop3A_651, %parallel_loop3A_661 : vector<16xf32>
        %parallel_loop3A_663 = arith.index_cast %parallel_loop3A_610 : i32 to index
        %parallel_loop3A_664 = arith.constant 16 : index
        %parallel_loop3A_665 = tpu.vector_load %arg10[%parallel_loop3A_663, %parallel_loop3A_664] {strides = array<i32>} : memref<32x128xf32, #tpu.memory_space<vmem>>, vector<16xf32>,
        tpu.vector_store %arg10[%parallel_loop3A_663, %parallel_loop3A_664], %parallel_loop3A_662 {strides = array<i32>} : memref<32x128xf32, #tpu.memory_space<vmem>>, vector<16xf32>,
        %parallel_loop3A_666 = arith.constant 64 : i32
        %parallel_loop3A_667 = arith.addi %parallel_loop3A_666, %parallel_loop3A_610 : i32
        %parallel_loop3A_668 = arith.index_cast %parallel_loop3A_667 : i32 to index
        %parallel_loop3A_669 = arith.constant 32 : index
        %parallel_loop3A_670 = tpu.vector_load %arg7[%parallel_loop3A_668, %parallel_loop3A_669] {strides = array<i32>} : memref<128x128xf32, #tpu.memory_space<vmem>>, vector<16xf32>,
        %parallel_loop3A_671 = arith.constant 0 : i32
        %parallel_loop3A_672 = vector.broadcast %parallel_loop3A_671 : i32 to vector<16xi32>
        %parallel_loop3A_673 = arith.cmpi slt, %broadcast_in_dim3A_9, %parallel_loop3A_672 : vector<16xi32>
        %parallel_loop3A_674 = arith.constant 16 : i32
        %parallel_loop3A_675 = vector.broadcast %parallel_loop3A_674 : i32 to vector<16xi32>
        %parallel_loop3A_676 = arith.addi %broadcast_in_dim3A_9, %parallel_loop3A_675 : vector<16xi32>
        %parallel_loop3A_677 = arith.select %parallel_loop3A_673, %parallel_loop3A_676, %broadcast_in_dim3A_9 : vector<16xi1>, vector<16xi32>
        %parallel_loop3A_678 = vector.shape_cast %parallel_loop3A_677 : vector<16xi32> to vector<16x1xi32>
        %parallel_loop3A_679 = vector.shape_cast %parallel_loop3A_678 : vector<16x1xi32> to vector<16xi32>
        %parallel_loop3A_680 = tpu.dynamic_gather %parallel_loop3A_627[%parallel_loop3A_679] in [0] : vector<16xf32>, vector<16xi32> -> vector<16xf32>
        %parallel_loop3A_681 = arith.mulf %parallel_loop3A_670, %parallel_loop3A_680 : vector<16xf32>
        %parallel_loop3A_682 = arith.index_cast %parallel_loop3A_610 : i32 to index
        %parallel_loop3A_683 = arith.constant 32 : index
        %parallel_loop3A_684 = tpu.vector_load %arg10[%parallel_loop3A_682, %parallel_loop3A_683] {strides = array<i32>} : memref<32x128xf32, #tpu.memory_space<vmem>>, vector<16xf32>,
        tpu.vector_store %arg10[%parallel_loop3A_682, %parallel_loop3A_683], %parallel_loop3A_681 {strides = array<i32>} : memref<32x128xf32, #tpu.memory_space<vmem>>, vector<16xf32>,
        %parallel_loop3A_685 = arith.constant 64 : i32
        %parallel_loop3A_686 = arith.addi %parallel_loop3A_685, %parallel_loop3A_610 : i32
        %parallel_loop3A_687 = arith.index_cast %parallel_loop3A_686 : i32 to index
        %parallel_loop3A_688 = arith.constant 48 : index
        %parallel_loop3A_689 = tpu.vector_load %arg7[%parallel_loop3A_687, %parallel_loop3A_688] {strides = array<i32>} : memref<128x128xf32, #tpu.memory_space<vmem>>, vector<16xf32>,
        %parallel_loop3A_690 = arith.constant 0 : i32
        %parallel_loop3A_691 = vector.broadcast %parallel_loop3A_690 : i32 to vector<16xi32>
        %parallel_loop3A_692 = arith.cmpi slt, %broadcast_in_dim3A_12, %parallel_loop3A_691 : vector<16xi32>
        %parallel_loop3A_693 = arith.constant 16 : i32
        %parallel_loop3A_694 = vector.broadcast %parallel_loop3A_693 : i32 to vector<16xi32>
        %parallel_loop3A_695 = arith.addi %broadcast_in_dim3A_12, %parallel_loop3A_694 : vector<16xi32>
        %parallel_loop3A_696 = arith.select %parallel_loop3A_692, %parallel_loop3A_695, %broadcast_in_dim3A_12 : vector<16xi1>, vector<16xi32>
        %parallel_loop3A_697 = vector.shape_cast %parallel_loop3A_696 : vector<16xi32> to vector<16x1xi32>
        %parallel_loop3A_698 = vector.shape_cast %parallel_loop3A_697 : vector<16x1xi32> to vector<16xi32>
        %parallel_loop3A_699 = tpu.dynamic_gather %parallel_loop3A_627[%parallel_loop3A_698] in [0] : vector<16xf32>, vector<16xi32> -> vector<16xf32>
        %parallel_loop3A_700 = arith.mulf %parallel_loop3A_689, %parallel_loop3A_699 : vector<16xf32>
        %parallel_loop3A_701 = arith.index_cast %parallel_loop3A_610 : i32 to index
        %parallel_loop3A_702 = arith.constant 48 : index
        %parallel_loop3A_703 = tpu.vector_load %arg10[%parallel_loop3A_701, %parallel_loop3A_702] {strides = array<i32>} : memref<32x128xf32, #tpu.memory_space<vmem>>, vector<16xf32>,
        tpu.vector_store %arg10[%parallel_loop3A_701, %parallel_loop3A_702], %parallel_loop3A_700 {strides = array<i32>} : memref<32x128xf32, #tpu.memory_space<vmem>>, vector<16xf32>,
        %parallel_loop3A_704 = arith.constant 0 : i32
        %parallel_loop3A_705 = vector.broadcast %parallel_loop3A_704 : i32 to vector<16xi32>
        %parallel_loop3A_706 = arith.cmpi slt, %and3A_16, %parallel_loop3A_705 : vector<16xi32>
        %parallel_loop3A_707 = arith.constant 16 : i32
        %parallel_loop3A_708 = vector.broadcast %parallel_loop3A_707 : i32 to vector<16xi32>
        %parallel_loop3A_709 = arith.addi %and3A_16, %parallel_loop3A_708 : vector<16xi32>
        %parallel_loop3A_710 = arith.select %parallel_loop3A_706, %parallel_loop3A_709, %and3A_16 : vector<16xi1>, vector<16xi32>
        %parallel_loop3A_711 = vector.shape_cast %parallel_loop3A_710 : vector<16xi32> to vector<16x1xi32>
        %parallel_loop3A_712 = vector.shape_cast %parallel_loop3A_711 : vector<16x1xi32> to vector<16xi32>
        %parallel_loop3A_713 = tpu.dynamic_gather %parallel_loop3A_627[%parallel_loop3A_712] in [0] : vector<16xf32>, vector<16xi32> -> vector<16xf32>
        %parallel_loop3A_714 = arith.index_cast %parallel_loop3A_610 : i32 to index
        %parallel_loop3A_715 = arith.constant 64 : index
        %parallel_loop3A_716 = tpu.vector_load %arg10[%parallel_loop3A_714, %parallel_loop3A_715] {strides = array<i32>} : memref<32x128xf32, #tpu.memory_space<vmem>>, vector<16xf32>,
        tpu.vector_store %arg10[%parallel_loop3A_714, %parallel_loop3A_715], %parallel_loop3A_713 {strides = array<i32>} : memref<32x128xf32, #tpu.memory_space<vmem>>, vector<16xf32>,
      } {sc.loop_unroll_factor = 4 : i64, sc.parallel_access}
      %dma_start3A_272 = arith.constant 1 : i32
      %dma_start3A_273 = arith.constant 0 : i32
      %dma_start3A_274 = tpu.memref_slice %arg13[%dma_start3A_272, %dma_start3A_273] : memref<4x32xi32, #tpu.memory_space<vmem>> -> memref<1x32xi32, #tpu.memory_space<vmem>>
      %dma_start3A_275 = tpu.memref_squeeze %dma_start3A_274 : memref<1x32xi32, #tpu.memory_space<vmem>> -> memref<32xi32, #tpu.memory_space<vmem>>
      %dma_start3A_276 = arith.constant 0 : i32
      %dma_start3A_277 = arith.constant 0 : i32
      %dma_start3A_278 = tpu.memref_slice %arg15[%dma_start3A_276, %dma_start3A_277] : memref<10000x128xf32, #tpu.memory_space<vmem_shared>> -> memref<10000x128xf32, #tpu.memory_space<vmem_shared>>
      tpu.enqueue_indirect_dma source(%arg10 : memref<32x128xf32, #tpu.memory_space<vmem>>) target(%dma_start3A_278 : memref<10000x128xf32, #tpu.memory_space<vmem_shared>>) offsets(%dma_start3A_275 : memref<32xi32, #tpu.memory_space<vmem>>) semaphore(%arg19 : memref<!tpu.dma_semaphore, #tpu.memory_space<semaphore_mem>>) {add = true}
      %mul3A_279 = arith.constant 8 : i32
      %mul3A_280 = arith.muli %scan3A_204, %mul3A_279 : i32
      %add3A_281 = arith.constant 1 : i32
      %add3A_282 = arith.addi %mul3A_280, %add3A_281 : i32
      %add3A_283 = arith.constant 3 : i32
      %add3A_284 = arith.addi %add3A_282, %add3A_283 : i32
      %lt3A_285 = arith.constant 640 : i32
      %lt3A_286 = arith.cmpi slt, %add3A_284, %lt3A_285 : i32
      %convert_element_type3A_287 = arith.extui %lt3A_286 : i1 to i32
      %cond3A_288 = arith.constant 0 : i32
      %cond3A_289 = arith.cmpi ne, %convert_element_type3A_287, %cond3A_288 : i32
      scf.if %cond3A_289 {
        %add3A_610 = arith.constant 3 : i32
        %add3A_611 = arith.addi %add3A_251, %add3A_610 : i32
        %mul3A_612 = arith.constant 64 : i32
        %mul3A_613 = arith.muli %add3A_611, %mul3A_612 : i32
        %add3A_614 = arith.addi %mul3A_51, %mul3A_613 : i32
        %dma_wait3A_615 = arith.constant 256 : i32
        %dma_wait3A_616 = tpu.memref_slice %arg6[%dma_wait3A_615] : memref<512xi32, #tpu.memory_space<vmem>> -> memref<64xi32, #tpu.memory_space<vmem>>
        %dma_wait3A_617 = tpu.memref_slice %arg4[%add3A_614] : memref<1310720xi32, #tpu.memory_space<hbm>> -> memref<64xi32, #tpu.memory_space<hbm>>
        %dma_wait3A_618 = arith.constant 256 : i32
        %dma_wait3A_619 = tpu.memref_slice %arg6[%dma_wait3A_618] : memref<512xi32, #tpu.memory_space<vmem>> -> memref<64xi32, #tpu.memory_space<vmem>>
        %dma_wait3A_620 = tpu.memref_slice %arg4[%add3A_614] : memref<1310720xi32, #tpu.memory_space<hbm>> -> memref<64xi32, #tpu.memory_space<hbm>>
        tpu.wait_dma2 semaphore(%arg26 : memref<!tpu.dma_semaphore, #tpu.memory_space<semaphore_mem>>) src(%dma_wait3A_620 : memref<64xi32, #tpu.memory_space<hbm>>) dst(%dma_wait3A_619 : memref<64xi32, #tpu.memory_space<vmem>>)
        %add3A_621 = arith.constant 4 : i32
        %add3A_622 = arith.addi %add3A_251, %add3A_621 : i32
        %mul3A_623 = arith.constant 64 : i32
        %mul3A_624 = arith.muli %add3A_622, %mul3A_623 : i32
        %add3A_625 = arith.addi %mul3A_51, %mul3A_624 : i32
        %dma_wait3A_626 = arith.constant 320 : i32
        %dma_wait3A_627 = tpu.memref_slice %arg6[%dma_wait3A_626] : memref<512xi32, #tpu.memory_space<vmem>> -> memref<64xi32, #tpu.memory_space<vmem>>
        %dma_wait3A_628 = tpu.memref_slice %arg4[%add3A_625] : memref<1310720xi32, #tpu.memory_space<hbm>> -> memref<64xi32, #tpu.memory_space<hbm>>
        %dma_wait3A_629 = arith.constant 320 : i32
        %dma_wait3A_630 = tpu.memref_slice %arg6[%dma_wait3A_629] : memref<512xi32, #tpu.memory_space<vmem>> -> memref<64xi32, #tpu.memory_space<vmem>>
        %dma_wait3A_631 = tpu.memref_slice %arg4[%add3A_625] : memref<1310720xi32, #tpu.memory_space<hbm>> -> memref<64xi32, #tpu.memory_space<hbm>>
        tpu.wait_dma2 semaphore(%arg27 : memref<!tpu.dma_semaphore, #tpu.memory_space<semaphore_mem>>) src(%dma_wait3A_631 : memref<64xi32, #tpu.memory_space<hbm>>) dst(%dma_wait3A_630 : memref<64xi32, #tpu.memory_space<vmem>>)
        %add3A_632 = arith.constant 3 : i32
        %add3A_633 = arith.addi %add3A_251, %add3A_632 : i32
        %dma_start3A_634 = arith.constant 256 : i32
        %dma_start3A_635 = tpu.memref_slice %arg6[%dma_start3A_634] : memref<512xi32, #tpu.memory_space<vmem>> -> memref<128xi32, #tpu.memory_space<vmem>>
        %dma_start3A_636 = arith.constant 0 : i32
        %dma_start3A_637 = arith.constant 0 : i32
        %dma_start3A_638 = tpu.memref_slice %arg2[%dma_start3A_636, %dma_start3A_637] : memref<20008x128xf32, #tpu.memory_space<hbm>> -> memref<20008x128xf32, #tpu.memory_space<hbm>>
        tpu.enqueue_indirect_dma source(%dma_start3A_638 : memref<20008x128xf32, #tpu.memory_space<hbm>>) target(%arg7 : memref<128x128xf32, #tpu.memory_space<vmem>>) offsets(%dma_start3A_635 : memref<128xi32, #tpu.memory_space<vmem>>) semaphore(%arg16 : memref<!tpu.dma_semaphore, #tpu.memory_space<semaphore_mem>>)
      } else {
      }
      %mul3A_290 = arith.constant 8 : i32
      %mul3A_291 = arith.muli %scan3A_204, %mul3A_290 : i32
      %add3A_292 = arith.constant 1 : i32
      %add3A_293 = arith.addi %mul3A_291, %add3A_292 : i32
      %add3A_294 = arith.constant 8 : i32
      %add3A_295 = arith.addi %add3A_293, %add3A_294 : i32
      %lt3A_296 = arith.constant 640 : i32
      %lt3A_297 = arith.cmpi slt, %add3A_295, %lt3A_296 : i32
      %convert_element_type3A_298 = arith.extui %lt3A_297 : i1 to i32
      %cond3A_299 = arith.constant 0 : i32
      %cond3A_300 = arith.cmpi ne, %convert_element_type3A_298, %cond3A_299 : i32
      scf.if %cond3A_300 {
        %add3A_610 = arith.constant 8 : i32
        %add3A_611 = arith.addi %add3A_251, %add3A_610 : i32
        %mul3A_612 = arith.constant 64 : i32
        %mul3A_613 = arith.muli %add3A_611, %mul3A_612 : i32
        %add3A_614 = arith.addi %mul3A_51, %mul3A_613 : i32
        %dma_start3A_615 = arith.constant 64 : i32
        %dma_start3A_616 = tpu.memref_slice %arg6[%dma_start3A_615] : memref<512xi32, #tpu.memory_space<vmem>> -> memref<64xi32, #tpu.memory_space<vmem>>
        %dma_start3A_617 = tpu.memref_slice %arg4[%add3A_614] : memref<1310720xi32, #tpu.memory_space<hbm>> -> memref<64xi32, #tpu.memory_space<hbm>>
        %dma_start3A_618 = arith.constant 64 : i32
        %dma_start3A_619 = tpu.memref_slice %arg6[%dma_start3A_618] : memref<512xi32, #tpu.memory_space<vmem>> -> memref<64xi32, #tpu.memory_space<vmem>>
        %dma_start3A_620 = tpu.memref_slice %arg4[%add3A_614] : memref<1310720xi32, #tpu.memory_space<hbm>> -> memref<64xi32, #tpu.memory_space<hbm>>
        tpu.enqueue_dma source(%dma_start3A_620 : memref<64xi32, #tpu.memory_space<hbm>>) target(%dma_start3A_619 : memref<64xi32, #tpu.memory_space<vmem>>) target_semaphore(%arg23 : memref<!tpu.dma_semaphore, #tpu.memory_space<semaphore_mem>>)
      } else {
      }
      %mul3A_301 = arith.constant 8 : i32
      %mul3A_302 = arith.muli %scan3A_204, %mul3A_301 : i32
      %add3A_303 = arith.constant 2 : i32
      %add3A_304 = arith.addi %mul3A_302, %add3A_303 : i32
      %dma_wait3A_305 = arith.constant 128 : i32
      %dma_wait3A_306 = tpu.memref_slice %arg6[%dma_wait3A_305] : memref<512xi32, #tpu.memory_space<vmem>> -> memref<128xi32, #tpu.memory_space<vmem>>
      %dma_wait3A_307 = arith.constant 0 : i32
      %dma_wait3A_308 = arith.constant 0 : i32
      %dma_wait3A_309 = tpu.memref_slice %arg2[%dma_wait3A_307, %dma_wait3A_308] : memref<20008x128xf32, #tpu.memory_space<hbm>> -> memref<20008x128xf32, #tpu.memory_space<hbm>>
      tpu.wait_indirect_dma semaphore(%arg17 : memref<!tpu.dma_semaphore, #tpu.memory_space<semaphore_mem>>) src(%dma_wait3A_309 : memref<20008x128xf32, #tpu.memory_space<hbm>>) dst(%arg8 : memref<128x128xf32, #tpu.memory_space<vmem>>)
      %ge3A_310 = arith.constant 1 : i32
      %ge3A_311 = arith.cmpi sge, %scan3A_204, %ge3A_310 : i32
      %convert_element_type3A_312 = arith.extui %ge3A_311 : i1 to i32
      %cond3A_313 = arith.constant 0 : i32
      %cond3A_314 = arith.cmpi ne, %convert_element_type3A_312, %cond3A_313 : i32
      scf.if %cond3A_314 {
        %dma_wait3A_610 = arith.constant 2 : i32
        %dma_wait3A_611 = arith.constant 0 : i32
        %dma_wait3A_612 = tpu.memref_slice %arg13[%dma_wait3A_610, %dma_wait3A_611] : memref<4x32xi32, #tpu.memory_space<vmem>> -> memref<1x32xi32, #tpu.memory_space<vmem>>
        %dma_wait3A_613 = tpu.memref_squeeze %dma_wait3A_612 : memref<1x32xi32, #tpu.memory_space<vmem>> -> memref<32xi32, #tpu.memory_space<vmem>>
        %dma_wait3A_614 = arith.constant 0 : i32
        %dma_wait3A_615 = arith.constant 0 : i32
        %dma_wait3A_616 = tpu.memref_slice %arg15[%dma_wait3A_614, %dma_wait3A_615] : memref<10000x128xf32, #tpu.memory_space<vmem_shared>> -> memref<10000x128xf32, #tpu.memory_space<vmem_shared>>
        tpu.wait_indirect_dma semaphore(%arg20 : memref<!tpu.dma_semaphore, #tpu.memory_space<semaphore_mem>>) src(%arg11 : memref<32x128xf32, #tpu.memory_space<vmem>>) dst(%dma_wait3A_616 : memref<10000x128xf32, #tpu.memory_space<vmem_shared>>)
      } else {
      }
      %get3A_315 = arith.constant 160 : index
      %get3A_316 = tpu.vector_load %arg6[%get3A_315] {strides = array<i32>} : memref<512xi32, #tpu.memory_space<vmem>>, vector<16xi32>,
      %swap3A_317 = arith.constant 2 : i32
      %swap3A_318 = arith.index_cast %swap3A_317 : i32 to index
      %swap3A_319 = arith.constant 0 : index
      %swap3A_320 = tpu.vector_load %arg13[%swap3A_318, %swap3A_319] {strides = array<i32>} : memref<4x32xi32, #tpu.memory_space<vmem>>, vector<16xi32>,
      tpu.vector_store %arg13[%swap3A_318, %swap3A_319], %get3A_316 {strides = array<i32>} : memref<4x32xi32, #tpu.memory_space<vmem>>, vector<16xi32>,
      %get3A_321 = arith.constant 176 : index
      %get3A_322 = tpu.vector_load %arg6[%get3A_321] {strides = array<i32>} : memref<512xi32, #tpu.memory_space<vmem>>, vector<16xi32>,
      %swap3A_323 = arith.constant 2 : i32
      %swap3A_324 = arith.index_cast %swap3A_323 : i32 to index
      %swap3A_325 = arith.constant 16 : index
      %swap3A_326 = tpu.vector_load %arg13[%swap3A_324, %swap3A_325] {strides = array<i32>} : memref<4x32xi32, #tpu.memory_space<vmem>>, vector<16xi32>,
      tpu.vector_store %arg13[%swap3A_324, %swap3A_325], %get3A_322 {strides = array<i32>} : memref<4x32xi32, #tpu.memory_space<vmem>>, vector<16xi32>,
      %parallel_loop3A_327 = arith.constant 0 : i32
      %parallel_loop3A_328 = arith.constant 32 : i32
      %parallel_loop3A_329 = arith.constant 1 : i32
      scf.for %parallel_loop3A_610 = %parallel_loop3A_327 to %parallel_loop3A_328 step %parallel_loop3A_329  : i32 {
        %parallel_loop3A_611 = arith.constant 0 : i32
        %parallel_loop3A_612 = arith.addi %parallel_loop3A_611, %parallel_loop3A_610 : i32
        %parallel_loop3A_613 = arith.index_cast %parallel_loop3A_612 : i32 to index
        %parallel_loop3A_614 = arith.constant 64 : index
        %parallel_loop3A_615 = tpu.vector_load %arg8[%parallel_loop3A_613, %parallel_loop3A_614] {strides = array<i32>} : memref<128x128xf32, #tpu.memory_space<vmem>>, vector<16xf32>,
        %parallel_loop3A_616 = arith.constant 32 : i32
        %parallel_loop3A_617 = arith.addi %parallel_loop3A_616, %parallel_loop3A_610 : i32
        %parallel_loop3A_618 = arith.index_cast %parallel_loop3A_617 : i32 to index
        %parallel_loop3A_619 = arith.constant 80 : index
        %parallel_loop3A_620 = tpu.vector_load %arg8[%parallel_loop3A_618, %parallel_loop3A_619] {strides = array<i32>} : memref<128x128xf32, #tpu.memory_space<vmem>>, vector<16xf32>,
        %parallel_loop3A_621 = arith.addf %parallel_loop3A_615, %parallel_loop3A_620 : vector<16xf32>
        %parallel_loop3A_622 = arith.constant 2.000000e-01 : f32
        %parallel_loop3A_623 = vector.broadcast %parallel_loop3A_622 : f32 to vector<16xf32>
        %parallel_loop3A_624 = arith.mulf %parallel_loop3A_621, %parallel_loop3A_623 : vector<16xf32>
        %parallel_loop3A_625 = arith.maximumf %parallel_loop3A_621, %parallel_loop3A_624 : vector<16xf32>
        %parallel_loop3A_626 = arith.subf %parallel_loop3A_625, %max3A : vector<16xf32>
        %parallel_loop3A_627 = math.exp %parallel_loop3A_626 : vector<16xf32>
        %parallel_loop3A_628 = arith.constant 0 : i32
        %parallel_loop3A_629 = arith.addi %parallel_loop3A_628, %parallel_loop3A_610 : i32
        %parallel_loop3A_630 = arith.index_cast %parallel_loop3A_629 : i32 to index
        %parallel_loop3A_631 = arith.constant 0 : index
        %parallel_loop3A_632 = tpu.vector_load %arg8[%parallel_loop3A_630, %parallel_loop3A_631] {strides = array<i32>} : memref<128x128xf32, #tpu.memory_space<vmem>>, vector<16xf32>,
        %parallel_loop3A_633 = arith.constant 0 : i32
        %parallel_loop3A_634 = vector.broadcast %parallel_loop3A_633 : i32 to vector<16xi32>
        %parallel_loop3A_635 = arith.cmpi slt, %broadcast_in_dim3A_3, %parallel_loop3A_634 : vector<16xi32>
        %parallel_loop3A_636 = arith.constant 16 : i32
        %parallel_loop3A_637 = vector.broadcast %parallel_loop3A_636 : i32 to vector<16xi32>
        %parallel_loop3A_638 = arith.addi %broadcast_in_dim3A_3, %parallel_loop3A_637 : vector<16xi32>
        %parallel_loop3A_639 = arith.select %parallel_loop3A_635, %parallel_loop3A_638, %broadcast_in_dim3A_3 : vector<16xi1>, vector<16xi32>
        %parallel_loop3A_640 = vector.shape_cast %parallel_loop3A_639 : vector<16xi32> to vector<16x1xi32>
        %parallel_loop3A_641 = vector.shape_cast %parallel_loop3A_640 : vector<16x1xi32> to vector<16xi32>
        %parallel_loop3A_642 = tpu.dynamic_gather %parallel_loop3A_627[%parallel_loop3A_641] in [0] : vector<16xf32>, vector<16xi32> -> vector<16xf32>
        %parallel_loop3A_643 = arith.mulf %parallel_loop3A_632, %parallel_loop3A_642 : vector<16xf32>
        %parallel_loop3A_644 = arith.index_cast %parallel_loop3A_610 : i32 to index
        %parallel_loop3A_645 = arith.constant 0 : index
        %parallel_loop3A_646 = tpu.vector_load %arg11[%parallel_loop3A_644, %parallel_loop3A_645] {strides = array<i32>} : memref<32x128xf32, #tpu.memory_space<vmem>>, vector<16xf32>,
        tpu.vector_store %arg11[%parallel_loop3A_644, %parallel_loop3A_645], %parallel_loop3A_643 {strides = array<i32>} : memref<32x128xf32, #tpu.memory_space<vmem>>, vector<16xf32>,
        %parallel_loop3A_647 = arith.constant 0 : i32
        %parallel_loop3A_648 = arith.addi %parallel_loop3A_647, %parallel_loop3A_610 : i32
        %parallel_loop3A_649 = arith.index_cast %parallel_loop3A_648 : i32 to index
        %parallel_loop3A_650 = arith.constant 16 : index
        %parallel_loop3A_651 = tpu.vector_load %arg8[%parallel_loop3A_649, %parallel_loop3A_650] {strides = array<i32>} : memref<128x128xf32, #tpu.memory_space<vmem>>, vector<16xf32>,
        %parallel_loop3A_652 = arith.constant 0 : i32
        %parallel_loop3A_653 = vector.broadcast %parallel_loop3A_652 : i32 to vector<16xi32>
        %parallel_loop3A_654 = arith.cmpi slt, %broadcast_in_dim3A_6, %parallel_loop3A_653 : vector<16xi32>
        %parallel_loop3A_655 = arith.constant 16 : i32
        %parallel_loop3A_656 = vector.broadcast %parallel_loop3A_655 : i32 to vector<16xi32>
        %parallel_loop3A_657 = arith.addi %broadcast_in_dim3A_6, %parallel_loop3A_656 : vector<16xi32>
        %parallel_loop3A_658 = arith.select %parallel_loop3A_654, %parallel_loop3A_657, %broadcast_in_dim3A_6 : vector<16xi1>, vector<16xi32>
        %parallel_loop3A_659 = vector.shape_cast %parallel_loop3A_658 : vector<16xi32> to vector<16x1xi32>
        %parallel_loop3A_660 = vector.shape_cast %parallel_loop3A_659 : vector<16x1xi32> to vector<16xi32>
        %parallel_loop3A_661 = tpu.dynamic_gather %parallel_loop3A_627[%parallel_loop3A_660] in [0] : vector<16xf32>, vector<16xi32> -> vector<16xf32>
        %parallel_loop3A_662 = arith.mulf %parallel_loop3A_651, %parallel_loop3A_661 : vector<16xf32>
        %parallel_loop3A_663 = arith.index_cast %parallel_loop3A_610 : i32 to index
        %parallel_loop3A_664 = arith.constant 16 : index
        %parallel_loop3A_665 = tpu.vector_load %arg11[%parallel_loop3A_663, %parallel_loop3A_664] {strides = array<i32>} : memref<32x128xf32, #tpu.memory_space<vmem>>, vector<16xf32>,
        tpu.vector_store %arg11[%parallel_loop3A_663, %parallel_loop3A_664], %parallel_loop3A_662 {strides = array<i32>} : memref<32x128xf32, #tpu.memory_space<vmem>>, vector<16xf32>,
        %parallel_loop3A_666 = arith.constant 0 : i32
        %parallel_loop3A_667 = arith.addi %parallel_loop3A_666, %parallel_loop3A_610 : i32
        %parallel_loop3A_668 = arith.index_cast %parallel_loop3A_667 : i32 to index
        %parallel_loop3A_669 = arith.constant 32 : index
        %parallel_loop3A_670 = tpu.vector_load %arg8[%parallel_loop3A_668, %parallel_loop3A_669] {strides = array<i32>} : memref<128x128xf32, #tpu.memory_space<vmem>>, vector<16xf32>,
        %parallel_loop3A_671 = arith.constant 0 : i32
        %parallel_loop3A_672 = vector.broadcast %parallel_loop3A_671 : i32 to vector<16xi32>
        %parallel_loop3A_673 = arith.cmpi slt, %broadcast_in_dim3A_9, %parallel_loop3A_672 : vector<16xi32>
        %parallel_loop3A_674 = arith.constant 16 : i32
        %parallel_loop3A_675 = vector.broadcast %parallel_loop3A_674 : i32 to vector<16xi32>
        %parallel_loop3A_676 = arith.addi %broadcast_in_dim3A_9, %parallel_loop3A_675 : vector<16xi32>
        %parallel_loop3A_677 = arith.select %parallel_loop3A_673, %parallel_loop3A_676, %broadcast_in_dim3A_9 : vector<16xi1>, vector<16xi32>
        %parallel_loop3A_678 = vector.shape_cast %parallel_loop3A_677 : vector<16xi32> to vector<16x1xi32>
        %parallel_loop3A_679 = vector.shape_cast %parallel_loop3A_678 : vector<16x1xi32> to vector<16xi32>
        %parallel_loop3A_680 = tpu.dynamic_gather %parallel_loop3A_627[%parallel_loop3A_679] in [0] : vector<16xf32>, vector<16xi32> -> vector<16xf32>
        %parallel_loop3A_681 = arith.mulf %parallel_loop3A_670, %parallel_loop3A_680 : vector<16xf32>
        %parallel_loop3A_682 = arith.index_cast %parallel_loop3A_610 : i32 to index
        %parallel_loop3A_683 = arith.constant 32 : index
        %parallel_loop3A_684 = tpu.vector_load %arg11[%parallel_loop3A_682, %parallel_loop3A_683] {strides = array<i32>} : memref<32x128xf32, #tpu.memory_space<vmem>>, vector<16xf32>,
        tpu.vector_store %arg11[%parallel_loop3A_682, %parallel_loop3A_683], %parallel_loop3A_681 {strides = array<i32>} : memref<32x128xf32, #tpu.memory_space<vmem>>, vector<16xf32>,
        %parallel_loop3A_685 = arith.constant 0 : i32
        %parallel_loop3A_686 = arith.addi %parallel_loop3A_685, %parallel_loop3A_610 : i32
        %parallel_loop3A_687 = arith.index_cast %parallel_loop3A_686 : i32 to index
        %parallel_loop3A_688 = arith.constant 48 : index
        %parallel_loop3A_689 = tpu.vector_load %arg8[%parallel_loop3A_687, %parallel_loop3A_688] {strides = array<i32>} : memref<128x128xf32, #tpu.memory_space<vmem>>, vector<16xf32>,
        %parallel_loop3A_690 = arith.constant 0 : i32
        %parallel_loop3A_691 = vector.broadcast %parallel_loop3A_690 : i32 to vector<16xi32>
        %parallel_loop3A_692 = arith.cmpi slt, %broadcast_in_dim3A_12, %parallel_loop3A_691 : vector<16xi32>
        %parallel_loop3A_693 = arith.constant 16 : i32
        %parallel_loop3A_694 = vector.broadcast %parallel_loop3A_693 : i32 to vector<16xi32>
        %parallel_loop3A_695 = arith.addi %broadcast_in_dim3A_12, %parallel_loop3A_694 : vector<16xi32>
        %parallel_loop3A_696 = arith.select %parallel_loop3A_692, %parallel_loop3A_695, %broadcast_in_dim3A_12 : vector<16xi1>, vector<16xi32>
        %parallel_loop3A_697 = vector.shape_cast %parallel_loop3A_696 : vector<16xi32> to vector<16x1xi32>
        %parallel_loop3A_698 = vector.shape_cast %parallel_loop3A_697 : vector<16x1xi32> to vector<16xi32>
        %parallel_loop3A_699 = tpu.dynamic_gather %parallel_loop3A_627[%parallel_loop3A_698] in [0] : vector<16xf32>, vector<16xi32> -> vector<16xf32>
        %parallel_loop3A_700 = arith.mulf %parallel_loop3A_689, %parallel_loop3A_699 : vector<16xf32>
        %parallel_loop3A_701 = arith.index_cast %parallel_loop3A_610 : i32 to index
        %parallel_loop3A_702 = arith.constant 48 : index
        %parallel_loop3A_703 = tpu.vector_load %arg11[%parallel_loop3A_701, %parallel_loop3A_702] {strides = array<i32>} : memref<32x128xf32, #tpu.memory_space<vmem>>, vector<16xf32>,
        tpu.vector_store %arg11[%parallel_loop3A_701, %parallel_loop3A_702], %parallel_loop3A_700 {strides = array<i32>} : memref<32x128xf32, #tpu.memory_space<vmem>>, vector<16xf32>,
        %parallel_loop3A_704 = arith.constant 0 : i32
        %parallel_loop3A_705 = vector.broadcast %parallel_loop3A_704 : i32 to vector<16xi32>
        %parallel_loop3A_706 = arith.cmpi slt, %and3A_16, %parallel_loop3A_705 : vector<16xi32>
        %parallel_loop3A_707 = arith.constant 16 : i32
        %parallel_loop3A_708 = vector.broadcast %parallel_loop3A_707 : i32 to vector<16xi32>
        %parallel_loop3A_709 = arith.addi %and3A_16, %parallel_loop3A_708 : vector<16xi32>
        %parallel_loop3A_710 = arith.select %parallel_loop3A_706, %parallel_loop3A_709, %and3A_16 : vector<16xi1>, vector<16xi32>
        %parallel_loop3A_711 = vector.shape_cast %parallel_loop3A_710 : vector<16xi32> to vector<16x1xi32>
        %parallel_loop3A_712 = vector.shape_cast %parallel_loop3A_711 : vector<16x1xi32> to vector<16xi32>
        %parallel_loop3A_713 = tpu.dynamic_gather %parallel_loop3A_627[%parallel_loop3A_712] in [0] : vector<16xf32>, vector<16xi32> -> vector<16xf32>
        %parallel_loop3A_714 = arith.index_cast %parallel_loop3A_610 : i32 to index
        %parallel_loop3A_715 = arith.constant 64 : index
        %parallel_loop3A_716 = tpu.vector_load %arg11[%parallel_loop3A_714, %parallel_loop3A_715] {strides = array<i32>} : memref<32x128xf32, #tpu.memory_space<vmem>>, vector<16xf32>,
        tpu.vector_store %arg11[%parallel_loop3A_714, %parallel_loop3A_715], %parallel_loop3A_713 {strides = array<i32>} : memref<32x128xf32, #tpu.memory_space<vmem>>, vector<16xf32>,
      } {sc.loop_unroll_factor = 4 : i64, sc.parallel_access}
      %dma_start3A_330 = arith.constant 2 : i32
      %dma_start3A_331 = arith.constant 0 : i32
      %dma_start3A_332 = tpu.memref_slice %arg13[%dma_start3A_330, %dma_start3A_331] : memref<4x32xi32, #tpu.memory_space<vmem>> -> memref<1x32xi32, #tpu.memory_space<vmem>>
      %dma_start3A_333 = tpu.memref_squeeze %dma_start3A_332 : memref<1x32xi32, #tpu.memory_space<vmem>> -> memref<32xi32, #tpu.memory_space<vmem>>
      %dma_start3A_334 = arith.constant 0 : i32
      %dma_start3A_335 = arith.constant 0 : i32
      %dma_start3A_336 = tpu.memref_slice %arg15[%dma_start3A_334, %dma_start3A_335] : memref<10000x128xf32, #tpu.memory_space<vmem_shared>> -> memref<10000x128xf32, #tpu.memory_space<vmem_shared>>
      tpu.enqueue_indirect_dma source(%arg11 : memref<32x128xf32, #tpu.memory_space<vmem>>) target(%dma_start3A_336 : memref<10000x128xf32, #tpu.memory_space<vmem_shared>>) offsets(%dma_start3A_333 : memref<32xi32, #tpu.memory_space<vmem>>) semaphore(%arg20 : memref<!tpu.dma_semaphore, #tpu.memory_space<semaphore_mem>>) {add = true}
      %mul3A_337 = arith.constant 8 : i32
      %mul3A_338 = arith.muli %scan3A_204, %mul3A_337 : i32
      %add3A_339 = arith.constant 2 : i32
      %add3A_340 = arith.addi %mul3A_338, %add3A_339 : i32
      %add3A_341 = arith.constant 8 : i32
      %add3A_342 = arith.addi %add3A_340, %add3A_341 : i32
      %lt3A_343 = arith.constant 640 : i32
      %lt3A_344 = arith.cmpi slt, %add3A_342, %lt3A_343 : i32
      %convert_element_type3A_345 = arith.extui %lt3A_344 : i1 to i32
      %cond3A_346 = arith.constant 0 : i32
      %cond3A_347 = arith.cmpi ne, %convert_element_type3A_345, %cond3A_346 : i32
      scf.if %cond3A_347 {
        %add3A_610 = arith.constant 8 : i32
        %add3A_611 = arith.addi %add3A_304, %add3A_610 : i32
        %mul3A_612 = arith.constant 64 : i32
        %mul3A_613 = arith.muli %add3A_611, %mul3A_612 : i32
        %add3A_614 = arith.addi %mul3A_51, %mul3A_613 : i32
        %dma_start3A_615 = arith.constant 128 : i32
        %dma_start3A_616 = tpu.memref_slice %arg6[%dma_start3A_615] : memref<512xi32, #tpu.memory_space<vmem>> -> memref<64xi32, #tpu.memory_space<vmem>>
        %dma_start3A_617 = tpu.memref_slice %arg4[%add3A_614] : memref<1310720xi32, #tpu.memory_space<hbm>> -> memref<64xi32, #tpu.memory_space<hbm>>
        %dma_start3A_618 = arith.constant 128 : i32
        %dma_start3A_619 = tpu.memref_slice %arg6[%dma_start3A_618] : memref<512xi32, #tpu.memory_space<vmem>> -> memref<64xi32, #tpu.memory_space<vmem>>
        %dma_start3A_620 = tpu.memref_slice %arg4[%add3A_614] : memref<1310720xi32, #tpu.memory_space<hbm>> -> memref<64xi32, #tpu.memory_space<hbm>>
        tpu.enqueue_dma source(%dma_start3A_620 : memref<64xi32, #tpu.memory_space<hbm>>) target(%dma_start3A_619 : memref<64xi32, #tpu.memory_space<vmem>>) target_semaphore(%arg24 : memref<!tpu.dma_semaphore, #tpu.memory_space<semaphore_mem>>)
      } else {
      }
      %mul3A_348 = arith.constant 8 : i32
      %mul3A_349 = arith.muli %scan3A_204, %mul3A_348 : i32
      %add3A_350 = arith.constant 3 : i32
      %add3A_351 = arith.addi %mul3A_349, %add3A_350 : i32
      %ge3A_352 = arith.constant 1 : i32
      %ge3A_353 = arith.cmpi sge, %scan3A_204, %ge3A_352 : i32
      %convert_element_type3A_354 = arith.extui %ge3A_353 : i1 to i32
      %cond3A_355 = arith.constant 0 : i32
      %cond3A_356 = arith.cmpi ne, %convert_element_type3A_354, %cond3A_355 : i32
      scf.if %cond3A_356 {
        %dma_wait3A_610 = arith.constant 3 : i32
        %dma_wait3A_611 = arith.constant 0 : i32
        %dma_wait3A_612 = tpu.memref_slice %arg13[%dma_wait3A_610, %dma_wait3A_611] : memref<4x32xi32, #tpu.memory_space<vmem>> -> memref<1x32xi32, #tpu.memory_space<vmem>>
        %dma_wait3A_613 = tpu.memref_squeeze %dma_wait3A_612 : memref<1x32xi32, #tpu.memory_space<vmem>> -> memref<32xi32, #tpu.memory_space<vmem>>
        %dma_wait3A_614 = arith.constant 0 : i32
        %dma_wait3A_615 = arith.constant 0 : i32
        %dma_wait3A_616 = tpu.memref_slice %arg15[%dma_wait3A_614, %dma_wait3A_615] : memref<10000x128xf32, #tpu.memory_space<vmem_shared>> -> memref<10000x128xf32, #tpu.memory_space<vmem_shared>>
        tpu.wait_indirect_dma semaphore(%arg21 : memref<!tpu.dma_semaphore, #tpu.memory_space<semaphore_mem>>) src(%arg12 : memref<32x128xf32, #tpu.memory_space<vmem>>) dst(%dma_wait3A_616 : memref<10000x128xf32, #tpu.memory_space<vmem_shared>>)
      } else {
      }
      %get3A_357 = arith.constant 224 : index
      %get3A_358 = tpu.vector_load %arg6[%get3A_357] {strides = array<i32>} : memref<512xi32, #tpu.memory_space<vmem>>, vector<16xi32>,
      %swap3A_359 = arith.constant 3 : i32
      %swap3A_360 = arith.index_cast %swap3A_359 : i32 to index
      %swap3A_361 = arith.constant 0 : index
      %swap3A_362 = tpu.vector_load %arg13[%swap3A_360, %swap3A_361] {strides = array<i32>} : memref<4x32xi32, #tpu.memory_space<vmem>>, vector<16xi32>,
      tpu.vector_store %arg13[%swap3A_360, %swap3A_361], %get3A_358 {strides = array<i32>} : memref<4x32xi32, #tpu.memory_space<vmem>>, vector<16xi32>,
      %get3A_363 = arith.constant 240 : index
      %get3A_364 = tpu.vector_load %arg6[%get3A_363] {strides = array<i32>} : memref<512xi32, #tpu.memory_space<vmem>>, vector<16xi32>,
      %swap3A_365 = arith.constant 3 : i32
      %swap3A_366 = arith.index_cast %swap3A_365 : i32 to index
      %swap3A_367 = arith.constant 16 : index
      %swap3A_368 = tpu.vector_load %arg13[%swap3A_366, %swap3A_367] {strides = array<i32>} : memref<4x32xi32, #tpu.memory_space<vmem>>, vector<16xi32>,
      tpu.vector_store %arg13[%swap3A_366, %swap3A_367], %get3A_364 {strides = array<i32>} : memref<4x32xi32, #tpu.memory_space<vmem>>, vector<16xi32>,
      %parallel_loop3A_369 = arith.constant 0 : i32
      %parallel_loop3A_370 = arith.constant 32 : i32
      %parallel_loop3A_371 = arith.constant 1 : i32
      scf.for %parallel_loop3A_610 = %parallel_loop3A_369 to %parallel_loop3A_370 step %parallel_loop3A_371  : i32 {
        %parallel_loop3A_611 = arith.constant 64 : i32
        %parallel_loop3A_612 = arith.addi %parallel_loop3A_611, %parallel_loop3A_610 : i32
        %parallel_loop3A_613 = arith.index_cast %parallel_loop3A_612 : i32 to index
        %parallel_loop3A_614 = arith.constant 64 : index
        %parallel_loop3A_615 = tpu.vector_load %arg8[%parallel_loop3A_613, %parallel_loop3A_614] {strides = array<i32>} : memref<128x128xf32, #tpu.memory_space<vmem>>, vector<16xf32>,
        %parallel_loop3A_616 = arith.constant 96 : i32
        %parallel_loop3A_617 = arith.addi %parallel_loop3A_616, %parallel_loop3A_610 : i32
        %parallel_loop3A_618 = arith.index_cast %parallel_loop3A_617 : i32 to index
        %parallel_loop3A_619 = arith.constant 80 : index
        %parallel_loop3A_620 = tpu.vector_load %arg8[%parallel_loop3A_618, %parallel_loop3A_619] {strides = array<i32>} : memref<128x128xf32, #tpu.memory_space<vmem>>, vector<16xf32>,
        %parallel_loop3A_621 = arith.addf %parallel_loop3A_615, %parallel_loop3A_620 : vector<16xf32>
        %parallel_loop3A_622 = arith.constant 2.000000e-01 : f32
        %parallel_loop3A_623 = vector.broadcast %parallel_loop3A_622 : f32 to vector<16xf32>
        %parallel_loop3A_624 = arith.mulf %parallel_loop3A_621, %parallel_loop3A_623 : vector<16xf32>
        %parallel_loop3A_625 = arith.maximumf %parallel_loop3A_621, %parallel_loop3A_624 : vector<16xf32>
        %parallel_loop3A_626 = arith.subf %parallel_loop3A_625, %max3A : vector<16xf32>
        %parallel_loop3A_627 = math.exp %parallel_loop3A_626 : vector<16xf32>
        %parallel_loop3A_628 = arith.constant 64 : i32
        %parallel_loop3A_629 = arith.addi %parallel_loop3A_628, %parallel_loop3A_610 : i32
        %parallel_loop3A_630 = arith.index_cast %parallel_loop3A_629 : i32 to index
        %parallel_loop3A_631 = arith.constant 0 : index
        %parallel_loop3A_632 = tpu.vector_load %arg8[%parallel_loop3A_630, %parallel_loop3A_631] {strides = array<i32>} : memref<128x128xf32, #tpu.memory_space<vmem>>, vector<16xf32>,
        %parallel_loop3A_633 = arith.constant 0 : i32
        %parallel_loop3A_634 = vector.broadcast %parallel_loop3A_633 : i32 to vector<16xi32>
        %parallel_loop3A_635 = arith.cmpi slt, %broadcast_in_dim3A_3, %parallel_loop3A_634 : vector<16xi32>
        %parallel_loop3A_636 = arith.constant 16 : i32
        %parallel_loop3A_637 = vector.broadcast %parallel_loop3A_636 : i32 to vector<16xi32>
        %parallel_loop3A_638 = arith.addi %broadcast_in_dim3A_3, %parallel_loop3A_637 : vector<16xi32>
        %parallel_loop3A_639 = arith.select %parallel_loop3A_635, %parallel_loop3A_638, %broadcast_in_dim3A_3 : vector<16xi1>, vector<16xi32>
        %parallel_loop3A_640 = vector.shape_cast %parallel_loop3A_639 : vector<16xi32> to vector<16x1xi32>
        %parallel_loop3A_641 = vector.shape_cast %parallel_loop3A_640 : vector<16x1xi32> to vector<16xi32>
        %parallel_loop3A_642 = tpu.dynamic_gather %parallel_loop3A_627[%parallel_loop3A_641] in [0] : vector<16xf32>, vector<16xi32> -> vector<16xf32>
        %parallel_loop3A_643 = arith.mulf %parallel_loop3A_632, %parallel_loop3A_642 : vector<16xf32>
        %parallel_loop3A_644 = arith.index_cast %parallel_loop3A_610 : i32 to index
        %parallel_loop3A_645 = arith.constant 0 : index
        %parallel_loop3A_646 = tpu.vector_load %arg12[%parallel_loop3A_644, %parallel_loop3A_645] {strides = array<i32>} : memref<32x128xf32, #tpu.memory_space<vmem>>, vector<16xf32>,
        tpu.vector_store %arg12[%parallel_loop3A_644, %parallel_loop3A_645], %parallel_loop3A_643 {strides = array<i32>} : memref<32x128xf32, #tpu.memory_space<vmem>>, vector<16xf32>,
        %parallel_loop3A_647 = arith.constant 64 : i32
        %parallel_loop3A_648 = arith.addi %parallel_loop3A_647, %parallel_loop3A_610 : i32
        %parallel_loop3A_649 = arith.index_cast %parallel_loop3A_648 : i32 to index
        %parallel_loop3A_650 = arith.constant 16 : index
        %parallel_loop3A_651 = tpu.vector_load %arg8[%parallel_loop3A_649, %parallel_loop3A_650] {strides = array<i32>} : memref<128x128xf32, #tpu.memory_space<vmem>>, vector<16xf32>,
        %parallel_loop3A_652 = arith.constant 0 : i32
        %parallel_loop3A_653 = vector.broadcast %parallel_loop3A_652 : i32 to vector<16xi32>
        %parallel_loop3A_654 = arith.cmpi slt, %broadcast_in_dim3A_6, %parallel_loop3A_653 : vector<16xi32>
        %parallel_loop3A_655 = arith.constant 16 : i32
        %parallel_loop3A_656 = vector.broadcast %parallel_loop3A_655 : i32 to vector<16xi32>
        %parallel_loop3A_657 = arith.addi %broadcast_in_dim3A_6, %parallel_loop3A_656 : vector<16xi32>
        %parallel_loop3A_658 = arith.select %parallel_loop3A_654, %parallel_loop3A_657, %broadcast_in_dim3A_6 : vector<16xi1>, vector<16xi32>
        %parallel_loop3A_659 = vector.shape_cast %parallel_loop3A_658 : vector<16xi32> to vector<16x1xi32>
        %parallel_loop3A_660 = vector.shape_cast %parallel_loop3A_659 : vector<16x1xi32> to vector<16xi32>
        %parallel_loop3A_661 = tpu.dynamic_gather %parallel_loop3A_627[%parallel_loop3A_660] in [0] : vector<16xf32>, vector<16xi32> -> vector<16xf32>
        %parallel_loop3A_662 = arith.mulf %parallel_loop3A_651, %parallel_loop3A_661 : vector<16xf32>
        %parallel_loop3A_663 = arith.index_cast %parallel_loop3A_610 : i32 to index
        %parallel_loop3A_664 = arith.constant 16 : index
        %parallel_loop3A_665 = tpu.vector_load %arg12[%parallel_loop3A_663, %parallel_loop3A_664] {strides = array<i32>} : memref<32x128xf32, #tpu.memory_space<vmem>>, vector<16xf32>,
        tpu.vector_store %arg12[%parallel_loop3A_663, %parallel_loop3A_664], %parallel_loop3A_662 {strides = array<i32>} : memref<32x128xf32, #tpu.memory_space<vmem>>, vector<16xf32>,
        %parallel_loop3A_666 = arith.constant 64 : i32
        %parallel_loop3A_667 = arith.addi %parallel_loop3A_666, %parallel_loop3A_610 : i32
        %parallel_loop3A_668 = arith.index_cast %parallel_loop3A_667 : i32 to index
        %parallel_loop3A_669 = arith.constant 32 : index
        %parallel_loop3A_670 = tpu.vector_load %arg8[%parallel_loop3A_668, %parallel_loop3A_669] {strides = array<i32>} : memref<128x128xf32, #tpu.memory_space<vmem>>, vector<16xf32>,
        %parallel_loop3A_671 = arith.constant 0 : i32
        %parallel_loop3A_672 = vector.broadcast %parallel_loop3A_671 : i32 to vector<16xi32>
        %parallel_loop3A_673 = arith.cmpi slt, %broadcast_in_dim3A_9, %parallel_loop3A_672 : vector<16xi32>
        %parallel_loop3A_674 = arith.constant 16 : i32
        %parallel_loop3A_675 = vector.broadcast %parallel_loop3A_674 : i32 to vector<16xi32>
        %parallel_loop3A_676 = arith.addi %broadcast_in_dim3A_9, %parallel_loop3A_675 : vector<16xi32>
        %parallel_loop3A_677 = arith.select %parallel_loop3A_673, %parallel_loop3A_676, %broadcast_in_dim3A_9 : vector<16xi1>, vector<16xi32>
        %parallel_loop3A_678 = vector.shape_cast %parallel_loop3A_677 : vector<16xi32> to vector<16x1xi32>
        %parallel_loop3A_679 = vector.shape_cast %parallel_loop3A_678 : vector<16x1xi32> to vector<16xi32>
        %parallel_loop3A_680 = tpu.dynamic_gather %parallel_loop3A_627[%parallel_loop3A_679] in [0] : vector<16xf32>, vector<16xi32> -> vector<16xf32>
        %parallel_loop3A_681 = arith.mulf %parallel_loop3A_670, %parallel_loop3A_680 : vector<16xf32>
        %parallel_loop3A_682 = arith.index_cast %parallel_loop3A_610 : i32 to index
        %parallel_loop3A_683 = arith.constant 32 : index
        %parallel_loop3A_684 = tpu.vector_load %arg12[%parallel_loop3A_682, %parallel_loop3A_683] {strides = array<i32>} : memref<32x128xf32, #tpu.memory_space<vmem>>, vector<16xf32>,
        tpu.vector_store %arg12[%parallel_loop3A_682, %parallel_loop3A_683], %parallel_loop3A_681 {strides = array<i32>} : memref<32x128xf32, #tpu.memory_space<vmem>>, vector<16xf32>,
        %parallel_loop3A_685 = arith.constant 64 : i32
        %parallel_loop3A_686 = arith.addi %parallel_loop3A_685, %parallel_loop3A_610 : i32
        %parallel_loop3A_687 = arith.index_cast %parallel_loop3A_686 : i32 to index
        %parallel_loop3A_688 = arith.constant 48 : index
        %parallel_loop3A_689 = tpu.vector_load %arg8[%parallel_loop3A_687, %parallel_loop3A_688] {strides = array<i32>} : memref<128x128xf32, #tpu.memory_space<vmem>>, vector<16xf32>,
        %parallel_loop3A_690 = arith.constant 0 : i32
        %parallel_loop3A_691 = vector.broadcast %parallel_loop3A_690 : i32 to vector<16xi32>
        %parallel_loop3A_692 = arith.cmpi slt, %broadcast_in_dim3A_12, %parallel_loop3A_691 : vector<16xi32>
        %parallel_loop3A_693 = arith.constant 16 : i32
        %parallel_loop3A_694 = vector.broadcast %parallel_loop3A_693 : i32 to vector<16xi32>
        %parallel_loop3A_695 = arith.addi %broadcast_in_dim3A_12, %parallel_loop3A_694 : vector<16xi32>
        %parallel_loop3A_696 = arith.select %parallel_loop3A_692, %parallel_loop3A_695, %broadcast_in_dim3A_12 : vector<16xi1>, vector<16xi32>
        %parallel_loop3A_697 = vector.shape_cast %parallel_loop3A_696 : vector<16xi32> to vector<16x1xi32>
        %parallel_loop3A_698 = vector.shape_cast %parallel_loop3A_697 : vector<16x1xi32> to vector<16xi32>
        %parallel_loop3A_699 = tpu.dynamic_gather %parallel_loop3A_627[%parallel_loop3A_698] in [0] : vector<16xf32>, vector<16xi32> -> vector<16xf32>
        %parallel_loop3A_700 = arith.mulf %parallel_loop3A_689, %parallel_loop3A_699 : vector<16xf32>
        %parallel_loop3A_701 = arith.index_cast %parallel_loop3A_610 : i32 to index
        %parallel_loop3A_702 = arith.constant 48 : index
        %parallel_loop3A_703 = tpu.vector_load %arg12[%parallel_loop3A_701, %parallel_loop3A_702] {strides = array<i32>} : memref<32x128xf32, #tpu.memory_space<vmem>>, vector<16xf32>,
        tpu.vector_store %arg12[%parallel_loop3A_701, %parallel_loop3A_702], %parallel_loop3A_700 {strides = array<i32>} : memref<32x128xf32, #tpu.memory_space<vmem>>, vector<16xf32>,
        %parallel_loop3A_704 = arith.constant 0 : i32
        %parallel_loop3A_705 = vector.broadcast %parallel_loop3A_704 : i32 to vector<16xi32>
        %parallel_loop3A_706 = arith.cmpi slt, %and3A_16, %parallel_loop3A_705 : vector<16xi32>
        %parallel_loop3A_707 = arith.constant 16 : i32
        %parallel_loop3A_708 = vector.broadcast %parallel_loop3A_707 : i32 to vector<16xi32>
        %parallel_loop3A_709 = arith.addi %and3A_16, %parallel_loop3A_708 : vector<16xi32>
        %parallel_loop3A_710 = arith.select %parallel_loop3A_706, %parallel_loop3A_709, %and3A_16 : vector<16xi1>, vector<16xi32>
        %parallel_loop3A_711 = vector.shape_cast %parallel_loop3A_710 : vector<16xi32> to vector<16x1xi32>
        %parallel_loop3A_712 = vector.shape_cast %parallel_loop3A_711 : vector<16x1xi32> to vector<16xi32>
        %parallel_loop3A_713 = tpu.dynamic_gather %parallel_loop3A_627[%parallel_loop3A_712] in [0] : vector<16xf32>, vector<16xi32> -> vector<16xf32>
        %parallel_loop3A_714 = arith.index_cast %parallel_loop3A_610 : i32 to index
        %parallel_loop3A_715 = arith.constant 64 : index
        %parallel_loop3A_716 = tpu.vector_load %arg12[%parallel_loop3A_714, %parallel_loop3A_715] {strides = array<i32>} : memref<32x128xf32, #tpu.memory_space<vmem>>, vector<16xf32>,
        tpu.vector_store %arg12[%parallel_loop3A_714, %parallel_loop3A_715], %parallel_loop3A_713 {strides = array<i32>} : memref<32x128xf32, #tpu.memory_space<vmem>>, vector<16xf32>,
      } {sc.loop_unroll_factor = 4 : i64, sc.parallel_access}
      %dma_start3A_372 = arith.constant 3 : i32
      %dma_start3A_373 = arith.constant 0 : i32
      %dma_start3A_374 = tpu.memref_slice %arg13[%dma_start3A_372, %dma_start3A_373] : memref<4x32xi32, #tpu.memory_space<vmem>> -> memref<1x32xi32, #tpu.memory_space<vmem>>
      %dma_start3A_375 = tpu.memref_squeeze %dma_start3A_374 : memref<1x32xi32, #tpu.memory_space<vmem>> -> memref<32xi32, #tpu.memory_space<vmem>>
      %dma_start3A_376 = arith.constant 0 : i32
      %dma_start3A_377 = arith.constant 0 : i32
      %dma_start3A_378 = tpu.memref_slice %arg15[%dma_start3A_376, %dma_start3A_377] : memref<10000x128xf32, #tpu.memory_space<vmem_shared>> -> memref<10000x128xf32, #tpu.memory_space<vmem_shared>>
      tpu.enqueue_indirect_dma source(%arg12 : memref<32x128xf32, #tpu.memory_space<vmem>>) target(%dma_start3A_378 : memref<10000x128xf32, #tpu.memory_space<vmem_shared>>) offsets(%dma_start3A_375 : memref<32xi32, #tpu.memory_space<vmem>>) semaphore(%arg21 : memref<!tpu.dma_semaphore, #tpu.memory_space<semaphore_mem>>) {add = true}
      %mul3A_379 = arith.constant 8 : i32
      %mul3A_380 = arith.muli %scan3A_204, %mul3A_379 : i32
      %add3A_381 = arith.constant 3 : i32
      %add3A_382 = arith.addi %mul3A_380, %add3A_381 : i32
      %add3A_383 = arith.constant 3 : i32
      %add3A_384 = arith.addi %add3A_382, %add3A_383 : i32
      %lt3A_385 = arith.constant 640 : i32
      %lt3A_386 = arith.cmpi slt, %add3A_384, %lt3A_385 : i32
      %convert_element_type3A_387 = arith.extui %lt3A_386 : i1 to i32
      %cond3A_388 = arith.constant 0 : i32
      %cond3A_389 = arith.cmpi ne, %convert_element_type3A_387, %cond3A_388 : i32
      scf.if %cond3A_389 {
        %add3A_610 = arith.constant 3 : i32
        %add3A_611 = arith.addi %add3A_351, %add3A_610 : i32
        %mul3A_612 = arith.constant 64 : i32
        %mul3A_613 = arith.muli %add3A_611, %mul3A_612 : i32
        %add3A_614 = arith.addi %mul3A_51, %mul3A_613 : i32
        %dma_wait3A_615 = arith.constant 384 : i32
        %dma_wait3A_616 = tpu.memref_slice %arg6[%dma_wait3A_615] : memref<512xi32, #tpu.memory_space<vmem>> -> memref<64xi32, #tpu.memory_space<vmem>>
        %dma_wait3A_617 = tpu.memref_slice %arg4[%add3A_614] : memref<1310720xi32, #tpu.memory_space<hbm>> -> memref<64xi32, #tpu.memory_space<hbm>>
        %dma_wait3A_618 = arith.constant 384 : i32
        %dma_wait3A_619 = tpu.memref_slice %arg6[%dma_wait3A_618] : memref<512xi32, #tpu.memory_space<vmem>> -> memref<64xi32, #tpu.memory_space<vmem>>
        %dma_wait3A_620 = tpu.memref_slice %arg4[%add3A_614] : memref<1310720xi32, #tpu.memory_space<hbm>> -> memref<64xi32, #tpu.memory_space<hbm>>
        tpu.wait_dma2 semaphore(%arg28 : memref<!tpu.dma_semaphore, #tpu.memory_space<semaphore_mem>>) src(%dma_wait3A_620 : memref<64xi32, #tpu.memory_space<hbm>>) dst(%dma_wait3A_619 : memref<64xi32, #tpu.memory_space<vmem>>)
        %add3A_621 = arith.constant 4 : i32
        %add3A_622 = arith.addi %add3A_351, %add3A_621 : i32
        %mul3A_623 = arith.constant 64 : i32
        %mul3A_624 = arith.muli %add3A_622, %mul3A_623 : i32
        %add3A_625 = arith.addi %mul3A_51, %mul3A_624 : i32
        %dma_wait3A_626 = arith.constant 448 : i32
        %dma_wait3A_627 = tpu.memref_slice %arg6[%dma_wait3A_626] : memref<512xi32, #tpu.memory_space<vmem>> -> memref<64xi32, #tpu.memory_space<vmem>>
        %dma_wait3A_628 = tpu.memref_slice %arg4[%add3A_625] : memref<1310720xi32, #tpu.memory_space<hbm>> -> memref<64xi32, #tpu.memory_space<hbm>>
        %dma_wait3A_629 = arith.constant 448 : i32
        %dma_wait3A_630 = tpu.memref_slice %arg6[%dma_wait3A_629] : memref<512xi32, #tpu.memory_space<vmem>> -> memref<64xi32, #tpu.memory_space<vmem>>
        %dma_wait3A_631 = tpu.memref_slice %arg4[%add3A_625] : memref<1310720xi32, #tpu.memory_space<hbm>> -> memref<64xi32, #tpu.memory_space<hbm>>
        tpu.wait_dma2 semaphore(%arg29 : memref<!tpu.dma_semaphore, #tpu.memory_space<semaphore_mem>>) src(%dma_wait3A_631 : memref<64xi32, #tpu.memory_space<hbm>>) dst(%dma_wait3A_630 : memref<64xi32, #tpu.memory_space<vmem>>)
        %add3A_632 = arith.constant 3 : i32
        %add3A_633 = arith.addi %add3A_351, %add3A_632 : i32
        %dma_start3A_634 = arith.constant 384 : i32
        %dma_start3A_635 = tpu.memref_slice %arg6[%dma_start3A_634] : memref<512xi32, #tpu.memory_space<vmem>> -> memref<128xi32, #tpu.memory_space<vmem>>
        %dma_start3A_636 = arith.constant 0 : i32
        %dma_start3A_637 = arith.constant 0 : i32
        %dma_start3A_638 = tpu.memref_slice %arg2[%dma_start3A_636, %dma_start3A_637] : memref<20008x128xf32, #tpu.memory_space<hbm>> -> memref<20008x128xf32, #tpu.memory_space<hbm>>
        tpu.enqueue_indirect_dma source(%dma_start3A_638 : memref<20008x128xf32, #tpu.memory_space<hbm>>) target(%arg8 : memref<128x128xf32, #tpu.memory_space<vmem>>) offsets(%dma_start3A_635 : memref<128xi32, #tpu.memory_space<vmem>>) semaphore(%arg17 : memref<!tpu.dma_semaphore, #tpu.memory_space<semaphore_mem>>)
      } else {
      }
      %mul3A_390 = arith.constant 8 : i32
      %mul3A_391 = arith.muli %scan3A_204, %mul3A_390 : i32
      %add3A_392 = arith.constant 3 : i32
      %add3A_393 = arith.addi %mul3A_391, %add3A_392 : i32
      %add3A_394 = arith.constant 8 : i32
      %add3A_395 = arith.addi %add3A_393, %add3A_394 : i32
      %lt3A_396 = arith.constant 640 : i32
      %lt3A_397 = arith.cmpi slt, %add3A_395, %lt3A_396 : i32
      %convert_element_type3A_398 = arith.extui %lt3A_397 : i1 to i32
      %cond3A_399 = arith.constant 0 : i32
      %cond3A_400 = arith.cmpi ne, %convert_element_type3A_398, %cond3A_399 : i32
      scf.if %cond3A_400 {
        %add3A_610 = arith.constant 8 : i32
        %add3A_611 = arith.addi %add3A_351, %add3A_610 : i32
        %mul3A_612 = arith.constant 64 : i32
        %mul3A_613 = arith.muli %add3A_611, %mul3A_612 : i32
        %add3A_614 = arith.addi %mul3A_51, %mul3A_613 : i32
        %dma_start3A_615 = arith.constant 192 : i32
        %dma_start3A_616 = tpu.memref_slice %arg6[%dma_start3A_615] : memref<512xi32, #tpu.memory_space<vmem>> -> memref<64xi32, #tpu.memory_space<vmem>>
        %dma_start3A_617 = tpu.memref_slice %arg4[%add3A_614] : memref<1310720xi32, #tpu.memory_space<hbm>> -> memref<64xi32, #tpu.memory_space<hbm>>
        %dma_start3A_618 = arith.constant 192 : i32
        %dma_start3A_619 = tpu.memref_slice %arg6[%dma_start3A_618] : memref<512xi32, #tpu.memory_space<vmem>> -> memref<64xi32, #tpu.memory_space<vmem>>
        %dma_start3A_620 = tpu.memref_slice %arg4[%add3A_614] : memref<1310720xi32, #tpu.memory_space<hbm>> -> memref<64xi32, #tpu.memory_space<hbm>>
        tpu.enqueue_dma source(%dma_start3A_620 : memref<64xi32, #tpu.memory_space<hbm>>) target(%dma_start3A_619 : memref<64xi32, #tpu.memory_space<vmem>>) target_semaphore(%arg25 : memref<!tpu.dma_semaphore, #tpu.memory_space<semaphore_mem>>)
      } else {
      }
      %mul3A_401 = arith.constant 8 : i32
      %mul3A_402 = arith.muli %scan3A_204, %mul3A_401 : i32
      %add3A_403 = arith.constant 4 : i32
      %add3A_404 = arith.addi %mul3A_402, %add3A_403 : i32
      %dma_wait3A_405 = arith.constant 256 : i32
      %dma_wait3A_406 = tpu.memref_slice %arg6[%dma_wait3A_405] : memref<512xi32, #tpu.memory_space<vmem>> -> memref<128xi32, #tpu.memory_space<vmem>>
      %dma_wait3A_407 = arith.constant 0 : i32
      %dma_wait3A_408 = arith.constant 0 : i32
      %dma_wait3A_409 = tpu.memref_slice %arg2[%dma_wait3A_407, %dma_wait3A_408] : memref<20008x128xf32, #tpu.memory_space<hbm>> -> memref<20008x128xf32, #tpu.memory_space<hbm>>
      tpu.wait_indirect_dma semaphore(%arg16 : memref<!tpu.dma_semaphore, #tpu.memory_space<semaphore_mem>>) src(%dma_wait3A_409 : memref<20008x128xf32, #tpu.memory_space<hbm>>) dst(%arg7 : memref<128x128xf32, #tpu.memory_space<vmem>>)
      %dma_wait3A_410 = arith.constant 0 : i32
      %dma_wait3A_411 = arith.constant 0 : i32
      %dma_wait3A_412 = tpu.memref_slice %arg13[%dma_wait3A_410, %dma_wait3A_411] : memref<4x32xi32, #tpu.memory_space<vmem>> -> memref<1x32xi32, #tpu.memory_space<vmem>>
      %dma_wait3A_413 = tpu.memref_squeeze %dma_wait3A_412 : memref<1x32xi32, #tpu.memory_space<vmem>> -> memref<32xi32, #tpu.memory_space<vmem>>
      %dma_wait3A_414 = arith.constant 0 : i32
      %dma_wait3A_415 = arith.constant 0 : i32
      %dma_wait3A_416 = tpu.memref_slice %arg15[%dma_wait3A_414, %dma_wait3A_415] : memref<10000x128xf32, #tpu.memory_space<vmem_shared>> -> memref<10000x128xf32, #tpu.memory_space<vmem_shared>>
      tpu.wait_indirect_dma semaphore(%arg18 : memref<!tpu.dma_semaphore, #tpu.memory_space<semaphore_mem>>) src(%arg9 : memref<32x128xf32, #tpu.memory_space<vmem>>) dst(%dma_wait3A_416 : memref<10000x128xf32, #tpu.memory_space<vmem_shared>>)
      %get3A_417 = arith.constant 288 : index
      %get3A_418 = tpu.vector_load %arg6[%get3A_417] {strides = array<i32>} : memref<512xi32, #tpu.memory_space<vmem>>, vector<16xi32>,
      %swap3A_419 = arith.constant 0 : i32
      %swap3A_420 = arith.index_cast %swap3A_419 : i32 to index
      %swap3A_421 = arith.constant 0 : index
      %swap3A_422 = tpu.vector_load %arg13[%swap3A_420, %swap3A_421] {strides = array<i32>} : memref<4x32xi32, #tpu.memory_space<vmem>>, vector<16xi32>,
      tpu.vector_store %arg13[%swap3A_420, %swap3A_421], %get3A_418 {strides = array<i32>} : memref<4x32xi32, #tpu.memory_space<vmem>>, vector<16xi32>,
      %get3A_423 = arith.constant 304 : index
      %get3A_424 = tpu.vector_load %arg6[%get3A_423] {strides = array<i32>} : memref<512xi32, #tpu.memory_space<vmem>>, vector<16xi32>,
      %swap3A_425 = arith.constant 0 : i32
      %swap3A_426 = arith.index_cast %swap3A_425 : i32 to index
      %swap3A_427 = arith.constant 16 : index
      %swap3A_428 = tpu.vector_load %arg13[%swap3A_426, %swap3A_427] {strides = array<i32>} : memref<4x32xi32, #tpu.memory_space<vmem>>, vector<16xi32>,
      tpu.vector_store %arg13[%swap3A_426, %swap3A_427], %get3A_424 {strides = array<i32>} : memref<4x32xi32, #tpu.memory_space<vmem>>, vector<16xi32>,
      %parallel_loop3A_429 = arith.constant 0 : i32
      %parallel_loop3A_430 = arith.constant 32 : i32
      %parallel_loop3A_431 = arith.constant 1 : i32
      scf.for %parallel_loop3A_610 = %parallel_loop3A_429 to %parallel_loop3A_430 step %parallel_loop3A_431  : i32 {
        %parallel_loop3A_611 = arith.constant 0 : i32
        %parallel_loop3A_612 = arith.addi %parallel_loop3A_611, %parallel_loop3A_610 : i32
        %parallel_loop3A_613 = arith.index_cast %parallel_loop3A_612 : i32 to index
        %parallel_loop3A_614 = arith.constant 64 : index
        %parallel_loop3A_615 = tpu.vector_load %arg7[%parallel_loop3A_613, %parallel_loop3A_614] {strides = array<i32>} : memref<128x128xf32, #tpu.memory_space<vmem>>, vector<16xf32>,
        %parallel_loop3A_616 = arith.constant 32 : i32
        %parallel_loop3A_617 = arith.addi %parallel_loop3A_616, %parallel_loop3A_610 : i32
        %parallel_loop3A_618 = arith.index_cast %parallel_loop3A_617 : i32 to index
        %parallel_loop3A_619 = arith.constant 80 : index
        %parallel_loop3A_620 = tpu.vector_load %arg7[%parallel_loop3A_618, %parallel_loop3A_619] {strides = array<i32>} : memref<128x128xf32, #tpu.memory_space<vmem>>, vector<16xf32>,
        %parallel_loop3A_621 = arith.addf %parallel_loop3A_615, %parallel_loop3A_620 : vector<16xf32>
        %parallel_loop3A_622 = arith.constant 2.000000e-01 : f32
        %parallel_loop3A_623 = vector.broadcast %parallel_loop3A_622 : f32 to vector<16xf32>
        %parallel_loop3A_624 = arith.mulf %parallel_loop3A_621, %parallel_loop3A_623 : vector<16xf32>
        %parallel_loop3A_625 = arith.maximumf %parallel_loop3A_621, %parallel_loop3A_624 : vector<16xf32>
        %parallel_loop3A_626 = arith.subf %parallel_loop3A_625, %max3A : vector<16xf32>
        %parallel_loop3A_627 = math.exp %parallel_loop3A_626 : vector<16xf32>
        %parallel_loop3A_628 = arith.constant 0 : i32
        %parallel_loop3A_629 = arith.addi %parallel_loop3A_628, %parallel_loop3A_610 : i32
        %parallel_loop3A_630 = arith.index_cast %parallel_loop3A_629 : i32 to index
        %parallel_loop3A_631 = arith.constant 0 : index
        %parallel_loop3A_632 = tpu.vector_load %arg7[%parallel_loop3A_630, %parallel_loop3A_631] {strides = array<i32>} : memref<128x128xf32, #tpu.memory_space<vmem>>, vector<16xf32>,
        %parallel_loop3A_633 = arith.constant 0 : i32
        %parallel_loop3A_634 = vector.broadcast %parallel_loop3A_633 : i32 to vector<16xi32>
        %parallel_loop3A_635 = arith.cmpi slt, %broadcast_in_dim3A_3, %parallel_loop3A_634 : vector<16xi32>
        %parallel_loop3A_636 = arith.constant 16 : i32
        %parallel_loop3A_637 = vector.broadcast %parallel_loop3A_636 : i32 to vector<16xi32>
        %parallel_loop3A_638 = arith.addi %broadcast_in_dim3A_3, %parallel_loop3A_637 : vector<16xi32>
        %parallel_loop3A_639 = arith.select %parallel_loop3A_635, %parallel_loop3A_638, %broadcast_in_dim3A_3 : vector<16xi1>, vector<16xi32>
        %parallel_loop3A_640 = vector.shape_cast %parallel_loop3A_639 : vector<16xi32> to vector<16x1xi32>
        %parallel_loop3A_641 = vector.shape_cast %parallel_loop3A_640 : vector<16x1xi32> to vector<16xi32>
        %parallel_loop3A_642 = tpu.dynamic_gather %parallel_loop3A_627[%parallel_loop3A_641] in [0] : vector<16xf32>, vector<16xi32> -> vector<16xf32>
        %parallel_loop3A_643 = arith.mulf %parallel_loop3A_632, %parallel_loop3A_642 : vector<16xf32>
        %parallel_loop3A_644 = arith.index_cast %parallel_loop3A_610 : i32 to index
        %parallel_loop3A_645 = arith.constant 0 : index
        %parallel_loop3A_646 = tpu.vector_load %arg9[%parallel_loop3A_644, %parallel_loop3A_645] {strides = array<i32>} : memref<32x128xf32, #tpu.memory_space<vmem>>, vector<16xf32>,
        tpu.vector_store %arg9[%parallel_loop3A_644, %parallel_loop3A_645], %parallel_loop3A_643 {strides = array<i32>} : memref<32x128xf32, #tpu.memory_space<vmem>>, vector<16xf32>,
        %parallel_loop3A_647 = arith.constant 0 : i32
        %parallel_loop3A_648 = arith.addi %parallel_loop3A_647, %parallel_loop3A_610 : i32
        %parallel_loop3A_649 = arith.index_cast %parallel_loop3A_648 : i32 to index
        %parallel_loop3A_650 = arith.constant 16 : index
        %parallel_loop3A_651 = tpu.vector_load %arg7[%parallel_loop3A_649, %parallel_loop3A_650] {strides = array<i32>} : memref<128x128xf32, #tpu.memory_space<vmem>>, vector<16xf32>,
        %parallel_loop3A_652 = arith.constant 0 : i32
        %parallel_loop3A_653 = vector.broadcast %parallel_loop3A_652 : i32 to vector<16xi32>
        %parallel_loop3A_654 = arith.cmpi slt, %broadcast_in_dim3A_6, %parallel_loop3A_653 : vector<16xi32>
        %parallel_loop3A_655 = arith.constant 16 : i32
        %parallel_loop3A_656 = vector.broadcast %parallel_loop3A_655 : i32 to vector<16xi32>
        %parallel_loop3A_657 = arith.addi %broadcast_in_dim3A_6, %parallel_loop3A_656 : vector<16xi32>
        %parallel_loop3A_658 = arith.select %parallel_loop3A_654, %parallel_loop3A_657, %broadcast_in_dim3A_6 : vector<16xi1>, vector<16xi32>
        %parallel_loop3A_659 = vector.shape_cast %parallel_loop3A_658 : vector<16xi32> to vector<16x1xi32>
        %parallel_loop3A_660 = vector.shape_cast %parallel_loop3A_659 : vector<16x1xi32> to vector<16xi32>
        %parallel_loop3A_661 = tpu.dynamic_gather %parallel_loop3A_627[%parallel_loop3A_660] in [0] : vector<16xf32>, vector<16xi32> -> vector<16xf32>
        %parallel_loop3A_662 = arith.mulf %parallel_loop3A_651, %parallel_loop3A_661 : vector<16xf32>
        %parallel_loop3A_663 = arith.index_cast %parallel_loop3A_610 : i32 to index
        %parallel_loop3A_664 = arith.constant 16 : index
        %parallel_loop3A_665 = tpu.vector_load %arg9[%parallel_loop3A_663, %parallel_loop3A_664] {strides = array<i32>} : memref<32x128xf32, #tpu.memory_space<vmem>>, vector<16xf32>,
        tpu.vector_store %arg9[%parallel_loop3A_663, %parallel_loop3A_664], %parallel_loop3A_662 {strides = array<i32>} : memref<32x128xf32, #tpu.memory_space<vmem>>, vector<16xf32>,
        %parallel_loop3A_666 = arith.constant 0 : i32
        %parallel_loop3A_667 = arith.addi %parallel_loop3A_666, %parallel_loop3A_610 : i32
        %parallel_loop3A_668 = arith.index_cast %parallel_loop3A_667 : i32 to index
        %parallel_loop3A_669 = arith.constant 32 : index
        %parallel_loop3A_670 = tpu.vector_load %arg7[%parallel_loop3A_668, %parallel_loop3A_669] {strides = array<i32>} : memref<128x128xf32, #tpu.memory_space<vmem>>, vector<16xf32>,
        %parallel_loop3A_671 = arith.constant 0 : i32
        %parallel_loop3A_672 = vector.broadcast %parallel_loop3A_671 : i32 to vector<16xi32>
        %parallel_loop3A_673 = arith.cmpi slt, %broadcast_in_dim3A_9, %parallel_loop3A_672 : vector<16xi32>
        %parallel_loop3A_674 = arith.constant 16 : i32
        %parallel_loop3A_675 = vector.broadcast %parallel_loop3A_674 : i32 to vector<16xi32>
        %parallel_loop3A_676 = arith.addi %broadcast_in_dim3A_9, %parallel_loop3A_675 : vector<16xi32>
        %parallel_loop3A_677 = arith.select %parallel_loop3A_673, %parallel_loop3A_676, %broadcast_in_dim3A_9 : vector<16xi1>, vector<16xi32>
        %parallel_loop3A_678 = vector.shape_cast %parallel_loop3A_677 : vector<16xi32> to vector<16x1xi32>
        %parallel_loop3A_679 = vector.shape_cast %parallel_loop3A_678 : vector<16x1xi32> to vector<16xi32>
        %parallel_loop3A_680 = tpu.dynamic_gather %parallel_loop3A_627[%parallel_loop3A_679] in [0] : vector<16xf32>, vector<16xi32> -> vector<16xf32>
        %parallel_loop3A_681 = arith.mulf %parallel_loop3A_670, %parallel_loop3A_680 : vector<16xf32>
        %parallel_loop3A_682 = arith.index_cast %parallel_loop3A_610 : i32 to index
        %parallel_loop3A_683 = arith.constant 32 : index
        %parallel_loop3A_684 = tpu.vector_load %arg9[%parallel_loop3A_682, %parallel_loop3A_683] {strides = array<i32>} : memref<32x128xf32, #tpu.memory_space<vmem>>, vector<16xf32>,
        tpu.vector_store %arg9[%parallel_loop3A_682, %parallel_loop3A_683], %parallel_loop3A_681 {strides = array<i32>} : memref<32x128xf32, #tpu.memory_space<vmem>>, vector<16xf32>,
        %parallel_loop3A_685 = arith.constant 0 : i32
        %parallel_loop3A_686 = arith.addi %parallel_loop3A_685, %parallel_loop3A_610 : i32
        %parallel_loop3A_687 = arith.index_cast %parallel_loop3A_686 : i32 to index
        %parallel_loop3A_688 = arith.constant 48 : index
        %parallel_loop3A_689 = tpu.vector_load %arg7[%parallel_loop3A_687, %parallel_loop3A_688] {strides = array<i32>} : memref<128x128xf32, #tpu.memory_space<vmem>>, vector<16xf32>,
        %parallel_loop3A_690 = arith.constant 0 : i32
        %parallel_loop3A_691 = vector.broadcast %parallel_loop3A_690 : i32 to vector<16xi32>
        %parallel_loop3A_692 = arith.cmpi slt, %broadcast_in_dim3A_12, %parallel_loop3A_691 : vector<16xi32>
        %parallel_loop3A_693 = arith.constant 16 : i32
        %parallel_loop3A_694 = vector.broadcast %parallel_loop3A_693 : i32 to vector<16xi32>
        %parallel_loop3A_695 = arith.addi %broadcast_in_dim3A_12, %parallel_loop3A_694 : vector<16xi32>
        %parallel_loop3A_696 = arith.select %parallel_loop3A_692, %parallel_loop3A_695, %broadcast_in_dim3A_12 : vector<16xi1>, vector<16xi32>
        %parallel_loop3A_697 = vector.shape_cast %parallel_loop3A_696 : vector<16xi32> to vector<16x1xi32>
        %parallel_loop3A_698 = vector.shape_cast %parallel_loop3A_697 : vector<16x1xi32> to vector<16xi32>
        %parallel_loop3A_699 = tpu.dynamic_gather %parallel_loop3A_627[%parallel_loop3A_698] in [0] : vector<16xf32>, vector<16xi32> -> vector<16xf32>
        %parallel_loop3A_700 = arith.mulf %parallel_loop3A_689, %parallel_loop3A_699 : vector<16xf32>
        %parallel_loop3A_701 = arith.index_cast %parallel_loop3A_610 : i32 to index
        %parallel_loop3A_702 = arith.constant 48 : index
        %parallel_loop3A_703 = tpu.vector_load %arg9[%parallel_loop3A_701, %parallel_loop3A_702] {strides = array<i32>} : memref<32x128xf32, #tpu.memory_space<vmem>>, vector<16xf32>,
        tpu.vector_store %arg9[%parallel_loop3A_701, %parallel_loop3A_702], %parallel_loop3A_700 {strides = array<i32>} : memref<32x128xf32, #tpu.memory_space<vmem>>, vector<16xf32>,
        %parallel_loop3A_704 = arith.constant 0 : i32
        %parallel_loop3A_705 = vector.broadcast %parallel_loop3A_704 : i32 to vector<16xi32>
        %parallel_loop3A_706 = arith.cmpi slt, %and3A_16, %parallel_loop3A_705 : vector<16xi32>
        %parallel_loop3A_707 = arith.constant 16 : i32
        %parallel_loop3A_708 = vector.broadcast %parallel_loop3A_707 : i32 to vector<16xi32>
        %parallel_loop3A_709 = arith.addi %and3A_16, %parallel_loop3A_708 : vector<16xi32>
        %parallel_loop3A_710 = arith.select %parallel_loop3A_706, %parallel_loop3A_709, %and3A_16 : vector<16xi1>, vector<16xi32>
        %parallel_loop3A_711 = vector.shape_cast %parallel_loop3A_710 : vector<16xi32> to vector<16x1xi32>
        %parallel_loop3A_712 = vector.shape_cast %parallel_loop3A_711 : vector<16x1xi32> to vector<16xi32>
        %parallel_loop3A_713 = tpu.dynamic_gather %parallel_loop3A_627[%parallel_loop3A_712] in [0] : vector<16xf32>, vector<16xi32> -> vector<16xf32>
        %parallel_loop3A_714 = arith.index_cast %parallel_loop3A_610 : i32 to index
        %parallel_loop3A_715 = arith.constant 64 : index
        %parallel_loop3A_716 = tpu.vector_load %arg9[%parallel_loop3A_714, %parallel_loop3A_715] {strides = array<i32>} : memref<32x128xf32, #tpu.memory_space<vmem>>, vector<16xf32>,
        tpu.vector_store %arg9[%parallel_loop3A_714, %parallel_loop3A_715], %parallel_loop3A_713 {strides = array<i32>} : memref<32x128xf32, #tpu.memory_space<vmem>>, vector<16xf32>,
      } {sc.loop_unroll_factor = 4 : i64, sc.parallel_access}
      %dma_start3A_432 = arith.constant 0 : i32
      %dma_start3A_433 = arith.constant 0 : i32
      %dma_start3A_434 = tpu.memref_slice %arg13[%dma_start3A_432, %dma_start3A_433] : memref<4x32xi32, #tpu.memory_space<vmem>> -> memref<1x32xi32, #tpu.memory_space<vmem>>
      %dma_start3A_435 = tpu.memref_squeeze %dma_start3A_434 : memref<1x32xi32, #tpu.memory_space<vmem>> -> memref<32xi32, #tpu.memory_space<vmem>>
      %dma_start3A_436 = arith.constant 0 : i32
      %dma_start3A_437 = arith.constant 0 : i32
      %dma_start3A_438 = tpu.memref_slice %arg15[%dma_start3A_436, %dma_start3A_437] : memref<10000x128xf32, #tpu.memory_space<vmem_shared>> -> memref<10000x128xf32, #tpu.memory_space<vmem_shared>>
      tpu.enqueue_indirect_dma source(%arg9 : memref<32x128xf32, #tpu.memory_space<vmem>>) target(%dma_start3A_438 : memref<10000x128xf32, #tpu.memory_space<vmem_shared>>) offsets(%dma_start3A_435 : memref<32xi32, #tpu.memory_space<vmem>>) semaphore(%arg18 : memref<!tpu.dma_semaphore, #tpu.memory_space<semaphore_mem>>) {add = true}
      %mul3A_439 = arith.constant 8 : i32
      %mul3A_440 = arith.muli %scan3A_204, %mul3A_439 : i32
      %add3A_441 = arith.constant 4 : i32
      %add3A_442 = arith.addi %mul3A_440, %add3A_441 : i32
      %add3A_443 = arith.constant 8 : i32
      %add3A_444 = arith.addi %add3A_442, %add3A_443 : i32
      %lt3A_445 = arith.constant 640 : i32
      %lt3A_446 = arith.cmpi slt, %add3A_444, %lt3A_445 : i32
      %convert_element_type3A_447 = arith.extui %lt3A_446 : i1 to i32
      %cond3A_448 = arith.constant 0 : i32
      %cond3A_449 = arith.cmpi ne, %convert_element_type3A_447, %cond3A_448 : i32
      scf.if %cond3A_449 {
        %add3A_610 = arith.constant 8 : i32
        %add3A_611 = arith.addi %add3A_404, %add3A_610 : i32
        %mul3A_612 = arith.constant 64 : i32
        %mul3A_613 = arith.muli %add3A_611, %mul3A_612 : i32
        %add3A_614 = arith.addi %mul3A_51, %mul3A_613 : i32
        %dma_start3A_615 = arith.constant 256 : i32
        %dma_start3A_616 = tpu.memref_slice %arg6[%dma_start3A_615] : memref<512xi32, #tpu.memory_space<vmem>> -> memref<64xi32, #tpu.memory_space<vmem>>
        %dma_start3A_617 = tpu.memref_slice %arg4[%add3A_614] : memref<1310720xi32, #tpu.memory_space<hbm>> -> memref<64xi32, #tpu.memory_space<hbm>>
        %dma_start3A_618 = arith.constant 256 : i32
        %dma_start3A_619 = tpu.memref_slice %arg6[%dma_start3A_618] : memref<512xi32, #tpu.memory_space<vmem>> -> memref<64xi32, #tpu.memory_space<vmem>>
        %dma_start3A_620 = tpu.memref_slice %arg4[%add3A_614] : memref<1310720xi32, #tpu.memory_space<hbm>> -> memref<64xi32, #tpu.memory_space<hbm>>
        tpu.enqueue_dma source(%dma_start3A_620 : memref<64xi32, #tpu.memory_space<hbm>>) target(%dma_start3A_619 : memref<64xi32, #tpu.memory_space<vmem>>) target_semaphore(%arg26 : memref<!tpu.dma_semaphore, #tpu.memory_space<semaphore_mem>>)
      } else {
      }
      %mul3A_450 = arith.constant 8 : i32
      %mul3A_451 = arith.muli %scan3A_204, %mul3A_450 : i32
      %add3A_452 = arith.constant 5 : i32
      %add3A_453 = arith.addi %mul3A_451, %add3A_452 : i32
      %dma_wait3A_454 = arith.constant 1 : i32
      %dma_wait3A_455 = arith.constant 0 : i32
      %dma_wait3A_456 = tpu.memref_slice %arg13[%dma_wait3A_454, %dma_wait3A_455] : memref<4x32xi32, #tpu.memory_space<vmem>> -> memref<1x32xi32, #tpu.memory_space<vmem>>
      %dma_wait3A_457 = tpu.memref_squeeze %dma_wait3A_456 : memref<1x32xi32, #tpu.memory_space<vmem>> -> memref<32xi32, #tpu.memory_space<vmem>>
      %dma_wait3A_458 = arith.constant 0 : i32
      %dma_wait3A_459 = arith.constant 0 : i32
      %dma_wait3A_460 = tpu.memref_slice %arg15[%dma_wait3A_458, %dma_wait3A_459] : memref<10000x128xf32, #tpu.memory_space<vmem_shared>> -> memref<10000x128xf32, #tpu.memory_space<vmem_shared>>
      tpu.wait_indirect_dma semaphore(%arg19 : memref<!tpu.dma_semaphore, #tpu.memory_space<semaphore_mem>>) src(%arg10 : memref<32x128xf32, #tpu.memory_space<vmem>>) dst(%dma_wait3A_460 : memref<10000x128xf32, #tpu.memory_space<vmem_shared>>)
      %get3A_461 = arith.constant 352 : index
      %get3A_462 = tpu.vector_load %arg6[%get3A_461] {strides = array<i32>} : memref<512xi32, #tpu.memory_space<vmem>>, vector<16xi32>,
      %swap3A_463 = arith.constant 1 : i32
      %swap3A_464 = arith.index_cast %swap3A_463 : i32 to index
      %swap3A_465 = arith.constant 0 : index
      %swap3A_466 = tpu.vector_load %arg13[%swap3A_464, %swap3A_465] {strides = array<i32>} : memref<4x32xi32, #tpu.memory_space<vmem>>, vector<16xi32>,
      tpu.vector_store %arg13[%swap3A_464, %swap3A_465], %get3A_462 {strides = array<i32>} : memref<4x32xi32, #tpu.memory_space<vmem>>, vector<16xi32>,
      %get3A_467 = arith.constant 368 : index
      %get3A_468 = tpu.vector_load %arg6[%get3A_467] {strides = array<i32>} : memref<512xi32, #tpu.memory_space<vmem>>, vector<16xi32>,
      %swap3A_469 = arith.constant 1 : i32
      %swap3A_470 = arith.index_cast %swap3A_469 : i32 to index
      %swap3A_471 = arith.constant 16 : index
      %swap3A_472 = tpu.vector_load %arg13[%swap3A_470, %swap3A_471] {strides = array<i32>} : memref<4x32xi32, #tpu.memory_space<vmem>>, vector<16xi32>,
      tpu.vector_store %arg13[%swap3A_470, %swap3A_471], %get3A_468 {strides = array<i32>} : memref<4x32xi32, #tpu.memory_space<vmem>>, vector<16xi32>,
      %parallel_loop3A_473 = arith.constant 0 : i32
      %parallel_loop3A_474 = arith.constant 32 : i32
      %parallel_loop3A_475 = arith.constant 1 : i32
      scf.for %parallel_loop3A_610 = %parallel_loop3A_473 to %parallel_loop3A_474 step %parallel_loop3A_475  : i32 {
        %parallel_loop3A_611 = arith.constant 64 : i32
        %parallel_loop3A_612 = arith.addi %parallel_loop3A_611, %parallel_loop3A_610 : i32
        %parallel_loop3A_613 = arith.index_cast %parallel_loop3A_612 : i32 to index
        %parallel_loop3A_614 = arith.constant 64 : index
        %parallel_loop3A_615 = tpu.vector_load %arg7[%parallel_loop3A_613, %parallel_loop3A_614] {strides = array<i32>} : memref<128x128xf32, #tpu.memory_space<vmem>>, vector<16xf32>,
        %parallel_loop3A_616 = arith.constant 96 : i32
        %parallel_loop3A_617 = arith.addi %parallel_loop3A_616, %parallel_loop3A_610 : i32
        %parallel_loop3A_618 = arith.index_cast %parallel_loop3A_617 : i32 to index
        %parallel_loop3A_619 = arith.constant 80 : index
        %parallel_loop3A_620 = tpu.vector_load %arg7[%parallel_loop3A_618, %parallel_loop3A_619] {strides = array<i32>} : memref<128x128xf32, #tpu.memory_space<vmem>>, vector<16xf32>,
        %parallel_loop3A_621 = arith.addf %parallel_loop3A_615, %parallel_loop3A_620 : vector<16xf32>
        %parallel_loop3A_622 = arith.constant 2.000000e-01 : f32
        %parallel_loop3A_623 = vector.broadcast %parallel_loop3A_622 : f32 to vector<16xf32>
        %parallel_loop3A_624 = arith.mulf %parallel_loop3A_621, %parallel_loop3A_623 : vector<16xf32>
        %parallel_loop3A_625 = arith.maximumf %parallel_loop3A_621, %parallel_loop3A_624 : vector<16xf32>
        %parallel_loop3A_626 = arith.subf %parallel_loop3A_625, %max3A : vector<16xf32>
        %parallel_loop3A_627 = math.exp %parallel_loop3A_626 : vector<16xf32>
        %parallel_loop3A_628 = arith.constant 64 : i32
        %parallel_loop3A_629 = arith.addi %parallel_loop3A_628, %parallel_loop3A_610 : i32
        %parallel_loop3A_630 = arith.index_cast %parallel_loop3A_629 : i32 to index
        %parallel_loop3A_631 = arith.constant 0 : index
        %parallel_loop3A_632 = tpu.vector_load %arg7[%parallel_loop3A_630, %parallel_loop3A_631] {strides = array<i32>} : memref<128x128xf32, #tpu.memory_space<vmem>>, vector<16xf32>,
        %parallel_loop3A_633 = arith.constant 0 : i32
        %parallel_loop3A_634 = vector.broadcast %parallel_loop3A_633 : i32 to vector<16xi32>
        %parallel_loop3A_635 = arith.cmpi slt, %broadcast_in_dim3A_3, %parallel_loop3A_634 : vector<16xi32>
        %parallel_loop3A_636 = arith.constant 16 : i32
        %parallel_loop3A_637 = vector.broadcast %parallel_loop3A_636 : i32 to vector<16xi32>
        %parallel_loop3A_638 = arith.addi %broadcast_in_dim3A_3, %parallel_loop3A_637 : vector<16xi32>
        %parallel_loop3A_639 = arith.select %parallel_loop3A_635, %parallel_loop3A_638, %broadcast_in_dim3A_3 : vector<16xi1>, vector<16xi32>
        %parallel_loop3A_640 = vector.shape_cast %parallel_loop3A_639 : vector<16xi32> to vector<16x1xi32>
        %parallel_loop3A_641 = vector.shape_cast %parallel_loop3A_640 : vector<16x1xi32> to vector<16xi32>
        %parallel_loop3A_642 = tpu.dynamic_gather %parallel_loop3A_627[%parallel_loop3A_641] in [0] : vector<16xf32>, vector<16xi32> -> vector<16xf32>
        %parallel_loop3A_643 = arith.mulf %parallel_loop3A_632, %parallel_loop3A_642 : vector<16xf32>
        %parallel_loop3A_644 = arith.index_cast %parallel_loop3A_610 : i32 to index
        %parallel_loop3A_645 = arith.constant 0 : index
        %parallel_loop3A_646 = tpu.vector_load %arg10[%parallel_loop3A_644, %parallel_loop3A_645] {strides = array<i32>} : memref<32x128xf32, #tpu.memory_space<vmem>>, vector<16xf32>,
        tpu.vector_store %arg10[%parallel_loop3A_644, %parallel_loop3A_645], %parallel_loop3A_643 {strides = array<i32>} : memref<32x128xf32, #tpu.memory_space<vmem>>, vector<16xf32>,
        %parallel_loop3A_647 = arith.constant 64 : i32
        %parallel_loop3A_648 = arith.addi %parallel_loop3A_647, %parallel_loop3A_610 : i32
        %parallel_loop3A_649 = arith.index_cast %parallel_loop3A_648 : i32 to index
        %parallel_loop3A_650 = arith.constant 16 : index
        %parallel_loop3A_651 = tpu.vector_load %arg7[%parallel_loop3A_649, %parallel_loop3A_650] {strides = array<i32>} : memref<128x128xf32, #tpu.memory_space<vmem>>, vector<16xf32>,
        %parallel_loop3A_652 = arith.constant 0 : i32
        %parallel_loop3A_653 = vector.broadcast %parallel_loop3A_652 : i32 to vector<16xi32>
        %parallel_loop3A_654 = arith.cmpi slt, %broadcast_in_dim3A_6, %parallel_loop3A_653 : vector<16xi32>
        %parallel_loop3A_655 = arith.constant 16 : i32
        %parallel_loop3A_656 = vector.broadcast %parallel_loop3A_655 : i32 to vector<16xi32>
        %parallel_loop3A_657 = arith.addi %broadcast_in_dim3A_6, %parallel_loop3A_656 : vector<16xi32>
        %parallel_loop3A_658 = arith.select %parallel_loop3A_654, %parallel_loop3A_657, %broadcast_in_dim3A_6 : vector<16xi1>, vector<16xi32>
        %parallel_loop3A_659 = vector.shape_cast %parallel_loop3A_658 : vector<16xi32> to vector<16x1xi32>
        %parallel_loop3A_660 = vector.shape_cast %parallel_loop3A_659 : vector<16x1xi32> to vector<16xi32>
        %parallel_loop3A_661 = tpu.dynamic_gather %parallel_loop3A_627[%parallel_loop3A_660] in [0] : vector<16xf32>, vector<16xi32> -> vector<16xf32>
        %parallel_loop3A_662 = arith.mulf %parallel_loop3A_651, %parallel_loop3A_661 : vector<16xf32>
        %parallel_loop3A_663 = arith.index_cast %parallel_loop3A_610 : i32 to index
        %parallel_loop3A_664 = arith.constant 16 : index
        %parallel_loop3A_665 = tpu.vector_load %arg10[%parallel_loop3A_663, %parallel_loop3A_664] {strides = array<i32>} : memref<32x128xf32, #tpu.memory_space<vmem>>, vector<16xf32>,
        tpu.vector_store %arg10[%parallel_loop3A_663, %parallel_loop3A_664], %parallel_loop3A_662 {strides = array<i32>} : memref<32x128xf32, #tpu.memory_space<vmem>>, vector<16xf32>,
        %parallel_loop3A_666 = arith.constant 64 : i32
        %parallel_loop3A_667 = arith.addi %parallel_loop3A_666, %parallel_loop3A_610 : i32
        %parallel_loop3A_668 = arith.index_cast %parallel_loop3A_667 : i32 to index
        %parallel_loop3A_669 = arith.constant 32 : index
        %parallel_loop3A_670 = tpu.vector_load %arg7[%parallel_loop3A_668, %parallel_loop3A_669] {strides = array<i32>} : memref<128x128xf32, #tpu.memory_space<vmem>>, vector<16xf32>,
        %parallel_loop3A_671 = arith.constant 0 : i32
        %parallel_loop3A_672 = vector.broadcast %parallel_loop3A_671 : i32 to vector<16xi32>
        %parallel_loop3A_673 = arith.cmpi slt, %broadcast_in_dim3A_9, %parallel_loop3A_672 : vector<16xi32>
        %parallel_loop3A_674 = arith.constant 16 : i32
        %parallel_loop3A_675 = vector.broadcast %parallel_loop3A_674 : i32 to vector<16xi32>
        %parallel_loop3A_676 = arith.addi %broadcast_in_dim3A_9, %parallel_loop3A_675 : vector<16xi32>
        %parallel_loop3A_677 = arith.select %parallel_loop3A_673, %parallel_loop3A_676, %broadcast_in_dim3A_9 : vector<16xi1>, vector<16xi32>
        %parallel_loop3A_678 = vector.shape_cast %parallel_loop3A_677 : vector<16xi32> to vector<16x1xi32>
        %parallel_loop3A_679 = vector.shape_cast %parallel_loop3A_678 : vector<16x1xi32> to vector<16xi32>
        %parallel_loop3A_680 = tpu.dynamic_gather %parallel_loop3A_627[%parallel_loop3A_679] in [0] : vector<16xf32>, vector<16xi32> -> vector<16xf32>
        %parallel_loop3A_681 = arith.mulf %parallel_loop3A_670, %parallel_loop3A_680 : vector<16xf32>
        %parallel_loop3A_682 = arith.index_cast %parallel_loop3A_610 : i32 to index
        %parallel_loop3A_683 = arith.constant 32 : index
        %parallel_loop3A_684 = tpu.vector_load %arg10[%parallel_loop3A_682, %parallel_loop3A_683] {strides = array<i32>} : memref<32x128xf32, #tpu.memory_space<vmem>>, vector<16xf32>,
        tpu.vector_store %arg10[%parallel_loop3A_682, %parallel_loop3A_683], %parallel_loop3A_681 {strides = array<i32>} : memref<32x128xf32, #tpu.memory_space<vmem>>, vector<16xf32>,
        %parallel_loop3A_685 = arith.constant 64 : i32
        %parallel_loop3A_686 = arith.addi %parallel_loop3A_685, %parallel_loop3A_610 : i32
        %parallel_loop3A_687 = arith.index_cast %parallel_loop3A_686 : i32 to index
        %parallel_loop3A_688 = arith.constant 48 : index
        %parallel_loop3A_689 = tpu.vector_load %arg7[%parallel_loop3A_687, %parallel_loop3A_688] {strides = array<i32>} : memref<128x128xf32, #tpu.memory_space<vmem>>, vector<16xf32>,
        %parallel_loop3A_690 = arith.constant 0 : i32
        %parallel_loop3A_691 = vector.broadcast %parallel_loop3A_690 : i32 to vector<16xi32>
        %parallel_loop3A_692 = arith.cmpi slt, %broadcast_in_dim3A_12, %parallel_loop3A_691 : vector<16xi32>
        %parallel_loop3A_693 = arith.constant 16 : i32
        %parallel_loop3A_694 = vector.broadcast %parallel_loop3A_693 : i32 to vector<16xi32>
        %parallel_loop3A_695 = arith.addi %broadcast_in_dim3A_12, %parallel_loop3A_694 : vector<16xi32>
        %parallel_loop3A_696 = arith.select %parallel_loop3A_692, %parallel_loop3A_695, %broadcast_in_dim3A_12 : vector<16xi1>, vector<16xi32>
        %parallel_loop3A_697 = vector.shape_cast %parallel_loop3A_696 : vector<16xi32> to vector<16x1xi32>
        %parallel_loop3A_698 = vector.shape_cast %parallel_loop3A_697 : vector<16x1xi32> to vector<16xi32>
        %parallel_loop3A_699 = tpu.dynamic_gather %parallel_loop3A_627[%parallel_loop3A_698] in [0] : vector<16xf32>, vector<16xi32> -> vector<16xf32>
        %parallel_loop3A_700 = arith.mulf %parallel_loop3A_689, %parallel_loop3A_699 : vector<16xf32>
        %parallel_loop3A_701 = arith.index_cast %parallel_loop3A_610 : i32 to index
        %parallel_loop3A_702 = arith.constant 48 : index
        %parallel_loop3A_703 = tpu.vector_load %arg10[%parallel_loop3A_701, %parallel_loop3A_702] {strides = array<i32>} : memref<32x128xf32, #tpu.memory_space<vmem>>, vector<16xf32>,
        tpu.vector_store %arg10[%parallel_loop3A_701, %parallel_loop3A_702], %parallel_loop3A_700 {strides = array<i32>} : memref<32x128xf32, #tpu.memory_space<vmem>>, vector<16xf32>,
        %parallel_loop3A_704 = arith.constant 0 : i32
        %parallel_loop3A_705 = vector.broadcast %parallel_loop3A_704 : i32 to vector<16xi32>
        %parallel_loop3A_706 = arith.cmpi slt, %and3A_16, %parallel_loop3A_705 : vector<16xi32>
        %parallel_loop3A_707 = arith.constant 16 : i32
        %parallel_loop3A_708 = vector.broadcast %parallel_loop3A_707 : i32 to vector<16xi32>
        %parallel_loop3A_709 = arith.addi %and3A_16, %parallel_loop3A_708 : vector<16xi32>
        %parallel_loop3A_710 = arith.select %parallel_loop3A_706, %parallel_loop3A_709, %and3A_16 : vector<16xi1>, vector<16xi32>
        %parallel_loop3A_711 = vector.shape_cast %parallel_loop3A_710 : vector<16xi32> to vector<16x1xi32>
        %parallel_loop3A_712 = vector.shape_cast %parallel_loop3A_711 : vector<16x1xi32> to vector<16xi32>
        %parallel_loop3A_713 = tpu.dynamic_gather %parallel_loop3A_627[%parallel_loop3A_712] in [0] : vector<16xf32>, vector<16xi32> -> vector<16xf32>
        %parallel_loop3A_714 = arith.index_cast %parallel_loop3A_610 : i32 to index
        %parallel_loop3A_715 = arith.constant 64 : index
        %parallel_loop3A_716 = tpu.vector_load %arg10[%parallel_loop3A_714, %parallel_loop3A_715] {strides = array<i32>} : memref<32x128xf32, #tpu.memory_space<vmem>>, vector<16xf32>,
        tpu.vector_store %arg10[%parallel_loop3A_714, %parallel_loop3A_715], %parallel_loop3A_713 {strides = array<i32>} : memref<32x128xf32, #tpu.memory_space<vmem>>, vector<16xf32>,
      } {sc.loop_unroll_factor = 4 : i64, sc.parallel_access}
      %dma_start3A_476 = arith.constant 1 : i32
      %dma_start3A_477 = arith.constant 0 : i32
      %dma_start3A_478 = tpu.memref_slice %arg13[%dma_start3A_476, %dma_start3A_477] : memref<4x32xi32, #tpu.memory_space<vmem>> -> memref<1x32xi32, #tpu.memory_space<vmem>>
      %dma_start3A_479 = tpu.memref_squeeze %dma_start3A_478 : memref<1x32xi32, #tpu.memory_space<vmem>> -> memref<32xi32, #tpu.memory_space<vmem>>
      %dma_start3A_480 = arith.constant 0 : i32
      %dma_start3A_481 = arith.constant 0 : i32
      %dma_start3A_482 = tpu.memref_slice %arg15[%dma_start3A_480, %dma_start3A_481] : memref<10000x128xf32, #tpu.memory_space<vmem_shared>> -> memref<10000x128xf32, #tpu.memory_space<vmem_shared>>
      tpu.enqueue_indirect_dma source(%arg10 : memref<32x128xf32, #tpu.memory_space<vmem>>) target(%dma_start3A_482 : memref<10000x128xf32, #tpu.memory_space<vmem_shared>>) offsets(%dma_start3A_479 : memref<32xi32, #tpu.memory_space<vmem>>) semaphore(%arg19 : memref<!tpu.dma_semaphore, #tpu.memory_space<semaphore_mem>>) {add = true}
      %mul3A_483 = arith.constant 8 : i32
      %mul3A_484 = arith.muli %scan3A_204, %mul3A_483 : i32
      %add3A_485 = arith.constant 5 : i32
      %add3A_486 = arith.addi %mul3A_484, %add3A_485 : i32
      %add3A_487 = arith.constant 3 : i32
      %add3A_488 = arith.addi %add3A_486, %add3A_487 : i32
      %lt3A_489 = arith.constant 640 : i32
      %lt3A_490 = arith.cmpi slt, %add3A_488, %lt3A_489 : i32
      %convert_element_type3A_491 = arith.extui %lt3A_490 : i1 to i32
      %cond3A_492 = arith.constant 0 : i32
      %cond3A_493 = arith.cmpi ne, %convert_element_type3A_491, %cond3A_492 : i32
      scf.if %cond3A_493 {
        %add3A_610 = arith.constant 3 : i32
        %add3A_611 = arith.addi %add3A_453, %add3A_610 : i32
        %mul3A_612 = arith.constant 64 : i32
        %mul3A_613 = arith.muli %add3A_611, %mul3A_612 : i32
        %add3A_614 = arith.addi %mul3A_51, %mul3A_613 : i32
        %dma_wait3A_615 = arith.constant 0 : i32
        %dma_wait3A_616 = tpu.memref_slice %arg6[%dma_wait3A_615] : memref<512xi32, #tpu.memory_space<vmem>> -> memref<64xi32, #tpu.memory_space<vmem>>
        %dma_wait3A_617 = tpu.memref_slice %arg4[%add3A_614] : memref<1310720xi32, #tpu.memory_space<hbm>> -> memref<64xi32, #tpu.memory_space<hbm>>
        %dma_wait3A_618 = arith.constant 0 : i32
        %dma_wait3A_619 = tpu.memref_slice %arg6[%dma_wait3A_618] : memref<512xi32, #tpu.memory_space<vmem>> -> memref<64xi32, #tpu.memory_space<vmem>>
        %dma_wait3A_620 = tpu.memref_slice %arg4[%add3A_614] : memref<1310720xi32, #tpu.memory_space<hbm>> -> memref<64xi32, #tpu.memory_space<hbm>>
        tpu.wait_dma2 semaphore(%arg22 : memref<!tpu.dma_semaphore, #tpu.memory_space<semaphore_mem>>) src(%dma_wait3A_620 : memref<64xi32, #tpu.memory_space<hbm>>) dst(%dma_wait3A_619 : memref<64xi32, #tpu.memory_space<vmem>>)
        %add3A_621 = arith.constant 4 : i32
        %add3A_622 = arith.addi %add3A_453, %add3A_621 : i32
        %mul3A_623 = arith.constant 64 : i32
        %mul3A_624 = arith.muli %add3A_622, %mul3A_623 : i32
        %add3A_625 = arith.addi %mul3A_51, %mul3A_624 : i32
        %dma_wait3A_626 = arith.constant 64 : i32
        %dma_wait3A_627 = tpu.memref_slice %arg6[%dma_wait3A_626] : memref<512xi32, #tpu.memory_space<vmem>> -> memref<64xi32, #tpu.memory_space<vmem>>
        %dma_wait3A_628 = tpu.memref_slice %arg4[%add3A_625] : memref<1310720xi32, #tpu.memory_space<hbm>> -> memref<64xi32, #tpu.memory_space<hbm>>
        %dma_wait3A_629 = arith.constant 64 : i32
        %dma_wait3A_630 = tpu.memref_slice %arg6[%dma_wait3A_629] : memref<512xi32, #tpu.memory_space<vmem>> -> memref<64xi32, #tpu.memory_space<vmem>>
        %dma_wait3A_631 = tpu.memref_slice %arg4[%add3A_625] : memref<1310720xi32, #tpu.memory_space<hbm>> -> memref<64xi32, #tpu.memory_space<hbm>>
        tpu.wait_dma2 semaphore(%arg23 : memref<!tpu.dma_semaphore, #tpu.memory_space<semaphore_mem>>) src(%dma_wait3A_631 : memref<64xi32, #tpu.memory_space<hbm>>) dst(%dma_wait3A_630 : memref<64xi32, #tpu.memory_space<vmem>>)
        %add3A_632 = arith.constant 3 : i32
        %add3A_633 = arith.addi %add3A_453, %add3A_632 : i32
        %dma_start3A_634 = arith.constant 0 : i32
        %dma_start3A_635 = tpu.memref_slice %arg6[%dma_start3A_634] : memref<512xi32, #tpu.memory_space<vmem>> -> memref<128xi32, #tpu.memory_space<vmem>>
        %dma_start3A_636 = arith.constant 0 : i32
        %dma_start3A_637 = arith.constant 0 : i32
        %dma_start3A_638 = tpu.memref_slice %arg2[%dma_start3A_636, %dma_start3A_637] : memref<20008x128xf32, #tpu.memory_space<hbm>> -> memref<20008x128xf32, #tpu.memory_space<hbm>>
        tpu.enqueue_indirect_dma source(%dma_start3A_638 : memref<20008x128xf32, #tpu.memory_space<hbm>>) target(%arg7 : memref<128x128xf32, #tpu.memory_space<vmem>>) offsets(%dma_start3A_635 : memref<128xi32, #tpu.memory_space<vmem>>) semaphore(%arg16 : memref<!tpu.dma_semaphore, #tpu.memory_space<semaphore_mem>>)
      } else {
      }
      %mul3A_494 = arith.constant 8 : i32
      %mul3A_495 = arith.muli %scan3A_204, %mul3A_494 : i32
      %add3A_496 = arith.constant 5 : i32
      %add3A_497 = arith.addi %mul3A_495, %add3A_496 : i32
      %add3A_498 = arith.constant 8 : i32
      %add3A_499 = arith.addi %add3A_497, %add3A_498 : i32
      %lt3A_500 = arith.constant 640 : i32
      %lt3A_501 = arith.cmpi slt, %add3A_499, %lt3A_500 : i32
      %convert_element_type3A_502 = arith.extui %lt3A_501 : i1 to i32
      %cond3A_503 = arith.constant 0 : i32
      %cond3A_504 = arith.cmpi ne, %convert_element_type3A_502, %cond3A_503 : i32
      scf.if %cond3A_504 {
        %add3A_610 = arith.constant 8 : i32
        %add3A_611 = arith.addi %add3A_453, %add3A_610 : i32
        %mul3A_612 = arith.constant 64 : i32
        %mul3A_613 = arith.muli %add3A_611, %mul3A_612 : i32
        %add3A_614 = arith.addi %mul3A_51, %mul3A_613 : i32
        %dma_start3A_615 = arith.constant 320 : i32
        %dma_start3A_616 = tpu.memref_slice %arg6[%dma_start3A_615] : memref<512xi32, #tpu.memory_space<vmem>> -> memref<64xi32, #tpu.memory_space<vmem>>
        %dma_start3A_617 = tpu.memref_slice %arg4[%add3A_614] : memref<1310720xi32, #tpu.memory_space<hbm>> -> memref<64xi32, #tpu.memory_space<hbm>>
        %dma_start3A_618 = arith.constant 320 : i32
        %dma_start3A_619 = tpu.memref_slice %arg6[%dma_start3A_618] : memref<512xi32, #tpu.memory_space<vmem>> -> memref<64xi32, #tpu.memory_space<vmem>>
        %dma_start3A_620 = tpu.memref_slice %arg4[%add3A_614] : memref<1310720xi32, #tpu.memory_space<hbm>> -> memref<64xi32, #tpu.memory_space<hbm>>
        tpu.enqueue_dma source(%dma_start3A_620 : memref<64xi32, #tpu.memory_space<hbm>>) target(%dma_start3A_619 : memref<64xi32, #tpu.memory_space<vmem>>) target_semaphore(%arg27 : memref<!tpu.dma_semaphore, #tpu.memory_space<semaphore_mem>>)
      } else {
      }
      %mul3A_505 = arith.constant 8 : i32
      %mul3A_506 = arith.muli %scan3A_204, %mul3A_505 : i32
      %add3A_507 = arith.constant 6 : i32
      %add3A_508 = arith.addi %mul3A_506, %add3A_507 : i32
      %dma_wait3A_509 = arith.constant 384 : i32
      %dma_wait3A_510 = tpu.memref_slice %arg6[%dma_wait3A_509] : memref<512xi32, #tpu.memory_space<vmem>> -> memref<128xi32, #tpu.memory_space<vmem>>
      %dma_wait3A_511 = arith.constant 0 : i32
      %dma_wait3A_512 = arith.constant 0 : i32
      %dma_wait3A_513 = tpu.memref_slice %arg2[%dma_wait3A_511, %dma_wait3A_512] : memref<20008x128xf32, #tpu.memory_space<hbm>> -> memref<20008x128xf32, #tpu.memory_space<hbm>>
      tpu.wait_indirect_dma semaphore(%arg17 : memref<!tpu.dma_semaphore, #tpu.memory_space<semaphore_mem>>) src(%dma_wait3A_513 : memref<20008x128xf32, #tpu.memory_space<hbm>>) dst(%arg8 : memref<128x128xf32, #tpu.memory_space<vmem>>)
      %dma_wait3A_514 = arith.constant 2 : i32
      %dma_wait3A_515 = arith.constant 0 : i32
      %dma_wait3A_516 = tpu.memref_slice %arg13[%dma_wait3A_514, %dma_wait3A_515] : memref<4x32xi32, #tpu.memory_space<vmem>> -> memref<1x32xi32, #tpu.memory_space<vmem>>
      %dma_wait3A_517 = tpu.memref_squeeze %dma_wait3A_516 : memref<1x32xi32, #tpu.memory_space<vmem>> -> memref<32xi32, #tpu.memory_space<vmem>>
      %dma_wait3A_518 = arith.constant 0 : i32
      %dma_wait3A_519 = arith.constant 0 : i32
      %dma_wait3A_520 = tpu.memref_slice %arg15[%dma_wait3A_518, %dma_wait3A_519] : memref<10000x128xf32, #tpu.memory_space<vmem_shared>> -> memref<10000x128xf32, #tpu.memory_space<vmem_shared>>
      tpu.wait_indirect_dma semaphore(%arg20 : memref<!tpu.dma_semaphore, #tpu.memory_space<semaphore_mem>>) src(%arg11 : memref<32x128xf32, #tpu.memory_space<vmem>>) dst(%dma_wait3A_520 : memref<10000x128xf32, #tpu.memory_space<vmem_shared>>)
      %get3A_521 = arith.constant 416 : index
      %get3A_522 = tpu.vector_load %arg6[%get3A_521] {strides = array<i32>} : memref<512xi32, #tpu.memory_space<vmem>>, vector<16xi32>,
      %swap3A_523 = arith.constant 2 : i32
      %swap3A_524 = arith.index_cast %swap3A_523 : i32 to index
      %swap3A_525 = arith.constant 0 : index
      %swap3A_526 = tpu.vector_load %arg13[%swap3A_524, %swap3A_525] {strides = array<i32>} : memref<4x32xi32, #tpu.memory_space<vmem>>, vector<16xi32>,
      tpu.vector_store %arg13[%swap3A_524, %swap3A_525], %get3A_522 {strides = array<i32>} : memref<4x32xi32, #tpu.memory_space<vmem>>, vector<16xi32>,
      %get3A_527 = arith.constant 432 : index
      %get3A_528 = tpu.vector_load %arg6[%get3A_527] {strides = array<i32>} : memref<512xi32, #tpu.memory_space<vmem>>, vector<16xi32>,
      %swap3A_529 = arith.constant 2 : i32
      %swap3A_530 = arith.index_cast %swap3A_529 : i32 to index
      %swap3A_531 = arith.constant 16 : index
      %swap3A_532 = tpu.vector_load %arg13[%swap3A_530, %swap3A_531] {strides = array<i32>} : memref<4x32xi32, #tpu.memory_space<vmem>>, vector<16xi32>,
      tpu.vector_store %arg13[%swap3A_530, %swap3A_531], %get3A_528 {strides = array<i32>} : memref<4x32xi32, #tpu.memory_space<vmem>>, vector<16xi32>,
      %parallel_loop3A_533 = arith.constant 0 : i32
      %parallel_loop3A_534 = arith.constant 32 : i32
      %parallel_loop3A_535 = arith.constant 1 : i32
      scf.for %parallel_loop3A_610 = %parallel_loop3A_533 to %parallel_loop3A_534 step %parallel_loop3A_535  : i32 {
        %parallel_loop3A_611 = arith.constant 0 : i32
        %parallel_loop3A_612 = arith.addi %parallel_loop3A_611, %parallel_loop3A_610 : i32
        %parallel_loop3A_613 = arith.index_cast %parallel_loop3A_612 : i32 to index
        %parallel_loop3A_614 = arith.constant 64 : index
        %parallel_loop3A_615 = tpu.vector_load %arg8[%parallel_loop3A_613, %parallel_loop3A_614] {strides = array<i32>} : memref<128x128xf32, #tpu.memory_space<vmem>>, vector<16xf32>,
        %parallel_loop3A_616 = arith.constant 32 : i32
        %parallel_loop3A_617 = arith.addi %parallel_loop3A_616, %parallel_loop3A_610 : i32
        %parallel_loop3A_618 = arith.index_cast %parallel_loop3A_617 : i32 to index
        %parallel_loop3A_619 = arith.constant 80 : index
        %parallel_loop3A_620 = tpu.vector_load %arg8[%parallel_loop3A_618, %parallel_loop3A_619] {strides = array<i32>} : memref<128x128xf32, #tpu.memory_space<vmem>>, vector<16xf32>,
        %parallel_loop3A_621 = arith.addf %parallel_loop3A_615, %parallel_loop3A_620 : vector<16xf32>
        %parallel_loop3A_622 = arith.constant 2.000000e-01 : f32
        %parallel_loop3A_623 = vector.broadcast %parallel_loop3A_622 : f32 to vector<16xf32>
        %parallel_loop3A_624 = arith.mulf %parallel_loop3A_621, %parallel_loop3A_623 : vector<16xf32>
        %parallel_loop3A_625 = arith.maximumf %parallel_loop3A_621, %parallel_loop3A_624 : vector<16xf32>
        %parallel_loop3A_626 = arith.subf %parallel_loop3A_625, %max3A : vector<16xf32>
        %parallel_loop3A_627 = math.exp %parallel_loop3A_626 : vector<16xf32>
        %parallel_loop3A_628 = arith.constant 0 : i32
        %parallel_loop3A_629 = arith.addi %parallel_loop3A_628, %parallel_loop3A_610 : i32
        %parallel_loop3A_630 = arith.index_cast %parallel_loop3A_629 : i32 to index
        %parallel_loop3A_631 = arith.constant 0 : index
        %parallel_loop3A_632 = tpu.vector_load %arg8[%parallel_loop3A_630, %parallel_loop3A_631] {strides = array<i32>} : memref<128x128xf32, #tpu.memory_space<vmem>>, vector<16xf32>,
        %parallel_loop3A_633 = arith.constant 0 : i32
        %parallel_loop3A_634 = vector.broadcast %parallel_loop3A_633 : i32 to vector<16xi32>
        %parallel_loop3A_635 = arith.cmpi slt, %broadcast_in_dim3A_3, %parallel_loop3A_634 : vector<16xi32>
        %parallel_loop3A_636 = arith.constant 16 : i32
        %parallel_loop3A_637 = vector.broadcast %parallel_loop3A_636 : i32 to vector<16xi32>
        %parallel_loop3A_638 = arith.addi %broadcast_in_dim3A_3, %parallel_loop3A_637 : vector<16xi32>
        %parallel_loop3A_639 = arith.select %parallel_loop3A_635, %parallel_loop3A_638, %broadcast_in_dim3A_3 : vector<16xi1>, vector<16xi32>
        %parallel_loop3A_640 = vector.shape_cast %parallel_loop3A_639 : vector<16xi32> to vector<16x1xi32>
        %parallel_loop3A_641 = vector.shape_cast %parallel_loop3A_640 : vector<16x1xi32> to vector<16xi32>
        %parallel_loop3A_642 = tpu.dynamic_gather %parallel_loop3A_627[%parallel_loop3A_641] in [0] : vector<16xf32>, vector<16xi32> -> vector<16xf32>
        %parallel_loop3A_643 = arith.mulf %parallel_loop3A_632, %parallel_loop3A_642 : vector<16xf32>
        %parallel_loop3A_644 = arith.index_cast %parallel_loop3A_610 : i32 to index
        %parallel_loop3A_645 = arith.constant 0 : index
        %parallel_loop3A_646 = tpu.vector_load %arg11[%parallel_loop3A_644, %parallel_loop3A_645] {strides = array<i32>} : memref<32x128xf32, #tpu.memory_space<vmem>>, vector<16xf32>,
        tpu.vector_store %arg11[%parallel_loop3A_644, %parallel_loop3A_645], %parallel_loop3A_643 {strides = array<i32>} : memref<32x128xf32, #tpu.memory_space<vmem>>, vector<16xf32>,
        %parallel_loop3A_647 = arith.constant 0 : i32
        %parallel_loop3A_648 = arith.addi %parallel_loop3A_647, %parallel_loop3A_610 : i32
        %parallel_loop3A_649 = arith.index_cast %parallel_loop3A_648 : i32 to index
        %parallel_loop3A_650 = arith.constant 16 : index
        %parallel_loop3A_651 = tpu.vector_load %arg8[%parallel_loop3A_649, %parallel_loop3A_650] {strides = array<i32>} : memref<128x128xf32, #tpu.memory_space<vmem>>, vector<16xf32>,
        %parallel_loop3A_652 = arith.constant 0 : i32
        %parallel_loop3A_653 = vector.broadcast %parallel_loop3A_652 : i32 to vector<16xi32>
        %parallel_loop3A_654 = arith.cmpi slt, %broadcast_in_dim3A_6, %parallel_loop3A_653 : vector<16xi32>
        %parallel_loop3A_655 = arith.constant 16 : i32
        %parallel_loop3A_656 = vector.broadcast %parallel_loop3A_655 : i32 to vector<16xi32>
        %parallel_loop3A_657 = arith.addi %broadcast_in_dim3A_6, %parallel_loop3A_656 : vector<16xi32>
        %parallel_loop3A_658 = arith.select %parallel_loop3A_654, %parallel_loop3A_657, %broadcast_in_dim3A_6 : vector<16xi1>, vector<16xi32>
        %parallel_loop3A_659 = vector.shape_cast %parallel_loop3A_658 : vector<16xi32> to vector<16x1xi32>
        %parallel_loop3A_660 = vector.shape_cast %parallel_loop3A_659 : vector<16x1xi32> to vector<16xi32>
        %parallel_loop3A_661 = tpu.dynamic_gather %parallel_loop3A_627[%parallel_loop3A_660] in [0] : vector<16xf32>, vector<16xi32> -> vector<16xf32>
        %parallel_loop3A_662 = arith.mulf %parallel_loop3A_651, %parallel_loop3A_661 : vector<16xf32>
        %parallel_loop3A_663 = arith.index_cast %parallel_loop3A_610 : i32 to index
        %parallel_loop3A_664 = arith.constant 16 : index
        %parallel_loop3A_665 = tpu.vector_load %arg11[%parallel_loop3A_663, %parallel_loop3A_664] {strides = array<i32>} : memref<32x128xf32, #tpu.memory_space<vmem>>, vector<16xf32>,
        tpu.vector_store %arg11[%parallel_loop3A_663, %parallel_loop3A_664], %parallel_loop3A_662 {strides = array<i32>} : memref<32x128xf32, #tpu.memory_space<vmem>>, vector<16xf32>,
        %parallel_loop3A_666 = arith.constant 0 : i32
        %parallel_loop3A_667 = arith.addi %parallel_loop3A_666, %parallel_loop3A_610 : i32
        %parallel_loop3A_668 = arith.index_cast %parallel_loop3A_667 : i32 to index
        %parallel_loop3A_669 = arith.constant 32 : index
        %parallel_loop3A_670 = tpu.vector_load %arg8[%parallel_loop3A_668, %parallel_loop3A_669] {strides = array<i32>} : memref<128x128xf32, #tpu.memory_space<vmem>>, vector<16xf32>,
        %parallel_loop3A_671 = arith.constant 0 : i32
        %parallel_loop3A_672 = vector.broadcast %parallel_loop3A_671 : i32 to vector<16xi32>
        %parallel_loop3A_673 = arith.cmpi slt, %broadcast_in_dim3A_9, %parallel_loop3A_672 : vector<16xi32>
        %parallel_loop3A_674 = arith.constant 16 : i32
        %parallel_loop3A_675 = vector.broadcast %parallel_loop3A_674 : i32 to vector<16xi32>
        %parallel_loop3A_676 = arith.addi %broadcast_in_dim3A_9, %parallel_loop3A_675 : vector<16xi32>
        %parallel_loop3A_677 = arith.select %parallel_loop3A_673, %parallel_loop3A_676, %broadcast_in_dim3A_9 : vector<16xi1>, vector<16xi32>
        %parallel_loop3A_678 = vector.shape_cast %parallel_loop3A_677 : vector<16xi32> to vector<16x1xi32>
        %parallel_loop3A_679 = vector.shape_cast %parallel_loop3A_678 : vector<16x1xi32> to vector<16xi32>
        %parallel_loop3A_680 = tpu.dynamic_gather %parallel_loop3A_627[%parallel_loop3A_679] in [0] : vector<16xf32>, vector<16xi32> -> vector<16xf32>
        %parallel_loop3A_681 = arith.mulf %parallel_loop3A_670, %parallel_loop3A_680 : vector<16xf32>
        %parallel_loop3A_682 = arith.index_cast %parallel_loop3A_610 : i32 to index
        %parallel_loop3A_683 = arith.constant 32 : index
        %parallel_loop3A_684 = tpu.vector_load %arg11[%parallel_loop3A_682, %parallel_loop3A_683] {strides = array<i32>} : memref<32x128xf32, #tpu.memory_space<vmem>>, vector<16xf32>,
        tpu.vector_store %arg11[%parallel_loop3A_682, %parallel_loop3A_683], %parallel_loop3A_681 {strides = array<i32>} : memref<32x128xf32, #tpu.memory_space<vmem>>, vector<16xf32>,
        %parallel_loop3A_685 = arith.constant 0 : i32
        %parallel_loop3A_686 = arith.addi %parallel_loop3A_685, %parallel_loop3A_610 : i32
        %parallel_loop3A_687 = arith.index_cast %parallel_loop3A_686 : i32 to index
        %parallel_loop3A_688 = arith.constant 48 : index
        %parallel_loop3A_689 = tpu.vector_load %arg8[%parallel_loop3A_687, %parallel_loop3A_688] {strides = array<i32>} : memref<128x128xf32, #tpu.memory_space<vmem>>, vector<16xf32>,
        %parallel_loop3A_690 = arith.constant 0 : i32
        %parallel_loop3A_691 = vector.broadcast %parallel_loop3A_690 : i32 to vector<16xi32>
        %parallel_loop3A_692 = arith.cmpi slt, %broadcast_in_dim3A_12, %parallel_loop3A_691 : vector<16xi32>
        %parallel_loop3A_693 = arith.constant 16 : i32
        %parallel_loop3A_694 = vector.broadcast %parallel_loop3A_693 : i32 to vector<16xi32>
        %parallel_loop3A_695 = arith.addi %broadcast_in_dim3A_12, %parallel_loop3A_694 : vector<16xi32>
        %parallel_loop3A_696 = arith.select %parallel_loop3A_692, %parallel_loop3A_695, %broadcast_in_dim3A_12 : vector<16xi1>, vector<16xi32>
        %parallel_loop3A_697 = vector.shape_cast %parallel_loop3A_696 : vector<16xi32> to vector<16x1xi32>
        %parallel_loop3A_698 = vector.shape_cast %parallel_loop3A_697 : vector<16x1xi32> to vector<16xi32>
        %parallel_loop3A_699 = tpu.dynamic_gather %parallel_loop3A_627[%parallel_loop3A_698] in [0] : vector<16xf32>, vector<16xi32> -> vector<16xf32>
        %parallel_loop3A_700 = arith.mulf %parallel_loop3A_689, %parallel_loop3A_699 : vector<16xf32>
        %parallel_loop3A_701 = arith.index_cast %parallel_loop3A_610 : i32 to index
        %parallel_loop3A_702 = arith.constant 48 : index
        %parallel_loop3A_703 = tpu.vector_load %arg11[%parallel_loop3A_701, %parallel_loop3A_702] {strides = array<i32>} : memref<32x128xf32, #tpu.memory_space<vmem>>, vector<16xf32>,
        tpu.vector_store %arg11[%parallel_loop3A_701, %parallel_loop3A_702], %parallel_loop3A_700 {strides = array<i32>} : memref<32x128xf32, #tpu.memory_space<vmem>>, vector<16xf32>,
        %parallel_loop3A_704 = arith.constant 0 : i32
        %parallel_loop3A_705 = vector.broadcast %parallel_loop3A_704 : i32 to vector<16xi32>
        %parallel_loop3A_706 = arith.cmpi slt, %and3A_16, %parallel_loop3A_705 : vector<16xi32>
        %parallel_loop3A_707 = arith.constant 16 : i32
        %parallel_loop3A_708 = vector.broadcast %parallel_loop3A_707 : i32 to vector<16xi32>
        %parallel_loop3A_709 = arith.addi %and3A_16, %parallel_loop3A_708 : vector<16xi32>
        %parallel_loop3A_710 = arith.select %parallel_loop3A_706, %parallel_loop3A_709, %and3A_16 : vector<16xi1>, vector<16xi32>
        %parallel_loop3A_711 = vector.shape_cast %parallel_loop3A_710 : vector<16xi32> to vector<16x1xi32>
        %parallel_loop3A_712 = vector.shape_cast %parallel_loop3A_711 : vector<16x1xi32> to vector<16xi32>
        %parallel_loop3A_713 = tpu.dynamic_gather %parallel_loop3A_627[%parallel_loop3A_712] in [0] : vector<16xf32>, vector<16xi32> -> vector<16xf32>
        %parallel_loop3A_714 = arith.index_cast %parallel_loop3A_610 : i32 to index
        %parallel_loop3A_715 = arith.constant 64 : index
        %parallel_loop3A_716 = tpu.vector_load %arg11[%parallel_loop3A_714, %parallel_loop3A_715] {strides = array<i32>} : memref<32x128xf32, #tpu.memory_space<vmem>>, vector<16xf32>,
        tpu.vector_store %arg11[%parallel_loop3A_714, %parallel_loop3A_715], %parallel_loop3A_713 {strides = array<i32>} : memref<32x128xf32, #tpu.memory_space<vmem>>, vector<16xf32>,
      } {sc.loop_unroll_factor = 4 : i64, sc.parallel_access}
      %dma_start3A_536 = arith.constant 2 : i32
      %dma_start3A_537 = arith.constant 0 : i32
      %dma_start3A_538 = tpu.memref_slice %arg13[%dma_start3A_536, %dma_start3A_537] : memref<4x32xi32, #tpu.memory_space<vmem>> -> memref<1x32xi32, #tpu.memory_space<vmem>>
      %dma_start3A_539 = tpu.memref_squeeze %dma_start3A_538 : memref<1x32xi32, #tpu.memory_space<vmem>> -> memref<32xi32, #tpu.memory_space<vmem>>
      %dma_start3A_540 = arith.constant 0 : i32
      %dma_start3A_541 = arith.constant 0 : i32
      %dma_start3A_542 = tpu.memref_slice %arg15[%dma_start3A_540, %dma_start3A_541] : memref<10000x128xf32, #tpu.memory_space<vmem_shared>> -> memref<10000x128xf32, #tpu.memory_space<vmem_shared>>
      tpu.enqueue_indirect_dma source(%arg11 : memref<32x128xf32, #tpu.memory_space<vmem>>) target(%dma_start3A_542 : memref<10000x128xf32, #tpu.memory_space<vmem_shared>>) offsets(%dma_start3A_539 : memref<32xi32, #tpu.memory_space<vmem>>) semaphore(%arg20 : memref<!tpu.dma_semaphore, #tpu.memory_space<semaphore_mem>>) {add = true}
      %mul3A_543 = arith.constant 8 : i32
      %mul3A_544 = arith.muli %scan3A_204, %mul3A_543 : i32
      %add3A_545 = arith.constant 6 : i32
      %add3A_546 = arith.addi %mul3A_544, %add3A_545 : i32
      %add3A_547 = arith.constant 8 : i32
      %add3A_548 = arith.addi %add3A_546, %add3A_547 : i32
      %lt3A_549 = arith.constant 640 : i32
      %lt3A_550 = arith.cmpi slt, %add3A_548, %lt3A_549 : i32
      %convert_element_type3A_551 = arith.extui %lt3A_550 : i1 to i32
      %cond3A_552 = arith.constant 0 : i32
      %cond3A_553 = arith.cmpi ne, %convert_element_type3A_551, %cond3A_552 : i32
      scf.if %cond3A_553 {
        %add3A_610 = arith.constant 8 : i32
        %add3A_611 = arith.addi %add3A_508, %add3A_610 : i32
        %mul3A_612 = arith.constant 64 : i32
        %mul3A_613 = arith.muli %add3A_611, %mul3A_612 : i32
        %add3A_614 = arith.addi %mul3A_51, %mul3A_613 : i32
        %dma_start3A_615 = arith.constant 384 : i32
        %dma_start3A_616 = tpu.memref_slice %arg6[%dma_start3A_615] : memref<512xi32, #tpu.memory_space<vmem>> -> memref<64xi32, #tpu.memory_space<vmem>>
        %dma_start3A_617 = tpu.memref_slice %arg4[%add3A_614] : memref<1310720xi32, #tpu.memory_space<hbm>> -> memref<64xi32, #tpu.memory_space<hbm>>
        %dma_start3A_618 = arith.constant 384 : i32
        %dma_start3A_619 = tpu.memref_slice %arg6[%dma_start3A_618] : memref<512xi32, #tpu.memory_space<vmem>> -> memref<64xi32, #tpu.memory_space<vmem>>
        %dma_start3A_620 = tpu.memref_slice %arg4[%add3A_614] : memref<1310720xi32, #tpu.memory_space<hbm>> -> memref<64xi32, #tpu.memory_space<hbm>>
        tpu.enqueue_dma source(%dma_start3A_620 : memref<64xi32, #tpu.memory_space<hbm>>) target(%dma_start3A_619 : memref<64xi32, #tpu.memory_space<vmem>>) target_semaphore(%arg28 : memref<!tpu.dma_semaphore, #tpu.memory_space<semaphore_mem>>)
      } else {
      }
      %mul3A_554 = arith.constant 8 : i32
      %mul3A_555 = arith.muli %scan3A_204, %mul3A_554 : i32
      %add3A_556 = arith.constant 7 : i32
      %add3A_557 = arith.addi %mul3A_555, %add3A_556 : i32
      %dma_wait3A_558 = arith.constant 3 : i32
      %dma_wait3A_559 = arith.constant 0 : i32
      %dma_wait3A_560 = tpu.memref_slice %arg13[%dma_wait3A_558, %dma_wait3A_559] : memref<4x32xi32, #tpu.memory_space<vmem>> -> memref<1x32xi32, #tpu.memory_space<vmem>>
      %dma_wait3A_561 = tpu.memref_squeeze %dma_wait3A_560 : memref<1x32xi32, #tpu.memory_space<vmem>> -> memref<32xi32, #tpu.memory_space<vmem>>
      %dma_wait3A_562 = arith.constant 0 : i32
      %dma_wait3A_563 = arith.constant 0 : i32
      %dma_wait3A_564 = tpu.memref_slice %arg15[%dma_wait3A_562, %dma_wait3A_563] : memref<10000x128xf32, #tpu.memory_space<vmem_shared>> -> memref<10000x128xf32, #tpu.memory_space<vmem_shared>>
      tpu.wait_indirect_dma semaphore(%arg21 : memref<!tpu.dma_semaphore, #tpu.memory_space<semaphore_mem>>) src(%arg12 : memref<32x128xf32, #tpu.memory_space<vmem>>) dst(%dma_wait3A_564 : memref<10000x128xf32, #tpu.memory_space<vmem_shared>>)
      %get3A_565 = arith.constant 480 : index
      %get3A_566 = tpu.vector_load %arg6[%get3A_565] {strides = array<i32>} : memref<512xi32, #tpu.memory_space<vmem>>, vector<16xi32>,
      %swap3A_567 = arith.constant 3 : i32
      %swap3A_568 = arith.index_cast %swap3A_567 : i32 to index
      %swap3A_569 = arith.constant 0 : index
      %swap3A_570 = tpu.vector_load %arg13[%swap3A_568, %swap3A_569] {strides = array<i32>} : memref<4x32xi32, #tpu.memory_space<vmem>>, vector<16xi32>,
      tpu.vector_store %arg13[%swap3A_568, %swap3A_569], %get3A_566 {strides = array<i32>} : memref<4x32xi32, #tpu.memory_space<vmem>>, vector<16xi32>,
      %get3A_571 = arith.constant 496 : index
      %get3A_572 = tpu.vector_load %arg6[%get3A_571] {strides = array<i32>} : memref<512xi32, #tpu.memory_space<vmem>>, vector<16xi32>,
      %swap3A_573 = arith.constant 3 : i32
      %swap3A_574 = arith.index_cast %swap3A_573 : i32 to index
      %swap3A_575 = arith.constant 16 : index
      %swap3A_576 = tpu.vector_load %arg13[%swap3A_574, %swap3A_575] {strides = array<i32>} : memref<4x32xi32, #tpu.memory_space<vmem>>, vector<16xi32>,
      tpu.vector_store %arg13[%swap3A_574, %swap3A_575], %get3A_572 {strides = array<i32>} : memref<4x32xi32, #tpu.memory_space<vmem>>, vector<16xi32>,
      %parallel_loop3A_577 = arith.constant 0 : i32
      %parallel_loop3A_578 = arith.constant 32 : i32
      %parallel_loop3A_579 = arith.constant 1 : i32
      scf.for %parallel_loop3A_610 = %parallel_loop3A_577 to %parallel_loop3A_578 step %parallel_loop3A_579  : i32 {
        %parallel_loop3A_611 = arith.constant 64 : i32
        %parallel_loop3A_612 = arith.addi %parallel_loop3A_611, %parallel_loop3A_610 : i32
        %parallel_loop3A_613 = arith.index_cast %parallel_loop3A_612 : i32 to index
        %parallel_loop3A_614 = arith.constant 64 : index
        %parallel_loop3A_615 = tpu.vector_load %arg8[%parallel_loop3A_613, %parallel_loop3A_614] {strides = array<i32>} : memref<128x128xf32, #tpu.memory_space<vmem>>, vector<16xf32>,
        %parallel_loop3A_616 = arith.constant 96 : i32
        %parallel_loop3A_617 = arith.addi %parallel_loop3A_616, %parallel_loop3A_610 : i32
        %parallel_loop3A_618 = arith.index_cast %parallel_loop3A_617 : i32 to index
        %parallel_loop3A_619 = arith.constant 80 : index
        %parallel_loop3A_620 = tpu.vector_load %arg8[%parallel_loop3A_618, %parallel_loop3A_619] {strides = array<i32>} : memref<128x128xf32, #tpu.memory_space<vmem>>, vector<16xf32>,
        %parallel_loop3A_621 = arith.addf %parallel_loop3A_615, %parallel_loop3A_620 : vector<16xf32>
        %parallel_loop3A_622 = arith.constant 2.000000e-01 : f32
        %parallel_loop3A_623 = vector.broadcast %parallel_loop3A_622 : f32 to vector<16xf32>
        %parallel_loop3A_624 = arith.mulf %parallel_loop3A_621, %parallel_loop3A_623 : vector<16xf32>
        %parallel_loop3A_625 = arith.maximumf %parallel_loop3A_621, %parallel_loop3A_624 : vector<16xf32>
        %parallel_loop3A_626 = arith.subf %parallel_loop3A_625, %max3A : vector<16xf32>
        %parallel_loop3A_627 = math.exp %parallel_loop3A_626 : vector<16xf32>
        %parallel_loop3A_628 = arith.constant 64 : i32
        %parallel_loop3A_629 = arith.addi %parallel_loop3A_628, %parallel_loop3A_610 : i32
        %parallel_loop3A_630 = arith.index_cast %parallel_loop3A_629 : i32 to index
        %parallel_loop3A_631 = arith.constant 0 : index
        %parallel_loop3A_632 = tpu.vector_load %arg8[%parallel_loop3A_630, %parallel_loop3A_631] {strides = array<i32>} : memref<128x128xf32, #tpu.memory_space<vmem>>, vector<16xf32>,
        %parallel_loop3A_633 = arith.constant 0 : i32
        %parallel_loop3A_634 = vector.broadcast %parallel_loop3A_633 : i32 to vector<16xi32>
        %parallel_loop3A_635 = arith.cmpi slt, %broadcast_in_dim3A_3, %parallel_loop3A_634 : vector<16xi32>
        %parallel_loop3A_636 = arith.constant 16 : i32
        %parallel_loop3A_637 = vector.broadcast %parallel_loop3A_636 : i32 to vector<16xi32>
        %parallel_loop3A_638 = arith.addi %broadcast_in_dim3A_3, %parallel_loop3A_637 : vector<16xi32>
        %parallel_loop3A_639 = arith.select %parallel_loop3A_635, %parallel_loop3A_638, %broadcast_in_dim3A_3 : vector<16xi1>, vector<16xi32>
        %parallel_loop3A_640 = vector.shape_cast %parallel_loop3A_639 : vector<16xi32> to vector<16x1xi32>
        %parallel_loop3A_641 = vector.shape_cast %parallel_loop3A_640 : vector<16x1xi32> to vector<16xi32>
        %parallel_loop3A_642 = tpu.dynamic_gather %parallel_loop3A_627[%parallel_loop3A_641] in [0] : vector<16xf32>, vector<16xi32> -> vector<16xf32>
        %parallel_loop3A_643 = arith.mulf %parallel_loop3A_632, %parallel_loop3A_642 : vector<16xf32>
        %parallel_loop3A_644 = arith.index_cast %parallel_loop3A_610 : i32 to index
        %parallel_loop3A_645 = arith.constant 0 : index
        %parallel_loop3A_646 = tpu.vector_load %arg12[%parallel_loop3A_644, %parallel_loop3A_645] {strides = array<i32>} : memref<32x128xf32, #tpu.memory_space<vmem>>, vector<16xf32>,
        tpu.vector_store %arg12[%parallel_loop3A_644, %parallel_loop3A_645], %parallel_loop3A_643 {strides = array<i32>} : memref<32x128xf32, #tpu.memory_space<vmem>>, vector<16xf32>,
        %parallel_loop3A_647 = arith.constant 64 : i32
        %parallel_loop3A_648 = arith.addi %parallel_loop3A_647, %parallel_loop3A_610 : i32
        %parallel_loop3A_649 = arith.index_cast %parallel_loop3A_648 : i32 to index
        %parallel_loop3A_650 = arith.constant 16 : index
        %parallel_loop3A_651 = tpu.vector_load %arg8[%parallel_loop3A_649, %parallel_loop3A_650] {strides = array<i32>} : memref<128x128xf32, #tpu.memory_space<vmem>>, vector<16xf32>,
        %parallel_loop3A_652 = arith.constant 0 : i32
        %parallel_loop3A_653 = vector.broadcast %parallel_loop3A_652 : i32 to vector<16xi32>
        %parallel_loop3A_654 = arith.cmpi slt, %broadcast_in_dim3A_6, %parallel_loop3A_653 : vector<16xi32>
        %parallel_loop3A_655 = arith.constant 16 : i32
        %parallel_loop3A_656 = vector.broadcast %parallel_loop3A_655 : i32 to vector<16xi32>
        %parallel_loop3A_657 = arith.addi %broadcast_in_dim3A_6, %parallel_loop3A_656 : vector<16xi32>
        %parallel_loop3A_658 = arith.select %parallel_loop3A_654, %parallel_loop3A_657, %broadcast_in_dim3A_6 : vector<16xi1>, vector<16xi32>
        %parallel_loop3A_659 = vector.shape_cast %parallel_loop3A_658 : vector<16xi32> to vector<16x1xi32>
        %parallel_loop3A_660 = vector.shape_cast %parallel_loop3A_659 : vector<16x1xi32> to vector<16xi32>
        %parallel_loop3A_661 = tpu.dynamic_gather %parallel_loop3A_627[%parallel_loop3A_660] in [0] : vector<16xf32>, vector<16xi32> -> vector<16xf32>
        %parallel_loop3A_662 = arith.mulf %parallel_loop3A_651, %parallel_loop3A_661 : vector<16xf32>
        %parallel_loop3A_663 = arith.index_cast %parallel_loop3A_610 : i32 to index
        %parallel_loop3A_664 = arith.constant 16 : index
        %parallel_loop3A_665 = tpu.vector_load %arg12[%parallel_loop3A_663, %parallel_loop3A_664] {strides = array<i32>} : memref<32x128xf32, #tpu.memory_space<vmem>>, vector<16xf32>,
        tpu.vector_store %arg12[%parallel_loop3A_663, %parallel_loop3A_664], %parallel_loop3A_662 {strides = array<i32>} : memref<32x128xf32, #tpu.memory_space<vmem>>, vector<16xf32>,
        %parallel_loop3A_666 = arith.constant 64 : i32
        %parallel_loop3A_667 = arith.addi %parallel_loop3A_666, %parallel_loop3A_610 : i32
        %parallel_loop3A_668 = arith.index_cast %parallel_loop3A_667 : i32 to index
        %parallel_loop3A_669 = arith.constant 32 : index
        %parallel_loop3A_670 = tpu.vector_load %arg8[%parallel_loop3A_668, %parallel_loop3A_669] {strides = array<i32>} : memref<128x128xf32, #tpu.memory_space<vmem>>, vector<16xf32>,
        %parallel_loop3A_671 = arith.constant 0 : i32
        %parallel_loop3A_672 = vector.broadcast %parallel_loop3A_671 : i32 to vector<16xi32>
        %parallel_loop3A_673 = arith.cmpi slt, %broadcast_in_dim3A_9, %parallel_loop3A_672 : vector<16xi32>
        %parallel_loop3A_674 = arith.constant 16 : i32
        %parallel_loop3A_675 = vector.broadcast %parallel_loop3A_674 : i32 to vector<16xi32>
        %parallel_loop3A_676 = arith.addi %broadcast_in_dim3A_9, %parallel_loop3A_675 : vector<16xi32>
        %parallel_loop3A_677 = arith.select %parallel_loop3A_673, %parallel_loop3A_676, %broadcast_in_dim3A_9 : vector<16xi1>, vector<16xi32>
        %parallel_loop3A_678 = vector.shape_cast %parallel_loop3A_677 : vector<16xi32> to vector<16x1xi32>
        %parallel_loop3A_679 = vector.shape_cast %parallel_loop3A_678 : vector<16x1xi32> to vector<16xi32>
        %parallel_loop3A_680 = tpu.dynamic_gather %parallel_loop3A_627[%parallel_loop3A_679] in [0] : vector<16xf32>, vector<16xi32> -> vector<16xf32>
        %parallel_loop3A_681 = arith.mulf %parallel_loop3A_670, %parallel_loop3A_680 : vector<16xf32>
        %parallel_loop3A_682 = arith.index_cast %parallel_loop3A_610 : i32 to index
        %parallel_loop3A_683 = arith.constant 32 : index
        %parallel_loop3A_684 = tpu.vector_load %arg12[%parallel_loop3A_682, %parallel_loop3A_683] {strides = array<i32>} : memref<32x128xf32, #tpu.memory_space<vmem>>, vector<16xf32>,
        tpu.vector_store %arg12[%parallel_loop3A_682, %parallel_loop3A_683], %parallel_loop3A_681 {strides = array<i32>} : memref<32x128xf32, #tpu.memory_space<vmem>>, vector<16xf32>,
        %parallel_loop3A_685 = arith.constant 64 : i32
        %parallel_loop3A_686 = arith.addi %parallel_loop3A_685, %parallel_loop3A_610 : i32
        %parallel_loop3A_687 = arith.index_cast %parallel_loop3A_686 : i32 to index
        %parallel_loop3A_688 = arith.constant 48 : index
        %parallel_loop3A_689 = tpu.vector_load %arg8[%parallel_loop3A_687, %parallel_loop3A_688] {strides = array<i32>} : memref<128x128xf32, #tpu.memory_space<vmem>>, vector<16xf32>,
        %parallel_loop3A_690 = arith.constant 0 : i32
        %parallel_loop3A_691 = vector.broadcast %parallel_loop3A_690 : i32 to vector<16xi32>
        %parallel_loop3A_692 = arith.cmpi slt, %broadcast_in_dim3A_12, %parallel_loop3A_691 : vector<16xi32>
        %parallel_loop3A_693 = arith.constant 16 : i32
        %parallel_loop3A_694 = vector.broadcast %parallel_loop3A_693 : i32 to vector<16xi32>
        %parallel_loop3A_695 = arith.addi %broadcast_in_dim3A_12, %parallel_loop3A_694 : vector<16xi32>
        %parallel_loop3A_696 = arith.select %parallel_loop3A_692, %parallel_loop3A_695, %broadcast_in_dim3A_12 : vector<16xi1>, vector<16xi32>
        %parallel_loop3A_697 = vector.shape_cast %parallel_loop3A_696 : vector<16xi32> to vector<16x1xi32>
        %parallel_loop3A_698 = vector.shape_cast %parallel_loop3A_697 : vector<16x1xi32> to vector<16xi32>
        %parallel_loop3A_699 = tpu.dynamic_gather %parallel_loop3A_627[%parallel_loop3A_698] in [0] : vector<16xf32>, vector<16xi32> -> vector<16xf32>
        %parallel_loop3A_700 = arith.mulf %parallel_loop3A_689, %parallel_loop3A_699 : vector<16xf32>
        %parallel_loop3A_701 = arith.index_cast %parallel_loop3A_610 : i32 to index
        %parallel_loop3A_702 = arith.constant 48 : index
        %parallel_loop3A_703 = tpu.vector_load %arg12[%parallel_loop3A_701, %parallel_loop3A_702] {strides = array<i32>} : memref<32x128xf32, #tpu.memory_space<vmem>>, vector<16xf32>,
        tpu.vector_store %arg12[%parallel_loop3A_701, %parallel_loop3A_702], %parallel_loop3A_700 {strides = array<i32>} : memref<32x128xf32, #tpu.memory_space<vmem>>, vector<16xf32>,
        %parallel_loop3A_704 = arith.constant 0 : i32
        %parallel_loop3A_705 = vector.broadcast %parallel_loop3A_704 : i32 to vector<16xi32>
        %parallel_loop3A_706 = arith.cmpi slt, %and3A_16, %parallel_loop3A_705 : vector<16xi32>
        %parallel_loop3A_707 = arith.constant 16 : i32
        %parallel_loop3A_708 = vector.broadcast %parallel_loop3A_707 : i32 to vector<16xi32>
        %parallel_loop3A_709 = arith.addi %and3A_16, %parallel_loop3A_708 : vector<16xi32>
        %parallel_loop3A_710 = arith.select %parallel_loop3A_706, %parallel_loop3A_709, %and3A_16 : vector<16xi1>, vector<16xi32>
        %parallel_loop3A_711 = vector.shape_cast %parallel_loop3A_710 : vector<16xi32> to vector<16x1xi32>
        %parallel_loop3A_712 = vector.shape_cast %parallel_loop3A_711 : vector<16x1xi32> to vector<16xi32>
        %parallel_loop3A_713 = tpu.dynamic_gather %parallel_loop3A_627[%parallel_loop3A_712] in [0] : vector<16xf32>, vector<16xi32> -> vector<16xf32>
        %parallel_loop3A_714 = arith.index_cast %parallel_loop3A_610 : i32 to index
        %parallel_loop3A_715 = arith.constant 64 : index
        %parallel_loop3A_716 = tpu.vector_load %arg12[%parallel_loop3A_714, %parallel_loop3A_715] {strides = array<i32>} : memref<32x128xf32, #tpu.memory_space<vmem>>, vector<16xf32>,
        tpu.vector_store %arg12[%parallel_loop3A_714, %parallel_loop3A_715], %parallel_loop3A_713 {strides = array<i32>} : memref<32x128xf32, #tpu.memory_space<vmem>>, vector<16xf32>,
      } {sc.loop_unroll_factor = 4 : i64, sc.parallel_access}
      %dma_start3A_580 = arith.constant 3 : i32
      %dma_start3A_581 = arith.constant 0 : i32
      %dma_start3A_582 = tpu.memref_slice %arg13[%dma_start3A_580, %dma_start3A_581] : memref<4x32xi32, #tpu.memory_space<vmem>> -> memref<1x32xi32, #tpu.memory_space<vmem>>
      %dma_start3A_583 = tpu.memref_squeeze %dma_start3A_582 : memref<1x32xi32, #tpu.memory_space<vmem>> -> memref<32xi32, #tpu.memory_space<vmem>>
      %dma_start3A_584 = arith.constant 0 : i32
      %dma_start3A_585 = arith.constant 0 : i32
      %dma_start3A_586 = tpu.memref_slice %arg15[%dma_start3A_584, %dma_start3A_585] : memref<10000x128xf32, #tpu.memory_space<vmem_shared>> -> memref<10000x128xf32, #tpu.memory_space<vmem_shared>>
      tpu.enqueue_indirect_dma source(%arg12 : memref<32x128xf32, #tpu.memory_space<vmem>>) target(%dma_start3A_586 : memref<10000x128xf32, #tpu.memory_space<vmem_shared>>) offsets(%dma_start3A_583 : memref<32xi32, #tpu.memory_space<vmem>>) semaphore(%arg21 : memref<!tpu.dma_semaphore, #tpu.memory_space<semaphore_mem>>) {add = true}
      %mul3A_587 = arith.constant 8 : i32
      %mul3A_588 = arith.muli %scan3A_204, %mul3A_587 : i32
      %add3A_589 = arith.constant 7 : i32
      %add3A_590 = arith.addi %mul3A_588, %add3A_589 : i32
      %add3A_591 = arith.constant 3 : i32
      %add3A_592 = arith.addi %add3A_590, %add3A_591 : i32
      %lt3A_593 = arith.constant 640 : i32
      %lt3A_594 = arith.cmpi slt, %add3A_592, %lt3A_593 : i32
      %convert_element_type3A_595 = arith.extui %lt3A_594 : i1 to i32
      %cond3A_596 = arith.constant 0 : i32
      %cond3A_597 = arith.cmpi ne, %convert_element_type3A_595, %cond3A_596 : i32
      scf.if %cond3A_597 {
        %add3A_610 = arith.constant 3 : i32
        %add3A_611 = arith.addi %add3A_557, %add3A_610 : i32
        %mul3A_612 = arith.constant 64 : i32
        %mul3A_613 = arith.muli %add3A_611, %mul3A_612 : i32
        %add3A_614 = arith.addi %mul3A_51, %mul3A_613 : i32
        %dma_wait3A_615 = arith.constant 128 : i32
        %dma_wait3A_616 = tpu.memref_slice %arg6[%dma_wait3A_615] : memref<512xi32, #tpu.memory_space<vmem>> -> memref<64xi32, #tpu.memory_space<vmem>>
        %dma_wait3A_617 = tpu.memref_slice %arg4[%add3A_614] : memref<1310720xi32, #tpu.memory_space<hbm>> -> memref<64xi32, #tpu.memory_space<hbm>>
        %dma_wait3A_618 = arith.constant 128 : i32
        %dma_wait3A_619 = tpu.memref_slice %arg6[%dma_wait3A_618] : memref<512xi32, #tpu.memory_space<vmem>> -> memref<64xi32, #tpu.memory_space<vmem>>
        %dma_wait3A_620 = tpu.memref_slice %arg4[%add3A_614] : memref<1310720xi32, #tpu.memory_space<hbm>> -> memref<64xi32, #tpu.memory_space<hbm>>
        tpu.wait_dma2 semaphore(%arg24 : memref<!tpu.dma_semaphore, #tpu.memory_space<semaphore_mem>>) src(%dma_wait3A_620 : memref<64xi32, #tpu.memory_space<hbm>>) dst(%dma_wait3A_619 : memref<64xi32, #tpu.memory_space<vmem>>)
        %add3A_621 = arith.constant 4 : i32
        %add3A_622 = arith.addi %add3A_557, %add3A_621 : i32
        %mul3A_623 = arith.constant 64 : i32
        %mul3A_624 = arith.muli %add3A_622, %mul3A_623 : i32
        %add3A_625 = arith.addi %mul3A_51, %mul3A_624 : i32
        %dma_wait3A_626 = arith.constant 192 : i32
        %dma_wait3A_627 = tpu.memref_slice %arg6[%dma_wait3A_626] : memref<512xi32, #tpu.memory_space<vmem>> -> memref<64xi32, #tpu.memory_space<vmem>>
        %dma_wait3A_628 = tpu.memref_slice %arg4[%add3A_625] : memref<1310720xi32, #tpu.memory_space<hbm>> -> memref<64xi32, #tpu.memory_space<hbm>>
        %dma_wait3A_629 = arith.constant 192 : i32
        %dma_wait3A_630 = tpu.memref_slice %arg6[%dma_wait3A_629] : memref<512xi32, #tpu.memory_space<vmem>> -> memref<64xi32, #tpu.memory_space<vmem>>
        %dma_wait3A_631 = tpu.memref_slice %arg4[%add3A_625] : memref<1310720xi32, #tpu.memory_space<hbm>> -> memref<64xi32, #tpu.memory_space<hbm>>
        tpu.wait_dma2 semaphore(%arg25 : memref<!tpu.dma_semaphore, #tpu.memory_space<semaphore_mem>>) src(%dma_wait3A_631 : memref<64xi32, #tpu.memory_space<hbm>>) dst(%dma_wait3A_630 : memref<64xi32, #tpu.memory_space<vmem>>)
        %add3A_632 = arith.constant 3 : i32
        %add3A_633 = arith.addi %add3A_557, %add3A_632 : i32
        %dma_start3A_634 = arith.constant 128 : i32
        %dma_start3A_635 = tpu.memref_slice %arg6[%dma_start3A_634] : memref<512xi32, #tpu.memory_space<vmem>> -> memref<128xi32, #tpu.memory_space<vmem>>
        %dma_start3A_636 = arith.constant 0 : i32
        %dma_start3A_637 = arith.constant 0 : i32
        %dma_start3A_638 = tpu.memref_slice %arg2[%dma_start3A_636, %dma_start3A_637] : memref<20008x128xf32, #tpu.memory_space<hbm>> -> memref<20008x128xf32, #tpu.memory_space<hbm>>
        tpu.enqueue_indirect_dma source(%dma_start3A_638 : memref<20008x128xf32, #tpu.memory_space<hbm>>) target(%arg8 : memref<128x128xf32, #tpu.memory_space<vmem>>) offsets(%dma_start3A_635 : memref<128xi32, #tpu.memory_space<vmem>>) semaphore(%arg17 : memref<!tpu.dma_semaphore, #tpu.memory_space<semaphore_mem>>)
      } else {
      }
      %mul3A_598 = arith.constant 8 : i32
      %mul3A_599 = arith.muli %scan3A_204, %mul3A_598 : i32
      %add3A_600 = arith.constant 7 : i32
      %add3A_601 = arith.addi %mul3A_599, %add3A_600 : i32
      %add3A_602 = arith.constant 8 : i32
      %add3A_603 = arith.addi %add3A_601, %add3A_602 : i32
      %lt3A_604 = arith.constant 640 : i32
      %lt3A_605 = arith.cmpi slt, %add3A_603, %lt3A_604 : i32
      %convert_element_type3A_606 = arith.extui %lt3A_605 : i1 to i32
      %cond3A_607 = arith.constant 0 : i32
      %cond3A_608 = arith.cmpi ne, %convert_element_type3A_606, %cond3A_607 : i32
      scf.if %cond3A_608 {
        %add3A_610 = arith.constant 8 : i32
        %add3A_611 = arith.addi %add3A_557, %add3A_610 : i32
        %mul3A_612 = arith.constant 64 : i32
        %mul3A_613 = arith.muli %add3A_611, %mul3A_612 : i32
        %add3A_614 = arith.addi %mul3A_51, %mul3A_613 : i32
        %dma_start3A_615 = arith.constant 448 : i32
        %dma_start3A_616 = tpu.memref_slice %arg6[%dma_start3A_615] : memref<512xi32, #tpu.memory_space<vmem>> -> memref<64xi32, #tpu.memory_space<vmem>>
        %dma_start3A_617 = tpu.memref_slice %arg4[%add3A_614] : memref<1310720xi32, #tpu.memory_space<hbm>> -> memref<64xi32, #tpu.memory_space<hbm>>
        %dma_start3A_618 = arith.constant 448 : i32
        %dma_start3A_619 = tpu.memref_slice %arg6[%dma_start3A_618] : memref<512xi32, #tpu.memory_space<vmem>> -> memref<64xi32, #tpu.memory_space<vmem>>
        %dma_start3A_620 = tpu.memref_slice %arg4[%add3A_614] : memref<1310720xi32, #tpu.memory_space<hbm>> -> memref<64xi32, #tpu.memory_space<hbm>>
        tpu.enqueue_dma source(%dma_start3A_620 : memref<64xi32, #tpu.memory_space<hbm>>) target(%dma_start3A_619 : memref<64xi32, #tpu.memory_space<vmem>>) target_semaphore(%arg29 : memref<!tpu.dma_semaphore, #tpu.memory_space<semaphore_mem>>)
      } else {
      }
      %scan3A_609 = arith.constant 0 : i32
      scf.yield %scan3A_609 : i32
    }
    %scan3A_162 = arith.constant 80 : i32
    %dma_wait3A_163 = arith.constant 0 : i32
    %dma_wait3A_164 = arith.constant 0 : i32
    %dma_wait3A_165 = tpu.memref_slice %arg13[%dma_wait3A_163, %dma_wait3A_164] : memref<4x32xi32, #tpu.memory_space<vmem>> -> memref<1x32xi32, #tpu.memory_space<vmem>>
    %dma_wait3A_166 = tpu.memref_squeeze %dma_wait3A_165 : memref<1x32xi32, #tpu.memory_space<vmem>> -> memref<32xi32, #tpu.memory_space<vmem>>
    %dma_wait3A_167 = arith.constant 0 : i32
    %dma_wait3A_168 = arith.constant 0 : i32
    %dma_wait3A_169 = tpu.memref_slice %arg15[%dma_wait3A_167, %dma_wait3A_168] : memref<10000x128xf32, #tpu.memory_space<vmem_shared>> -> memref<10000x128xf32, #tpu.memory_space<vmem_shared>>
    tpu.wait_indirect_dma semaphore(%arg18 : memref<!tpu.dma_semaphore, #tpu.memory_space<semaphore_mem>>) src(%arg9 : memref<32x128xf32, #tpu.memory_space<vmem>>) dst(%dma_wait3A_169 : memref<10000x128xf32, #tpu.memory_space<vmem_shared>>)
    %dma_wait3A_170 = arith.constant 1 : i32
    %dma_wait3A_171 = arith.constant 0 : i32
    %dma_wait3A_172 = tpu.memref_slice %arg13[%dma_wait3A_170, %dma_wait3A_171] : memref<4x32xi32, #tpu.memory_space<vmem>> -> memref<1x32xi32, #tpu.memory_space<vmem>>
    %dma_wait3A_173 = tpu.memref_squeeze %dma_wait3A_172 : memref<1x32xi32, #tpu.memory_space<vmem>> -> memref<32xi32, #tpu.memory_space<vmem>>
    %dma_wait3A_174 = arith.constant 0 : i32
    %dma_wait3A_175 = arith.constant 0 : i32
    %dma_wait3A_176 = tpu.memref_slice %arg15[%dma_wait3A_174, %dma_wait3A_175] : memref<10000x128xf32, #tpu.memory_space<vmem_shared>> -> memref<10000x128xf32, #tpu.memory_space<vmem_shared>>
    tpu.wait_indirect_dma semaphore(%arg19 : memref<!tpu.dma_semaphore, #tpu.memory_space<semaphore_mem>>) src(%arg10 : memref<32x128xf32, #tpu.memory_space<vmem>>) dst(%dma_wait3A_176 : memref<10000x128xf32, #tpu.memory_space<vmem_shared>>)
    %dma_wait3A_177 = arith.constant 2 : i32
    %dma_wait3A_178 = arith.constant 0 : i32
    %dma_wait3A_179 = tpu.memref_slice %arg13[%dma_wait3A_177, %dma_wait3A_178] : memref<4x32xi32, #tpu.memory_space<vmem>> -> memref<1x32xi32, #tpu.memory_space<vmem>>
    %dma_wait3A_180 = tpu.memref_squeeze %dma_wait3A_179 : memref<1x32xi32, #tpu.memory_space<vmem>> -> memref<32xi32, #tpu.memory_space<vmem>>
    %dma_wait3A_181 = arith.constant 0 : i32
    %dma_wait3A_182 = arith.constant 0 : i32
    %dma_wait3A_183 = tpu.memref_slice %arg15[%dma_wait3A_181, %dma_wait3A_182] : memref<10000x128xf32, #tpu.memory_space<vmem_shared>> -> memref<10000x128xf32, #tpu.memory_space<vmem_shared>>
    tpu.wait_indirect_dma semaphore(%arg20 : memref<!tpu.dma_semaphore, #tpu.memory_space<semaphore_mem>>) src(%arg11 : memref<32x128xf32, #tpu.memory_space<vmem>>) dst(%dma_wait3A_183 : memref<10000x128xf32, #tpu.memory_space<vmem_shared>>)
    %dma_wait3A_184 = arith.constant 3 : i32
    %dma_wait3A_185 = arith.constant 0 : i32
    %dma_wait3A_186 = tpu.memref_slice %arg13[%dma_wait3A_184, %dma_wait3A_185] : memref<4x32xi32, #tpu.memory_space<vmem>> -> memref<1x32xi32, #tpu.memory_space<vmem>>
    %dma_wait3A_187 = tpu.memref_squeeze %dma_wait3A_186 : memref<1x32xi32, #tpu.memory_space<vmem>> -> memref<32xi32, #tpu.memory_space<vmem>>
    %dma_wait3A_188 = arith.constant 0 : i32
    %dma_wait3A_189 = arith.constant 0 : i32
    %dma_wait3A_190 = tpu.memref_slice %arg15[%dma_wait3A_188, %dma_wait3A_189] : memref<10000x128xf32, #tpu.memory_space<vmem_shared>> -> memref<10000x128xf32, #tpu.memory_space<vmem_shared>>
    tpu.wait_indirect_dma semaphore(%arg21 : memref<!tpu.dma_semaphore, #tpu.memory_space<semaphore_mem>>) src(%arg12 : memref<32x128xf32, #tpu.memory_space<vmem>>) dst(%dma_wait3A_190 : memref<10000x128xf32, #tpu.memory_space<vmem_shared>>)
    %barrier3A_191 = arith.constant 0 : index
    tpu.barrier barrier_id(%barrier3A_191)
    %while3A_192 = arith.constant 0 : i32
    %while3A_193 = arith.constant 0 : i32
    %while3A_194 = arith.subi %select_n3A, %while3A_192 : i32
    %while3A_195 = arith.addi %while3A_192, %while3A_194 : i32
    %while3A_196 = arith.constant 1 : i32
    %while3A_197 = arith.divsi %while3A_194, %while3A_196 : i32
    %while3A_198 = arith.muli %while3A_197, %while3A_196 : i32
    %while3A_199 = arith.addi %while3A_192, %while3A_198 : i32
    %while3A_200 = arith.constant 1 : i32
    %while3A_201 = scf.for %while3A_204 = %while3A_192 to %while3A_199 step %while3A_200 iter_args(%while3A_205 = %while3A_193) -> (i32)  : i32 {
      %mul3A_206 = arith.constant 624 : i32
      %mul3A_207 = arith.muli %arg1, %mul3A_206 : i32
      %mul3A_208 = arith.constant 16 : i32
      %mul3A_209 = arith.muli %while3A_204, %mul3A_208 : i32
      %add3A_210 = arith.addi %mul3A_207, %mul3A_209 : i32
      %multiple_of3A = tpu.assume_multiple %add3A_210, 16 : i32
      %mul3A_211 = arith.constant 10000 : i32
      %mul3A_212 = arith.muli %arg0, %mul3A_211 : i32
      %add3A_213 = arith.addi %mul3A_212, %multiple_of3A : i32
      "tpu.region"() ({
        %run_scoped3A = tpu.sem_alloc : memref<!tpu.dma_semaphore, #tpu.memory_space<semaphore_mem>>
        %dma_start3A_215 = arith.constant 0 : i32
        %dma_start3A_216 = tpu.memref_slice %arg5[%add3A_213, %dma_start3A_215] : memref<20000x128xf32, #tpu.memory_space<hbm>> -> memref<16x128xf32, #tpu.memory_space<hbm>>
        %dma_start3A_217 = arith.constant 0 : i32
        %dma_start3A_218 = tpu.memref_slice %arg15[%multiple_of3A, %dma_start3A_217] : memref<10000x128xf32, #tpu.memory_space<vmem_shared>> -> memref<16x128xf32, #tpu.memory_space<vmem_shared>>
        tpu.enqueue_dma source(%dma_start3A_218 : memref<16x128xf32, #tpu.memory_space<vmem_shared>>) target(%dma_start3A_216 : memref<16x128xf32, #tpu.memory_space<hbm>>) target_semaphore(%run_scoped3A : memref<!tpu.dma_semaphore, #tpu.memory_space<semaphore_mem>>)
        %dma_wait3A_219 = arith.constant 0 : i32
        %dma_wait3A_220 = tpu.memref_slice %arg5[%add3A_213, %dma_wait3A_219] : memref<20000x128xf32, #tpu.memory_space<hbm>> -> memref<16x128xf32, #tpu.memory_space<hbm>>
        %dma_wait3A_221 = arith.constant 0 : i32
        %dma_wait3A_222 = tpu.memref_slice %arg15[%multiple_of3A, %dma_wait3A_221] : memref<10000x128xf32, #tpu.memory_space<vmem_shared>> -> memref<16x128xf32, #tpu.memory_space<vmem_shared>>
        tpu.wait_dma2 semaphore(%run_scoped3A : memref<!tpu.dma_semaphore, #tpu.memory_space<semaphore_mem>>) src(%dma_wait3A_222 : memref<16x128xf32, #tpu.memory_space<vmem_shared>>) dst(%dma_wait3A_220 : memref<16x128xf32, #tpu.memory_space<hbm>>)
        tpu.yield
      }) : () -> ()
      %while3A_214 = arith.constant 0 : i32
      scf.yield %while3A_214 : i32
    }
    %while3A_202 = arith.constant 1 : i32
    %while3A_203 = scf.for %while3A_204 = %while3A_199 to %while3A_195 step %while3A_202 iter_args(%while3A_205 = %while3A_201) -> (i32)  : i32 {
      %mul3A_206 = arith.constant 624 : i32
      %mul3A_207 = arith.muli %arg1, %mul3A_206 : i32
      %mul3A_208 = arith.constant 16 : i32
      %mul3A_209 = arith.muli %while3A_204, %mul3A_208 : i32
      %add3A_210 = arith.addi %mul3A_207, %mul3A_209 : i32
      %multiple_of3A = tpu.assume_multiple %add3A_210, 16 : i32
      %mul3A_211 = arith.constant 10000 : i32
      %mul3A_212 = arith.muli %arg0, %mul3A_211 : i32
      %add3A_213 = arith.addi %mul3A_212, %multiple_of3A : i32
      "tpu.region"() ({
        %run_scoped3A = tpu.sem_alloc : memref<!tpu.dma_semaphore, #tpu.memory_space<semaphore_mem>>
        %dma_start3A_215 = arith.constant 0 : i32
        %dma_start3A_216 = tpu.memref_slice %arg5[%add3A_213, %dma_start3A_215] : memref<20000x128xf32, #tpu.memory_space<hbm>> -> memref<16x128xf32, #tpu.memory_space<hbm>>
        %dma_start3A_217 = arith.constant 0 : i32
        %dma_start3A_218 = tpu.memref_slice %arg15[%multiple_of3A, %dma_start3A_217] : memref<10000x128xf32, #tpu.memory_space<vmem_shared>> -> memref<16x128xf32, #tpu.memory_space<vmem_shared>>
        tpu.enqueue_dma source(%dma_start3A_218 : memref<16x128xf32, #tpu.memory_space<vmem_shared>>) target(%dma_start3A_216 : memref<16x128xf32, #tpu.memory_space<hbm>>) target_semaphore(%run_scoped3A : memref<!tpu.dma_semaphore, #tpu.memory_space<semaphore_mem>>)
        %dma_wait3A_219 = arith.constant 0 : i32
        %dma_wait3A_220 = tpu.memref_slice %arg5[%add3A_213, %dma_wait3A_219] : memref<20000x128xf32, #tpu.memory_space<hbm>> -> memref<16x128xf32, #tpu.memory_space<hbm>>
        %dma_wait3A_221 = arith.constant 0 : i32
        %dma_wait3A_222 = tpu.memref_slice %arg15[%multiple_of3A, %dma_wait3A_221] : memref<10000x128xf32, #tpu.memory_space<vmem_shared>> -> memref<16x128xf32, #tpu.memory_space<vmem_shared>>
        tpu.wait_dma2 semaphore(%run_scoped3A : memref<!tpu.dma_semaphore, #tpu.memory_space<semaphore_mem>>) src(%dma_wait3A_222 : memref<16x128xf32, #tpu.memory_space<vmem_shared>>) dst(%dma_wait3A_220 : memref<16x128xf32, #tpu.memory_space<hbm>>)
        tpu.yield
      }) : () -> ()
      %while3A_214 = arith.constant 0 : i32
      scf.yield %while3A_214 : i32
    }
    return
  }
}

module attributes {stable_mosaic.version = 14 : i64} {
  func.func @_pre_body(%arg0: i32, %arg1: memref<1000x128xf32, #tpu.memory_space<vmem>>, %arg2: memref<128x128xf32, #tpu.memory_space<vmem>>, %arg3: memref<128x128xf32, #tpu.memory_space<vmem>>, %arg4: memref<128x128xf32, #tpu.memory_space<vmem>>, %arg5: memref<2x1000x128xf32, #tpu.memory_space<vmem>>, %arg6: memref<2x128xf32, #tpu.memory_space<vmem>>) attributes {dimension_semantics = [#tpu.dimension_semantics<arbitrary>], iteration_bounds = array<i64: 10>, scalar_prefetch = 0 : i64, scratch_operands = 0 : i64, tpu.core_type = #tpu.core_type<tc>, window_params = [{transform_indices = @transform_0, window_bounds = array<i64: 1000, 128>}, {pipeline_mode = #tpu.pipeline_mode<synchronous>, transform_indices = @transform_1, window_bounds = array<i64: 128, 128>}, {pipeline_mode = #tpu.pipeline_mode<synchronous>, transform_indices = @transform_2, window_bounds = array<i64: 128, 128>}, {pipeline_mode = #tpu.pipeline_mode<synchronous>, transform_indices = @transform_3, window_bounds = array<i64: 128, 128>}, {transform_indices = @transform_4, window_bounds = array<i64: 2, 1000, 128>}, {pipeline_mode = #tpu.pipeline_mode<synchronous>, transform_indices = @transform_5, window_bounds = array<i64: 2, 128>}]} {
    %get3A = arith.constant 0 : index
    %get3A_0 = arith.constant 0 : index
    %get3A_1 = vector.load %arg1[%get3A, %get3A_0] : memref<1000x128xf32, #tpu.memory_space<vmem>>, vector<1000x128xf32>
    %get3A_2 = arith.constant 0 : index
    %get3A_3 = arith.constant 0 : index
    %get3A_4 = vector.load %arg2[%get3A_2, %get3A_3] : memref<128x128xf32, #tpu.memory_space<vmem>>, vector<128x128xf32>
    %dot_general3A = arith.constant dense<0.000000e+00> : vector<1000x128xf32>
    %dot_general3A_5 = tpu.matmul %get3A_1, %get3A_4, %dot_general3A {dimension_numbers = #tpu.dot_dimension_numbers<[1], [0], [0], [1], [0, 0, 1, 1], [], []>, transpose_lhs_hint = false} : vector<1000x128xf32>, vector<128x128xf32>, vector<1000x128xf32> -> vector<1000x128xf32>
    %get3A_6 = arith.constant 0 : index
    %get3A_7 = arith.constant 0 : index
    %get3A_8 = vector.load %arg3[%get3A_6, %get3A_7] : memref<128x128xf32, #tpu.memory_space<vmem>>, vector<128x128xf32>
    %dot_general3A_9 = arith.constant dense<0.000000e+00> : vector<1000x128xf32>
    %dot_general3A_10 = tpu.matmul %dot_general3A_5, %get3A_8, %dot_general3A_9 {dimension_numbers = #tpu.dot_dimension_numbers<[1], [0], [0], [1], [0, 0, 1, 1], [], []>, transpose_lhs_hint = false} : vector<1000x128xf32>, vector<128x128xf32>, vector<1000x128xf32> -> vector<1000x128xf32>
    %get3A_11 = arith.constant 0 : index
    %get3A_12 = arith.constant 0 : index
    %get3A_13 = vector.load %arg4[%get3A_11, %get3A_12] : memref<128x128xf32, #tpu.memory_space<vmem>>, vector<128x128xf32>
    %dot_general3A_14 = arith.constant dense<0.000000e+00> : vector<1000x128xf32>
    %dot_general3A_15 = tpu.matmul %dot_general3A_5, %get3A_13, %dot_general3A_14 {dimension_numbers = #tpu.dot_dimension_numbers<[1], [0], [0], [1], [0, 0, 1, 1], [], []>, transpose_lhs_hint = false} : vector<1000x128xf32>, vector<128x128xf32>, vector<1000x128xf32> -> vector<1000x128xf32>
    %broadcast_in_dim3A = arith.constant 0.000000e+00 : f32
    %broadcast_in_dim3A_16 = vector.broadcast %broadcast_in_dim3A : f32 to vector<1000x32xf32>
    %slice3A = vector.extract_strided_slice %dot_general3A_5 {offsets = [0, 0], sizes = [1000, 64], strides = [1, 1]} : vector<1000x128xf32> to vector<1000x64xf32>
    %slice3A_17 = vector.extract_strided_slice %dot_general3A_10 {offsets = [0, 0], sizes = [1000, 16], strides = [1, 1]} : vector<1000x128xf32> to vector<1000x16xf32>
    %slice3A_18 = vector.extract_strided_slice %dot_general3A_15 {offsets = [0, 0], sizes = [1000, 16], strides = [1, 1]} : vector<1000x128xf32> to vector<1000x16xf32>
    %concatenate3A = tpu.concatenate %slice3A, %slice3A_17, %slice3A_18, %broadcast_in_dim3A_16 in 1 : vector<1000x64xf32>, vector<1000x16xf32>, vector<1000x16xf32>, vector<1000x32xf32> -> vector<1000x128xf32>
    %swap3A = arith.constant 0 : index
    %swap3A_19 = arith.constant 0 : index
    %swap3A_20 = arith.constant 0 : index
    %swap3A_21 = vector.load %arg5[%swap3A, %swap3A_19, %swap3A_20] : memref<2x1000x128xf32, #tpu.memory_space<vmem>>, vector<1x1000x128xf32>
    %swap3A_22 = vector.shape_cast %swap3A_21 : vector<1x1000x128xf32> to vector<1000x128xf32>
    %swap3A_23 = vector.shape_cast %concatenate3A : vector<1000x128xf32> to vector<1x1000x128xf32>
    tpu.vector_store %arg5[%swap3A, %swap3A_19, %swap3A_20], %swap3A_23 {strides = array<i32>} : memref<2x1000x128xf32, #tpu.memory_space<vmem>>, vector<1x1000x128xf32>,
    %slice3A_24 = vector.extract_strided_slice %dot_general3A_5 {offsets = [0, 64], sizes = [1000, 64], strides = [1, 1]} : vector<1000x128xf32> to vector<1000x64xf32>
    %slice3A_25 = vector.extract_strided_slice %dot_general3A_10 {offsets = [0, 0], sizes = [1000, 16], strides = [1, 1]} : vector<1000x128xf32> to vector<1000x16xf32>
    %slice3A_26 = vector.extract_strided_slice %dot_general3A_15 {offsets = [0, 0], sizes = [1000, 16], strides = [1, 1]} : vector<1000x128xf32> to vector<1000x16xf32>
    %concatenate3A_27 = tpu.concatenate %slice3A_24, %slice3A_25, %slice3A_26, %broadcast_in_dim3A_16 in 1 : vector<1000x64xf32>, vector<1000x16xf32>, vector<1000x16xf32>, vector<1000x32xf32> -> vector<1000x128xf32>
    %swap3A_28 = arith.constant 1 : index
    %swap3A_29 = arith.constant 0 : index
    %swap3A_30 = arith.constant 0 : index
    %swap3A_31 = vector.load %arg5[%swap3A_28, %swap3A_29, %swap3A_30] : memref<2x1000x128xf32, #tpu.memory_space<vmem>>, vector<1x1000x128xf32>
    %swap3A_32 = vector.shape_cast %swap3A_31 : vector<1x1000x128xf32> to vector<1000x128xf32>
    %swap3A_33 = vector.shape_cast %concatenate3A_27 : vector<1000x128xf32> to vector<1x1000x128xf32>
    tpu.vector_store %arg5[%swap3A_28, %swap3A_29, %swap3A_30], %swap3A_33 {strides = array<i32>} : memref<2x1000x128xf32, #tpu.memory_space<vmem>>, vector<1x1000x128xf32>,
    %eq3A = arith.constant 0 : i32
    %eq3A_34 = arith.cmpi eq, %arg0, %eq3A : i32
    %convert_element_type3A = arith.extui %eq3A_34 : i1 to i32
    %cond3A = arith.constant 0 : i32
    %cond3A_35 = arith.cmpi ne, %convert_element_type3A, %cond3A : i32
    scf.if %cond3A_35 {
      %broadcast_in_dim3A_54 = arith.constant 0xFF800000 : f32
      %broadcast_in_dim3A_55 = vector.broadcast %broadcast_in_dim3A_54 : f32 to vector<2x128xf32>
      %swap3A_56 = arith.constant 0 : index
      %swap3A_57 = arith.constant 0 : index
      %swap3A_58 = vector.load %arg6[%swap3A_56, %swap3A_57] : memref<2x128xf32, #tpu.memory_space<vmem>>, vector<2x128xf32>
      tpu.vector_store %arg6[%swap3A_56, %swap3A_57], %broadcast_in_dim3A_55 {strides = array<i32>} : memref<2x128xf32, #tpu.memory_space<vmem>>, vector<2x128xf32>,
    } else {
    }
    %reduce_max3A = arith.constant dense<0xFF800000> : vector<128xf32>
    %reduce_max3A_36 = vector.multi_reduction <maximumf>, %dot_general3A_10, %reduce_max3A [0] : vector<1000x128xf32> to vector<128xf32>
    %broadcast_in_dim3A_37 = vector.shape_cast %reduce_max3A_36 : vector<128xf32> to vector<1x128xf32>
    %reduce_max3A_38 = arith.constant dense<0xFF800000> : vector<128xf32>
    %reduce_max3A_39 = vector.multi_reduction <maximumf>, %dot_general3A_15, %reduce_max3A_38 [0] : vector<1000x128xf32> to vector<128xf32>
    %broadcast_in_dim3A_40 = vector.shape_cast %reduce_max3A_39 : vector<128xf32> to vector<1x128xf32>
    %get3A_41 = arith.constant 0 : index
    %get3A_42 = arith.constant 0 : index
    %get3A_43 = vector.load %arg6[%get3A_41, %get3A_42] : memref<2x128xf32, #tpu.memory_space<vmem>>, vector<1x128xf32>
    %max3A = arith.maximumf %get3A_43, %broadcast_in_dim3A_37 : vector<1x128xf32>
    %swap3A_44 = arith.constant 0 : index
    %swap3A_45 = arith.constant 0 : index
    %swap3A_46 = vector.load %arg6[%swap3A_44, %swap3A_45] : memref<2x128xf32, #tpu.memory_space<vmem>>, vector<1x128xf32>
    tpu.vector_store %arg6[%swap3A_44, %swap3A_45], %max3A {strides = array<i32>} : memref<2x128xf32, #tpu.memory_space<vmem>>, vector<1x128xf32>,
    %get3A_47 = arith.constant 1 : index
    %get3A_48 = arith.constant 0 : index
    %get3A_49 = vector.load %arg6[%get3A_47, %get3A_48] : memref<2x128xf32, #tpu.memory_space<vmem>>, vector<1x128xf32>
    %max3A_50 = arith.maximumf %get3A_49, %broadcast_in_dim3A_40 : vector<1x128xf32>
    %swap3A_51 = arith.constant 1 : index
    %swap3A_52 = arith.constant 0 : index
    %swap3A_53 = vector.load %arg6[%swap3A_51, %swap3A_52] : memref<2x128xf32, #tpu.memory_space<vmem>>, vector<1x128xf32>
    tpu.vector_store %arg6[%swap3A_51, %swap3A_52], %max3A_50 {strides = array<i32>} : memref<2x128xf32, #tpu.memory_space<vmem>>, vector<1x128xf32>,
    return
  }
  func.func @transform_0(%arg0: i32) -> (i32, i32) {
    %c0_i32 = arith.constant 0 : i32
    %c0_i32_0 = arith.constant 0 : i32
    return %arg0, %c0_i32 : i32, i32
  }
  func.func @transform_1(%arg0: i32) -> (i32, i32) {
    %c0_i32 = arith.constant 0 : i32
    %c0_i32_0 = arith.constant 0 : i32
    %c0_i32_1 = arith.constant 0 : i32
    return %c0_i32, %c0_i32_0 : i32, i32
  }
  func.func @transform_2(%arg0: i32) -> (i32, i32) {
    %c0_i32 = arith.constant 0 : i32
    %c0_i32_0 = arith.constant 0 : i32
    %c0_i32_1 = arith.constant 0 : i32
    return %c0_i32, %c0_i32_0 : i32, i32
  }
  func.func @transform_3(%arg0: i32) -> (i32, i32) {
    %c0_i32 = arith.constant 0 : i32
    %c0_i32_0 = arith.constant 0 : i32
    %c0_i32_1 = arith.constant 0 : i32
    return %c0_i32, %c0_i32_0 : i32, i32
  }
  func.func @transform_4(%arg0: i32) -> (i32, i32, i32) {
    %c0_i32 = arith.constant 0 : i32
    %c0_i32_0 = arith.constant 0 : i32
    %c0_i32_1 = arith.constant 0 : i32
    return %c0_i32, %arg0, %c0_i32_0 : i32, i32, i32
  }
  func.func @transform_5(%arg0: i32) -> (i32, i32) {
    %c0_i32 = arith.constant 0 : i32
    %c0_i32_0 = arith.constant 0 : i32
    %c0_i32_1 = arith.constant 0 : i32
    return %c0_i32, %c0_i32_0 : i32, i32
  }
}

module attributes {stable_mosaic.version = 14 : i64} {
  func.func @_post_body(%arg0: i32, %arg1: memref<1000x128xf32, #tpu.memory_space<vmem>>, %arg2: memref<1000x128xf32, #tpu.memory_space<vmem>>, %arg3: memref<4x64xf32, #tpu.memory_space<vmem>>, %arg4: memref<1000x128xf32, #tpu.memory_space<vmem>>) attributes {dimension_semantics = [#tpu.dimension_semantics<arbitrary>], iteration_bounds = array<i64: 10>, scalar_prefetch = 0 : i64, scratch_operands = 0 : i64, tpu.core_type = #tpu.core_type<tc>, window_params = [{transform_indices = @transform_0, window_bounds = array<i64: 1000, 128>}, {transform_indices = @transform_1, window_bounds = array<i64: 1000, 128>}, {pipeline_mode = #tpu.pipeline_mode<synchronous>, transform_indices = @transform_2, window_bounds = array<i64: 4, 64>}, {transform_indices = @transform_3, window_bounds = array<i64: 1000, 128>}]} {
    %get3A = arith.constant 0 : index
    %get3A_0 = arith.constant 0 : index
    %get3A_1 = vector.load %arg3[%get3A, %get3A_0] : memref<4x64xf32, #tpu.memory_space<vmem>>, vector<4x64xf32>
    %get3A_2 = arith.constant 0 : index
    %get3A_3 = arith.constant 0 : index
    %get3A_4 = vector.load %arg1[%get3A_2, %get3A_3] : memref<1000x128xf32, #tpu.memory_space<vmem>>, vector<1000x64xf32>
    %get3A_5 = arith.constant 0 : index
    %get3A_6 = arith.constant 64 : index
    %get3A_7 = vector.load %arg1[%get3A_5, %get3A_6] : memref<1000x128xf32, #tpu.memory_space<vmem>>, vector<1000x4xf32>
    %get3A_8 = arith.constant 0 : index
    %get3A_9 = arith.constant 0 : index
    %get3A_10 = vector.load %arg2[%get3A_8, %get3A_9] : memref<1000x128xf32, #tpu.memory_space<vmem>>, vector<1000x64xf32>
    %get3A_11 = arith.constant 0 : index
    %get3A_12 = arith.constant 64 : index
    %get3A_13 = vector.load %arg2[%get3A_11, %get3A_12] : memref<1000x128xf32, #tpu.memory_space<vmem>>, vector<1000x4xf32>
    %dot_general3A = arith.constant dense<0.000000e+00> : vector<1000x64xf32>
    %dot_general3A_14 = tpu.matmul %get3A_7, %get3A_1, %dot_general3A {dimension_numbers = #tpu.dot_dimension_numbers<[1], [0], [0], [1], [0, 0, 1, 1], [], []>, transpose_lhs_hint = false} : vector<1000x4xf32>, vector<4x64xf32>, vector<1000x64xf32> -> vector<1000x64xf32>
    %div3A = arith.divf %get3A_4, %dot_general3A_14 : vector<1000x64xf32>
    %dot_general3A_15 = arith.constant dense<0.000000e+00> : vector<1000x64xf32>
    %dot_general3A_16 = tpu.matmul %get3A_13, %get3A_1, %dot_general3A_15 {dimension_numbers = #tpu.dot_dimension_numbers<[1], [0], [0], [1], [0, 0, 1, 1], [], []>, transpose_lhs_hint = false} : vector<1000x4xf32>, vector<4x64xf32>, vector<1000x64xf32> -> vector<1000x64xf32>
    %div3A_17 = arith.divf %get3A_10, %dot_general3A_16 : vector<1000x64xf32>
    %concatenate3A = tpu.concatenate %div3A, %div3A_17 in 1 : vector<1000x64xf32>, vector<1000x64xf32> -> vector<1000x128xf32>
    %swap3A = arith.constant 0 : index
    %swap3A_18 = arith.constant 0 : index
    %swap3A_19 = vector.load %arg4[%swap3A, %swap3A_18] : memref<1000x128xf32, #tpu.memory_space<vmem>>, vector<1000x128xf32>
    tpu.vector_store %arg4[%swap3A, %swap3A_18], %concatenate3A {strides = array<i32>} : memref<1000x128xf32, #tpu.memory_space<vmem>>, vector<1000x128xf32>,
    return
  }
  func.func @transform_0(%arg0: i32) -> (i32, i32) {
    %c0_i32 = arith.constant 0 : i32
    %c0_i32_0 = arith.constant 0 : i32
    return %arg0, %c0_i32 : i32, i32
  }
  func.func @transform_1(%arg0: i32) -> (i32, i32) {
    %add3A = arith.constant 10 : i32
    %add3A_0 = arith.addi %add3A, %arg0 : i32
    %c0_i32 = arith.constant 0 : i32
    %c0_i32_1 = arith.constant 0 : i32
    return %add3A_0, %c0_i32 : i32, i32
  }
  func.func @transform_2(%arg0: i32) -> (i32, i32) {
    %c0_i32 = arith.constant 0 : i32
    %c0_i32_0 = arith.constant 0 : i32
    %c0_i32_1 = arith.constant 0 : i32
    return %c0_i32, %c0_i32_0 : i32, i32
  }
  func.func @transform_3(%arg0: i32) -> (i32, i32) {
    %c0_i32 = arith.constant 0 : i32
    %c0_i32_0 = arith.constant 0 : i32
    return %arg0, %c0_i32 : i32, i32
  }
}

</mosaic_0001>

<sc_bundles>
// kernel: kernel.5.cloned.1.call-start
scs
__scs_entry_jumppad:
0x0: {  	(pc) =	sbr.rel $0x88, $3  }
0x1: {  	(tag) =	ssettag $0x0;
	lr =	simm.s32 $0x1  }
0x2: {  	[smem:$0x3F9C] =	sst lr;
	_ =	strace $0xD0000000  }
0x3: {  	_ = 	snop  }
0x4: {  	_ = 	snop  }
0x5: {  	_ = 	snop  }
0x6: {  	_ = 	snop  }
0x7: {  	_ = 	snop  }
__scs_overlays_trampoline_lowered:
0x8: {  	[smem:$0x3FAB] =	sst s0  }
0x9: {  	[smem:$0x3FAC] =	sst s1  }
0xa: {  	[smem:$0x3FAD] =	sst s2  }
0xb: {  	[smem:$0x3FAE] =	sst s3  }
0xc: {  	[smem:$0x3FAF] =	sst s4  }
0xd: {  	[smem:$0x3FB0] =	sst s5  }
0xe: {  	[smem:$0x3FB1] =	sst s6  }
0xf: {  	[smem:$0x3FB2] =	sst s7  }
0x10: {  	[smem:$0x3FB3] =	sst s8  }
0x11: {  	[smem:$0x3FB4] =	sst s9;
	s0 =	simm.s32 @!p0 $0x0  }
0x12: {  	s1 =	sld [smem:$0x3F9A];
	s0 =	simm.s32 @p0 $0x1  }
0x13: {  	[smem:$0x3FB5] =	sst s0;
	s0 =	simm.s32 @!p1 $0x0  }
0x14: {  	s2 =	sld [smem:$0x3F99];
	s0 =	simm.s32 @p1 $0x1  }
0x15: {  	[smem:$0x3FB6] =	sst s0;
	s0 =	simm.s32 @!p2 $0x0  }
0x16: {  	s3 =	sld [smem:$0x3FDB];
	s0 =	simm.s32 @p2 $0x1  }
0x17: {  	s4 =	simm.s32 $0x1BF5;
	[smem:$0x3FB8] =	sst s0  }
0x18: {  	s0 =	sld [smem:$0x3F9B];
	_ =	swait.ge [sflag:s4], $0x0  }
0x19: {  	s7 =	sld [smem:$0x3F9C]  }
0x1a: {  	s8 =	sadd.s32 $0xFFFFE003, lr  }
0x1b: {  	s9 =	sadd.s32 $0xFFFFFEF7, lr;
	s5 =	simm.s32 $0xFFFFFFFF;
	p2 =	slt.u32 s8, $0xFFFFF086  }
0x1c: {  	p1 =	slt.u32 s9, $0xF7A;
	s5 =	simm.s32 @!p2 $0x0  }
0x1d: {  	s5 =	simm.s32 @p1 $0x1;
	p0 =	seq.s32 s7, s2  }
0x1e: {  	s7 =	smul.u32 @!p0 $0xF7A, s2;
	p2 =	seq.s32 @!p0 s5, $0x0  }
0x1f: {  	s9 =	smul.u32 $0xF7A, s1;
	s8 =	simm.s32 @!p0 $0x1BF5;
	p2 =	por !p2, p0  }
0x20: {  	[sflag:s8] =	ssyncset.s32 @!p0 $0xFFFFF086;
	s6 =	sadd.s32 @!p0 s3, s7;
	s7 =	simm.s32 @!p0 $0x108  }
0x21: {  	s3 =	sadd.s32 s3, s9;
	s6 =	sadd.s32 @!p0 $0x88, s6;
	s7 =	simm.s32 @p2 $0x1082  }
0x22: {  	[simem:s7], [sflag:s8] =	dma.local @!p0 [hbm:s6], $0xF7A  }
0x23: {  	s9 =	sor.u32 $0xD0000000, s2;
	s6 =	simm.s32 $0x108;
	_ =	swait.ge @!p0 [sflag:s8], $0x0  }
0x24: {  	s3 =	sadd.s32 $0x88, s3;
	s6 =	simm.s32 @!p1 $0x1082;
	[sflag:s4] =	ssyncset.s32 $0xFFFFF086  }
0x25: {  	[simem:s6], [sflag:s4] =	dma.local [hbm:s3], $0xF7A  }
0x26: {  	[smem:$0x3F9C] =	sst s1;
	(tag) =	ssettag s2;
	_ =	strace s9  }
0x27: {  	s1 =	sld [smem:$0x3FAC]  }
0x28: {  	s2 =	sld [smem:$0x3FAD]  }
0x29: {  	s4 =	sld [smem:$0x3FAF]  }
0x2a: {  	p0 =	seq.s32 s5, $0x0;
	s5 =	sld [smem:$0x3FB0]  }
0x2b: {  	s6 =	sld [smem:$0x3FB1]  }
0x2c: {  	s7 =	sld [smem:$0x3FB2]  }
0x2d: {  	s3 =	simm.s32 $0x108;
	s8 =	sld [smem:$0x3FB3]  }
0x2e: {  	s3 =	simm.s32 @!p0 $0x1082;
	s9 =	sld [smem:$0x3FB4]  }
0x2f: {  	lr =	sadd.s32 s0, s3;
	s0 =	sld [smem:$0x3FAB]  }
0x30: {  	s3 =	sld [smem:$0x3FAE]  }
0x31: {  	[smem:$0x3FB7] =	sst s10  }
0x32: {  	s10 =	sld [smem:$0x3FB5];
	_ =	sdelay $0x3  }
0x33: {  	p0 =	seq.s32 s10, $0x1;
	s10 =	sld [smem:$0x3FB7];
	_ =	sdelay $0x3  }
0x34: {  	[smem:$0x3FB7] =	sst s10  }
0x35: {  	s10 =	sld [smem:$0x3FB6];
	_ =	sdelay $0x3  }
0x36: {  	p1 =	seq.s32 s10, $0x1;
	s10 =	sld [smem:$0x3FB7];
	_ =	sdelay $0x3  }
0x37: {  	[smem:$0x3FB7] =	sst s10  }
0x38: {  	s10 =	sld [smem:$0x3FB8]  }
0x39: {  	_ = 	snop;
	(pc) =	sbr.ind lr, $3  }
0x3a: {  	_ = 	snop  }
0x3b: {  	_ = 	snop  }
0x3c: {  	p2 =	seq.s32 s10, $0x1;
	s10 =	sld [smem:$0x3FB7]  }
0x3d: {  	_ =	shalt  }
0x3e: {  	_ =	shalt  }
0x3f: {  	_ =	shalt  }
0x40: {  	_ =	shalt  }
0x41: {  	_ =	shalt  }
0x42: {  	_ =	shalt  }
0x43: {  	_ =	shalt  }
0x44: {  	_ =	shalt  }
0x45: {  	_ =	shalt  }
0x46: {  	_ =	shalt  }
0x47: {  	_ =	shalt  }
0x48: {  	_ =	shalt  }
0x49: {  	_ =	shalt  }
0x4a: {  	_ =	shalt  }
0x4b: {  	_ =	shalt  }
0x4c: {  	_ =	shalt  }
0x4d: {  	_ =	shalt  }
0x4e: {  	_ =	shalt  }
0x4f: {  	_ =	shalt  }
0x50: {  	_ =	shalt  }
0x51: {  	_ =	shalt  }
0x52: {  	_ =	shalt  }
0x53: {  	_ =	shalt  }
0x54: {  	_ =	shalt  }
0x55: {  	_ =	shalt  }
0x56: {  	_ =	shalt  }
0x57: {  	_ =	shalt  }
0x58: {  	_ =	shalt  }
0x59: {  	_ =	shalt  }
0x5a: {  	_ =	shalt  }
0x5b: {  	_ =	shalt  }
0x5c: {  	_ =	shalt  }
0x5d: {  	_ =	shalt  }
0x5e: {  	_ =	shalt  }
0x5f: {  	_ =	shalt  }
0x60: {  	_ =	shalt  }
0x61: {  	_ =	shalt  }
0x62: {  	_ =	shalt  }
0x63: {  	_ =	shalt  }
0x64: {  	_ =	shalt  }
0x65: {  	_ =	shalt  }
0x66: {  	_ =	shalt  }
0x67: {  	_ =	shalt  }
0x68: {  	_ =	shalt  }
0x69: {  	_ =	shalt  }
0x6a: {  	_ =	shalt  }
0x6b: {  	_ =	shalt  }
0x6c: {  	_ =	shalt  }
0x6d: {  	_ =	shalt  }
0x6e: {  	_ =	shalt  }
0x6f: {  	_ =	shalt  }
0x70: {  	_ =	shalt  }
0x71: {  	_ =	shalt  }
0x72: {  	_ =	shalt  }
0x73: {  	_ =	shalt  }
0x74: {  	_ =	shalt  }
0x75: {  	_ =	shalt  }
0x76: {  	_ =	shalt  }
0x77: {  	_ =	shalt  }
0x78: {  	_ =	shalt  }
0x79: {  	_ =	shalt  }
0x7a: {  	_ =	shalt  }
0x7b: {  	_ =	shalt  }
0x7c: {  	_ =	shalt  }
0x7d: {  	_ =	shalt  }
0x7e: {  	_ =	shalt  }
0x7f: {  	_ =	shalt  }
0x80: {  	_ =	shalt  }
0x81: {  	_ =	shalt  }
0x82: {  	_ =	shalt  }
0x83: {  	_ =	shalt  }
0x84: {  	_ =	shalt  }
0x85: {  	_ =	shalt  }
0x86: {  	_ =	shalt  }
0x87: {  	_ =	shalt  }
.Lfunc_end0:
.L_simem_size_0:
called_computation_lowered:
.L_overlay_start_0:
0x88: {  	s2 =	sld [smem:$0x3FD9]  }
0x89: {  	s3 =	sld [smem:$0x3FFE];
	_ =	sdelay $0x1  }
0x8a: {  	s1 =	srdreg.scid  }
0x8b: {  	s0 =	sand.u32 $0x1, s1  }
0x8c: {  	s17 =	sshll.u32 s0, $0xA;
	s2 =	sadd.s32 s3, s2  }
0x8d: {  	s2 =	sadd.s32 s2, s17  }
0x8e: {  	[smem:$0x3FC3] =	sst s2  }
0x8f: {  	_ = 	snop  }
0x90: {  	s2 =	sld [smem:$0x3FD0];
	(tm) =	ssettm $0x1  }
0x91: {  	s18 =	sld [smem:$0x3FFB];
	_ =	sdelay $0x3  }
0x92: {  	_ =	strace s18  }
0x93: {  	s3 =	sld [smem:$0x3FFC];
	_ =	sdelay $0x3  }
0x94: {  	_ =	strace s3  }
0x95: {  	s3 =	sld [smem:$0x3FFD];
	_ =	sdelay $0x3  }
0x96: {  	_ =	strace s3  }
0x97: {  	_ =	strace $0x8FFFFFFF  }
0x98: {  	s19 =	sld [smem:$0x3FDB];
	_ =	sdelay $0x1  }
0x99: {  	s4 =	simm.s32 $_scs_section_size  }
0x9a: {  	s5 =	simm.s32 $_size__tile_overlayer_lowered;
	s6 =	simm.s32 $_tile_overlayer_lowered  }
0x9b: {  	s22 =	simm.s32 $0x1BFF;
	s21 =	sshll.u32 s6, $0x1;
	s3 =	sadd.s32 s4, s19  }
0x9c: {  	s7 =	simm.s32 $0x0;
	s20 =	sshll.u32 s5, $0x1;
	s5 =	sadd.s32 s21, s3  }
0x9d: {  	[timem:s7], [sflag:s22] =	dma.local [hbm:s5], s20  }
0x9e: {  	_ =	swait.ge [sflag:s22], s20  }
0x9f: {  	s4 =	ssub.s32 $0x0, s20;
	[sflag:s22] =	ssyncset.done $0x0  }
0xa0: {  	[sflag:s22] =	ssyncadd.s32 s4;
	_ =	sdelay $0x1  }
0xa1: {  	s23 =	simm.s32 $0x1B8B  }
0xa2: {  	_ =	swait.ge [sflag:s23], $0x1  }
0xa3: {  	[sflag:s23] =	ssyncset.done $0x0  }
0xa4: {  	s25 =	simm.s32 $0x1B8E;
	s24 =	sld [smem:$0x3FFE];
	[sflag:s23] =	ssyncadd.s32 $0xFFFFFFFF  }
0xa5: {  	s26 =	simm.s32 $execute0_lowered;
	[smem:$0x3FD2] =	sst s25  }
0xa6: {  	s5 =	sshll.u32 s26, $0x1;
	_ =	strace $0x80000046;
	[dreg:$0x1] =	wrdreg $0xFFFFFFFF  }
0xa7: {  	s28 =	simm.s32 $_size_execute0_lowered;
	s3 =	sadd.s32 s3, s5;
	[dreg:$0x0] =	wrdreg $0x0  }
0xa8: {  	s5 =	sshll.u32 s28, $0x1;
	[dreg:$0x2] =	wrdreg s3  }
0xa9: {  	[dreg:$0x3] =	wrdreg s5  }
0xaa: {  	[dreg:$0x4] =	wrdreg $0xC0  }
0xab: {  	_ =	task [dreg:s7], $0x5FFFF  }
0xac: {  	[dreg:$0x1] =	wrdreg $0xFFFFFFFF  }
0xad: {  	[dreg:$0x0] =	wrdreg $0x60  }
0xae: {  	[dreg:$0x2] =	wrdreg s24  }
0xaf: {  	[dreg:$0x3] =	wrdreg s2  }
0xb0: {  	[dreg:$0x4] =	wrdreg $0xC5000  }
0xb1: {  	[dreg:$0x5] =	wrdreg $0x9  }
0xb2: {  	_ =	task.clear_ibuf [dreg:s7], $0x6FFFF;
	_ =	strace $0x90000046  }
0xb3: {  	s29 =	simm.s32 $0x9;
	_ =	strace $0x80000048  }
0xb4: {  	_ =	swait.ge [sflag:s29], $0x1  }
0xb5: {  	[sflag:s29] =	ssyncadd.s32 $0xFFFFFFFF  }
0xb6: {  	_ =	strace $0x90000048  }
0xb7: {  	_ =	sfence  }
0xb8: {  	s30 =	sld [smem:$0x0];
	_ =	sdelay $0x2  }
0xb9: {  	s31 =	sshll.u32 s1, $0xD;
	s1 =	sshrl.u32 s1, $0x2  }
0xba: {  	s3 =	sand.u32 $0x4000, s31;
	s1 =	sadd.s32 s1, s30  }
0xbb: {  	s0 =	sor.u32 s3, s0;
	s1 =	sshll.u32 s1, $0x11  }
0xbc: {  	s0 =	sor.u32 s1, s0  }
0xbd: {  	s0 =	sadd.s32 $0x8F2B, s0  }
0xbe: {  	[sflag:s0] =	ssyncadd.remote.s32 $0x1  }
0xbf: {  	_ =	sfence.sel $0xFFFF  }
0xc0: {  	[dreg:$0x0] =	wrdreg $0xFFFFFFFF;
	(pc) =	sbr.abs _section_cstart, $3  }
0xc1: {  	[dreg:$0x1] =	wrdreg $0xFFFFFFFF  }
0xc2: {  	_ =	task.clear_ibuf [dreg:s7], $0x2FFFF;
	_ =	strace $0x9FFFFFFF  }
0xc3: {  	(tm) =	ssettm $0x7FFFFFFF  }
tec
execute0_lowered:
.L_overlay_start_1:
0x0: {  	(tag) =	ssettag $0x1  }
0x1: {  	s0 =	rddreg [dreg:$0x0]  }
0x2: {  	s2 =	rddreg [dreg:$0x2];
	s1 =	srdreg.scid  }
0x3: {  	s3 =	simm.s32 $0x0;
	s13 =	stileid.u32;
	s17 =	simm.s32 $0x28  }
0x4: {  	s28 =	simm.s32 $0x8200;
	s29 =	simm.s32 $0xF;
	s31 =	simm.s32 $0x5  }
0x5: {  	s30 =	simm.s32 $0xC380;
	s1 =	sand.u32 $0x1, s1;
	[smem:$0x7FF] =	sst s3  }
0x6: {  	s5 =	sadd.s32 $0x28C00, s0;
	s6 =	sadd.s32 $0xC00, s0;
	s10 =	smul.u32 $0x4E000, s13  }
0x7: {  	p0 =	seq.s32 s13, $0xF;
	s20 =	smul.u32 $0x27100, s1;
	_ =	strace $0x80000047  }
0x8: {  	s4 =	ssub.s32 $0x2, s1;
	s8 =	sshll.u32 s1, $0x4;
	s3 =	sshll.u32 s1, $0x2  }
0x9: {  	s9 =	sshllo.u32 s1, $0x2;
	s17 =	simm.s32 @!p0 $0x27;
	s1 =	simm.s32 $0xB200  }
0xa: {  	s7 =	sshrl.u32 s4, $0x1;
	s8 =	sor.u32 s13, s8;
	s11 =	sor.u32 $0x1, s3  }
0xb: {  	s12 =	sor.u32 $0x2, s3;
	s22 =	sshrl.u32 s10, $0x2;
	s21 =	smul.u32 $0xA000, s8  }
0xc: {  	v3 =	vlaneseq.u32;
	s13 =	smul.u32 $0x2700, s13;
	[dreg:$0x4] =	wrdreg s17;
	s18 =	sadd.s32 s22, s2  }
0xd: {  	v2 =	vmov s3;
	v4 =	vadd.s32 s3, v3;
	s3 =	simm.s32 $0xE;
	[dreg:$0x5] =	wrdreg s18;
	s25 =	sor.u32 $0x200, s21  }
0xe: {  	s0 =	sadd.s32 s20, s0;
	s26 =	sor.u32 $0x240, s21;
	[dreg:$0x9] =	wrdreg s25  }
0xf: {  	s4 =	ssub.s32 s4, s7;
	s10 =	sor.u32 $0x280, s21;
	[dreg:$0xa] =	wrdreg s26  }
0x10: {  	s7 =	simm.s32 $0xC;
	s14 =	sor.u32 $0x2C0, s21;
	[dreg:$0xb] =	wrdreg s10  }
0x11: {  	v1 =	vmov s12;
	s12 =	simm.s32 $0x4;
	s15 =	sor.u32 $0x300, s21;
	[dreg:$0xc] =	wrdreg s14  }
0x12: {  	s0 =	sadd.s32 s13, s0;
	s16 =	sor.u32 $0x340, s21;
	[dreg:$0xd] =	wrdreg s15  }
0x13: {  	s13 =	simm.s32 $0xC300;
	s19 =	sor.u32 $0x380, s21;
	[dreg:$0xe] =	wrdreg s16  }
0x14: {  	s8 =	sshrl.u32 s21, $0x3;
	s20 =	sor.u32 $0x3C0, s21;
	[dreg:$0xf] =	wrdreg s19  }
0x15: {  	s21 =	smax.u32 s4, $0x1;
	s0 =	sadd.s32 $0x77000, s0;
	[dreg:$0x10] =	wrdreg s20  }
0x16: {  	s4 =	simm.s32 $0xA200;
	s8 =	sadd.s32 s6, s8;
	[dreg:$0x11] =	wrdreg s21  }
0x17: {  	[dreg:$0x12] =	wrdreg s0;
	s0 =	simm.s32 $0x80;
	s20 =	simm.s32 $0x9  }
0x18: {  	s21 =	simm.s32 $0xB;
	s23 =	sadd.s32 $0x8, s8;
	[dreg:$0x6] =	wrdreg s8  }
0x19: {  	s19 =	simm.s32 $0x3;
	s24 =	sadd.s32 $0x10, s8;
	[dreg:$0x7] =	wrdreg s23  }
0x1a: {  	s14 =	simm.s32 $0x6;
	s22 =	sadd.s32 $0x18, s8;
	[dreg:$0x8] =	wrdreg s24  }
0x1b: {  	s10 =	simm.s32 $0x0;
	s25 =	sadd.s32 $0x30, s8;
	[dreg:$0x13] =	wrdreg s22  }
0x1c: {  	s26 =	sadd.s32 $0x38, s8;
	s23 =	sadd.s32 $0x20, s8;
	[dreg:$0x16] =	wrdreg s25  }
0x1d: {  	s24 =	sadd.s32 $0x28, s8;
	[dreg:$0x17] =	wrdreg s26;
	s22 =	simm.s32 $0xA  }
0x1e: {  	v5 =	vimm.f32 $0.0e+00;
	s25 =	simm.s32 $0x1;
	s26 =	simm.s32 $0x20;
	[dreg:$0x14] =	wrdreg s23  }
0x1f: {  	v3 =	vmov s9;
	v0 =	vmov s11;
	v4 =	vand.u32 $0xF, v4;
	s8 =	simm.s32 $0x2;
	[dreg:$0x15] =	wrdreg s24;
	s23 =	simm.s32 $0xD  }
.LBB2_1:
0x20: {  	[dreg:$0x18] =	wrdreg s10;
	s9 =	simm.s32 $0x0;
	s10 =	simm.s32 $0x200  }
.LBB2_2:
0x21: {  	p0 =	sne.s32 s10, $0x3E00;
	[tilespmem:s9+$0xB270] =	vst v5  }
0x22: {  	[tilespmem:s9+$0x8200] =	vst v5  }
0x23: {  	[tilespmem:s9+$0x9200] =	vst v5  }
0x24: {  	[tilespmem:s9+$0xA200] =	vst v5  }
0x25: {  	[tilespmem:s9+$0xB200] =	vst v5  }
0x26: {  	[tilespmem:s9+$0x8210] =	vst v5  }
0x27: {  	[tilespmem:s9+$0x9210] =	vst v5  }
0x28: {  	[tilespmem:s9+$0xA210] =	vst v5  }
0x29: {  	[tilespmem:s9+$0xB210] =	vst v5  }
0x2a: {  	[tilespmem:s9+$0x8220] =	vst v5  }
0x2b: {  	[tilespmem:s9+$0x9220] =	vst v5  }
0x2c: {  	[tilespmem:s9+$0xA220] =	vst v5  }
0x2d: {  	[tilespmem:s9+$0xB220] =	vst v5  }
0x2e: {  	[tilespmem:s9+$0x8230] =	vst v5  }
0x2f: {  	[tilespmem:s9+$0x9230] =	vst v5  }
0x30: {  	[tilespmem:s9+$0xA230] =	vst v5  }
0x31: {  	[tilespmem:s9+$0xB230] =	vst v5  }
0x32: {  	[tilespmem:s9+$0x8240] =	vst v5  }
0x33: {  	[tilespmem:s9+$0x9240] =	vst v5  }
0x34: {  	[tilespmem:s9+$0xA240] =	vst v5  }
0x35: {  	[tilespmem:s9+$0xB240] =	vst v5  }
0x36: {  	[tilespmem:s9+$0x8250] =	vst v5  }
0x37: {  	[tilespmem:s9+$0x9250] =	vst v5  }
0x38: {  	[tilespmem:s9+$0xA250] =	vst v5  }
0x39: {  	[tilespmem:s9+$0xB250] =	vst v5  }
0x3a: {  	[tilespmem:s9+$0x8260] =	vst v5  }
0x3b: {  	[tilespmem:s9+$0x9260] =	vst v5  }
.Ltmp0:
0x3c: {  	[tilespmem:s9+$0xA260] =	vst v5;
	(pc) =	sbr.rel @p0 .LBB2_2-.Ltmp0, $4  }
0x3d: {  	[tilespmem:s9+$0xB260] =	vst v5  }
0x3e: {  	[tilespmem:s9+$0x8270] =	vst v5  }
0x3f: {  	[tilespmem:s9+$0x9270] =	vst v5  }
0x40: {  	[tilespmem:s9+$0xA270] =	vst v5;
	s9 =	sshra.s32 s10, $0x2;
	s10 =	sadd.s32 $0x200, s10  }
0x41: {  	[tilespmem:s9+$0xB270] =	vst v5  }
0x42: {  	[tilespmem:s9+$0x8200] =	vst v5  }
0x43: {  	[tilespmem:s9+$0x9200] =	vst v5  }
0x44: {  	[tilespmem:s9+$0xA200] =	vst v5  }
0x45: {  	[tilespmem:s9+$0xB200] =	vst v5  }
0x46: {  	[tilespmem:s9+$0x8210] =	vst v5  }
0x47: {  	[tilespmem:s9+$0x9210] =	vst v5  }
0x48: {  	[tilespmem:s9+$0xA210] =	vst v5  }
0x49: {  	[tilespmem:s9+$0xB210] =	vst v5  }
0x4a: {  	[tilespmem:s9+$0x8220] =	vst v5  }
0x4b: {  	[tilespmem:s9+$0x9220] =	vst v5  }
0x4c: {  	[tilespmem:s9+$0xA220] =	vst v5  }
0x4d: {  	[tilespmem:s9+$0xB220] =	vst v5  }
0x4e: {  	[tilespmem:s9+$0x8230] =	vst v5  }
0x4f: {  	[tilespmem:s9+$0x9230] =	vst v5  }
0x50: {  	[tilespmem:s9+$0xA230] =	vst v5  }
0x51: {  	[tilespmem:s9+$0xB230] =	vst v5  }
0x52: {  	[tilespmem:s9+$0x8240] =	vst v5  }
0x53: {  	[tilespmem:s9+$0x9240] =	vst v5  }
0x54: {  	[tilespmem:s9+$0xA240] =	vst v5  }
0x55: {  	[tilespmem:s9+$0xB240] =	vst v5  }
0x56: {  	[tilespmem:s9+$0x8250] =	vst v5  }
0x57: {  	[tilespmem:s9+$0x9250] =	vst v5  }
0x58: {  	[tilespmem:s9+$0xA250] =	vst v5  }
0x59: {  	[tilespmem:s9+$0xB250] =	vst v5  }
0x5a: {  	[tilespmem:s9+$0x8260] =	vst v5  }
0x5b: {  	[tilespmem:s9+$0x9260] =	vst v5  }
0x5c: {  	[tilespmem:s9+$0xA260] =	vst v5  }
0x5d: {  	[tilespmem:s9+$0xB260] =	vst v5  }
0x5e: {  	[tilespmem:s9+$0x8270] =	vst v5;
	p0 =	sne.s32 s17, $0x1  }
.Ltmp1:
0x5f: {  	[tilespmem:s9+$0x9270] =	vst v5;
	(pc) =	sbr.rel @!p0 .LBB2_5-.Ltmp1, $4  }
0x60: {  	[tilespmem:s9+$0xA270] =	vst v5  }
0x61: {  	[spmem:s18] =	stream.linear.scatter [tilespmem:s28], [sflag:$0xF], $0x800, $0x38;
	[tilespmem:$0x1FD80] =	vst v63  }
0x62: {  	_ =	swait.ge [sflag:s29], $0x800  }
0x63: {  	s9 =	sadd.s32 $0xFFFFFFFF, s17;
	s10 =	smov.u32 s18;
	[sflag:s29] =	ssyncset.done $0x0  }
.LBB2_4:
0x64: {  	p1 =	sne.s32 s9, $0x1;
	[sflag:s29] =	ssyncadd.s32 $0xFFFFF800;
	s10 =	sadd.s32 $0x800, s10  }
.Ltmp2:
0x65: {  	s9 =	sadd.s32 $0xFFFFFFFF, s9;
	(pc) =	sbr.rel @p1 .LBB2_4-.Ltmp2, $4  }
0x66: {  	_ = 	snop  }
0x67: {  	[spmem:s10] =	stream.linear.scatter [tilespmem:s28], [sflag:$0xF], $0x800, $0x38;
	[tilespmem:$0x1FD80] =	vst v63  }
0x68: {  	_ =	swait.ge [sflag:s29], $0x800  }
0x69: {  	[sflag:s29] =	ssyncset.done $0x0  }
.LBB2_5:
0x6a: {  	[sflag:s29] =	ssyncadd.s32 $0xFFFFF800  }
0x6b: {  	s15 =	simm.s32 $0x0;
	s10 =	simm.s32 $0xC400;
	s9 =	rddreg [dreg:$0x1]  }
0x6c: {  	[tilespmem:s10], [sflag:$0xF] =	stream.linear.gather [hbm4b:s9+s15], $0x100, $0x38;
	[tilespmem:$0x1FD80] =	vst v63  }
0x6d: {  	_ =	swait.ge [sflag:s29], $0x100  }
0x6e: {  	[sflag:s29] =	ssyncset.done $0x0  }
0x6f: {  	[sflag:s29] =	ssyncadd.s32 $0xFFFFFF00  }
0x70: {  	v6 =	vld [tilespmem:$0xC400]  }
0x71: {  	v7 =	vld [tilespmem:$0xC480];
	[bflag:$0x0] =	sbarrier.arrive $0xFFFF  }
0x72: {  	s10 =	rddreg [dreg:$0x6]  }
0x73: {  	[tilespmem:s15], [sflag:$0x7] =	stream.linear.gather [hbm4b:s10+s15], $0x40, $0x38;
	[tilespmem:$0x1FD80] =	vst v63  }
0x74: {  	s16 =	simm.s32 $0x40;
	s11 =	rddreg [dreg:$0x7]  }
0x75: {  	[tilespmem:s16], [sflag:$0x8] =	stream.linear.gather [hbm4b:s11+s15], $0x40, $0x38;
	[tilespmem:$0x1FD80] =	vst v63  }
0x76: {  	s17 =	rddreg [dreg:$0x8]  }
0x77: {  	[tilespmem:s0], [sflag:$0x9] =	stream.linear.gather [hbm4b:s17+s15], $0x40, $0x38;
	[tilespmem:$0x1FD80] =	vst v63  }
0x78: {  	s24 =	simm.s32 $0xC0;
	s18 =	rddreg [dreg:$0x13]  }
0x79: {  	[tilespmem:s24], [sflag:$0xA] =	stream.linear.gather [hbm4b:s18+s15], $0x40, $0x38;
	[tilespmem:$0x1FD80] =	vst v63  }
0x7a: {  	s10 =	rddreg [dreg:$0x14];
	s11 =	simm.s32 $0x100  }
0x7b: {  	[tilespmem:s11], [sflag:$0xB] =	stream.linear.gather [hbm4b:s10+s15], $0x40, $0x38;
	[tilespmem:$0x1FD80] =	vst v63  }
0x7c: {  	s16 =	rddreg [dreg:$0x15];
	s17 =	simm.s32 $0x140  }
0x7d: {  	[tilespmem:s17], [sflag:$0xC] =	stream.linear.gather [hbm4b:s16+s15], $0x40, $0x38;
	[tilespmem:$0x1FD80] =	vst v63  }
0x7e: {  	s18 =	rddreg [dreg:$0x16];
	s24 =	simm.s32 $0x180  }
0x7f: {  	[tilespmem:s24], [sflag:$0xD] =	stream.linear.gather [hbm4b:s18+s15], $0x40, $0x38;
	[tilespmem:$0x1FD80] =	vst v63  }
0x80: {  	s10 =	rddreg [dreg:$0x17];
	s11 =	simm.s32 $0x1C0;
	s16 =	simm.s32 $0x7  }
0x81: {  	[tilespmem:s11], [sflag:$0xE] =	stream.linear.gather [hbm4b:s10+s15], $0x40, $0x38;
	[tilespmem:$0x1FD80] =	vst v63  }
0x82: {  	_ =	swait.ge [sflag:s16], $0x40  }
0x83: {  	[sflag:s16] =	ssyncset.done $0x0  }
0x84: {  	s17 =	simm.s32 $0x8;
	[sflag:s16] =	ssyncadd.s32 $0xFFFFFFC0  }
0x85: {  	_ =	swait.ge [sflag:s17], $0x40  }
0x86: {  	[sflag:s17] =	ssyncset.done $0x0  }
0x87: {  	[sflag:s17] =	ssyncadd.s32 $0xFFFFFFC0  }
0x88: {  	_ =	swait.ge [sflag:s20], $0x40  }
0x89: {  	[sflag:s20] =	ssyncset.done $0x0  }
0x8a: {  	[sflag:s20] =	ssyncadd.s32 $0xFFFFFFC0  }
0x8b: {  	_ =	swait.ge [sflag:s22], $0x40  }
0x8c: {  	v6 =	vadd.f32 v7, v6;
	[sflag:s22] =	ssyncset.done $0x0  }
0x8d: {  	s18 =	simm.s32 $0x200;
	[sflag:s22] =	ssyncadd.s32 $0xFFFFFFC0  }
0x8e: {  	v7 =	vmul.f32 $2.000000030e-01, v6;
	[tilespmem:s18], [sflag:$0x1] =	stream.indirect.gather [hbm4b:s5+s0], $0x80, s15, s0, $0xb8;
	[tilespmem:$0x1FD80] =	vst v63  }
0x8f: {  	s24 =	simm.s32 $0x4200  }
0x90: {  	v6 =	vmax.f32 v6, v7;
	[tilespmem:s24], [sflag:$0x2] =	stream.indirect.gather [hbm4b:s5+s0], $0x80, s0, s0, $0xb8;
	[tilespmem:$0x1FD80] =	vst v63  }
.LBB2_6:
0x91: {  	_ =	swait.ge [sflag:s25], $0x4000  }
0x92: {  	p3 =	seq.s32 s15, $0x0;
	[sflag:s25] =	ssyncset.done $0x0  }
0x93: {  	s9 =	simm.s32 @!p3 $0x3;
	[sflag:s25] =	ssyncadd.s32 $0xFFFFC000  }
0x94: {  	_ =	swait.ge @!p3 [sflag:s9], $0x1000  }
0x95: {  	[sflag:s9] =	ssyncset.done @!p3 $0x0  }
0x96: {  	[sflag:s9] =	ssyncadd.s32 @!p3 $0xFFFFF000  }
0x97: {  	v7 =	vld [tilespmem:$0x20]  }
0x98: {  	v8 =	vld [tilespmem:$0x30];
	_ =	sdelay $0x3  }
0x99: {  	[tilespmem:$0xC200] =	vst v7  }
0x9a: {  	s16 =	simm.s32 $0x200;
	[tilespmem:$0xC210] =	vst v8  }
0x9b: {  	v7 =	vld [tilespmem:s16+$0x1C0]  }
0x9c: {  	v8 =	vld [tilespmem:s16+$0x11D0];
	_ =	sdelay $0x3  }
0x9d: {  	v10 =	vld [tilespmem:s16+$0xC0]  }
0x9e: {  	v11 =	vld [tilespmem:s16+$0x10D0];
	v7 =	vadd.f32 v8, v7  }
0x9f: {  	v12 =	vld [tilespmem:s16+$0x1150]  }
0xa0: {  	v8 =	vld [tilespmem:s16+$0x140];
	v13 =	vmul.f32 $2.000000030e-01, v7  }
0xa1: {  	v9 =	vld [tilespmem:s16+$0x1050]  }
0xa2: {  	v14 =	vld [tilespmem:s16+$0x40];
	v7 =	vmax.f32 v7, v13  }
0xa3: {  	v7 =	vsub.f32 v7, v6  }
0xa4: {  	v10 =	vadd.f32 v11, v10  }
0xa5: {  	v8 =	vadd.f32 v12, v8;
	v7 =	vmul.f32 $1.442695020e+00, v7  }
0xa6: {  	v11 =	vmul.f32 $2.000000030e-01, v10  }
0xa7: {  	v9 =	vadd.f32 v9, v14;
	v12 =	vmul.f32 $2.000000030e-01, v8;
	(erf) = vpow2.f32 v7  }
0xa8: {  	v7 =	vmax.f32 v10, v11  }
0xa9: {  	v10 =	vmul.f32 $2.000000030e-01, v9;
	v8 =	vmax.f32 v8, v12;
	v7 =	vsub.f32 v7, v6  }
0xaa: {  	v8 =	vsub.f32 v8, v6  }
0xab: {  	s17 =	simm.s32 $0x400;
	v9 =	vmax.f32 v9, v10;
	v7 =	vmul.f32 $1.442695020e+00, v7  }
0xac: {  	v13 =	vld [tilespmem:s17+$0x11D0];
	v9 =	vsub.f32 v9, v6;
	v8 =	vmul.f32 $1.442695020e+00, v8  }
0xad: {  	v11 =	vld [tilespmem:s17+$0x1C0];
	(erf) = vpow2.f32 v7  }
0xae: {  	v7 =	vmul.f32 $1.442695020e+00, v9;
	(erf) = vpow2.f32 v8;
	v8 =	vld [tilespmem:s16+$0x180];
	_ =	sdelay $0x1  }
0xaf: {  	(erf) = vpow2.f32 v7;
	v10 =	vpop (erf)  }
0xb0: {  	v12 =	vperm.xlane v10, v2  }
0xb1: {  	v15 =	vld [tilespmem:s17+$0x10D0]  }
0xb2: {  	v20 =	vld [tilespmem:s17+$0x140];
	v11 =	vadd.f32 v13, v11;
	v8 =	vmul.f32 v12, v8  }
0xb3: {  	v25 =	vld [tilespmem:s17+$0x40]  }
0xb4: {  	v9 =	vld [tilespmem:s16+$0x0];
	v26 =	vmul.f32 $2.000000030e-01, v11  }
0xb5: {  	s18 =	simm.s32 $0x8300;
	v7 =	vld [tilespmem:s16+$0x80]  }
0xb6: {  	v11 =	vmax.f32 v11, v26;
	v12 =	vld [tilespmem:s17+$0xC0];
	[tilespmem:s18+$0x80] =	vst v8;
	v8 =	vpop (erf)  }
0xb7: {  	v11 =	vsub.f32 v11, v6;
	v16 =	vld [tilespmem:s16+$0x190];
	v19 =	vpop (erf)  }
0xb8: {  	v14 =	vld [tilespmem:s17+$0x1050];
	v17 =	vperm.xlane v10, v4;
	v18 =	vperm.xlane v8, v2;
	v22 =	vpop (erf)  }
0xb9: {  	v23 =	vld [tilespmem:s17+$0x1150];
	v11 =	vmul.f32 $1.442695020e+00, v11;
	v24 =	vperm.xlane v22, v2  }
0xba: {  	v27 =	vld [tilespmem:s16+$0x100];
	v7 =	vmul.f32 v18, v7;
	v18 =	vperm.xlane v10, v0  }
0xbb: {  	v26 =	vperm.xlane v10, v1;
	v12 =	vadd.f32 v15, v12;
	v9 =	vmul.f32 v24, v9  }
0xbc: {  	s24 =	simm.s32 $0x600;
	(erf) = vpow2.f32 v11;
	v16 =	vmul.f32 v18, v16  }
0xbd: {  	v28 =	vld [tilespmem:s24+$0x1C0];
	v14 =	vadd.f32 v14, v25;
	v15 =	vperm.xlane v19, v2;
	v18 =	vmul.f32 $2.000000030e-01, v12;
	[tilespmem:s18+$0xFFFFFF00] =	vst v9  }
0xbe: {  	v13 =	vperm.xlane v8, v0;
	v21 =	vperm.xlane v8, v1;
	v9 =	vadd.f32 v23, v20;
	[tilespmem:s18+$0x90] =	vst v16;
	v23 =	vld [tilespmem:s16+$0x10]  }
0xbf: {  	v25 =	vperm.xlane v19, v1;
	v15 =	vmul.f32 v15, v27;
	[tilespmem:s18+$0xFFFFFF80] =	vst v7;
	v12 =	vmax.f32 v12, v18;
	v7 =	vld [tilespmem:s16+$0x1A0]  }
0xc0: {  	v29 =	vld [tilespmem:s24+$0x11D0];
	v11 =	vperm.xlane v22, v1;
	v12 =	vsub.f32 v12, v6;
	v16 =	vmul.f32 $2.000000030e-01, v9  }
0xc1: {  	[tilespmem:s18+$0x0] =	vst v15;
	v15 =	vld [tilespmem:s16+$0x90];
	v20 =	vperm.xlane v22, v0;
	v18 =	vmul.f32 $2.000000030e-01, v14  }
0xc2: {  	v32 =	vld [tilespmem:s24+$0x10D0];
	v10 =	vperm.xlane v10, v3;
	v12 =	vmul.f32 $1.442695020e+00, v12;
	v9 =	vmax.f32 v9, v16  }
0xc3: {  	v34 =	vld [tilespmem:s24+$0x1050];
	v14 =	vmax.f32 v14, v18;
	v9 =	vsub.f32 v9, v6;
	v20 =	vmul.f32 v20, v23  }
0xc4: {  	v14 =	vsub.f32 v14, v6;
	v16 =	vld [tilespmem:s16+$0x110];
	(erf) = vpow2.f32 v12;
	v7 =	vmul.f32 v26, v7  }
0xc5: {  	v38 =	vld [tilespmem:s24+$0x40];
	v24 =	vperm.xlane v19, v0;
	v9 =	vmul.f32 $1.442695020e+00, v9;
	[tilespmem:s18+$0xFFFFFF10] =	vst v20  }
0xc6: {  	v27 =	vpop (erf);
	v13 =	vmul.f32 v13, v15;
	v14 =	vmul.f32 $1.442695020e+00, v14;
	[tilespmem:s18+$0xA0] =	vst v7;
	v7 =	vld [tilespmem:s17+$0x180]  }
0xc7: {  	v37 =	vperm.xlane v27, v0;
	v15 =	vld [tilespmem:s16+$0x20];
	(erf) = vpow2.f32 v9  }
0xc8: {  	[tilespmem:s18+$0xFFFFFF90] =	vst v13;
	v26 =	vperm.xlane v19, v3;
	v13 =	vld [tilespmem:s16+$0x1B0];
	(erf) = vpow2.f32 v14  }
0xc9: {  	v18 =	vld [tilespmem:s17+$0x0];
	v19 =	vperm.xlane v19, v4;
	v9 =	vmul.f32 v24, v16  }
0xca: {  	v23 =	vld [tilespmem:s17+$0x80];
	v20 =	vperm.xlane v8, v3;
	v24 =	vperm.xlane v27, v2  }
0xcb: {  	v16 =	vperm.xlane v22, v4;
	v14 =	vperm.xlane v22, v3;
	[tilespmem:s18+$0x10] =	vst v9;
	v9 =	vld [tilespmem:s16+$0xA0]  }
0xcc: {  	v22 =	vperm.xlane v8, v4;
	v8 =	vld [tilespmem:s16+$0x120];
	v7 =	vmul.f32 v24, v7  }
0xcd: {  	v12 =	vld [tilespmem:s17+$0x100];
	v15 =	vmul.f32 v11, v15;
	v10 =	vmul.f32 v10, v13;
	v30 =	vpop (erf)  }
0xce: {  	s9 =	simm.s32 $0x8500;
	[tilespmem:s18+$0xC0] =	vst v17;
	v11 =	vperm.xlane v27, v4;
	v13 =	vld [tilespmem:s24+$0xC0];
	v24 =	vperm.xlane v30, v2  }
0xcf: {  	v17 =	vld [tilespmem:s24+$0x1150];
	v31 =	vperm.xlane v30, v0;
	[tilespmem:s9+$0x80] =	vst v7;
	v7 =	vperm.xlane v30, v1  }
0xd0: {  	v59 =	vadd.f32 v34, v38;
	v21 =	vmul.f32 v21, v9;
	v33 =	vld [tilespmem:s17+$0x190];
	v23 =	vmul.f32 v24, v23;
	v9 =	vpop (erf)  }
0xd1: {  	[tilespmem:s18+$0xFFFFFF20] =	vst v15;
	v24 =	vmul.f32 v25, v8;
	v8 =	vld [tilespmem:s24+$0x140];
	v25 =	vadd.f32 v29, v28;
	v35 =	vpop (erf);
	v28 =	vperm.xlane v9, v2  }
0xd2: {  	[tilespmem:s18+$0xB0] =	vst v10;
	v36 =	vperm.xlane v9, v0;
	v29 =	vperm.xlane v35, v2  }
0xd3: {  	v15 =	vmul.f32 $2.000000030e-01, v25;
	v32 =	vadd.f32 v32, v13;
	[tilespmem:s18+$0x20] =	vst v24;
	v24 =	vmul.f32 $2.000000030e-01, v59  }
0xd4: {  	[tilespmem:s18+$0xFFFFFFA0] =	vst v21;
	v39 =	vperm.xlane v35, v0;
	v29 =	vmul.f32 v29, v18  }
0xd5: {  	v13 =	vld [tilespmem:s24+$0x0];
	[tilespmem:s9+$0xFFFFFF80] =	vst v23;
	v10 =	vmul.f32 v37, v33;
	v15 =	vmax.f32 v25, v15;
	v25 =	vmul.f32 $2.000000030e-01, v32  }
0xd6: {  	v60 =	vld [tilespmem:s17+$0x90];
	v12 =	vmul.f32 v28, v12;
	v28 =	vsub.f32 v15, v6;
	v17 =	vadd.f32 v17, v8;
	[tilespmem:s9+$0xFFFFFF00] =	vst v29  }
0xd7: {  	v18 =	vperm.xlane v35, v1;
	v15 =	vperm.xlane v9, v1;
	[tilespmem:s9+$0x90] =	vst v10;
	v25 =	vmax.f32 v32, v25;
	v29 =	vld [tilespmem:s17+$0x10]  }
0xd8: {  	[tilespmem:s9+$0x0] =	vst v12;
	v23 =	vld [tilespmem:s17+$0x1A0];
	v28 =	vmul.f32 $1.442695020e+00, v28;
	v21 =	vsub.f32 v25, v6;
	v25 =	vmul.f32 $2.000000030e-01, v17  }
0xd9: {  	v8 =	vperm.xlane v30, v3;
	v10 =	vperm.xlane v35, v3;
	v61 =	vld [tilespmem:s17+$0x110]  }
0xda: {  	(erf) = vpow2.f32 v28;
	v28 =	vld [tilespmem:s16+$0x30];
	v21 =	vmul.f32 $1.442695020e+00, v21;
	v17 =	vmax.f32 v17, v25  }
0xdb: {  	v62 =	vld [tilespmem:s16+$0xB0];
	v25 =	vperm.xlane v27, v1;
	[tilespmem:s18+$0xFFFFFF40] =	vst v16;
	v16 =	vmax.f32 v59, v24;
	v24 =	vsub.f32 v17, v6  }
0xdc: {  	[tilespmem:s18+$0xFFFFFFC0] =	vst v22;
	v22 =	vld [tilespmem:s16+$0x130];
	(erf) = vpow2.f32 v21;
	v29 =	vmul.f32 v39, v29  }
0xdd: {  	[tilespmem:s18+$0x40] =	vst v19;
	v17 =	vld [tilespmem:s24+$0x80];
	v33 =	vsub.f32 v16, v6;
	v21 =	vmul.f32 v25, v23;
	v19 =	vmul.f32 $1.442695020e+00, v24  }
0xde: {  	v16 =	vld [tilespmem:s24+$0x100];
	v24 =	vmul.f32 v31, v60;
	v63 =	vmul.f32 v36, v61;
	[tilespmem:s9+$0xFFFFFF10] =	vst v29  }
0xdf: {  	[tilespmem:s9+$0xA0] =	vst v21;
	v14 =	vmul.f32 v14, v28;
	v29 =	vmul.f32 $1.442695020e+00, v33;
	v23 =	vld [tilespmem:s17+$0x20]  }
0xe0: {  	v12 =	vperm.xlane v9, v3;
	(erf) = vpow2.f32 v19;
	[tilespmem:s9+$0xFFFFFF90] =	vst v24;
	v24 =	vld [tilespmem:s17+$0x1B0]  }
0xe1: {  	v25 =	vld [tilespmem:s24+$0x180];
	[tilespmem:s9+$0x10] =	vst v63;
	v28 =	vmul.f32 v20, v62;
	(erf) = vpow2.f32 v29  }
0xe2: {  	v26 =	vmul.f32 v26, v22;
	v27 =	vperm.xlane v27, v3;
	v21 =	vld [tilespmem:s17+$0xA0];
	[tilespmem:s18+$0xFFFFFF30] =	vst v14  }
0xe3: {  	s10 =	simm.s32 $0x8;
	s11 =	simm.s32 $0x800;
	s16 =	sshll.u32 s15, $0x9;
	v19 =	vperm.xlane v35, v4;
	v20 =	vperm.xlane v30, v4;
	v22 =	vld [tilespmem:s17+$0x120];
	[tilespmem:s18+$0xFFFFFFB0] =	vst v28;
	v14 =	vpop (erf)  }
.LBB2_7:
0xe4: {  	v28 =	vld [tilespmem:s11+$0x1C0];
	v29 =	vperm.xlane v14, v2;
	v18 =	vmul.f32 v18, v23;
	[tilespmem:s18+$0x30] =	vst v26;
	s18 =	smov.u32 s9  }
0xe5: {  	s10 =	sadd.s32 $0x4, s10;
	v26 =	vperm.xlane v9, v4;
	v23 =	vld [tilespmem:s11+$0x11D0];
	v9 =	vmul.f32 v27, v24;
	[tilespmem:s9+$0xC0] =	vst v11  }
0xe6: {  	p1 =	slt.u32 s10, $0x1C;
	v11 =	vperm.xlane v14, v4;
	v24 =	vld [tilespmem:s11+$0x1050];
	v25 =	vmul.f32 v29, v25;
	v27 =	vpop (erf);
	[tilespmem:s9+$0xFFFFFF20] =	vst v18  }
0xe7: {  	s9 =	sadd.s32 $0x200, s9;
	v18 =	vld [tilespmem:s11+$0xC0];
	v29 =	vperm.xlane v27, v2;
	v30 =	vperm.xlane v27, v0;
	[tilespmem:s18+$0xB0] =	vst v9  }
0xe8: {  	v21 =	vmul.f32 v7, v21;
	v7 =	vperm.xlane v27, v1;
	v31 =	vld [tilespmem:s11+$0x10D0];
	[tilespmem:s9+$0x80] =	vst v25  }
0xe9: {  	v15 =	vmul.f32 v15, v22;
	v17 =	vmul.f32 v29, v17;
	v25 =	vld [tilespmem:s24+$0x190];
	v9 =	vpop (erf)  }
0xea: {  	v22 =	vld [tilespmem:s11+$0x140];
	v23 =	vadd.f32 v23, v28;
	v28 =	vperm.xlane v9, v2;
	v29 =	vperm.xlane v9, v0;
	v32 =	vpop (erf);
	[tilespmem:s18+$0xFFFFFFA0] =	vst v21  }
0xeb: {  	v21 =	vld [tilespmem:s11+$0x1150];
	v33 =	vperm.xlane v32, v2;
	v34 =	vperm.xlane v32, v0;
	[tilespmem:s9+$0xFFFFFF80] =	vst v17  }
0xec: {  	v37 =	vperm.xlane v14, v0;
	v35 =	vld [tilespmem:s11+$0x40];
	v36 =	vmul.f32 $2.000000030e-01, v23;
	[tilespmem:s18+$0x20] =	vst v15  }
0xed: {  	v28 =	vmul.f32 v28, v16;
	v31 =	vadd.f32 v31, v18;
	v15 =	vmul.f32 v33, v13;
	v13 =	vld [tilespmem:s11+$0x0]  }
0xee: {  	v18 =	vperm.xlane v32, v1;
	v17 =	vld [tilespmem:s11+$0x80];
	v23 =	vmax.f32 v23, v36;
	v25 =	vmul.f32 v37, v25  }
0xef: {  	v33 =	vmul.f32 $2.000000030e-01, v31;
	v16 =	vld [tilespmem:s11+$0x100];
	v23 =	vsub.f32 v23, v6;
	[tilespmem:s9+$0xFFFFFF00] =	vst v15;
	v15 =	vperm.xlane v9, v1  }
0xf0: {  	v36 =	vperm.xlane v32, v3;
	v37 =	vperm.xlane v27, v3;
	v21 =	vadd.f32 v21, v22;
	v22 =	vld [tilespmem:s24+$0x10];
	[tilespmem:s9+$0x90] =	vst v25  }
0xf1: {  	v24 =	vadd.f32 v24, v35;
	v25 =	vmax.f32 v31, v33;
	v23 =	vmul.f32 $1.442695020e+00, v23;
	[tilespmem:s9+$0x0] =	vst v28;
	v28 =	vld [tilespmem:s24+$0x1A0]  }
0xf2: {  	v35 =	vperm.xlane v9, v3;
	v25 =	vsub.f32 v25, v6;
	v31 =	vmul.f32 $2.000000030e-01, v21;
	v33 =	vld [tilespmem:s24+$0x90]  }
0xf3: {  	v38 =	vmul.f32 $2.000000030e-01, v24;
	(erf) = vpow2.f32 v23;
	v39 =	vld [tilespmem:s24+$0x110]  }
0xf4: {  	v23 =	vmul.f32 $1.442695020e+00, v25;
	v21 =	vmax.f32 v21, v31;
	v25 =	vperm.xlane v14, v1;
	v31 =	vld [tilespmem:s17+$0x30];
	[tilespmem:s18+$0xFFFFFF40] =	vst v19  }
0xf5: {  	v19 =	vmax.f32 v24, v38;
	v21 =	vsub.f32 v21, v6;
	v22 =	vmul.f32 v34, v22;
	v34 =	vld [tilespmem:s17+$0xB0];
	[tilespmem:s18+$0xFFFFFFC0] =	vst v20  }
0xf6: {  	v19 =	vsub.f32 v19, v6;
	(erf) = vpow2.f32 v23;
	v20 =	vmul.f32 v25, v28;
	v28 =	vld [tilespmem:s17+$0x130];
	[tilespmem:s18+$0x40] =	vst v26;
	s17 =	smov.u32 s24;
	s24 =	smov.u32 s11  }
0xf7: {  	v21 =	vmul.f32 $1.442695020e+00, v21;
	[tilespmem:s9+$0xFFFFFF10] =	vst v22;
	v22 =	vmul.f32 v30, v33  }
.Ltmp3:
0xf8: {  	v19 =	vmul.f32 $1.442695020e+00, v19;
	v23 =	vld [tilespmem:s17+$0x20];
	v26 =	vmul.f32 v29, v39;
	[tilespmem:s9+$0xA0] =	vst v20;
	(pc) =	sbr.rel @p1 .LBB2_7-.Ltmp3, $4  }
0xf9: {  	(erf) = vpow2.f32 v21;
	[tilespmem:s9+$0xFFFFFF90] =	vst v22;
	v24 =	vld [tilespmem:s17+$0x1B0];
	v20 =	vmul.f32 v10, v31;
	v10 =	vmov v36  }
0xfa: {  	v25 =	vld [tilespmem:s11+$0x180];
	(erf) = vpow2.f32 v19;
	[tilespmem:s9+$0x10] =	vst v26;
	v29 =	vmul.f32 v8, v34;
	v8 =	vmov v37  }
0xfb: {  	v19 =	vperm.xlane v32, v4;
	v21 =	vld [tilespmem:s17+$0xA0];
	[tilespmem:s18+$0xFFFFFF30] =	vst v20;
	v26 =	vmul.f32 v12, v28;
	v12 =	vmov v35  }
0xfc: {  	s11 =	sadd.s32 $0x200, s11;
	v20 =	vperm.xlane v27, v4;
	v27 =	vperm.xlane v14, v3;
	v22 =	vld [tilespmem:s17+$0x120];
	v14 =	vpop (erf);
	[tilespmem:s18+$0xFFFFFFB0] =	vst v29  }
0xfd: {  	v28 =	vperm.xlane v14, v2;
	_ =	sdelay $0x1  }
0xfe: {  	v25 =	vmul.f32 v28, v25;
	_ =	sdelay $0x1  }
0xff: {  	v28 =	vpop (erf)  }
0x100: {  	s10 =	sadd.s32 $0x200, s9;
	v29 =	vpop (erf)  }
0x101: {  	[tilespmem:s10+$0x80] =	vst v25;
	v25 =	vpop (erf)  }
0x102: {  	[tilespmem:s18+$0x30] =	vst v26;
	v18 =	vmul.f32 v18, v23;
	v23 =	vld [tilespmem:s24+$0x190];
	v26 =	vperm.xlane v25, v2  }
0x103: {  	[tilespmem:s9+$0xC0] =	vst v11;
	v7 =	vmul.f32 v7, v21;
	v11 =	vperm.xlane v28, v2  }
0x104: {  	[tilespmem:s9+$0xFFFFFF20] =	vst v18;
	v18 =	vperm.xlane v29, v2;
	v13 =	vmul.f32 v26, v13  }
0x105: {  	[tilespmem:s9+$0xFFFFFFA0] =	vst v7;
	v11 =	vmul.f32 v11, v17;
	v17 =	vperm.xlane v14, v0  }
0x106: {  	v16 =	vmul.f32 v18, v16;
	[tilespmem:s10+$0xFFFFFF00] =	vst v13  }
0x107: {  	[tilespmem:s10+$0xFFFFFF80] =	vst v11;
	v11 =	vmul.f32 v17, v23;
	v13 =	vld [tilespmem:s24+$0x10]  }
0x108: {  	v15 =	vmul.f32 v15, v22;
	[tilespmem:s10+$0x0] =	vst v16;
	v16 =	vld [tilespmem:s24+$0x90]  }
0x109: {  	v24 =	vmul.f32 v27, v24;
	[tilespmem:s10+$0x90] =	vst v11;
	v11 =	vld [tilespmem:s24+$0x110]  }
0x10a: {  	[tilespmem:s9+$0x20] =	vst v15;
	v15 =	vld [tilespmem:s17+$0x30];
	v7 =	vperm.xlane v25, v0  }
0x10b: {  	v9 =	vperm.xlane v9, v4;
	[tilespmem:s9+$0xB0] =	vst v24;
	v18 =	vperm.xlane v28, v0;
	v17 =	vld [tilespmem:s24+$0x1A0]  }
0x10c: {  	v21 =	vperm.xlane v29, v0;
	[tilespmem:s9+$0xFFFFFF40] =	vst v19;
	v19 =	vld [tilespmem:s17+$0x130];
	v7 =	vmul.f32 v7, v13  }
0x10d: {  	[tilespmem:s9+$0x40] =	vst v9;
	v16 =	vmul.f32 v18, v16;
	v13 =	vld [tilespmem:s17+$0xB0]  }
0x10e: {  	v18 =	vperm.xlane v14, v1;
	[tilespmem:s10+$0xFFFFFF10] =	vst v7;
	v7 =	vmul.f32 v21, v11  }
0x10f: {  	v9 =	vmul.f32 v10, v15;
	[tilespmem:s10+$0xFFFFFF90] =	vst v16;
	v11 =	vld [tilespmem:s24+$0x20]  }
0x110: {  	v16 =	vmul.f32 v18, v17;
	[tilespmem:s10+$0x10] =	vst v7;
	v7 =	vld [tilespmem:s24+$0xA0]  }
0x111: {  	[tilespmem:s9+$0xFFFFFF30] =	vst v9;
	v9 =	vmul.f32 v12, v19;
	v10 =	vld [tilespmem:s24+$0x120]  }
0x112: {  	v15 =	vperm.xlane v25, v1;
	[tilespmem:s10+$0xA0] =	vst v16;
	v8 =	vmul.f32 v8, v13  }
0x113: {  	[tilespmem:s9+$0x30] =	vst v9;
	v16 =	vld [tilespmem:s24+$0x1B0];
	v13 =	vperm.xlane v28, v1  }
0x114: {  	v12 =	vperm.xlane v29, v1;
	[tilespmem:s9+$0xFFFFFFB0] =	vst v8;
	v8 =	vmul.f32 v15, v11  }
0x115: {  	[tilespmem:s9+$0xFFFFFFC0] =	vst v20;
	v7 =	vmul.f32 v13, v7  }
0x116: {  	v9 =	vperm.xlane v14, v3;
	[tilespmem:s10+$0xFFFFFF20] =	vst v8;
	v8 =	vmul.f32 v12, v10  }
0x117: {  	v10 =	vperm.xlane v14, v4;
	[tilespmem:s10+$0xFFFFFFA0] =	vst v7;
	v7 =	vld [tilespmem:s24+$0x30]  }
0x118: {  	v9 =	vmul.f32 v9, v16;
	[tilespmem:s10+$0x20] =	vst v8;
	v8 =	vld [tilespmem:s24+$0xB0]  }
0x119: {  	v11 =	vperm.xlane v25, v4;
	[tilespmem:s10+$0xC0] =	vst v10;
	v10 =	vld [tilespmem:s24+$0x130]  }
0x11a: {  	v13 =	vperm.xlane v28, v4;
	v12 =	vperm.xlane v25, v3;
	[tilespmem:s10+$0xB0] =	vst v9  }
0x11b: {  	v14 =	vperm.xlane v29, v4;
	v9 =	vperm.xlane v28, v3;
	[tilespmem:s10+$0xFFFFFF40] =	vst v11  }
0x11c: {  	v11 =	vperm.xlane v29, v3;
	[tilespmem:s10+$0xFFFFFFC0] =	vst v13;
	v7 =	vmul.f32 v12, v7  }
0x11d: {  	[tilespmem:s10+$0x40] =	vst v14;
	v8 =	vmul.f32 v9, v8  }
0x11e: {  	[tilespmem:s10+$0xFFFFFF30] =	vst v7;
	v7 =	vmul.f32 v11, v10  }
0x11f: {  	[tilespmem:s10+$0xFFFFFFB0] =	vst v8  }
0x120: {  	[tilespmem:s10+$0x30] =	vst v7;
	s10 =	simm.s32 $0xC200  }
0x121: {  	[spmem:s2] =	stream.indirect.scatter.add.f32 [tilespmem:s28], [sflag:$0x3], $0x80, s10, s26, $0xb8;
	[tilespmem:$0x1FD80] =	vst v63  }
0x122: {  	p1 =	seq.s32 s15, $0x4F;
	s9 =	rddreg [dreg:$0x9]  }
0x123: {  	s9 =	sadd.s32 @!p1 s16, s9  }
0x124: {  	p2 =	seq.s32 @!p1 s15, $0x0;
	s9 =	sshrl.u32 @!p1 s9, $0x3  }
0x125: {  	p2 =	por p1, !p2;
	s10 =	simm.s32 @!p1 $0x0;
	s9 =	sadd.s32 @!p1 s6, s9  }
0x126: {  	[tilespmem:s10], [sflag:$0x7] =	stream.linear.gather @!p1 [hbm4b:s9+s10], $0x40, $0x38;
	[tilespmem:$0x1FD80] =	vst v63  }
0x127: {  	_ =	swait.ge @p2 [sflag:s12], $0x1000  }
0x128: {  	[sflag:s12] =	ssyncset.done @p2 $0x0  }
0x129: {  	[sflag:s12] =	ssyncadd.s32 @p2 $0xFFFFF000  }
0x12a: {  	v7 =	vld [tilespmem:$0x60]  }
0x12b: {  	v8 =	vld [tilespmem:$0x70];
	_ =	sdelay $0x3  }
0x12c: {  	[tilespmem:$0xC280] =	vst v7  }
0x12d: {  	s11 =	simm.s32 $0x2200;
	[tilespmem:$0xC290] =	vst v8  }
0x12e: {  	v7 =	vld [tilespmem:s11+$0x1C0]  }
0x12f: {  	v8 =	vld [tilespmem:s11+$0x11D0];
	_ =	sdelay $0x3  }
0x130: {  	v10 =	vld [tilespmem:s11+$0xC0]  }
0x131: {  	v11 =	vld [tilespmem:s11+$0x10D0];
	v7 =	vadd.f32 v8, v7  }
0x132: {  	v12 =	vld [tilespmem:s11+$0x1150]  }
0x133: {  	v8 =	vld [tilespmem:s11+$0x140];
	v13 =	vmul.f32 $2.000000030e-01, v7  }
0x134: {  	v9 =	vld [tilespmem:s11+$0x1050]  }
0x135: {  	v14 =	vld [tilespmem:s11+$0x40];
	v7 =	vmax.f32 v7, v13  }
0x136: {  	v7 =	vsub.f32 v7, v6  }
0x137: {  	v10 =	vadd.f32 v11, v10  }
0x138: {  	v8 =	vadd.f32 v12, v8;
	v7 =	vmul.f32 $1.442695020e+00, v7  }
0x139: {  	v11 =	vmul.f32 $2.000000030e-01, v10  }
0x13a: {  	v9 =	vadd.f32 v9, v14;
	v12 =	vmul.f32 $2.000000030e-01, v8;
	(erf) = vpow2.f32 v7  }
0x13b: {  	v7 =	vmax.f32 v10, v11  }
0x13c: {  	v10 =	vmul.f32 $2.000000030e-01, v9;
	v8 =	vmax.f32 v8, v12;
	v7 =	vsub.f32 v7, v6  }
0x13d: {  	v8 =	vsub.f32 v8, v6  }
0x13e: {  	s17 =	simm.s32 $0x2400;
	v9 =	vmax.f32 v9, v10;
	v7 =	vmul.f32 $1.442695020e+00, v7  }
0x13f: {  	v13 =	vld [tilespmem:s17+$0x11D0];
	v9 =	vsub.f32 v9, v6;
	v8 =	vmul.f32 $1.442695020e+00, v8  }
0x140: {  	v11 =	vld [tilespmem:s17+$0x1C0];
	(erf) = vpow2.f32 v7  }
0x141: {  	v7 =	vmul.f32 $1.442695020e+00, v9;
	(erf) = vpow2.f32 v8;
	v8 =	vld [tilespmem:s11+$0x180];
	_ =	sdelay $0x1  }
0x142: {  	(erf) = vpow2.f32 v7;
	v10 =	vpop (erf)  }
0x143: {  	v12 =	vperm.xlane v10, v2  }
0x144: {  	v15 =	vld [tilespmem:s17+$0x10D0]  }
0x145: {  	v20 =	vld [tilespmem:s17+$0x140];
	v11 =	vadd.f32 v13, v11;
	v8 =	vmul.f32 v12, v8  }
0x146: {  	v25 =	vld [tilespmem:s17+$0x40]  }
0x147: {  	v9 =	vld [tilespmem:s11+$0x0];
	v26 =	vmul.f32 $2.000000030e-01, v11  }
0x148: {  	s18 =	simm.s32 $0x9300;
	v7 =	vld [tilespmem:s11+$0x80]  }
0x149: {  	v11 =	vmax.f32 v11, v26;
	v12 =	vld [tilespmem:s17+$0xC0];
	[tilespmem:s18+$0x80] =	vst v8;
	v8 =	vpop (erf)  }
0x14a: {  	v11 =	vsub.f32 v11, v6;
	v16 =	vld [tilespmem:s11+$0x190];
	v19 =	vpop (erf)  }
0x14b: {  	v14 =	vld [tilespmem:s17+$0x1050];
	v17 =	vperm.xlane v10, v4;
	v18 =	vperm.xlane v8, v2;
	v22 =	vpop (erf)  }
0x14c: {  	v23 =	vld [tilespmem:s17+$0x1150];
	v11 =	vmul.f32 $1.442695020e+00, v11;
	v24 =	vperm.xlane v22, v2  }
0x14d: {  	v27 =	vld [tilespmem:s11+$0x100];
	v7 =	vmul.f32 v18, v7;
	v18 =	vperm.xlane v10, v0  }
0x14e: {  	v26 =	vperm.xlane v10, v1;
	v12 =	vadd.f32 v15, v12;
	v9 =	vmul.f32 v24, v9  }
0x14f: {  	s24 =	simm.s32 $0x2600;
	(erf) = vpow2.f32 v11;
	v16 =	vmul.f32 v18, v16  }
0x150: {  	v28 =	vld [tilespmem:s24+$0x1C0];
	v14 =	vadd.f32 v14, v25;
	v15 =	vperm.xlane v19, v2;
	v18 =	vmul.f32 $2.000000030e-01, v12;
	[tilespmem:s18+$0xFFFFFF00] =	vst v9  }
0x151: {  	v13 =	vperm.xlane v8, v0;
	v21 =	vperm.xlane v8, v1;
	v9 =	vadd.f32 v23, v20;
	[tilespmem:s18+$0x90] =	vst v16;
	v23 =	vld [tilespmem:s11+$0x10]  }
0x152: {  	v25 =	vperm.xlane v19, v1;
	v15 =	vmul.f32 v15, v27;
	[tilespmem:s18+$0xFFFFFF80] =	vst v7;
	v12 =	vmax.f32 v12, v18;
	v7 =	vld [tilespmem:s11+$0x1A0]  }
0x153: {  	v29 =	vld [tilespmem:s24+$0x11D0];
	v11 =	vperm.xlane v22, v1;
	v12 =	vsub.f32 v12, v6;
	v16 =	vmul.f32 $2.000000030e-01, v9  }
0x154: {  	[tilespmem:s18+$0x0] =	vst v15;
	v15 =	vld [tilespmem:s11+$0x90];
	v20 =	vperm.xlane v22, v0;
	v18 =	vmul.f32 $2.000000030e-01, v14  }
0x155: {  	v32 =	vld [tilespmem:s24+$0x10D0];
	v10 =	vperm.xlane v10, v3;
	v12 =	vmul.f32 $1.442695020e+00, v12;
	v9 =	vmax.f32 v9, v16  }
0x156: {  	v34 =	vld [tilespmem:s24+$0x1050];
	v14 =	vmax.f32 v14, v18;
	v9 =	vsub.f32 v9, v6;
	v20 =	vmul.f32 v20, v23  }
0x157: {  	v14 =	vsub.f32 v14, v6;
	v16 =	vld [tilespmem:s11+$0x110];
	(erf) = vpow2.f32 v12;
	v7 =	vmul.f32 v26, v7  }
0x158: {  	v38 =	vld [tilespmem:s24+$0x40];
	v24 =	vperm.xlane v19, v0;
	v9 =	vmul.f32 $1.442695020e+00, v9;
	[tilespmem:s18+$0xFFFFFF10] =	vst v20  }
0x159: {  	v27 =	vpop (erf);
	v13 =	vmul.f32 v13, v15;
	v14 =	vmul.f32 $1.442695020e+00, v14;
	[tilespmem:s18+$0xA0] =	vst v7;
	v7 =	vld [tilespmem:s17+$0x180]  }
0x15a: {  	v37 =	vperm.xlane v27, v0;
	v15 =	vld [tilespmem:s11+$0x20];
	(erf) = vpow2.f32 v9  }
0x15b: {  	[tilespmem:s18+$0xFFFFFF90] =	vst v13;
	v26 =	vperm.xlane v19, v3;
	v13 =	vld [tilespmem:s11+$0x1B0];
	(erf) = vpow2.f32 v14  }
0x15c: {  	v18 =	vld [tilespmem:s17+$0x0];
	v19 =	vperm.xlane v19, v4;
	v9 =	vmul.f32 v24, v16  }
0x15d: {  	v23 =	vld [tilespmem:s17+$0x80];
	v20 =	vperm.xlane v8, v3;
	v24 =	vperm.xlane v27, v2  }
0x15e: {  	v16 =	vperm.xlane v22, v4;
	v14 =	vperm.xlane v22, v3;
	[tilespmem:s18+$0x10] =	vst v9;
	v9 =	vld [tilespmem:s11+$0xA0]  }
0x15f: {  	v22 =	vperm.xlane v8, v4;
	v8 =	vld [tilespmem:s11+$0x120];
	v7 =	vmul.f32 v24, v7  }
0x160: {  	v12 =	vld [tilespmem:s17+$0x100];
	v15 =	vmul.f32 v11, v15;
	v10 =	vmul.f32 v10, v13;
	v30 =	vpop (erf)  }
0x161: {  	s9 =	simm.s32 $0x9500;
	[tilespmem:s18+$0xC0] =	vst v17;
	v11 =	vperm.xlane v27, v4;
	v13 =	vld [tilespmem:s24+$0xC0];
	v24 =	vperm.xlane v30, v2  }
0x162: {  	v17 =	vld [tilespmem:s24+$0x1150];
	v31 =	vperm.xlane v30, v0;
	[tilespmem:s9+$0x80] =	vst v7;
	v7 =	vperm.xlane v30, v1  }
0x163: {  	v59 =	vadd.f32 v34, v38;
	v21 =	vmul.f32 v21, v9;
	v33 =	vld [tilespmem:s17+$0x190];
	v23 =	vmul.f32 v24, v23;
	v9 =	vpop (erf)  }
0x164: {  	[tilespmem:s18+$0xFFFFFF20] =	vst v15;
	v24 =	vmul.f32 v25, v8;
	v8 =	vld [tilespmem:s24+$0x140];
	v25 =	vadd.f32 v29, v28;
	v35 =	vpop (erf);
	v28 =	vperm.xlane v9, v2  }
0x165: {  	[tilespmem:s18+$0xB0] =	vst v10;
	v36 =	vperm.xlane v9, v0;
	v29 =	vperm.xlane v35, v2  }
0x166: {  	v15 =	vmul.f32 $2.000000030e-01, v25;
	v32 =	vadd.f32 v32, v13;
	[tilespmem:s18+$0x20] =	vst v24;
	v24 =	vmul.f32 $2.000000030e-01, v59  }
0x167: {  	[tilespmem:s18+$0xFFFFFFA0] =	vst v21;
	v39 =	vperm.xlane v35, v0;
	v29 =	vmul.f32 v29, v18  }
0x168: {  	v13 =	vld [tilespmem:s24+$0x0];
	[tilespmem:s9+$0xFFFFFF80] =	vst v23;
	v10 =	vmul.f32 v37, v33;
	v15 =	vmax.f32 v25, v15;
	v25 =	vmul.f32 $2.000000030e-01, v32  }
0x169: {  	v60 =	vld [tilespmem:s17+$0x90];
	v12 =	vmul.f32 v28, v12;
	v28 =	vsub.f32 v15, v6;
	v17 =	vadd.f32 v17, v8;
	[tilespmem:s9+$0xFFFFFF00] =	vst v29  }
0x16a: {  	v18 =	vperm.xlane v35, v1;
	v15 =	vperm.xlane v9, v1;
	[tilespmem:s9+$0x90] =	vst v10;
	v25 =	vmax.f32 v32, v25;
	v29 =	vld [tilespmem:s17+$0x10]  }
0x16b: {  	[tilespmem:s9+$0x0] =	vst v12;
	v23 =	vld [tilespmem:s17+$0x1A0];
	v28 =	vmul.f32 $1.442695020e+00, v28;
	v21 =	vsub.f32 v25, v6;
	v25 =	vmul.f32 $2.000000030e-01, v17  }
0x16c: {  	v8 =	vperm.xlane v30, v3;
	v10 =	vperm.xlane v35, v3;
	v61 =	vld [tilespmem:s17+$0x110]  }
0x16d: {  	(erf) = vpow2.f32 v28;
	v28 =	vld [tilespmem:s11+$0x30];
	v21 =	vmul.f32 $1.442695020e+00, v21;
	v17 =	vmax.f32 v17, v25  }
0x16e: {  	v62 =	vld [tilespmem:s11+$0xB0];
	v25 =	vperm.xlane v27, v1;
	[tilespmem:s18+$0xFFFFFF40] =	vst v16;
	v16 =	vmax.f32 v59, v24;
	v24 =	vsub.f32 v17, v6  }
0x16f: {  	[tilespmem:s18+$0xFFFFFFC0] =	vst v22;
	v22 =	vld [tilespmem:s11+$0x130];
	(erf) = vpow2.f32 v21;
	v29 =	vmul.f32 v39, v29  }
0x170: {  	[tilespmem:s18+$0x40] =	vst v19;
	v17 =	vld [tilespmem:s24+$0x80];
	v33 =	vsub.f32 v16, v6;
	v21 =	vmul.f32 v25, v23;
	v19 =	vmul.f32 $1.442695020e+00, v24  }
0x171: {  	v16 =	vld [tilespmem:s24+$0x100];
	v24 =	vmul.f32 v31, v60;
	v63 =	vmul.f32 v36, v61;
	[tilespmem:s9+$0xFFFFFF10] =	vst v29  }
0x172: {  	[tilespmem:s9+$0xA0] =	vst v21;
	v14 =	vmul.f32 v14, v28;
	v29 =	vmul.f32 $1.442695020e+00, v33;
	v23 =	vld [tilespmem:s17+$0x20]  }
0x173: {  	v12 =	vperm.xlane v9, v3;
	(erf) = vpow2.f32 v19;
	[tilespmem:s9+$0xFFFFFF90] =	vst v24;
	v24 =	vld [tilespmem:s17+$0x1B0]  }
0x174: {  	v25 =	vld [tilespmem:s24+$0x180];
	[tilespmem:s9+$0x10] =	vst v63;
	v28 =	vmul.f32 v20, v62;
	(erf) = vpow2.f32 v29  }
0x175: {  	v26 =	vmul.f32 v26, v22;
	v27 =	vperm.xlane v27, v3;
	v21 =	vld [tilespmem:s17+$0xA0];
	[tilespmem:s18+$0xFFFFFF30] =	vst v14  }
0x176: {  	s10 =	simm.s32 $0x8;
	s11 =	simm.s32 $0x2800;
	v19 =	vperm.xlane v35, v4;
	v20 =	vperm.xlane v30, v4;
	v22 =	vld [tilespmem:s17+$0x120];
	[tilespmem:s18+$0xFFFFFFB0] =	vst v28;
	v14 =	vpop (erf)  }
.LBB2_9:
0x177: {  	v28 =	vld [tilespmem:s11+$0x1C0];
	v29 =	vperm.xlane v14, v2;
	v18 =	vmul.f32 v18, v23;
	[tilespmem:s18+$0x30] =	vst v26;
	s18 =	smov.u32 s9  }
0x178: {  	s10 =	sadd.s32 $0x4, s10;
	v26 =	vperm.xlane v9, v4;
	v23 =	vld [tilespmem:s11+$0x11D0];
	v9 =	vmul.f32 v27, v24;
	[tilespmem:s9+$0xC0] =	vst v11  }
0x179: {  	p4 =	slt.u32 s10, $0x1C;
	v11 =	vperm.xlane v14, v4;
	v24 =	vld [tilespmem:s11+$0x1050];
	v25 =	vmul.f32 v29, v25;
	v27 =	vpop (erf);
	[tilespmem:s9+$0xFFFFFF20] =	vst v18  }
0x17a: {  	s9 =	sadd.s32 $0x200, s9;
	v18 =	vld [tilespmem:s11+$0xC0];
	v29 =	vperm.xlane v27, v2;
	v30 =	vperm.xlane v27, v0;
	[tilespmem:s18+$0xB0] =	vst v9  }
0x17b: {  	v21 =	vmul.f32 v7, v21;
	v7 =	vperm.xlane v27, v1;
	v31 =	vld [tilespmem:s11+$0x10D0];
	[tilespmem:s9+$0x80] =	vst v25  }
0x17c: {  	v15 =	vmul.f32 v15, v22;
	v17 =	vmul.f32 v29, v17;
	v25 =	vld [tilespmem:s24+$0x190];
	v9 =	vpop (erf)  }
0x17d: {  	v22 =	vld [tilespmem:s11+$0x140];
	v23 =	vadd.f32 v23, v28;
	v28 =	vperm.xlane v9, v2;
	v29 =	vperm.xlane v9, v0;
	v32 =	vpop (erf);
	[tilespmem:s18+$0xFFFFFFA0] =	vst v21  }
0x17e: {  	v21 =	vld [tilespmem:s11+$0x1150];
	v33 =	vperm.xlane v32, v2;
	v34 =	vperm.xlane v32, v0;
	[tilespmem:s9+$0xFFFFFF80] =	vst v17  }
0x17f: {  	v37 =	vperm.xlane v14, v0;
	v35 =	vld [tilespmem:s11+$0x40];
	v36 =	vmul.f32 $2.000000030e-01, v23;
	[tilespmem:s18+$0x20] =	vst v15  }
0x180: {  	v28 =	vmul.f32 v28, v16;
	v31 =	vadd.f32 v31, v18;
	v15 =	vmul.f32 v33, v13;
	v13 =	vld [tilespmem:s11+$0x0]  }
0x181: {  	v18 =	vperm.xlane v32, v1;
	v17 =	vld [tilespmem:s11+$0x80];
	v23 =	vmax.f32 v23, v36;
	v25 =	vmul.f32 v37, v25  }
0x182: {  	v33 =	vmul.f32 $2.000000030e-01, v31;
	v16 =	vld [tilespmem:s11+$0x100];
	v23 =	vsub.f32 v23, v6;
	[tilespmem:s9+$0xFFFFFF00] =	vst v15;
	v15 =	vperm.xlane v9, v1  }
0x183: {  	v36 =	vperm.xlane v32, v3;
	v37 =	vperm.xlane v27, v3;
	v21 =	vadd.f32 v21, v22;
	v22 =	vld [tilespmem:s24+$0x10];
	[tilespmem:s9+$0x90] =	vst v25  }
0x184: {  	v24 =	vadd.f32 v24, v35;
	v25 =	vmax.f32 v31, v33;
	v23 =	vmul.f32 $1.442695020e+00, v23;
	[tilespmem:s9+$0x0] =	vst v28;
	v28 =	vld [tilespmem:s24+$0x1A0]  }
0x185: {  	v35 =	vperm.xlane v9, v3;
	v25 =	vsub.f32 v25, v6;
	v31 =	vmul.f32 $2.000000030e-01, v21;
	v33 =	vld [tilespmem:s24+$0x90]  }
0x186: {  	v38 =	vmul.f32 $2.000000030e-01, v24;
	(erf) = vpow2.f32 v23;
	v39 =	vld [tilespmem:s24+$0x110]  }
0x187: {  	v23 =	vmul.f32 $1.442695020e+00, v25;
	v21 =	vmax.f32 v21, v31;
	v25 =	vperm.xlane v14, v1;
	v31 =	vld [tilespmem:s17+$0x30];
	[tilespmem:s18+$0xFFFFFF40] =	vst v19  }
0x188: {  	v19 =	vmax.f32 v24, v38;
	v21 =	vsub.f32 v21, v6;
	v22 =	vmul.f32 v34, v22;
	v34 =	vld [tilespmem:s17+$0xB0];
	[tilespmem:s18+$0xFFFFFFC0] =	vst v20  }
0x189: {  	v19 =	vsub.f32 v19, v6;
	(erf) = vpow2.f32 v23;
	v20 =	vmul.f32 v25, v28;
	v28 =	vld [tilespmem:s17+$0x130];
	[tilespmem:s18+$0x40] =	vst v26;
	s17 =	smov.u32 s24;
	s24 =	smov.u32 s11  }
0x18a: {  	v21 =	vmul.f32 $1.442695020e+00, v21;
	[tilespmem:s9+$0xFFFFFF10] =	vst v22;
	v22 =	vmul.f32 v30, v33  }
.Ltmp4:
0x18b: {  	v19 =	vmul.f32 $1.442695020e+00, v19;
	v23 =	vld [tilespmem:s17+$0x20];
	v26 =	vmul.f32 v29, v39;
	[tilespmem:s9+$0xA0] =	vst v20;
	(pc) =	sbr.rel @p4 .LBB2_9-.Ltmp4, $4  }
0x18c: {  	(erf) = vpow2.f32 v21;
	[tilespmem:s9+$0xFFFFFF90] =	vst v22;
	v24 =	vld [tilespmem:s17+$0x1B0];
	v20 =	vmul.f32 v10, v31;
	v10 =	vmov v36  }
0x18d: {  	v25 =	vld [tilespmem:s11+$0x180];
	(erf) = vpow2.f32 v19;
	[tilespmem:s9+$0x10] =	vst v26;
	v29 =	vmul.f32 v8, v34;
	v8 =	vmov v37  }
0x18e: {  	v19 =	vperm.xlane v32, v4;
	v21 =	vld [tilespmem:s17+$0xA0];
	[tilespmem:s18+$0xFFFFFF30] =	vst v20;
	v26 =	vmul.f32 v12, v28;
	v12 =	vmov v35  }
0x18f: {  	s11 =	sadd.s32 $0x200, s11;
	v20 =	vperm.xlane v27, v4;
	v27 =	vperm.xlane v14, v3;
	v22 =	vld [tilespmem:s17+$0x120];
	v14 =	vpop (erf);
	[tilespmem:s18+$0xFFFFFFB0] =	vst v29  }
0x190: {  	_ =	sdelay $0x2  }
0x191: {  	v28 =	vperm.xlane v14, v2  }
0x192: {  	v63 =	vpop (erf)  }
0x193: {  	v25 =	vmul.f32 v28, v25;
	v29 =	vpop (erf)  }
0x194: {  	s10 =	sadd.s32 $0x200, s9;
	[tilespmem:s18+$0x30] =	vst v26;
	v31 =	vpop (erf)  }
0x195: {  	v18 =	vmul.f32 v18, v23;
	[tilespmem:s10+$0x80] =	vst v25;
	v33 =	vperm.xlane v31, v2  }
0x196: {  	[tilespmem:s9+$0xC0] =	vst v11;
	v24 =	vmul.f32 v27, v24;
	v34 =	vperm.xlane v63, v2;
	v32 =	vld [tilespmem:s24+$0x190]  }
0x197: {  	[tilespmem:s9+$0xFFFFFF20] =	vst v18;
	v35 =	vperm.xlane v29, v2;
	v13 =	vmul.f32 v33, v13  }
0x198: {  	[tilespmem:s9+$0xB0] =	vst v24;
	v11 =	vmul.f32 v34, v17  }
0x199: {  	v36 =	vperm.xlane v14, v0;
	v16 =	vmul.f32 v35, v16;
	[tilespmem:s10+$0xFFFFFF00] =	vst v13  }
0x19a: {  	v7 =	vmul.f32 v7, v21;
	[tilespmem:s10+$0xFFFFFF80] =	vst v11;
	v13 =	vld [tilespmem:s24+$0x10]  }
0x19b: {  	v38 =	vld [tilespmem:s24+$0x90];
	v37 =	vmul.f32 v36, v32;
	[tilespmem:s10+$0x0] =	vst v16  }
0x19c: {  	[tilespmem:s9+$0xFFFFFFA0] =	vst v7;
	v39 =	vld [tilespmem:s24+$0x110]  }
0x19d: {  	v42 =	vld [tilespmem:s17+$0x30];
	v15 =	vmul.f32 v15, v22;
	v7 =	vperm.xlane v31, v0;
	[tilespmem:s10+$0x90] =	vst v37  }
0x19e: {  	v41 =	vperm.xlane v63, v0;
	[tilespmem:s9+$0xFFFFFF40] =	vst v19;
	v40 =	vld [tilespmem:s24+$0x1A0]  }
0x19f: {  	[tilespmem:s9+$0x20] =	vst v15;
	v43 =	vperm.xlane v29, v0;
	v7 =	vmul.f32 v7, v13  }
0x1a0: {  	v44 =	vld [tilespmem:s17+$0xB0];
	[tilespmem:s9+$0xFFFFFFC0] =	vst v20;
	v16 =	vmul.f32 v41, v38  }
0x1a1: {  	v45 =	vperm.xlane v14, v1;
	v46 =	vld [tilespmem:s17+$0x130];
	[tilespmem:s10+$0xFFFFFF10] =	vst v7;
	v7 =	vmul.f32 v43, v39  }
0x1a2: {  	v9 =	vperm.xlane v9, v4;
	[tilespmem:s10+$0xFFFFFF90] =	vst v16;
	v47 =	vld [tilespmem:s24+$0x20]  }
0x1a3: {  	v48 =	vmul.f32 v45, v40;
	[tilespmem:s10+$0x10] =	vst v7;
	v7 =	vld [tilespmem:s24+$0xA0]  }
0x1a4: {  	[tilespmem:s9+$0x40] =	vst v9;
	v49 =	vmul.f32 v10, v42;
	v50 =	vld [tilespmem:s24+$0x120]  }
0x1a5: {  	v51 =	vperm.xlane v31, v1;
	v8 =	vmul.f32 v8, v44;
	[tilespmem:s10+$0xA0] =	vst v48  }
0x1a6: {  	v52 =	vperm.xlane v63, v1;
	[tilespmem:s9+$0xFFFFFF30] =	vst v49;
	v53 =	vmul.f32 v12, v46;
	v16 =	vld [tilespmem:s24+$0x1B0]  }
0x1a7: {  	v54 =	vperm.xlane v29, v1;
	[tilespmem:s9+$0xFFFFFFB0] =	vst v8;
	v8 =	vmul.f32 v51, v47  }
0x1a8: {  	[tilespmem:s9+$0x30] =	vst v53;
	v7 =	vmul.f32 v52, v7  }
0x1a9: {  	v55 =	vperm.xlane v14, v3;
	[tilespmem:s10+$0xFFFFFF20] =	vst v8;
	v8 =	vmul.f32 v54, v50  }
0x1aa: {  	v56 =	vperm.xlane v14, v4;
	[tilespmem:s10+$0xFFFFFFA0] =	vst v7;
	v7 =	vld [tilespmem:s24+$0x30]  }
0x1ab: {  	v9 =	vmul.f32 v55, v16;
	[tilespmem:s10+$0x20] =	vst v8;
	v8 =	vld [tilespmem:s24+$0xB0]  }
0x1ac: {  	v57 =	vperm.xlane v31, v4;
	[tilespmem:s10+$0xC0] =	vst v56;
	v58 =	vld [tilespmem:s24+$0x130]  }
0x1ad: {  	v60 =	vperm.xlane v63, v4;
	v59 =	vperm.xlane v31, v3;
	[tilespmem:s10+$0xB0] =	vst v9  }
0x1ae: {  	v61 =	vperm.xlane v63, v3;
	v62 =	vperm.xlane v29, v4;
	[tilespmem:s10+$0xFFFFFF40] =	vst v57  }
0x1af: {  	v63 =	vperm.xlane v29, v3;
	[tilespmem:s10+$0xFFFFFFC0] =	vst v60;
	v7 =	vmul.f32 v59, v7  }
0x1b0: {  	[tilespmem:s10+$0x40] =	vst v62;
	v8 =	vmul.f32 v61, v8  }
0x1b1: {  	[tilespmem:s10+$0xFFFFFF30] =	vst v7;
	v7 =	vmul.f32 v63, v58  }
0x1b2: {  	[tilespmem:s10+$0xFFFFFFB0] =	vst v8  }
0x1b3: {  	s11 =	simm.s32 $0xC280;
	s17 =	simm.s32 $0x9200;
	[tilespmem:s10+$0x30] =	vst v7  }
0x1b4: {  	[spmem:s2] =	stream.indirect.scatter.add.f32 [tilespmem:s17], [sflag:$0x4], $0x80, s11, s26, $0xb8;
	[tilespmem:$0x1FD80] =	vst v63  }
0x1b5: {  	_ =	swait.ge [sflag:s21], $0x40  }
0x1b6: {  	p4 =	sne.s32 s15, $0x4F;
	[sflag:s21] =	ssyncset.done $0x0  }
.Ltmp5:
0x1b7: {  	[sflag:s21] =	ssyncadd.s32 $0xFFFFFFC0;
	(pc) =	sbr.rel @p4 .LBB2_12-.Ltmp5, $4  }
0x1b8: {  	_ =	swait.ge [sflag:s7], $0x40  }
0x1b9: {  	[sflag:s7] =	ssyncset.done $0x0  }
0x1ba: {  	s18 =	simm.s32 $0x100;
	s24 =	simm.s32 $0x200;
	[sflag:s7] =	ssyncadd.s32 $0xFFFFFFC0  }
0x1bb: {  	[tilespmem:s24], [sflag:$0x1] =	stream.indirect.gather [hbm4b:s5+s0], $0x80, s18, s0, $0xb8;
	[tilespmem:$0x1FD80] =	vst v63  }
.Ltmp6:
0x1bc: {  	(pc) =	sbr.rel .LBB2_13-.Ltmp6, $4  }
0x1bd: {  	_ = 	snop  }
0x1be: {  	_ =	swait.ge [sflag:s8], $0x4000  }
0x1bf: {  	[sflag:s8] =	ssyncset.done $0x0  }
0x1c0: {  	[sflag:s8] =	ssyncadd.s32 $0xFFFFC000  }
.LBB2_12:
0x1c1: {  	s9 =	rddreg [dreg:$0xa]  }
0x1c2: {  	s9 =	sadd.s32 s16, s9  }
0x1c3: {  	s10 =	simm.s32 $0x0;
	s9 =	sshrl.u32 s9, $0x3  }
.Ltmp7:
0x1c4: {  	s11 =	simm.s32 $0x40;
	s9 =	sadd.s32 s6, s9;
	(pc) =	sbr.rel @p3 .LBB2_14-.Ltmp7, $4  }
0x1c5: {  	[tilespmem:s11], [sflag:$0x8] =	stream.linear.gather [hbm4b:s9+s10], $0x40, $0x38;
	[tilespmem:$0x1FD80] =	vst v63  }
0x1c6: {  	_ =	swait.ge [sflag:s8], $0x4000  }
0x1c7: {  	[sflag:s8] =	ssyncset.done $0x0  }
0x1c8: {  	[sflag:s8] =	ssyncadd.s32 $0xFFFFC000  }
.LBB2_13:
0x1c9: {  	_ =	swait.ge [sflag:s31], $0x1000  }
0x1ca: {  	[sflag:s31] =	ssyncset.done $0x0  }
0x1cb: {  	[sflag:s31] =	ssyncadd.s32 $0xFFFFF000  }
.LBB2_14:
0x1cc: {  	v7 =	vld [tilespmem:$0xA0]  }
0x1cd: {  	v8 =	vld [tilespmem:$0xB0];
	_ =	sdelay $0x3  }
0x1ce: {  	[tilespmem:$0xC300] =	vst v7  }
0x1cf: {  	s10 =	simm.s32 $0x4200;
	[tilespmem:$0xC310] =	vst v8  }
0x1d0: {  	v7 =	vld [tilespmem:s10+$0x1C0]  }
0x1d1: {  	v8 =	vld [tilespmem:s10+$0x11D0];
	_ =	sdelay $0x3  }
0x1d2: {  	v10 =	vld [tilespmem:s10+$0xC0]  }
0x1d3: {  	v11 =	vld [tilespmem:s10+$0x10D0];
	v7 =	vadd.f32 v8, v7  }
0x1d4: {  	v12 =	vld [tilespmem:s10+$0x1150]  }
0x1d5: {  	v8 =	vld [tilespmem:s10+$0x140];
	v13 =	vmul.f32 $2.000000030e-01, v7  }
0x1d6: {  	v9 =	vld [tilespmem:s10+$0x1050]  }
0x1d7: {  	v14 =	vld [tilespmem:s10+$0x40];
	v7 =	vmax.f32 v7, v13  }
0x1d8: {  	v7 =	vsub.f32 v7, v6  }
0x1d9: {  	v10 =	vadd.f32 v11, v10  }
0x1da: {  	v8 =	vadd.f32 v12, v8;
	v7 =	vmul.f32 $1.442695020e+00, v7  }
0x1db: {  	v11 =	vmul.f32 $2.000000030e-01, v10  }
0x1dc: {  	v9 =	vadd.f32 v9, v14;
	v12 =	vmul.f32 $2.000000030e-01, v8;
	(erf) = vpow2.f32 v7  }
0x1dd: {  	v7 =	vmax.f32 v10, v11  }
0x1de: {  	v10 =	vmul.f32 $2.000000030e-01, v9;
	v8 =	vmax.f32 v8, v12;
	v7 =	vsub.f32 v7, v6  }
0x1df: {  	v8 =	vsub.f32 v8, v6  }
0x1e0: {  	s17 =	simm.s32 $0x4400;
	v9 =	vmax.f32 v9, v10;
	v7 =	vmul.f32 $1.442695020e+00, v7  }
0x1e1: {  	v13 =	vld [tilespmem:s17+$0x11D0];
	v9 =	vsub.f32 v9, v6;
	v8 =	vmul.f32 $1.442695020e+00, v8  }
0x1e2: {  	v11 =	vld [tilespmem:s17+$0x1C0];
	(erf) = vpow2.f32 v7  }
0x1e3: {  	v7 =	vmul.f32 $1.442695020e+00, v9;
	(erf) = vpow2.f32 v8;
	v8 =	vld [tilespmem:s10+$0x180];
	_ =	sdelay $0x1  }
0x1e4: {  	(erf) = vpow2.f32 v7;
	v10 =	vpop (erf)  }
0x1e5: {  	v12 =	vperm.xlane v10, v2  }
0x1e6: {  	v15 =	vld [tilespmem:s17+$0x10D0]  }
0x1e7: {  	v20 =	vld [tilespmem:s17+$0x140];
	v11 =	vadd.f32 v13, v11;
	v8 =	vmul.f32 v12, v8  }
0x1e8: {  	v25 =	vld [tilespmem:s17+$0x40]  }
0x1e9: {  	v9 =	vld [tilespmem:s10+$0x0];
	v26 =	vmul.f32 $2.000000030e-01, v11  }
0x1ea: {  	s18 =	simm.s32 $0xA300;
	v7 =	vld [tilespmem:s10+$0x80]  }
0x1eb: {  	v11 =	vmax.f32 v11, v26;
	v12 =	vld [tilespmem:s17+$0xC0];
	[tilespmem:s18+$0x80] =	vst v8;
	v8 =	vpop (erf)  }
0x1ec: {  	v11 =	vsub.f32 v11, v6;
	v16 =	vld [tilespmem:s10+$0x190];
	v19 =	vpop (erf)  }
0x1ed: {  	v14 =	vld [tilespmem:s17+$0x1050];
	v17 =	vperm.xlane v10, v4;
	v18 =	vperm.xlane v8, v2;
	v22 =	vpop (erf)  }
0x1ee: {  	v23 =	vld [tilespmem:s17+$0x1150];
	v11 =	vmul.f32 $1.442695020e+00, v11;
	v24 =	vperm.xlane v22, v2  }
0x1ef: {  	v27 =	vld [tilespmem:s10+$0x100];
	v7 =	vmul.f32 v18, v7;
	v18 =	vperm.xlane v10, v0  }
0x1f0: {  	v26 =	vperm.xlane v10, v1;
	v12 =	vadd.f32 v15, v12;
	v9 =	vmul.f32 v24, v9  }
0x1f1: {  	s24 =	simm.s32 $0x4600;
	(erf) = vpow2.f32 v11;
	v16 =	vmul.f32 v18, v16  }
0x1f2: {  	v28 =	vld [tilespmem:s24+$0x1C0];
	v14 =	vadd.f32 v14, v25;
	v15 =	vperm.xlane v19, v2;
	v18 =	vmul.f32 $2.000000030e-01, v12;
	[tilespmem:s18+$0xFFFFFF00] =	vst v9  }
0x1f3: {  	v13 =	vperm.xlane v8, v0;
	v21 =	vperm.xlane v8, v1;
	v9 =	vadd.f32 v23, v20;
	[tilespmem:s18+$0x90] =	vst v16;
	v23 =	vld [tilespmem:s10+$0x10]  }
0x1f4: {  	v25 =	vperm.xlane v19, v1;
	v15 =	vmul.f32 v15, v27;
	[tilespmem:s18+$0xFFFFFF80] =	vst v7;
	v12 =	vmax.f32 v12, v18;
	v7 =	vld [tilespmem:s10+$0x1A0]  }
0x1f5: {  	v29 =	vld [tilespmem:s24+$0x11D0];
	v11 =	vperm.xlane v22, v1;
	v12 =	vsub.f32 v12, v6;
	v16 =	vmul.f32 $2.000000030e-01, v9  }
0x1f6: {  	[tilespmem:s18+$0x0] =	vst v15;
	v15 =	vld [tilespmem:s10+$0x90];
	v20 =	vperm.xlane v22, v0;
	v18 =	vmul.f32 $2.000000030e-01, v14  }
0x1f7: {  	v32 =	vld [tilespmem:s24+$0x10D0];
	v10 =	vperm.xlane v10, v3;
	v12 =	vmul.f32 $1.442695020e+00, v12;
	v9 =	vmax.f32 v9, v16  }
0x1f8: {  	v34 =	vld [tilespmem:s24+$0x1050];
	v14 =	vmax.f32 v14, v18;
	v9 =	vsub.f32 v9, v6;
	v20 =	vmul.f32 v20, v23  }
0x1f9: {  	v14 =	vsub.f32 v14, v6;
	v16 =	vld [tilespmem:s10+$0x110];
	(erf) = vpow2.f32 v12;
	v7 =	vmul.f32 v26, v7  }
0x1fa: {  	v38 =	vld [tilespmem:s24+$0x40];
	v24 =	vperm.xlane v19, v0;
	v9 =	vmul.f32 $1.442695020e+00, v9;
	[tilespmem:s18+$0xFFFFFF10] =	vst v20  }
0x1fb: {  	v27 =	vpop (erf);
	v13 =	vmul.f32 v13, v15;
	v14 =	vmul.f32 $1.442695020e+00, v14;
	[tilespmem:s18+$0xA0] =	vst v7;
	v7 =	vld [tilespmem:s17+$0x180]  }
0x1fc: {  	v37 =	vperm.xlane v27, v0;
	v15 =	vld [tilespmem:s10+$0x20];
	(erf) = vpow2.f32 v9  }
0x1fd: {  	[tilespmem:s18+$0xFFFFFF90] =	vst v13;
	v26 =	vperm.xlane v19, v3;
	v13 =	vld [tilespmem:s10+$0x1B0];
	(erf) = vpow2.f32 v14  }
0x1fe: {  	v18 =	vld [tilespmem:s17+$0x0];
	v19 =	vperm.xlane v19, v4;
	v9 =	vmul.f32 v24, v16  }
0x1ff: {  	v23 =	vld [tilespmem:s17+$0x80];
	v20 =	vperm.xlane v8, v3;
	v24 =	vperm.xlane v27, v2  }
0x200: {  	v16 =	vperm.xlane v22, v4;
	v14 =	vperm.xlane v22, v3;
	[tilespmem:s18+$0x10] =	vst v9;
	v9 =	vld [tilespmem:s10+$0xA0]  }
0x201: {  	v22 =	vperm.xlane v8, v4;
	v8 =	vld [tilespmem:s10+$0x120];
	v7 =	vmul.f32 v24, v7  }
0x202: {  	v12 =	vld [tilespmem:s17+$0x100];
	v15 =	vmul.f32 v11, v15;
	v10 =	vmul.f32 v10, v13;
	v30 =	vpop (erf)  }
0x203: {  	s9 =	simm.s32 $0xA500;
	[tilespmem:s18+$0xC0] =	vst v17;
	v11 =	vperm.xlane v27, v4;
	v13 =	vld [tilespmem:s24+$0xC0];
	v24 =	vperm.xlane v30, v2  }
0x204: {  	v17 =	vld [tilespmem:s24+$0x1150];
	v31 =	vperm.xlane v30, v0;
	[tilespmem:s9+$0x80] =	vst v7;
	v7 =	vperm.xlane v30, v1  }
0x205: {  	v59 =	vadd.f32 v34, v38;
	v21 =	vmul.f32 v21, v9;
	v33 =	vld [tilespmem:s17+$0x190];
	v23 =	vmul.f32 v24, v23;
	v9 =	vpop (erf)  }
0x206: {  	[tilespmem:s18+$0xFFFFFF20] =	vst v15;
	v24 =	vmul.f32 v25, v8;
	v8 =	vld [tilespmem:s24+$0x140];
	v25 =	vadd.f32 v29, v28;
	v35 =	vpop (erf);
	v28 =	vperm.xlane v9, v2  }
0x207: {  	[tilespmem:s18+$0xB0] =	vst v10;
	v36 =	vperm.xlane v9, v0;
	v29 =	vperm.xlane v35, v2  }
0x208: {  	v15 =	vmul.f32 $2.000000030e-01, v25;
	v32 =	vadd.f32 v32, v13;
	[tilespmem:s18+$0x20] =	vst v24;
	v24 =	vmul.f32 $2.000000030e-01, v59  }
0x209: {  	[tilespmem:s18+$0xFFFFFFA0] =	vst v21;
	v39 =	vperm.xlane v35, v0;
	v29 =	vmul.f32 v29, v18  }
0x20a: {  	v13 =	vld [tilespmem:s24+$0x0];
	[tilespmem:s9+$0xFFFFFF80] =	vst v23;
	v10 =	vmul.f32 v37, v33;
	v15 =	vmax.f32 v25, v15;
	v25 =	vmul.f32 $2.000000030e-01, v32  }
0x20b: {  	v60 =	vld [tilespmem:s17+$0x90];
	v12 =	vmul.f32 v28, v12;
	v28 =	vsub.f32 v15, v6;
	v17 =	vadd.f32 v17, v8;
	[tilespmem:s9+$0xFFFFFF00] =	vst v29  }
0x20c: {  	v18 =	vperm.xlane v35, v1;
	v15 =	vperm.xlane v9, v1;
	[tilespmem:s9+$0x90] =	vst v10;
	v25 =	vmax.f32 v32, v25;
	v29 =	vld [tilespmem:s17+$0x10]  }
0x20d: {  	[tilespmem:s9+$0x0] =	vst v12;
	v23 =	vld [tilespmem:s17+$0x1A0];
	v28 =	vmul.f32 $1.442695020e+00, v28;
	v21 =	vsub.f32 v25, v6;
	v25 =	vmul.f32 $2.000000030e-01, v17  }
0x20e: {  	v8 =	vperm.xlane v30, v3;
	v10 =	vperm.xlane v35, v3;
	v61 =	vld [tilespmem:s17+$0x110]  }
0x20f: {  	(erf) = vpow2.f32 v28;
	v28 =	vld [tilespmem:s10+$0x30];
	v21 =	vmul.f32 $1.442695020e+00, v21;
	v17 =	vmax.f32 v17, v25  }
0x210: {  	v62 =	vld [tilespmem:s10+$0xB0];
	v25 =	vperm.xlane v27, v1;
	[tilespmem:s18+$0xFFFFFF40] =	vst v16;
	v16 =	vmax.f32 v59, v24;
	v24 =	vsub.f32 v17, v6  }
0x211: {  	[tilespmem:s18+$0xFFFFFFC0] =	vst v22;
	v22 =	vld [tilespmem:s10+$0x130];
	(erf) = vpow2.f32 v21;
	v29 =	vmul.f32 v39, v29  }
0x212: {  	[tilespmem:s18+$0x40] =	vst v19;
	v17 =	vld [tilespmem:s24+$0x80];
	v33 =	vsub.f32 v16, v6;
	v21 =	vmul.f32 v25, v23;
	v19 =	vmul.f32 $1.442695020e+00, v24  }
0x213: {  	v16 =	vld [tilespmem:s24+$0x100];
	v24 =	vmul.f32 v31, v60;
	v63 =	vmul.f32 v36, v61;
	[tilespmem:s9+$0xFFFFFF10] =	vst v29  }
0x214: {  	[tilespmem:s9+$0xA0] =	vst v21;
	v14 =	vmul.f32 v14, v28;
	v29 =	vmul.f32 $1.442695020e+00, v33;
	v23 =	vld [tilespmem:s17+$0x20]  }
0x215: {  	v12 =	vperm.xlane v9, v3;
	(erf) = vpow2.f32 v19;
	[tilespmem:s9+$0xFFFFFF90] =	vst v24;
	v24 =	vld [tilespmem:s17+$0x1B0]  }
0x216: {  	v25 =	vld [tilespmem:s24+$0x180];
	[tilespmem:s9+$0x10] =	vst v63;
	v28 =	vmul.f32 v20, v62;
	(erf) = vpow2.f32 v29  }
0x217: {  	v26 =	vmul.f32 v26, v22;
	v27 =	vperm.xlane v27, v3;
	v21 =	vld [tilespmem:s17+$0xA0];
	[tilespmem:s18+$0xFFFFFF30] =	vst v14  }
0x218: {  	s11 =	simm.s32 $0x4800;
	s10 =	simm.s32 $0x8;
	v19 =	vperm.xlane v35, v4;
	v20 =	vperm.xlane v30, v4;
	v22 =	vld [tilespmem:s17+$0x120];
	[tilespmem:s18+$0xFFFFFFB0] =	vst v28;
	v14 =	vpop (erf)  }
.LBB2_15:
0x219: {  	v28 =	vld [tilespmem:s11+$0x1C0];
	v29 =	vperm.xlane v14, v2;
	v18 =	vmul.f32 v18, v23;
	[tilespmem:s18+$0x30] =	vst v26;
	s18 =	smov.u32 s9  }
0x21a: {  	s10 =	sadd.s32 $0x4, s10;
	v26 =	vperm.xlane v9, v4;
	v23 =	vld [tilespmem:s11+$0x11D0];
	v9 =	vmul.f32 v27, v24;
	[tilespmem:s9+$0xC0] =	vst v11  }
0x21b: {  	p3 =	slt.u32 s10, $0x1C;
	v11 =	vperm.xlane v14, v4;
	v24 =	vld [tilespmem:s11+$0x1050];
	v25 =	vmul.f32 v29, v25;
	v27 =	vpop (erf);
	[tilespmem:s9+$0xFFFFFF20] =	vst v18  }
0x21c: {  	s9 =	sadd.s32 $0x200, s9;
	v18 =	vld [tilespmem:s11+$0xC0];
	v29 =	vperm.xlane v27, v2;
	v30 =	vperm.xlane v27, v0;
	[tilespmem:s18+$0xB0] =	vst v9  }
0x21d: {  	v21 =	vmul.f32 v7, v21;
	v7 =	vperm.xlane v27, v1;
	v31 =	vld [tilespmem:s11+$0x10D0];
	[tilespmem:s9+$0x80] =	vst v25  }
0x21e: {  	v15 =	vmul.f32 v15, v22;
	v17 =	vmul.f32 v29, v17;
	v25 =	vld [tilespmem:s24+$0x190];
	v9 =	vpop (erf)  }
0x21f: {  	v22 =	vld [tilespmem:s11+$0x140];
	v23 =	vadd.f32 v23, v28;
	v28 =	vperm.xlane v9, v2;
	v29 =	vperm.xlane v9, v0;
	v32 =	vpop (erf);
	[tilespmem:s18+$0xFFFFFFA0] =	vst v21  }
0x220: {  	v21 =	vld [tilespmem:s11+$0x1150];
	v33 =	vperm.xlane v32, v2;
	v34 =	vperm.xlane v32, v0;
	[tilespmem:s9+$0xFFFFFF80] =	vst v17  }
0x221: {  	v37 =	vperm.xlane v14, v0;
	v35 =	vld [tilespmem:s11+$0x40];
	v36 =	vmul.f32 $2.000000030e-01, v23;
	[tilespmem:s18+$0x20] =	vst v15  }
0x222: {  	v28 =	vmul.f32 v28, v16;
	v31 =	vadd.f32 v31, v18;
	v15 =	vmul.f32 v33, v13;
	v13 =	vld [tilespmem:s11+$0x0]  }
0x223: {  	v18 =	vperm.xlane v32, v1;
	v17 =	vld [tilespmem:s11+$0x80];
	v23 =	vmax.f32 v23, v36;
	v25 =	vmul.f32 v37, v25  }
0x224: {  	v33 =	vmul.f32 $2.000000030e-01, v31;
	v16 =	vld [tilespmem:s11+$0x100];
	v23 =	vsub.f32 v23, v6;
	[tilespmem:s9+$0xFFFFFF00] =	vst v15;
	v15 =	vperm.xlane v9, v1  }
0x225: {  	v36 =	vperm.xlane v32, v3;
	v37 =	vperm.xlane v27, v3;
	v21 =	vadd.f32 v21, v22;
	v22 =	vld [tilespmem:s24+$0x10];
	[tilespmem:s9+$0x90] =	vst v25  }
0x226: {  	v24 =	vadd.f32 v24, v35;
	v25 =	vmax.f32 v31, v33;
	v23 =	vmul.f32 $1.442695020e+00, v23;
	[tilespmem:s9+$0x0] =	vst v28;
	v28 =	vld [tilespmem:s24+$0x1A0]  }
0x227: {  	v35 =	vperm.xlane v9, v3;
	v25 =	vsub.f32 v25, v6;
	v31 =	vmul.f32 $2.000000030e-01, v21;
	v33 =	vld [tilespmem:s24+$0x90]  }
0x228: {  	v38 =	vmul.f32 $2.000000030e-01, v24;
	(erf) = vpow2.f32 v23;
	v39 =	vld [tilespmem:s24+$0x110]  }
0x229: {  	v23 =	vmul.f32 $1.442695020e+00, v25;
	v21 =	vmax.f32 v21, v31;
	v25 =	vperm.xlane v14, v1;
	v31 =	vld [tilespmem:s17+$0x30];
	[tilespmem:s18+$0xFFFFFF40] =	vst v19  }
0x22a: {  	v19 =	vmax.f32 v24, v38;
	v21 =	vsub.f32 v21, v6;
	v22 =	vmul.f32 v34, v22;
	v34 =	vld [tilespmem:s17+$0xB0];
	[tilespmem:s18+$0xFFFFFFC0] =	vst v20  }
0x22b: {  	v19 =	vsub.f32 v19, v6;
	(erf) = vpow2.f32 v23;
	v20 =	vmul.f32 v25, v28;
	v28 =	vld [tilespmem:s17+$0x130];
	[tilespmem:s18+$0x40] =	vst v26;
	s17 =	smov.u32 s24;
	s24 =	smov.u32 s11  }
0x22c: {  	v21 =	vmul.f32 $1.442695020e+00, v21;
	[tilespmem:s9+$0xFFFFFF10] =	vst v22;
	v22 =	vmul.f32 v30, v33  }
.Ltmp8:
0x22d: {  	v19 =	vmul.f32 $1.442695020e+00, v19;
	v23 =	vld [tilespmem:s17+$0x20];
	v26 =	vmul.f32 v29, v39;
	[tilespmem:s9+$0xA0] =	vst v20;
	(pc) =	sbr.rel @p3 .LBB2_15-.Ltmp8, $4  }
0x22e: {  	(erf) = vpow2.f32 v21;
	[tilespmem:s9+$0xFFFFFF90] =	vst v22;
	v24 =	vld [tilespmem:s17+$0x1B0];
	v20 =	vmul.f32 v10, v31;
	v10 =	vmov v36  }
0x22f: {  	v25 =	vld [tilespmem:s11+$0x180];
	(erf) = vpow2.f32 v19;
	[tilespmem:s9+$0x10] =	vst v26;
	v29 =	vmul.f32 v8, v34;
	v8 =	vmov v37  }
0x230: {  	v19 =	vperm.xlane v32, v4;
	v21 =	vld [tilespmem:s17+$0xA0];
	[tilespmem:s18+$0xFFFFFF30] =	vst v20;
	v26 =	vmul.f32 v12, v28;
	v12 =	vmov v35  }
0x231: {  	s11 =	sadd.s32 $0x200, s11;
	v20 =	vperm.xlane v27, v4;
	v27 =	vperm.xlane v14, v3;
	v22 =	vld [tilespmem:s17+$0x120];
	v14 =	vpop (erf);
	[tilespmem:s18+$0xFFFFFFB0] =	vst v29  }
0x232: {  	v28 =	vperm.xlane v14, v2;
	_ =	sdelay $0x1  }
0x233: {  	v25 =	vmul.f32 v28, v25;
	_ =	sdelay $0x1  }
0x234: {  	v28 =	vpop (erf)  }
0x235: {  	s10 =	sadd.s32 $0x200, s9;
	v29 =	vpop (erf)  }
0x236: {  	[tilespmem:s10+$0x80] =	vst v25;
	v25 =	vpop (erf)  }
0x237: {  	[tilespmem:s18+$0x30] =	vst v26;
	v18 =	vmul.f32 v18, v23;
	v23 =	vld [tilespmem:s24+$0x190];
	v26 =	vperm.xlane v25, v2  }
0x238: {  	[tilespmem:s9+$0xC0] =	vst v11;
	v7 =	vmul.f32 v7, v21;
	v11 =	vperm.xlane v28, v2  }
0x239: {  	[tilespmem:s9+$0xFFFFFF20] =	vst v18;
	v18 =	vperm.xlane v29, v2;
	v13 =	vmul.f32 v26, v13  }
0x23a: {  	[tilespmem:s9+$0xFFFFFFA0] =	vst v7;
	v11 =	vmul.f32 v11, v17;
	v17 =	vperm.xlane v14, v0  }
0x23b: {  	v16 =	vmul.f32 v18, v16;
	[tilespmem:s10+$0xFFFFFF00] =	vst v13  }
0x23c: {  	[tilespmem:s10+$0xFFFFFF80] =	vst v11;
	v11 =	vmul.f32 v17, v23;
	v13 =	vld [tilespmem:s24+$0x10]  }
0x23d: {  	v15 =	vmul.f32 v15, v22;
	[tilespmem:s10+$0x0] =	vst v16;
	v16 =	vld [tilespmem:s24+$0x90]  }
0x23e: {  	v24 =	vmul.f32 v27, v24;
	[tilespmem:s10+$0x90] =	vst v11;
	v11 =	vld [tilespmem:s24+$0x110]  }
0x23f: {  	[tilespmem:s9+$0x20] =	vst v15;
	v15 =	vld [tilespmem:s17+$0x30];
	v7 =	vperm.xlane v25, v0  }
0x240: {  	v9 =	vperm.xlane v9, v4;
	[tilespmem:s9+$0xB0] =	vst v24;
	v18 =	vperm.xlane v28, v0;
	v17 =	vld [tilespmem:s24+$0x1A0]  }
0x241: {  	v21 =	vperm.xlane v29, v0;
	[tilespmem:s9+$0xFFFFFF40] =	vst v19;
	v19 =	vld [tilespmem:s17+$0x130];
	v7 =	vmul.f32 v7, v13  }
0x242: {  	[tilespmem:s9+$0x40] =	vst v9;
	v16 =	vmul.f32 v18, v16;
	v13 =	vld [tilespmem:s17+$0xB0]  }
0x243: {  	v18 =	vperm.xlane v14, v1;
	[tilespmem:s10+$0xFFFFFF10] =	vst v7;
	v7 =	vmul.f32 v21, v11  }
0x244: {  	v9 =	vmul.f32 v10, v15;
	[tilespmem:s10+$0xFFFFFF90] =	vst v16;
	v11 =	vld [tilespmem:s24+$0x20]  }
0x245: {  	v16 =	vmul.f32 v18, v17;
	[tilespmem:s10+$0x10] =	vst v7;
	v7 =	vld [tilespmem:s24+$0xA0]  }
0x246: {  	[tilespmem:s9+$0xFFFFFF30] =	vst v9;
	v9 =	vmul.f32 v12, v19;
	v10 =	vld [tilespmem:s24+$0x120]  }
0x247: {  	v15 =	vperm.xlane v25, v1;
	[tilespmem:s10+$0xA0] =	vst v16;
	v8 =	vmul.f32 v8, v13  }
0x248: {  	[tilespmem:s9+$0x30] =	vst v9;
	v16 =	vld [tilespmem:s24+$0x1B0];
	v13 =	vperm.xlane v28, v1  }
0x249: {  	v12 =	vperm.xlane v29, v1;
	[tilespmem:s9+$0xFFFFFFB0] =	vst v8;
	v8 =	vmul.f32 v15, v11  }
0x24a: {  	[tilespmem:s9+$0xFFFFFFC0] =	vst v20;
	v7 =	vmul.f32 v13, v7  }
0x24b: {  	v9 =	vperm.xlane v14, v3;
	[tilespmem:s10+$0xFFFFFF20] =	vst v8;
	v8 =	vmul.f32 v12, v10  }
0x24c: {  	v10 =	vperm.xlane v14, v4;
	[tilespmem:s10+$0xFFFFFFA0] =	vst v7;
	v7 =	vld [tilespmem:s24+$0x30]  }
0x24d: {  	v9 =	vmul.f32 v9, v16;
	[tilespmem:s10+$0x20] =	vst v8;
	v8 =	vld [tilespmem:s24+$0xB0]  }
0x24e: {  	v11 =	vperm.xlane v25, v4;
	[tilespmem:s10+$0xC0] =	vst v10;
	v10 =	vld [tilespmem:s24+$0x130]  }
0x24f: {  	v13 =	vperm.xlane v28, v4;
	v12 =	vperm.xlane v25, v3;
	[tilespmem:s10+$0xB0] =	vst v9  }
0x250: {  	v14 =	vperm.xlane v29, v4;
	v9 =	vperm.xlane v28, v3;
	[tilespmem:s10+$0xFFFFFF40] =	vst v11  }
0x251: {  	v11 =	vperm.xlane v29, v3;
	[tilespmem:s10+$0xFFFFFFC0] =	vst v13;
	v7 =	vmul.f32 v12, v7  }
0x252: {  	[tilespmem:s10+$0x40] =	vst v14;
	v8 =	vmul.f32 v9, v8  }
0x253: {  	[tilespmem:s10+$0xFFFFFF30] =	vst v7;
	v7 =	vmul.f32 v11, v10  }
0x254: {  	[tilespmem:s10+$0xFFFFFFB0] =	vst v8  }
0x255: {  	[tilespmem:s10+$0x30] =	vst v7  }
0x256: {  	[spmem:s2] =	stream.indirect.scatter.add.f32 [tilespmem:s4], [sflag:$0x5], $0x80, s13, s26, $0xb8;
	[tilespmem:$0x1FD80] =	vst v63  }
0x257: {  	s9 =	rddreg [dreg:$0xb]  }
0x258: {  	s9 =	sadd.s32 @!p1 s16, s9  }
0x259: {  	s9 =	sshrl.u32 @!p1 s9, $0x3  }
0x25a: {  	s11 =	simm.s32 @!p1 $0x80;
	s10 =	simm.s32 @!p1 $0x0;
	s9 =	sadd.s32 @!p1 s6, s9  }
0x25b: {  	[tilespmem:s11], [sflag:$0x9] =	stream.linear.gather @!p1 [hbm4b:s9+s10], $0x40, $0x38;
	[tilespmem:$0x1FD80] =	vst v63  }
0x25c: {  	_ =	swait.ge @p2 [sflag:s14], $0x1000  }
0x25d: {  	[sflag:s14] =	ssyncset.done @p2 $0x0  }
0x25e: {  	[sflag:s14] =	ssyncadd.s32 @p2 $0xFFFFF000  }
0x25f: {  	v7 =	vld [tilespmem:$0xE0]  }
0x260: {  	v8 =	vld [tilespmem:$0xF0];
	_ =	sdelay $0x3  }
0x261: {  	[tilespmem:$0xC380] =	vst v7  }
0x262: {  	s11 =	simm.s32 $0x6200;
	[tilespmem:$0xC390] =	vst v8  }
0x263: {  	v7 =	vld [tilespmem:s11+$0x1C0]  }
0x264: {  	v8 =	vld [tilespmem:s11+$0x11D0];
	_ =	sdelay $0x3  }
0x265: {  	v10 =	vld [tilespmem:s11+$0xC0]  }
0x266: {  	v11 =	vld [tilespmem:s11+$0x10D0];
	v7 =	vadd.f32 v8, v7  }
0x267: {  	v12 =	vld [tilespmem:s11+$0x1150]  }
0x268: {  	v8 =	vld [tilespmem:s11+$0x140];
	v13 =	vmul.f32 $2.000000030e-01, v7  }
0x269: {  	v9 =	vld [tilespmem:s11+$0x1050]  }
0x26a: {  	v14 =	vld [tilespmem:s11+$0x40];
	v7 =	vmax.f32 v7, v13  }
0x26b: {  	v7 =	vsub.f32 v7, v6  }
0x26c: {  	v10 =	vadd.f32 v11, v10  }
0x26d: {  	v8 =	vadd.f32 v12, v8;
	v7 =	vmul.f32 $1.442695020e+00, v7  }
0x26e: {  	v11 =	vmul.f32 $2.000000030e-01, v10  }
0x26f: {  	v9 =	vadd.f32 v9, v14;
	v12 =	vmul.f32 $2.000000030e-01, v8;
	(erf) = vpow2.f32 v7  }
0x270: {  	v7 =	vmax.f32 v10, v11  }
0x271: {  	v10 =	vmul.f32 $2.000000030e-01, v9;
	v8 =	vmax.f32 v8, v12;
	v7 =	vsub.f32 v7, v6  }
0x272: {  	v8 =	vsub.f32 v8, v6  }
0x273: {  	s17 =	simm.s32 $0x6400;
	v9 =	vmax.f32 v9, v10;
	v7 =	vmul.f32 $1.442695020e+00, v7  }
0x274: {  	v13 =	vld [tilespmem:s17+$0x11D0];
	v9 =	vsub.f32 v9, v6;
	v8 =	vmul.f32 $1.442695020e+00, v8  }
0x275: {  	v11 =	vld [tilespmem:s17+$0x1C0];
	(erf) = vpow2.f32 v7  }
0x276: {  	v7 =	vmul.f32 $1.442695020e+00, v9;
	(erf) = vpow2.f32 v8;
	v8 =	vld [tilespmem:s11+$0x180];
	_ =	sdelay $0x1  }
0x277: {  	(erf) = vpow2.f32 v7;
	v10 =	vpop (erf)  }
0x278: {  	v12 =	vperm.xlane v10, v2  }
0x279: {  	v15 =	vld [tilespmem:s17+$0x10D0]  }
0x27a: {  	v20 =	vld [tilespmem:s17+$0x140];
	v11 =	vadd.f32 v13, v11;
	v8 =	vmul.f32 v12, v8  }
0x27b: {  	v25 =	vld [tilespmem:s17+$0x40]  }
0x27c: {  	v9 =	vld [tilespmem:s11+$0x0];
	v26 =	vmul.f32 $2.000000030e-01, v11  }
0x27d: {  	s18 =	simm.s32 $0xB300;
	v7 =	vld [tilespmem:s11+$0x80]  }
0x27e: {  	v11 =	vmax.f32 v11, v26;
	v12 =	vld [tilespmem:s17+$0xC0];
	[tilespmem:s18+$0x80] =	vst v8;
	v8 =	vpop (erf)  }
0x27f: {  	v11 =	vsub.f32 v11, v6;
	v16 =	vld [tilespmem:s11+$0x190];
	v19 =	vpop (erf)  }
0x280: {  	v14 =	vld [tilespmem:s17+$0x1050];
	v17 =	vperm.xlane v10, v4;
	v18 =	vperm.xlane v8, v2;
	v22 =	vpop (erf)  }
0x281: {  	v23 =	vld [tilespmem:s17+$0x1150];
	v11 =	vmul.f32 $1.442695020e+00, v11;
	v24 =	vperm.xlane v22, v2  }
0x282: {  	v27 =	vld [tilespmem:s11+$0x100];
	v7 =	vmul.f32 v18, v7;
	v18 =	vperm.xlane v10, v0  }
0x283: {  	v26 =	vperm.xlane v10, v1;
	v12 =	vadd.f32 v15, v12;
	v9 =	vmul.f32 v24, v9  }
0x284: {  	s24 =	simm.s32 $0x6600;
	(erf) = vpow2.f32 v11;
	v16 =	vmul.f32 v18, v16  }
0x285: {  	v28 =	vld [tilespmem:s24+$0x1C0];
	v14 =	vadd.f32 v14, v25;
	v15 =	vperm.xlane v19, v2;
	v18 =	vmul.f32 $2.000000030e-01, v12;
	[tilespmem:s18+$0xFFFFFF00] =	vst v9  }
0x286: {  	v13 =	vperm.xlane v8, v0;
	v21 =	vperm.xlane v8, v1;
	v9 =	vadd.f32 v23, v20;
	[tilespmem:s18+$0x90] =	vst v16;
	v23 =	vld [tilespmem:s11+$0x10]  }
0x287: {  	v25 =	vperm.xlane v19, v1;
	v15 =	vmul.f32 v15, v27;
	[tilespmem:s18+$0xFFFFFF80] =	vst v7;
	v12 =	vmax.f32 v12, v18;
	v7 =	vld [tilespmem:s11+$0x1A0]  }
0x288: {  	v29 =	vld [tilespmem:s24+$0x11D0];
	v11 =	vperm.xlane v22, v1;
	v12 =	vsub.f32 v12, v6;
	v16 =	vmul.f32 $2.000000030e-01, v9  }
0x289: {  	[tilespmem:s18+$0x0] =	vst v15;
	v15 =	vld [tilespmem:s11+$0x90];
	v20 =	vperm.xlane v22, v0;
	v18 =	vmul.f32 $2.000000030e-01, v14  }
0x28a: {  	v32 =	vld [tilespmem:s24+$0x10D0];
	v10 =	vperm.xlane v10, v3;
	v12 =	vmul.f32 $1.442695020e+00, v12;
	v9 =	vmax.f32 v9, v16  }
0x28b: {  	v34 =	vld [tilespmem:s24+$0x1050];
	v14 =	vmax.f32 v14, v18;
	v9 =	vsub.f32 v9, v6;
	v20 =	vmul.f32 v20, v23  }
0x28c: {  	v14 =	vsub.f32 v14, v6;
	v16 =	vld [tilespmem:s11+$0x110];
	(erf) = vpow2.f32 v12;
	v7 =	vmul.f32 v26, v7  }
0x28d: {  	v38 =	vld [tilespmem:s24+$0x40];
	v24 =	vperm.xlane v19, v0;
	v9 =	vmul.f32 $1.442695020e+00, v9;
	[tilespmem:s18+$0xFFFFFF10] =	vst v20  }
0x28e: {  	v27 =	vpop (erf);
	v13 =	vmul.f32 v13, v15;
	v14 =	vmul.f32 $1.442695020e+00, v14;
	[tilespmem:s18+$0xA0] =	vst v7;
	v7 =	vld [tilespmem:s17+$0x180]  }
0x28f: {  	v37 =	vperm.xlane v27, v0;
	v15 =	vld [tilespmem:s11+$0x20];
	(erf) = vpow2.f32 v9  }
0x290: {  	[tilespmem:s18+$0xFFFFFF90] =	vst v13;
	v26 =	vperm.xlane v19, v3;
	v13 =	vld [tilespmem:s11+$0x1B0];
	(erf) = vpow2.f32 v14  }
0x291: {  	v18 =	vld [tilespmem:s17+$0x0];
	v19 =	vperm.xlane v19, v4;
	v9 =	vmul.f32 v24, v16  }
0x292: {  	v23 =	vld [tilespmem:s17+$0x80];
	v20 =	vperm.xlane v8, v3;
	v24 =	vperm.xlane v27, v2  }
0x293: {  	v16 =	vperm.xlane v22, v4;
	v14 =	vperm.xlane v22, v3;
	[tilespmem:s18+$0x10] =	vst v9;
	v9 =	vld [tilespmem:s11+$0xA0]  }
0x294: {  	v22 =	vperm.xlane v8, v4;
	v8 =	vld [tilespmem:s11+$0x120];
	v7 =	vmul.f32 v24, v7  }
0x295: {  	v12 =	vld [tilespmem:s17+$0x100];
	v15 =	vmul.f32 v11, v15;
	v10 =	vmul.f32 v10, v13;
	v30 =	vpop (erf)  }
0x296: {  	s9 =	simm.s32 $0xB500;
	[tilespmem:s18+$0xC0] =	vst v17;
	v11 =	vperm.xlane v27, v4;
	v13 =	vld [tilespmem:s24+$0xC0];
	v24 =	vperm.xlane v30, v2  }
0x297: {  	v17 =	vld [tilespmem:s24+$0x1150];
	v31 =	vperm.xlane v30, v0;
	[tilespmem:s9+$0x80] =	vst v7;
	v7 =	vperm.xlane v30, v1  }
0x298: {  	v59 =	vadd.f32 v34, v38;
	v21 =	vmul.f32 v21, v9;
	v33 =	vld [tilespmem:s17+$0x190];
	v23 =	vmul.f32 v24, v23;
	v9 =	vpop (erf)  }
0x299: {  	[tilespmem:s18+$0xFFFFFF20] =	vst v15;
	v24 =	vmul.f32 v25, v8;
	v8 =	vld [tilespmem:s24+$0x140];
	v25 =	vadd.f32 v29, v28;
	v35 =	vpop (erf);
	v28 =	vperm.xlane v9, v2  }
0x29a: {  	[tilespmem:s18+$0xB0] =	vst v10;
	v36 =	vperm.xlane v9, v0;
	v29 =	vperm.xlane v35, v2  }
0x29b: {  	v15 =	vmul.f32 $2.000000030e-01, v25;
	v32 =	vadd.f32 v32, v13;
	[tilespmem:s18+$0x20] =	vst v24;
	v24 =	vmul.f32 $2.000000030e-01, v59  }
0x29c: {  	[tilespmem:s18+$0xFFFFFFA0] =	vst v21;
	v39 =	vperm.xlane v35, v0;
	v29 =	vmul.f32 v29, v18  }
0x29d: {  	v13 =	vld [tilespmem:s24+$0x0];
	[tilespmem:s9+$0xFFFFFF80] =	vst v23;
	v10 =	vmul.f32 v37, v33;
	v15 =	vmax.f32 v25, v15;
	v25 =	vmul.f32 $2.000000030e-01, v32  }
0x29e: {  	v60 =	vld [tilespmem:s17+$0x90];
	v12 =	vmul.f32 v28, v12;
	v28 =	vsub.f32 v15, v6;
	v17 =	vadd.f32 v17, v8;
	[tilespmem:s9+$0xFFFFFF00] =	vst v29  }
0x29f: {  	v18 =	vperm.xlane v35, v1;
	v15 =	vperm.xlane v9, v1;
	[tilespmem:s9+$0x90] =	vst v10;
	v25 =	vmax.f32 v32, v25;
	v29 =	vld [tilespmem:s17+$0x10]  }
0x2a0: {  	[tilespmem:s9+$0x0] =	vst v12;
	v23 =	vld [tilespmem:s17+$0x1A0];
	v28 =	vmul.f32 $1.442695020e+00, v28;
	v21 =	vsub.f32 v25, v6;
	v25 =	vmul.f32 $2.000000030e-01, v17  }
0x2a1: {  	v8 =	vperm.xlane v30, v3;
	v10 =	vperm.xlane v35, v3;
	v61 =	vld [tilespmem:s17+$0x110]  }
0x2a2: {  	(erf) = vpow2.f32 v28;
	v28 =	vld [tilespmem:s11+$0x30];
	v21 =	vmul.f32 $1.442695020e+00, v21;
	v17 =	vmax.f32 v17, v25  }
0x2a3: {  	v62 =	vld [tilespmem:s11+$0xB0];
	v25 =	vperm.xlane v27, v1;
	[tilespmem:s18+$0xFFFFFF40] =	vst v16;
	v16 =	vmax.f32 v59, v24;
	v24 =	vsub.f32 v17, v6  }
0x2a4: {  	[tilespmem:s18+$0xFFFFFFC0] =	vst v22;
	v22 =	vld [tilespmem:s11+$0x130];
	(erf) = vpow2.f32 v21;
	v29 =	vmul.f32 v39, v29  }
0x2a5: {  	[tilespmem:s18+$0x40] =	vst v19;
	v17 =	vld [tilespmem:s24+$0x80];
	v33 =	vsub.f32 v16, v6;
	v21 =	vmul.f32 v25, v23;
	v19 =	vmul.f32 $1.442695020e+00, v24  }
0x2a6: {  	v16 =	vld [tilespmem:s24+$0x100];
	v24 =	vmul.f32 v31, v60;
	v63 =	vmul.f32 v36, v61;
	[tilespmem:s9+$0xFFFFFF10] =	vst v29  }
0x2a7: {  	[tilespmem:s9+$0xA0] =	vst v21;
	v14 =	vmul.f32 v14, v28;
	v29 =	vmul.f32 $1.442695020e+00, v33;
	v23 =	vld [tilespmem:s17+$0x20]  }
0x2a8: {  	v12 =	vperm.xlane v9, v3;
	(erf) = vpow2.f32 v19;
	[tilespmem:s9+$0xFFFFFF90] =	vst v24;
	v24 =	vld [tilespmem:s17+$0x1B0]  }
0x2a9: {  	v25 =	vld [tilespmem:s24+$0x180];
	[tilespmem:s9+$0x10] =	vst v63;
	v28 =	vmul.f32 v20, v62;
	(erf) = vpow2.f32 v29  }
0x2aa: {  	v26 =	vmul.f32 v26, v22;
	v27 =	vperm.xlane v27, v3;
	v21 =	vld [tilespmem:s17+$0xA0];
	[tilespmem:s18+$0xFFFFFF30] =	vst v14  }
0x2ab: {  	s10 =	simm.s32 $0x8;
	s11 =	simm.s32 $0x6800;
	v19 =	vperm.xlane v35, v4;
	v20 =	vperm.xlane v30, v4;
	v22 =	vld [tilespmem:s17+$0x120];
	[tilespmem:s18+$0xFFFFFFB0] =	vst v28;
	v14 =	vpop (erf)  }
.LBB2_17:
0x2ac: {  	v28 =	vld [tilespmem:s11+$0x1C0];
	v29 =	vperm.xlane v14, v2;
	v18 =	vmul.f32 v18, v23;
	[tilespmem:s18+$0x30] =	vst v26;
	s18 =	smov.u32 s9  }
0x2ad: {  	s10 =	sadd.s32 $0x4, s10;
	v26 =	vperm.xlane v9, v4;
	v23 =	vld [tilespmem:s11+$0x11D0];
	v9 =	vmul.f32 v27, v24;
	[tilespmem:s9+$0xC0] =	vst v11  }
0x2ae: {  	p2 =	slt.u32 s10, $0x1C;
	v11 =	vperm.xlane v14, v4;
	v24 =	vld [tilespmem:s11+$0x1050];
	v25 =	vmul.f32 v29, v25;
	v27 =	vpop (erf);
	[tilespmem:s9+$0xFFFFFF20] =	vst v18  }
0x2af: {  	s9 =	sadd.s32 $0x200, s9;
	v18 =	vld [tilespmem:s11+$0xC0];
	v29 =	vperm.xlane v27, v2;
	v30 =	vperm.xlane v27, v0;
	[tilespmem:s18+$0xB0] =	vst v9  }
0x2b0: {  	v21 =	vmul.f32 v7, v21;
	v7 =	vperm.xlane v27, v1;
	v31 =	vld [tilespmem:s11+$0x10D0];
	[tilespmem:s9+$0x80] =	vst v25  }
0x2b1: {  	v15 =	vmul.f32 v15, v22;
	v17 =	vmul.f32 v29, v17;
	v25 =	vld [tilespmem:s24+$0x190];
	v9 =	vpop (erf)  }
0x2b2: {  	v22 =	vld [tilespmem:s11+$0x140];
	v23 =	vadd.f32 v23, v28;
	v28 =	vperm.xlane v9, v2;
	v29 =	vperm.xlane v9, v0;
	v32 =	vpop (erf);
	[tilespmem:s18+$0xFFFFFFA0] =	vst v21  }
0x2b3: {  	v21 =	vld [tilespmem:s11+$0x1150];
	v33 =	vperm.xlane v32, v2;
	v34 =	vperm.xlane v32, v0;
	[tilespmem:s9+$0xFFFFFF80] =	vst v17  }
0x2b4: {  	v37 =	vperm.xlane v14, v0;
	v35 =	vld [tilespmem:s11+$0x40];
	v36 =	vmul.f32 $2.000000030e-01, v23;
	[tilespmem:s18+$0x20] =	vst v15  }
0x2b5: {  	v28 =	vmul.f32 v28, v16;
	v31 =	vadd.f32 v31, v18;
	v15 =	vmul.f32 v33, v13;
	v13 =	vld [tilespmem:s11+$0x0]  }
0x2b6: {  	v18 =	vperm.xlane v32, v1;
	v17 =	vld [tilespmem:s11+$0x80];
	v23 =	vmax.f32 v23, v36;
	v25 =	vmul.f32 v37, v25  }
0x2b7: {  	v33 =	vmul.f32 $2.000000030e-01, v31;
	v16 =	vld [tilespmem:s11+$0x100];
	v23 =	vsub.f32 v23, v6;
	[tilespmem:s9+$0xFFFFFF00] =	vst v15;
	v15 =	vperm.xlane v9, v1  }
0x2b8: {  	v36 =	vperm.xlane v32, v3;
	v37 =	vperm.xlane v27, v3;
	v21 =	vadd.f32 v21, v22;
	v22 =	vld [tilespmem:s24+$0x10];
	[tilespmem:s9+$0x90] =	vst v25  }
0x2b9: {  	v24 =	vadd.f32 v24, v35;
	v25 =	vmax.f32 v31, v33;
	v23 =	vmul.f32 $1.442695020e+00, v23;
	[tilespmem:s9+$0x0] =	vst v28;
	v28 =	vld [tilespmem:s24+$0x1A0]  }
0x2ba: {  	v35 =	vperm.xlane v9, v3;
	v25 =	vsub.f32 v25, v6;
	v31 =	vmul.f32 $2.000000030e-01, v21;
	v33 =	vld [tilespmem:s24+$0x90]  }
0x2bb: {  	v38 =	vmul.f32 $2.000000030e-01, v24;
	(erf) = vpow2.f32 v23;
	v39 =	vld [tilespmem:s24+$0x110]  }
0x2bc: {  	v23 =	vmul.f32 $1.442695020e+00, v25;
	v21 =	vmax.f32 v21, v31;
	v25 =	vperm.xlane v14, v1;
	v31 =	vld [tilespmem:s17+$0x30];
	[tilespmem:s18+$0xFFFFFF40] =	vst v19  }
0x2bd: {  	v19 =	vmax.f32 v24, v38;
	v21 =	vsub.f32 v21, v6;
	v22 =	vmul.f32 v34, v22;
	v34 =	vld [tilespmem:s17+$0xB0];
	[tilespmem:s18+$0xFFFFFFC0] =	vst v20  }
0x2be: {  	v19 =	vsub.f32 v19, v6;
	(erf) = vpow2.f32 v23;
	v20 =	vmul.f32 v25, v28;
	v28 =	vld [tilespmem:s17+$0x130];
	[tilespmem:s18+$0x40] =	vst v26;
	s17 =	smov.u32 s24;
	s24 =	smov.u32 s11  }
0x2bf: {  	v21 =	vmul.f32 $1.442695020e+00, v21;
	[tilespmem:s9+$0xFFFFFF10] =	vst v22;
	v22 =	vmul.f32 v30, v33  }
.Ltmp9:
0x2c0: {  	v19 =	vmul.f32 $1.442695020e+00, v19;
	v23 =	vld [tilespmem:s17+$0x20];
	v26 =	vmul.f32 v29, v39;
	[tilespmem:s9+$0xA0] =	vst v20;
	(pc) =	sbr.rel @p2 .LBB2_17-.Ltmp9, $4  }
0x2c1: {  	(erf) = vpow2.f32 v21;
	[tilespmem:s9+$0xFFFFFF90] =	vst v22;
	v24 =	vld [tilespmem:s17+$0x1B0];
	v20 =	vmul.f32 v10, v31;
	v10 =	vmov v36  }
0x2c2: {  	v25 =	vld [tilespmem:s11+$0x180];
	(erf) = vpow2.f32 v19;
	[tilespmem:s9+$0x10] =	vst v26;
	v29 =	vmul.f32 v8, v34;
	v8 =	vmov v37  }
0x2c3: {  	v19 =	vperm.xlane v32, v4;
	v21 =	vld [tilespmem:s17+$0xA0];
	[tilespmem:s18+$0xFFFFFF30] =	vst v20;
	v26 =	vmul.f32 v12, v28;
	v12 =	vmov v35  }
0x2c4: {  	s11 =	sadd.s32 $0x200, s11;
	v20 =	vperm.xlane v27, v4;
	v27 =	vperm.xlane v14, v3;
	v22 =	vld [tilespmem:s17+$0x120];
	v14 =	vpop (erf);
	[tilespmem:s18+$0xFFFFFFB0] =	vst v29  }
0x2c5: {  	v28 =	vperm.xlane v14, v2;
	_ =	sdelay $0x1  }
0x2c6: {  	v25 =	vmul.f32 v28, v25;
	_ =	sdelay $0x1  }
0x2c7: {  	v28 =	vpop (erf)  }
0x2c8: {  	s10 =	sadd.s32 $0x200, s9;
	v29 =	vpop (erf)  }
0x2c9: {  	[tilespmem:s10+$0x80] =	vst v25;
	v25 =	vpop (erf)  }
0x2ca: {  	v18 =	vmul.f32 v18, v23;
	[tilespmem:s18+$0x30] =	vst v26;
	v23 =	vld [tilespmem:s24+$0x190];
	v26 =	vperm.xlane v25, v2  }
0x2cb: {  	[tilespmem:s9+$0xC0] =	vst v11;
	v7 =	vmul.f32 v7, v21;
	v11 =	vperm.xlane v28, v2  }
0x2cc: {  	[tilespmem:s9+$0xFFFFFF20] =	vst v18;
	v18 =	vperm.xlane v29, v2;
	v13 =	vmul.f32 v26, v13  }
0x2cd: {  	[tilespmem:s9+$0xFFFFFFA0] =	vst v7;
	v11 =	vmul.f32 v11, v17;
	v17 =	vperm.xlane v14, v0  }
0x2ce: {  	v16 =	vmul.f32 v18, v16;
	[tilespmem:s10+$0xFFFFFF00] =	vst v13  }
0x2cf: {  	[tilespmem:s10+$0xFFFFFF80] =	vst v11;
	v11 =	vmul.f32 v17, v23;
	v13 =	vld [tilespmem:s24+$0x10]  }
0x2d0: {  	v15 =	vmul.f32 v15, v22;
	[tilespmem:s10+$0x0] =	vst v16;
	v16 =	vld [tilespmem:s24+$0x90]  }
0x2d1: {  	v24 =	vmul.f32 v27, v24;
	[tilespmem:s10+$0x90] =	vst v11;
	v11 =	vld [tilespmem:s24+$0x110]  }
0x2d2: {  	[tilespmem:s9+$0x20] =	vst v15;
	v15 =	vld [tilespmem:s17+$0x30];
	v7 =	vperm.xlane v25, v0  }
0x2d3: {  	v9 =	vperm.xlane v9, v4;
	[tilespmem:s9+$0xB0] =	vst v24;
	v18 =	vperm.xlane v28, v0;
	v17 =	vld [tilespmem:s24+$0x1A0]  }
0x2d4: {  	v21 =	vperm.xlane v29, v0;
	[tilespmem:s9+$0xFFFFFF40] =	vst v19;
	v19 =	vld [tilespmem:s17+$0x130];
	v7 =	vmul.f32 v7, v13  }
0x2d5: {  	[tilespmem:s9+$0x40] =	vst v9;
	v16 =	vmul.f32 v18, v16;
	v13 =	vld [tilespmem:s17+$0xB0]  }
0x2d6: {  	v18 =	vperm.xlane v14, v1;
	[tilespmem:s10+$0xFFFFFF10] =	vst v7;
	v7 =	vmul.f32 v21, v11  }
0x2d7: {  	v9 =	vmul.f32 v10, v15;
	[tilespmem:s10+$0xFFFFFF90] =	vst v16;
	v11 =	vld [tilespmem:s24+$0x20]  }
0x2d8: {  	v16 =	vmul.f32 v18, v17;
	[tilespmem:s10+$0x10] =	vst v7;
	v7 =	vld [tilespmem:s24+$0xA0]  }
0x2d9: {  	[tilespmem:s9+$0xFFFFFF30] =	vst v9;
	v9 =	vmul.f32 v12, v19;
	v10 =	vld [tilespmem:s24+$0x120]  }
0x2da: {  	v15 =	vperm.xlane v25, v1;
	[tilespmem:s10+$0xA0] =	vst v16;
	v8 =	vmul.f32 v8, v13  }
0x2db: {  	[tilespmem:s9+$0x30] =	vst v9;
	v16 =	vld [tilespmem:s24+$0x1B0];
	v13 =	vperm.xlane v28, v1  }
0x2dc: {  	v12 =	vperm.xlane v29, v1;
	[tilespmem:s9+$0xFFFFFFB0] =	vst v8;
	v8 =	vmul.f32 v15, v11  }
0x2dd: {  	[tilespmem:s9+$0xFFFFFFC0] =	vst v20;
	v7 =	vmul.f32 v13, v7  }
0x2de: {  	v9 =	vperm.xlane v14, v3;
	[tilespmem:s10+$0xFFFFFF20] =	vst v8;
	v8 =	vmul.f32 v12, v10  }
0x2df: {  	v10 =	vperm.xlane v14, v4;
	[tilespmem:s10+$0xFFFFFFA0] =	vst v7;
	v7 =	vld [tilespmem:s24+$0x30]  }
0x2e0: {  	v9 =	vmul.f32 v9, v16;
	[tilespmem:s10+$0x20] =	vst v8;
	v8 =	vld [tilespmem:s24+$0xB0]  }
0x2e1: {  	v11 =	vperm.xlane v25, v4;
	[tilespmem:s10+$0xC0] =	vst v10;
	v10 =	vld [tilespmem:s24+$0x130]  }
0x2e2: {  	v13 =	vperm.xlane v28, v4;
	v12 =	vperm.xlane v25, v3;
	[tilespmem:s10+$0xB0] =	vst v9  }
0x2e3: {  	v14 =	vperm.xlane v29, v4;
	v9 =	vperm.xlane v28, v3;
	[tilespmem:s10+$0xFFFFFF40] =	vst v11  }
0x2e4: {  	v11 =	vperm.xlane v29, v3;
	[tilespmem:s10+$0xFFFFFFC0] =	vst v13;
	v7 =	vmul.f32 v12, v7  }
0x2e5: {  	[tilespmem:s10+$0x40] =	vst v14;
	v8 =	vmul.f32 v9, v8  }
0x2e6: {  	[tilespmem:s10+$0xFFFFFF30] =	vst v7;
	v7 =	vmul.f32 v11, v10  }
0x2e7: {  	[tilespmem:s10+$0xFFFFFFB0] =	vst v8  }
0x2e8: {  	[tilespmem:s10+$0x30] =	vst v7  }
0x2e9: {  	[spmem:s2] =	stream.indirect.scatter.add.f32 [tilespmem:s1], [sflag:$0x6], $0x80, s30, s26, $0xb8;
	[tilespmem:$0x1FD80] =	vst v63  }
0x2ea: {  	_ =	swait.ge [sflag:s23], $0x40  }
0x2eb: {  	[sflag:s23] =	ssyncset.done $0x0  }
0x2ec: {  	[sflag:s23] =	ssyncadd.s32 $0xFFFFFFC0  }
0x2ed: {  	_ =	swait.ge [sflag:s3], $0x40  }
0x2ee: {  	s18 =	simm.s32 $0x180;
	[sflag:s3] =	ssyncset.done $0x0;
	s9 =	rddreg [dreg:$0xc]  }
0x2ef: {  	s24 =	simm.s32 $0x4200;
	[sflag:s3] =	ssyncadd.s32 $0xFFFFFFC0;
	s9 =	sadd.s32 @!p1 s16, s9  }
0x2f0: {  	[tilespmem:s24], [sflag:$0x2] =	stream.indirect.gather [hbm4b:s5+s0], $0x80, s18, s0, $0xb8;
	[tilespmem:$0x1FD80] =	vst v63  }
0x2f1: {  	s9 =	sshrl.u32 @!p1 s9, $0x3  }
0x2f2: {  	s11 =	simm.s32 @!p1 $0xC0;
	s10 =	simm.s32 @!p1 $0x0;
	s9 =	sadd.s32 @!p1 s6, s9  }
0x2f3: {  	[tilespmem:s11], [sflag:$0xA] =	stream.linear.gather @!p1 [hbm4b:s9+s10], $0x40, $0x38;
	[tilespmem:$0x1FD80] =	vst v63  }
0x2f4: {  	_ =	swait.ge [sflag:s25], $0x4000  }
0x2f5: {  	[sflag:s25] =	ssyncset.done $0x0  }
0x2f6: {  	[sflag:s25] =	ssyncadd.s32 $0xFFFFC000  }
0x2f7: {  	_ =	swait.ge [sflag:s19], $0x1000  }
0x2f8: {  	[sflag:s19] =	ssyncset.done $0x0  }
0x2f9: {  	[sflag:s19] =	ssyncadd.s32 $0xFFFFF000  }
0x2fa: {  	v7 =	vld [tilespmem:$0x120]  }
0x2fb: {  	v8 =	vld [tilespmem:$0x130];
	_ =	sdelay $0x3  }
0x2fc: {  	[tilespmem:$0xC200] =	vst v7  }
0x2fd: {  	s11 =	simm.s32 $0x200;
	[tilespmem:$0xC210] =	vst v8  }
0x2fe: {  	v7 =	vld [tilespmem:s11+$0x1C0]  }
0x2ff: {  	v8 =	vld [tilespmem:s11+$0x11D0];
	_ =	sdelay $0x3  }
0x300: {  	v10 =	vld [tilespmem:s11+$0xC0]  }
0x301: {  	v11 =	vld [tilespmem:s11+$0x10D0];
	v7 =	vadd.f32 v8, v7  }
0x302: {  	v12 =	vld [tilespmem:s11+$0x1150]  }
0x303: {  	v8 =	vld [tilespmem:s11+$0x140];
	v13 =	vmul.f32 $2.000000030e-01, v7  }
0x304: {  	v9 =	vld [tilespmem:s11+$0x1050]  }
0x305: {  	v14 =	vld [tilespmem:s11+$0x40];
	v7 =	vmax.f32 v7, v13  }
0x306: {  	v7 =	vsub.f32 v7, v6  }
0x307: {  	v10 =	vadd.f32 v11, v10  }
0x308: {  	v8 =	vadd.f32 v12, v8;
	v7 =	vmul.f32 $1.442695020e+00, v7  }
0x309: {  	v11 =	vmul.f32 $2.000000030e-01, v10  }
0x30a: {  	v9 =	vadd.f32 v9, v14;
	v12 =	vmul.f32 $2.000000030e-01, v8;
	(erf) = vpow2.f32 v7  }
0x30b: {  	v7 =	vmax.f32 v10, v11  }
0x30c: {  	v10 =	vmul.f32 $2.000000030e-01, v9;
	v8 =	vmax.f32 v8, v12;
	v7 =	vsub.f32 v7, v6  }
0x30d: {  	v8 =	vsub.f32 v8, v6  }
0x30e: {  	s17 =	simm.s32 $0x400;
	v9 =	vmax.f32 v9, v10;
	v7 =	vmul.f32 $1.442695020e+00, v7  }
0x30f: {  	v13 =	vld [tilespmem:s17+$0x11D0];
	v9 =	vsub.f32 v9, v6;
	v8 =	vmul.f32 $1.442695020e+00, v8  }
0x310: {  	v11 =	vld [tilespmem:s17+$0x1C0];
	(erf) = vpow2.f32 v7  }
0x311: {  	v7 =	vmul.f32 $1.442695020e+00, v9;
	(erf) = vpow2.f32 v8;
	v8 =	vld [tilespmem:s11+$0x180];
	_ =	sdelay $0x1  }
0x312: {  	(erf) = vpow2.f32 v7;
	v10 =	vpop (erf)  }
0x313: {  	v12 =	vperm.xlane v10, v2  }
0x314: {  	v15 =	vld [tilespmem:s17+$0x10D0]  }
0x315: {  	v20 =	vld [tilespmem:s17+$0x140];
	v11 =	vadd.f32 v13, v11;
	v8 =	vmul.f32 v12, v8  }
0x316: {  	v25 =	vld [tilespmem:s17+$0x40]  }
0x317: {  	v9 =	vld [tilespmem:s11+$0x0];
	v26 =	vmul.f32 $2.000000030e-01, v11  }
0x318: {  	s18 =	simm.s32 $0x8300;
	v7 =	vld [tilespmem:s11+$0x80]  }
0x319: {  	v11 =	vmax.f32 v11, v26;
	v12 =	vld [tilespmem:s17+$0xC0];
	[tilespmem:s18+$0x80] =	vst v8;
	v8 =	vpop (erf)  }
0x31a: {  	v11 =	vsub.f32 v11, v6;
	v16 =	vld [tilespmem:s11+$0x190];
	v19 =	vpop (erf)  }
0x31b: {  	v14 =	vld [tilespmem:s17+$0x1050];
	v17 =	vperm.xlane v10, v4;
	v18 =	vperm.xlane v8, v2;
	v22 =	vpop (erf)  }
0x31c: {  	v23 =	vld [tilespmem:s17+$0x1150];
	v11 =	vmul.f32 $1.442695020e+00, v11;
	v24 =	vperm.xlane v22, v2  }
0x31d: {  	v27 =	vld [tilespmem:s11+$0x100];
	v7 =	vmul.f32 v18, v7;
	v18 =	vperm.xlane v10, v0  }
0x31e: {  	v26 =	vperm.xlane v10, v1;
	v12 =	vadd.f32 v15, v12;
	v9 =	vmul.f32 v24, v9  }
0x31f: {  	s24 =	simm.s32 $0x600;
	(erf) = vpow2.f32 v11;
	v16 =	vmul.f32 v18, v16  }
0x320: {  	v28 =	vld [tilespmem:s24+$0x1C0];
	v14 =	vadd.f32 v14, v25;
	v15 =	vperm.xlane v19, v2;
	v18 =	vmul.f32 $2.000000030e-01, v12;
	[tilespmem:s18+$0xFFFFFF00] =	vst v9  }
0x321: {  	v13 =	vperm.xlane v8, v0;
	v21 =	vperm.xlane v8, v1;
	v9 =	vadd.f32 v23, v20;
	[tilespmem:s18+$0x90] =	vst v16;
	v23 =	vld [tilespmem:s11+$0x10]  }
0x322: {  	v25 =	vperm.xlane v19, v1;
	v15 =	vmul.f32 v15, v27;
	[tilespmem:s18+$0xFFFFFF80] =	vst v7;
	v12 =	vmax.f32 v12, v18;
	v7 =	vld [tilespmem:s11+$0x1A0]  }
0x323: {  	v29 =	vld [tilespmem:s24+$0x11D0];
	v11 =	vperm.xlane v22, v1;
	v12 =	vsub.f32 v12, v6;
	v16 =	vmul.f32 $2.000000030e-01, v9  }
0x324: {  	[tilespmem:s18+$0x0] =	vst v15;
	v15 =	vld [tilespmem:s11+$0x90];
	v20 =	vperm.xlane v22, v0;
	v18 =	vmul.f32 $2.000000030e-01, v14  }
0x325: {  	v32 =	vld [tilespmem:s24+$0x10D0];
	v10 =	vperm.xlane v10, v3;
	v12 =	vmul.f32 $1.442695020e+00, v12;
	v9 =	vmax.f32 v9, v16  }
0x326: {  	v34 =	vld [tilespmem:s24+$0x1050];
	v14 =	vmax.f32 v14, v18;
	v9 =	vsub.f32 v9, v6;
	v20 =	vmul.f32 v20, v23  }
0x327: {  	v14 =	vsub.f32 v14, v6;
	v16 =	vld [tilespmem:s11+$0x110];
	(erf) = vpow2.f32 v12;
	v7 =	vmul.f32 v26, v7  }
0x328: {  	v38 =	vld [tilespmem:s24+$0x40];
	v24 =	vperm.xlane v19, v0;
	v9 =	vmul.f32 $1.442695020e+00, v9;
	[tilespmem:s18+$0xFFFFFF10] =	vst v20  }
0x329: {  	v27 =	vpop (erf);
	v13 =	vmul.f32 v13, v15;
	v14 =	vmul.f32 $1.442695020e+00, v14;
	[tilespmem:s18+$0xA0] =	vst v7;
	v7 =	vld [tilespmem:s17+$0x180]  }
0x32a: {  	v37 =	vperm.xlane v27, v0;
	v15 =	vld [tilespmem:s11+$0x20];
	(erf) = vpow2.f32 v9  }
0x32b: {  	[tilespmem:s18+$0xFFFFFF90] =	vst v13;
	v26 =	vperm.xlane v19, v3;
	v13 =	vld [tilespmem:s11+$0x1B0];
	(erf) = vpow2.f32 v14  }
0x32c: {  	v18 =	vld [tilespmem:s17+$0x0];
	v19 =	vperm.xlane v19, v4;
	v9 =	vmul.f32 v24, v16  }
0x32d: {  	v23 =	vld [tilespmem:s17+$0x80];
	v20 =	vperm.xlane v8, v3;
	v24 =	vperm.xlane v27, v2  }
0x32e: {  	v16 =	vperm.xlane v22, v4;
	v14 =	vperm.xlane v22, v3;
	[tilespmem:s18+$0x10] =	vst v9;
	v9 =	vld [tilespmem:s11+$0xA0]  }
0x32f: {  	v22 =	vperm.xlane v8, v4;
	v8 =	vld [tilespmem:s11+$0x120];
	v7 =	vmul.f32 v24, v7  }
0x330: {  	v12 =	vld [tilespmem:s17+$0x100];
	v15 =	vmul.f32 v11, v15;
	v10 =	vmul.f32 v10, v13;
	v30 =	vpop (erf)  }
0x331: {  	s9 =	simm.s32 $0x8500;
	[tilespmem:s18+$0xC0] =	vst v17;
	v11 =	vperm.xlane v27, v4;
	v13 =	vld [tilespmem:s24+$0xC0];
	v24 =	vperm.xlane v30, v2  }
0x332: {  	v17 =	vld [tilespmem:s24+$0x1150];
	v31 =	vperm.xlane v30, v0;
	[tilespmem:s9+$0x80] =	vst v7;
	v7 =	vperm.xlane v30, v1  }
0x333: {  	v59 =	vadd.f32 v34, v38;
	v21 =	vmul.f32 v21, v9;
	v33 =	vld [tilespmem:s17+$0x190];
	v23 =	vmul.f32 v24, v23;
	v9 =	vpop (erf)  }
0x334: {  	[tilespmem:s18+$0xFFFFFF20] =	vst v15;
	v24 =	vmul.f32 v25, v8;
	v8 =	vld [tilespmem:s24+$0x140];
	v25 =	vadd.f32 v29, v28;
	v35 =	vpop (erf);
	v28 =	vperm.xlane v9, v2  }
0x335: {  	[tilespmem:s18+$0xB0] =	vst v10;
	v36 =	vperm.xlane v9, v0;
	v29 =	vperm.xlane v35, v2  }
0x336: {  	v15 =	vmul.f32 $2.000000030e-01, v25;
	v32 =	vadd.f32 v32, v13;
	[tilespmem:s18+$0x20] =	vst v24;
	v24 =	vmul.f32 $2.000000030e-01, v59  }
0x337: {  	[tilespmem:s18+$0xFFFFFFA0] =	vst v21;
	v39 =	vperm.xlane v35, v0;
	v29 =	vmul.f32 v29, v18  }
0x338: {  	v13 =	vld [tilespmem:s24+$0x0];
	[tilespmem:s9+$0xFFFFFF80] =	vst v23;
	v10 =	vmul.f32 v37, v33;
	v15 =	vmax.f32 v25, v15;
	v25 =	vmul.f32 $2.000000030e-01, v32  }
0x339: {  	v60 =	vld [tilespmem:s17+$0x90];
	v12 =	vmul.f32 v28, v12;
	v28 =	vsub.f32 v15, v6;
	v17 =	vadd.f32 v17, v8;
	[tilespmem:s9+$0xFFFFFF00] =	vst v29  }
0x33a: {  	v18 =	vperm.xlane v35, v1;
	v15 =	vperm.xlane v9, v1;
	[tilespmem:s9+$0x90] =	vst v10;
	v25 =	vmax.f32 v32, v25;
	v29 =	vld [tilespmem:s17+$0x10]  }
0x33b: {  	[tilespmem:s9+$0x0] =	vst v12;
	v23 =	vld [tilespmem:s17+$0x1A0];
	v28 =	vmul.f32 $1.442695020e+00, v28;
	v21 =	vsub.f32 v25, v6;
	v25 =	vmul.f32 $2.000000030e-01, v17  }
0x33c: {  	v8 =	vperm.xlane v30, v3;
	v10 =	vperm.xlane v35, v3;
	v61 =	vld [tilespmem:s17+$0x110]  }
0x33d: {  	(erf) = vpow2.f32 v28;
	v28 =	vld [tilespmem:s11+$0x30];
	v21 =	vmul.f32 $1.442695020e+00, v21;
	v17 =	vmax.f32 v17, v25  }
0x33e: {  	v62 =	vld [tilespmem:s11+$0xB0];
	v25 =	vperm.xlane v27, v1;
	[tilespmem:s18+$0xFFFFFF40] =	vst v16;
	v16 =	vmax.f32 v59, v24;
	v24 =	vsub.f32 v17, v6  }
0x33f: {  	[tilespmem:s18+$0xFFFFFFC0] =	vst v22;
	v22 =	vld [tilespmem:s11+$0x130];
	(erf) = vpow2.f32 v21;
	v29 =	vmul.f32 v39, v29  }
0x340: {  	[tilespmem:s18+$0x40] =	vst v19;
	v17 =	vld [tilespmem:s24+$0x80];
	v33 =	vsub.f32 v16, v6;
	v21 =	vmul.f32 v25, v23;
	v19 =	vmul.f32 $1.442695020e+00, v24  }
0x341: {  	v16 =	vld [tilespmem:s24+$0x100];
	v24 =	vmul.f32 v31, v60;
	v63 =	vmul.f32 v36, v61;
	[tilespmem:s9+$0xFFFFFF10] =	vst v29  }
0x342: {  	[tilespmem:s9+$0xA0] =	vst v21;
	v14 =	vmul.f32 v14, v28;
	v29 =	vmul.f32 $1.442695020e+00, v33;
	v23 =	vld [tilespmem:s17+$0x20]  }
0x343: {  	v12 =	vperm.xlane v9, v3;
	(erf) = vpow2.f32 v19;
	[tilespmem:s9+$0xFFFFFF90] =	vst v24;
	v24 =	vld [tilespmem:s17+$0x1B0]  }
0x344: {  	v25 =	vld [tilespmem:s24+$0x180];
	[tilespmem:s9+$0x10] =	vst v63;
	v28 =	vmul.f32 v20, v62;
	(erf) = vpow2.f32 v29  }
0x345: {  	v26 =	vmul.f32 v26, v22;
	v27 =	vperm.xlane v27, v3;
	v21 =	vld [tilespmem:s17+$0xA0];
	[tilespmem:s18+$0xFFFFFF30] =	vst v14  }
0x346: {  	s10 =	simm.s32 $0x8;
	s11 =	simm.s32 $0x800;
	v19 =	vperm.xlane v35, v4;
	v20 =	vperm.xlane v30, v4;
	v22 =	vld [tilespmem:s17+$0x120];
	[tilespmem:s18+$0xFFFFFFB0] =	vst v28;
	v14 =	vpop (erf)  }
.LBB2_19:
0x347: {  	v28 =	vld [tilespmem:s11+$0x1C0];
	v29 =	vperm.xlane v14, v2;
	v18 =	vmul.f32 v18, v23;
	[tilespmem:s18+$0x30] =	vst v26;
	s18 =	smov.u32 s9  }
0x348: {  	s10 =	sadd.s32 $0x4, s10;
	v26 =	vperm.xlane v9, v4;
	v23 =	vld [tilespmem:s11+$0x11D0];
	v9 =	vmul.f32 v27, v24;
	[tilespmem:s9+$0xC0] =	vst v11  }
0x349: {  	p2 =	slt.u32 s10, $0x1C;
	v11 =	vperm.xlane v14, v4;
	v24 =	vld [tilespmem:s11+$0x1050];
	v25 =	vmul.f32 v29, v25;
	v27 =	vpop (erf);
	[tilespmem:s9+$0xFFFFFF20] =	vst v18  }
0x34a: {  	s9 =	sadd.s32 $0x200, s9;
	v18 =	vld [tilespmem:s11+$0xC0];
	v29 =	vperm.xlane v27, v2;
	v30 =	vperm.xlane v27, v0;
	[tilespmem:s18+$0xB0] =	vst v9  }
0x34b: {  	v21 =	vmul.f32 v7, v21;
	v7 =	vperm.xlane v27, v1;
	v31 =	vld [tilespmem:s11+$0x10D0];
	[tilespmem:s9+$0x80] =	vst v25  }
0x34c: {  	v15 =	vmul.f32 v15, v22;
	v17 =	vmul.f32 v29, v17;
	v25 =	vld [tilespmem:s24+$0x190];
	v9 =	vpop (erf)  }
0x34d: {  	v22 =	vld [tilespmem:s11+$0x140];
	v23 =	vadd.f32 v23, v28;
	v28 =	vperm.xlane v9, v2;
	v29 =	vperm.xlane v9, v0;
	v32 =	vpop (erf);
	[tilespmem:s18+$0xFFFFFFA0] =	vst v21  }
0x34e: {  	v21 =	vld [tilespmem:s11+$0x1150];
	v33 =	vperm.xlane v32, v2;
	v34 =	vperm.xlane v32, v0;
	[tilespmem:s9+$0xFFFFFF80] =	vst v17  }
0x34f: {  	v37 =	vperm.xlane v14, v0;
	v35 =	vld [tilespmem:s11+$0x40];
	v36 =	vmul.f32 $2.000000030e-01, v23;
	[tilespmem:s18+$0x20] =	vst v15  }
0x350: {  	v28 =	vmul.f32 v28, v16;
	v31 =	vadd.f32 v31, v18;
	v15 =	vmul.f32 v33, v13;
	v13 =	vld [tilespmem:s11+$0x0]  }
0x351: {  	v18 =	vperm.xlane v32, v1;
	v17 =	vld [tilespmem:s11+$0x80];
	v23 =	vmax.f32 v23, v36;
	v25 =	vmul.f32 v37, v25  }
0x352: {  	v33 =	vmul.f32 $2.000000030e-01, v31;
	v16 =	vld [tilespmem:s11+$0x100];
	v23 =	vsub.f32 v23, v6;
	[tilespmem:s9+$0xFFFFFF00] =	vst v15;
	v15 =	vperm.xlane v9, v1  }
0x353: {  	v36 =	vperm.xlane v32, v3;
	v37 =	vperm.xlane v27, v3;
	v21 =	vadd.f32 v21, v22;
	v22 =	vld [tilespmem:s24+$0x10];
	[tilespmem:s9+$0x90] =	vst v25  }
0x354: {  	v24 =	vadd.f32 v24, v35;
	v25 =	vmax.f32 v31, v33;
	v23 =	vmul.f32 $1.442695020e+00, v23;
	[tilespmem:s9+$0x0] =	vst v28;
	v28 =	vld [tilespmem:s24+$0x1A0]  }
0x355: {  	v35 =	vperm.xlane v9, v3;
	v25 =	vsub.f32 v25, v6;
	v31 =	vmul.f32 $2.000000030e-01, v21;
	v33 =	vld [tilespmem:s24+$0x90]  }
0x356: {  	v38 =	vmul.f32 $2.000000030e-01, v24;
	(erf) = vpow2.f32 v23;
	v39 =	vld [tilespmem:s24+$0x110]  }
0x357: {  	v23 =	vmul.f32 $1.442695020e+00, v25;
	v21 =	vmax.f32 v21, v31;
	v25 =	vperm.xlane v14, v1;
	v31 =	vld [tilespmem:s17+$0x30];
	[tilespmem:s18+$0xFFFFFF40] =	vst v19  }
0x358: {  	v19 =	vmax.f32 v24, v38;
	v21 =	vsub.f32 v21, v6;
	v22 =	vmul.f32 v34, v22;
	v34 =	vld [tilespmem:s17+$0xB0];
	[tilespmem:s18+$0xFFFFFFC0] =	vst v20  }
0x359: {  	v19 =	vsub.f32 v19, v6;
	(erf) = vpow2.f32 v23;
	v20 =	vmul.f32 v25, v28;
	v28 =	vld [tilespmem:s17+$0x130];
	[tilespmem:s18+$0x40] =	vst v26;
	s17 =	smov.u32 s24;
	s24 =	smov.u32 s11  }
0x35a: {  	v21 =	vmul.f32 $1.442695020e+00, v21;
	[tilespmem:s9+$0xFFFFFF10] =	vst v22;
	v22 =	vmul.f32 v30, v33  }
.Ltmp10:
0x35b: {  	v19 =	vmul.f32 $1.442695020e+00, v19;
	v23 =	vld [tilespmem:s17+$0x20];
	v26 =	vmul.f32 v29, v39;
	[tilespmem:s9+$0xA0] =	vst v20;
	(pc) =	sbr.rel @p2 .LBB2_19-.Ltmp10, $4  }
0x35c: {  	(erf) = vpow2.f32 v21;
	[tilespmem:s9+$0xFFFFFF90] =	vst v22;
	v24 =	vld [tilespmem:s17+$0x1B0];
	v20 =	vmul.f32 v10, v31;
	v10 =	vmov v36  }
0x35d: {  	v25 =	vld [tilespmem:s11+$0x180];
	(erf) = vpow2.f32 v19;
	[tilespmem:s9+$0x10] =	vst v26;
	v29 =	vmul.f32 v8, v34;
	v8 =	vmov v37  }
0x35e: {  	v19 =	vperm.xlane v32, v4;
	v21 =	vld [tilespmem:s17+$0xA0];
	[tilespmem:s18+$0xFFFFFF30] =	vst v20;
	v26 =	vmul.f32 v12, v28;
	v12 =	vmov v35  }
0x35f: {  	s11 =	sadd.s32 $0x200, s11;
	v20 =	vperm.xlane v27, v4;
	v27 =	vperm.xlane v14, v3;
	v22 =	vld [tilespmem:s17+$0x120];
	v14 =	vpop (erf);
	[tilespmem:s18+$0xFFFFFFB0] =	vst v29  }
0x360: {  	v28 =	vperm.xlane v14, v2;
	_ =	sdelay $0x1  }
0x361: {  	v25 =	vmul.f32 v28, v25;
	_ =	sdelay $0x1  }
0x362: {  	v28 =	vpop (erf)  }
0x363: {  	s10 =	sadd.s32 $0x200, s9;
	v29 =	vpop (erf)  }
0x364: {  	[tilespmem:s10+$0x80] =	vst v25;
	v25 =	vpop (erf)  }
0x365: {  	v18 =	vmul.f32 v18, v23;
	[tilespmem:s18+$0x30] =	vst v26;
	v23 =	vld [tilespmem:s24+$0x190];
	v26 =	vperm.xlane v25, v2  }
0x366: {  	[tilespmem:s9+$0xC0] =	vst v11;
	v7 =	vmul.f32 v7, v21;
	v11 =	vperm.xlane v28, v2  }
0x367: {  	[tilespmem:s9+$0xFFFFFF20] =	vst v18;
	v18 =	vperm.xlane v29, v2;
	v13 =	vmul.f32 v26, v13  }
0x368: {  	[tilespmem:s9+$0xFFFFFFA0] =	vst v7;
	v11 =	vmul.f32 v11, v17;
	v17 =	vperm.xlane v14, v0  }
0x369: {  	v16 =	vmul.f32 v18, v16;
	[tilespmem:s10+$0xFFFFFF00] =	vst v13  }
0x36a: {  	[tilespmem:s10+$0xFFFFFF80] =	vst v11;
	v11 =	vmul.f32 v17, v23;
	v13 =	vld [tilespmem:s24+$0x10]  }
0x36b: {  	v15 =	vmul.f32 v15, v22;
	[tilespmem:s10+$0x0] =	vst v16;
	v16 =	vld [tilespmem:s24+$0x90]  }
0x36c: {  	v24 =	vmul.f32 v27, v24;
	[tilespmem:s10+$0x90] =	vst v11;
	v11 =	vld [tilespmem:s24+$0x110]  }
0x36d: {  	[tilespmem:s9+$0x20] =	vst v15;
	v15 =	vld [tilespmem:s17+$0x30];
	v7 =	vperm.xlane v25, v0  }
0x36e: {  	v9 =	vperm.xlane v9, v4;
	[tilespmem:s9+$0xB0] =	vst v24;
	v18 =	vperm.xlane v28, v0;
	v17 =	vld [tilespmem:s24+$0x1A0]  }
0x36f: {  	v21 =	vperm.xlane v29, v0;
	[tilespmem:s9+$0xFFFFFF40] =	vst v19;
	v19 =	vld [tilespmem:s17+$0x130];
	v7 =	vmul.f32 v7, v13  }
0x370: {  	[tilespmem:s9+$0x40] =	vst v9;
	v16 =	vmul.f32 v18, v16;
	v13 =	vld [tilespmem:s17+$0xB0]  }
0x371: {  	v18 =	vperm.xlane v14, v1;
	[tilespmem:s10+$0xFFFFFF10] =	vst v7;
	v7 =	vmul.f32 v21, v11  }
0x372: {  	v9 =	vmul.f32 v10, v15;
	[tilespmem:s10+$0xFFFFFF90] =	vst v16;
	v11 =	vld [tilespmem:s24+$0x20]  }
0x373: {  	v16 =	vmul.f32 v18, v17;
	[tilespmem:s10+$0x10] =	vst v7;
	v7 =	vld [tilespmem:s24+$0xA0]  }
0x374: {  	[tilespmem:s9+$0xFFFFFF30] =	vst v9;
	v9 =	vmul.f32 v12, v19;
	v10 =	vld [tilespmem:s24+$0x120]  }
0x375: {  	v15 =	vperm.xlane v25, v1;
	[tilespmem:s10+$0xA0] =	vst v16;
	v8 =	vmul.f32 v8, v13  }
0x376: {  	[tilespmem:s9+$0x30] =	vst v9;
	v16 =	vld [tilespmem:s24+$0x1B0];
	v13 =	vperm.xlane v28, v1  }
0x377: {  	v12 =	vperm.xlane v29, v1;
	[tilespmem:s9+$0xFFFFFFB0] =	vst v8;
	v8 =	vmul.f32 v15, v11  }
0x378: {  	[tilespmem:s9+$0xFFFFFFC0] =	vst v20;
	v7 =	vmul.f32 v13, v7  }
0x379: {  	v9 =	vperm.xlane v14, v3;
	[tilespmem:s10+$0xFFFFFF20] =	vst v8;
	v8 =	vmul.f32 v12, v10  }
0x37a: {  	v10 =	vperm.xlane v14, v4;
	[tilespmem:s10+$0xFFFFFFA0] =	vst v7;
	v7 =	vld [tilespmem:s24+$0x30]  }
0x37b: {  	v9 =	vmul.f32 v9, v16;
	[tilespmem:s10+$0x20] =	vst v8;
	v8 =	vld [tilespmem:s24+$0xB0]  }
0x37c: {  	v11 =	vperm.xlane v25, v4;
	[tilespmem:s10+$0xC0] =	vst v10;
	v10 =	vld [tilespmem:s24+$0x130]  }
0x37d: {  	v13 =	vperm.xlane v28, v4;
	v12 =	vperm.xlane v25, v3;
	[tilespmem:s10+$0xB0] =	vst v9  }
0x37e: {  	v14 =	vperm.xlane v29, v4;
	v9 =	vperm.xlane v28, v3;
	[tilespmem:s10+$0xFFFFFF40] =	vst v11  }
0x37f: {  	v11 =	vperm.xlane v29, v3;
	[tilespmem:s10+$0xFFFFFFC0] =	vst v13;
	v7 =	vmul.f32 v12, v7  }
0x380: {  	[tilespmem:s10+$0x40] =	vst v14;
	v8 =	vmul.f32 v9, v8  }
0x381: {  	[tilespmem:s10+$0xFFFFFF30] =	vst v7;
	v7 =	vmul.f32 v11, v10  }
0x382: {  	[tilespmem:s10+$0xFFFFFFB0] =	vst v8  }
0x383: {  	[tilespmem:s10+$0x30] =	vst v7;
	s10 =	simm.s32 $0xC200  }
0x384: {  	[spmem:s2] =	stream.indirect.scatter.add.f32 [tilespmem:s28], [sflag:$0x3], $0x80, s10, s26, $0xb8;
	[tilespmem:$0x1FD80] =	vst v63  }
0x385: {  	s9 =	rddreg [dreg:$0xd]  }
0x386: {  	s9 =	sadd.s32 @!p1 s16, s9  }
0x387: {  	s9 =	sshrl.u32 @!p1 s9, $0x3  }
0x388: {  	s11 =	simm.s32 @!p1 $0x100;
	s10 =	simm.s32 @!p1 $0x0;
	s9 =	sadd.s32 @!p1 s6, s9  }
0x389: {  	[tilespmem:s11], [sflag:$0xB] =	stream.linear.gather @!p1 [hbm4b:s9+s10], $0x40, $0x38;
	[tilespmem:$0x1FD80] =	vst v63  }
0x38a: {  	_ =	swait.ge [sflag:s12], $0x1000  }
0x38b: {  	[sflag:s12] =	ssyncset.done $0x0  }
0x38c: {  	[sflag:s12] =	ssyncadd.s32 $0xFFFFF000  }
0x38d: {  	v7 =	vld [tilespmem:$0x160]  }
0x38e: {  	v8 =	vld [tilespmem:$0x170];
	_ =	sdelay $0x3  }
0x38f: {  	[tilespmem:$0xC280] =	vst v7  }
0x390: {  	s11 =	simm.s32 $0x2200;
	[tilespmem:$0xC290] =	vst v8  }
0x391: {  	v7 =	vld [tilespmem:s11+$0x1C0]  }
0x392: {  	v8 =	vld [tilespmem:s11+$0x11D0];
	_ =	sdelay $0x3  }
0x393: {  	v10 =	vld [tilespmem:s11+$0xC0]  }
0x394: {  	v11 =	vld [tilespmem:s11+$0x10D0];
	v7 =	vadd.f32 v8, v7  }
0x395: {  	v12 =	vld [tilespmem:s11+$0x1150]  }
0x396: {  	v8 =	vld [tilespmem:s11+$0x140];
	v13 =	vmul.f32 $2.000000030e-01, v7  }
0x397: {  	v9 =	vld [tilespmem:s11+$0x1050]  }
0x398: {  	v14 =	vld [tilespmem:s11+$0x40];
	v7 =	vmax.f32 v7, v13  }
0x399: {  	v7 =	vsub.f32 v7, v6  }
0x39a: {  	v10 =	vadd.f32 v11, v10  }
0x39b: {  	v8 =	vadd.f32 v12, v8;
	v7 =	vmul.f32 $1.442695020e+00, v7  }
0x39c: {  	v11 =	vmul.f32 $2.000000030e-01, v10  }
0x39d: {  	v9 =	vadd.f32 v9, v14;
	v12 =	vmul.f32 $2.000000030e-01, v8;
	(erf) = vpow2.f32 v7  }
0x39e: {  	v7 =	vmax.f32 v10, v11  }
0x39f: {  	v10 =	vmul.f32 $2.000000030e-01, v9;
	v8 =	vmax.f32 v8, v12;
	v7 =	vsub.f32 v7, v6  }
0x3a0: {  	v8 =	vsub.f32 v8, v6  }
0x3a1: {  	s17 =	simm.s32 $0x2400;
	v9 =	vmax.f32 v9, v10;
	v7 =	vmul.f32 $1.442695020e+00, v7  }
0x3a2: {  	v13 =	vld [tilespmem:s17+$0x11D0];
	v9 =	vsub.f32 v9, v6;
	v8 =	vmul.f32 $1.442695020e+00, v8  }
0x3a3: {  	v11 =	vld [tilespmem:s17+$0x1C0];
	(erf) = vpow2.f32 v7  }
0x3a4: {  	v7 =	vmul.f32 $1.442695020e+00, v9;
	(erf) = vpow2.f32 v8;
	v8 =	vld [tilespmem:s11+$0x180];
	_ =	sdelay $0x1  }
0x3a5: {  	(erf) = vpow2.f32 v7;
	v10 =	vpop (erf)  }
0x3a6: {  	v12 =	vperm.xlane v10, v2  }
0x3a7: {  	v15 =	vld [tilespmem:s17+$0x10D0]  }
0x3a8: {  	v20 =	vld [tilespmem:s17+$0x140];
	v11 =	vadd.f32 v13, v11;
	v8 =	vmul.f32 v12, v8  }
0x3a9: {  	v25 =	vld [tilespmem:s17+$0x40]  }
0x3aa: {  	v9 =	vld [tilespmem:s11+$0x0];
	v26 =	vmul.f32 $2.000000030e-01, v11  }
0x3ab: {  	s18 =	simm.s32 $0x9300;
	v7 =	vld [tilespmem:s11+$0x80]  }
0x3ac: {  	v11 =	vmax.f32 v11, v26;
	v12 =	vld [tilespmem:s17+$0xC0];
	[tilespmem:s18+$0x80] =	vst v8;
	v8 =	vpop (erf)  }
0x3ad: {  	v11 =	vsub.f32 v11, v6;
	v16 =	vld [tilespmem:s11+$0x190];
	v19 =	vpop (erf)  }
0x3ae: {  	v14 =	vld [tilespmem:s17+$0x1050];
	v17 =	vperm.xlane v10, v4;
	v18 =	vperm.xlane v8, v2;
	v22 =	vpop (erf)  }
0x3af: {  	v23 =	vld [tilespmem:s17+$0x1150];
	v11 =	vmul.f32 $1.442695020e+00, v11;
	v24 =	vperm.xlane v22, v2  }
0x3b0: {  	v27 =	vld [tilespmem:s11+$0x100];
	v7 =	vmul.f32 v18, v7;
	v18 =	vperm.xlane v10, v0  }
0x3b1: {  	v26 =	vperm.xlane v10, v1;
	v12 =	vadd.f32 v15, v12;
	v9 =	vmul.f32 v24, v9  }
0x3b2: {  	s24 =	simm.s32 $0x2600;
	(erf) = vpow2.f32 v11;
	v16 =	vmul.f32 v18, v16  }
0x3b3: {  	v28 =	vld [tilespmem:s24+$0x1C0];
	v14 =	vadd.f32 v14, v25;
	v15 =	vperm.xlane v19, v2;
	v18 =	vmul.f32 $2.000000030e-01, v12;
	[tilespmem:s18+$0xFFFFFF00] =	vst v9  }
0x3b4: {  	v13 =	vperm.xlane v8, v0;
	v21 =	vperm.xlane v8, v1;
	v9 =	vadd.f32 v23, v20;
	[tilespmem:s18+$0x90] =	vst v16;
	v23 =	vld [tilespmem:s11+$0x10]  }
0x3b5: {  	v25 =	vperm.xlane v19, v1;
	v15 =	vmul.f32 v15, v27;
	[tilespmem:s18+$0xFFFFFF80] =	vst v7;
	v12 =	vmax.f32 v12, v18;
	v7 =	vld [tilespmem:s11+$0x1A0]  }
0x3b6: {  	v29 =	vld [tilespmem:s24+$0x11D0];
	v11 =	vperm.xlane v22, v1;
	v12 =	vsub.f32 v12, v6;
	v16 =	vmul.f32 $2.000000030e-01, v9  }
0x3b7: {  	[tilespmem:s18+$0x0] =	vst v15;
	v15 =	vld [tilespmem:s11+$0x90];
	v20 =	vperm.xlane v22, v0;
	v18 =	vmul.f32 $2.000000030e-01, v14  }
0x3b8: {  	v32 =	vld [tilespmem:s24+$0x10D0];
	v10 =	vperm.xlane v10, v3;
	v12 =	vmul.f32 $1.442695020e+00, v12;
	v9 =	vmax.f32 v9, v16  }
0x3b9: {  	v34 =	vld [tilespmem:s24+$0x1050];
	v14 =	vmax.f32 v14, v18;
	v9 =	vsub.f32 v9, v6;
	v20 =	vmul.f32 v20, v23  }
0x3ba: {  	v14 =	vsub.f32 v14, v6;
	v16 =	vld [tilespmem:s11+$0x110];
	(erf) = vpow2.f32 v12;
	v7 =	vmul.f32 v26, v7  }
0x3bb: {  	v38 =	vld [tilespmem:s24+$0x40];
	v24 =	vperm.xlane v19, v0;
	v9 =	vmul.f32 $1.442695020e+00, v9;
	[tilespmem:s18+$0xFFFFFF10] =	vst v20  }
0x3bc: {  	v27 =	vpop (erf);
	v13 =	vmul.f32 v13, v15;
	v14 =	vmul.f32 $1.442695020e+00, v14;
	[tilespmem:s18+$0xA0] =	vst v7;
	v7 =	vld [tilespmem:s17+$0x180]  }
0x3bd: {  	v37 =	vperm.xlane v27, v0;
	v15 =	vld [tilespmem:s11+$0x20];
	(erf) = vpow2.f32 v9  }
0x3be: {  	[tilespmem:s18+$0xFFFFFF90] =	vst v13;
	v26 =	vperm.xlane v19, v3;
	v13 =	vld [tilespmem:s11+$0x1B0];
	(erf) = vpow2.f32 v14  }
0x3bf: {  	v18 =	vld [tilespmem:s17+$0x0];
	v19 =	vperm.xlane v19, v4;
	v9 =	vmul.f32 v24, v16  }
0x3c0: {  	v23 =	vld [tilespmem:s17+$0x80];
	v20 =	vperm.xlane v8, v3;
	v24 =	vperm.xlane v27, v2  }
0x3c1: {  	v16 =	vperm.xlane v22, v4;
	v14 =	vperm.xlane v22, v3;
	[tilespmem:s18+$0x10] =	vst v9;
	v9 =	vld [tilespmem:s11+$0xA0]  }
0x3c2: {  	v22 =	vperm.xlane v8, v4;
	v8 =	vld [tilespmem:s11+$0x120];
	v7 =	vmul.f32 v24, v7  }
0x3c3: {  	v12 =	vld [tilespmem:s17+$0x100];
	v15 =	vmul.f32 v11, v15;
	v10 =	vmul.f32 v10, v13;
	v30 =	vpop (erf)  }
0x3c4: {  	s9 =	simm.s32 $0x9500;
	[tilespmem:s18+$0xC0] =	vst v17;
	v11 =	vperm.xlane v27, v4;
	v13 =	vld [tilespmem:s24+$0xC0];
	v24 =	vperm.xlane v30, v2  }
0x3c5: {  	v17 =	vld [tilespmem:s24+$0x1150];
	v31 =	vperm.xlane v30, v0;
	[tilespmem:s9+$0x80] =	vst v7;
	v7 =	vperm.xlane v30, v1  }
0x3c6: {  	v59 =	vadd.f32 v34, v38;
	v21 =	vmul.f32 v21, v9;
	v33 =	vld [tilespmem:s17+$0x190];
	v23 =	vmul.f32 v24, v23;
	v9 =	vpop (erf)  }
0x3c7: {  	[tilespmem:s18+$0xFFFFFF20] =	vst v15;
	v24 =	vmul.f32 v25, v8;
	v8 =	vld [tilespmem:s24+$0x140];
	v25 =	vadd.f32 v29, v28;
	v35 =	vpop (erf);
	v28 =	vperm.xlane v9, v2  }
0x3c8: {  	[tilespmem:s18+$0xB0] =	vst v10;
	v36 =	vperm.xlane v9, v0;
	v29 =	vperm.xlane v35, v2  }
0x3c9: {  	v15 =	vmul.f32 $2.000000030e-01, v25;
	v32 =	vadd.f32 v32, v13;
	[tilespmem:s18+$0x20] =	vst v24;
	v24 =	vmul.f32 $2.000000030e-01, v59  }
0x3ca: {  	[tilespmem:s18+$0xFFFFFFA0] =	vst v21;
	v39 =	vperm.xlane v35, v0;
	v29 =	vmul.f32 v29, v18  }
0x3cb: {  	v13 =	vld [tilespmem:s24+$0x0];
	[tilespmem:s9+$0xFFFFFF80] =	vst v23;
	v10 =	vmul.f32 v37, v33;
	v15 =	vmax.f32 v25, v15;
	v25 =	vmul.f32 $2.000000030e-01, v32  }
0x3cc: {  	v60 =	vld [tilespmem:s17+$0x90];
	v12 =	vmul.f32 v28, v12;
	v28 =	vsub.f32 v15, v6;
	v17 =	vadd.f32 v17, v8;
	[tilespmem:s9+$0xFFFFFF00] =	vst v29  }
0x3cd: {  	v18 =	vperm.xlane v35, v1;
	v15 =	vperm.xlane v9, v1;
	[tilespmem:s9+$0x90] =	vst v10;
	v25 =	vmax.f32 v32, v25;
	v29 =	vld [tilespmem:s17+$0x10]  }
0x3ce: {  	[tilespmem:s9+$0x0] =	vst v12;
	v23 =	vld [tilespmem:s17+$0x1A0];
	v28 =	vmul.f32 $1.442695020e+00, v28;
	v21 =	vsub.f32 v25, v6;
	v25 =	vmul.f32 $2.000000030e-01, v17  }
0x3cf: {  	v8 =	vperm.xlane v30, v3;
	v10 =	vperm.xlane v35, v3;
	v61 =	vld [tilespmem:s17+$0x110]  }
0x3d0: {  	(erf) = vpow2.f32 v28;
	v28 =	vld [tilespmem:s11+$0x30];
	v21 =	vmul.f32 $1.442695020e+00, v21;
	v17 =	vmax.f32 v17, v25  }
0x3d1: {  	v62 =	vld [tilespmem:s11+$0xB0];
	v25 =	vperm.xlane v27, v1;
	[tilespmem:s18+$0xFFFFFF40] =	vst v16;
	v16 =	vmax.f32 v59, v24;
	v24 =	vsub.f32 v17, v6  }
0x3d2: {  	[tilespmem:s18+$0xFFFFFFC0] =	vst v22;
	v22 =	vld [tilespmem:s11+$0x130];
	(erf) = vpow2.f32 v21;
	v29 =	vmul.f32 v39, v29  }
0x3d3: {  	[tilespmem:s18+$0x40] =	vst v19;
	v17 =	vld [tilespmem:s24+$0x80];
	v33 =	vsub.f32 v16, v6;
	v21 =	vmul.f32 v25, v23;
	v19 =	vmul.f32 $1.442695020e+00, v24  }
0x3d4: {  	v16 =	vld [tilespmem:s24+$0x100];
	v24 =	vmul.f32 v31, v60;
	v63 =	vmul.f32 v36, v61;
	[tilespmem:s9+$0xFFFFFF10] =	vst v29  }
0x3d5: {  	[tilespmem:s9+$0xA0] =	vst v21;
	v14 =	vmul.f32 v14, v28;
	v29 =	vmul.f32 $1.442695020e+00, v33;
	v23 =	vld [tilespmem:s17+$0x20]  }
0x3d6: {  	v12 =	vperm.xlane v9, v3;
	(erf) = vpow2.f32 v19;
	[tilespmem:s9+$0xFFFFFF90] =	vst v24;
	v24 =	vld [tilespmem:s17+$0x1B0]  }
0x3d7: {  	v25 =	vld [tilespmem:s24+$0x180];
	[tilespmem:s9+$0x10] =	vst v63;
	v28 =	vmul.f32 v20, v62;
	(erf) = vpow2.f32 v29  }
0x3d8: {  	v26 =	vmul.f32 v26, v22;
	v27 =	vperm.xlane v27, v3;
	v21 =	vld [tilespmem:s17+$0xA0];
	[tilespmem:s18+$0xFFFFFF30] =	vst v14  }
0x3d9: {  	s10 =	simm.s32 $0x8;
	s11 =	simm.s32 $0x2800;
	v19 =	vperm.xlane v35, v4;
	v20 =	vperm.xlane v30, v4;
	v22 =	vld [tilespmem:s17+$0x120];
	[tilespmem:s18+$0xFFFFFFB0] =	vst v28;
	v14 =	vpop (erf)  }
.LBB2_21:
0x3da: {  	v28 =	vld [tilespmem:s11+$0x1C0];
	v29 =	vperm.xlane v14, v2;
	v18 =	vmul.f32 v18, v23;
	[tilespmem:s18+$0x30] =	vst v26;
	s18 =	smov.u32 s9  }
0x3db: {  	s10 =	sadd.s32 $0x4, s10;
	v26 =	vperm.xlane v9, v4;
	v23 =	vld [tilespmem:s11+$0x11D0];
	v9 =	vmul.f32 v27, v24;
	[tilespmem:s9+$0xC0] =	vst v11  }
0x3dc: {  	p2 =	slt.u32 s10, $0x1C;
	v11 =	vperm.xlane v14, v4;
	v24 =	vld [tilespmem:s11+$0x1050];
	v25 =	vmul.f32 v29, v25;
	v27 =	vpop (erf);
	[tilespmem:s9+$0xFFFFFF20] =	vst v18  }
0x3dd: {  	s9 =	sadd.s32 $0x200, s9;
	v18 =	vld [tilespmem:s11+$0xC0];
	v29 =	vperm.xlane v27, v2;
	v30 =	vperm.xlane v27, v0;
	[tilespmem:s18+$0xB0] =	vst v9  }
0x3de: {  	v21 =	vmul.f32 v7, v21;
	v7 =	vperm.xlane v27, v1;
	v31 =	vld [tilespmem:s11+$0x10D0];
	[tilespmem:s9+$0x80] =	vst v25  }
0x3df: {  	v15 =	vmul.f32 v15, v22;
	v17 =	vmul.f32 v29, v17;
	v25 =	vld [tilespmem:s24+$0x190];
	v9 =	vpop (erf)  }
0x3e0: {  	v22 =	vld [tilespmem:s11+$0x140];
	v23 =	vadd.f32 v23, v28;
	v28 =	vperm.xlane v9, v2;
	v29 =	vperm.xlane v9, v0;
	v32 =	vpop (erf);
	[tilespmem:s18+$0xFFFFFFA0] =	vst v21  }
0x3e1: {  	v21 =	vld [tilespmem:s11+$0x1150];
	v33 =	vperm.xlane v32, v2;
	v34 =	vperm.xlane v32, v0;
	[tilespmem:s9+$0xFFFFFF80] =	vst v17  }
0x3e2: {  	v37 =	vperm.xlane v14, v0;
	v35 =	vld [tilespmem:s11+$0x40];
	v36 =	vmul.f32 $2.000000030e-01, v23;
	[tilespmem:s18+$0x20] =	vst v15  }
0x3e3: {  	v28 =	vmul.f32 v28, v16;
	v31 =	vadd.f32 v31, v18;
	v15 =	vmul.f32 v33, v13;
	v13 =	vld [tilespmem:s11+$0x0]  }
0x3e4: {  	v18 =	vperm.xlane v32, v1;
	v17 =	vld [tilespmem:s11+$0x80];
	v23 =	vmax.f32 v23, v36;
	v25 =	vmul.f32 v37, v25  }
0x3e5: {  	v33 =	vmul.f32 $2.000000030e-01, v31;
	v16 =	vld [tilespmem:s11+$0x100];
	v23 =	vsub.f32 v23, v6;
	[tilespmem:s9+$0xFFFFFF00] =	vst v15;
	v15 =	vperm.xlane v9, v1  }
0x3e6: {  	v36 =	vperm.xlane v32, v3;
	v37 =	vperm.xlane v27, v3;
	v21 =	vadd.f32 v21, v22;
	v22 =	vld [tilespmem:s24+$0x10];
	[tilespmem:s9+$0x90] =	vst v25  }
0x3e7: {  	v24 =	vadd.f32 v24, v35;
	v25 =	vmax.f32 v31, v33;
	v23 =	vmul.f32 $1.442695020e+00, v23;
	[tilespmem:s9+$0x0] =	vst v28;
	v28 =	vld [tilespmem:s24+$0x1A0]  }
0x3e8: {  	v35 =	vperm.xlane v9, v3;
	v25 =	vsub.f32 v25, v6;
	v31 =	vmul.f32 $2.000000030e-01, v21;
	v33 =	vld [tilespmem:s24+$0x90]  }
0x3e9: {  	v38 =	vmul.f32 $2.000000030e-01, v24;
	(erf) = vpow2.f32 v23;
	v39 =	vld [tilespmem:s24+$0x110]  }
0x3ea: {  	v23 =	vmul.f32 $1.442695020e+00, v25;
	v21 =	vmax.f32 v21, v31;
	v25 =	vperm.xlane v14, v1;
	v31 =	vld [tilespmem:s17+$0x30];
	[tilespmem:s18+$0xFFFFFF40] =	vst v19  }
0x3eb: {  	v19 =	vmax.f32 v24, v38;
	v21 =	vsub.f32 v21, v6;
	v22 =	vmul.f32 v34, v22;
	v34 =	vld [tilespmem:s17+$0xB0];
	[tilespmem:s18+$0xFFFFFFC0] =	vst v20  }
0x3ec: {  	v19 =	vsub.f32 v19, v6;
	(erf) = vpow2.f32 v23;
	v20 =	vmul.f32 v25, v28;
	v28 =	vld [tilespmem:s17+$0x130];
	[tilespmem:s18+$0x40] =	vst v26;
	s17 =	smov.u32 s24;
	s24 =	smov.u32 s11  }
0x3ed: {  	v21 =	vmul.f32 $1.442695020e+00, v21;
	[tilespmem:s9+$0xFFFFFF10] =	vst v22;
	v22 =	vmul.f32 v30, v33  }
.Ltmp11:
0x3ee: {  	v19 =	vmul.f32 $1.442695020e+00, v19;
	v23 =	vld [tilespmem:s17+$0x20];
	v26 =	vmul.f32 v29, v39;
	[tilespmem:s9+$0xA0] =	vst v20;
	(pc) =	sbr.rel @p2 .LBB2_21-.Ltmp11, $4  }
0x3ef: {  	(erf) = vpow2.f32 v21;
	[tilespmem:s9+$0xFFFFFF90] =	vst v22;
	v24 =	vld [tilespmem:s17+$0x1B0];
	v20 =	vmul.f32 v10, v31;
	v10 =	vmov v36  }
0x3f0: {  	v25 =	vld [tilespmem:s11+$0x180];
	(erf) = vpow2.f32 v19;
	[tilespmem:s9+$0x10] =	vst v26;
	v29 =	vmul.f32 v8, v34;
	v8 =	vmov v37  }
0x3f1: {  	v19 =	vperm.xlane v32, v4;
	v21 =	vld [tilespmem:s17+$0xA0];
	[tilespmem:s18+$0xFFFFFF30] =	vst v20;
	v26 =	vmul.f32 v12, v28;
	v12 =	vmov v35  }
0x3f2: {  	s11 =	sadd.s32 $0x200, s11;
	v20 =	vperm.xlane v27, v4;
	v27 =	vperm.xlane v14, v3;
	v22 =	vld [tilespmem:s17+$0x120];
	v14 =	vpop (erf);
	[tilespmem:s18+$0xFFFFFFB0] =	vst v29  }
0x3f3: {  	v28 =	vperm.xlane v14, v2;
	_ =	sdelay $0x1  }
0x3f4: {  	v25 =	vmul.f32 v28, v25;
	_ =	sdelay $0x1  }
0x3f5: {  	v28 =	vpop (erf)  }
0x3f6: {  	s10 =	sadd.s32 $0x200, s9;
	v29 =	vpop (erf)  }
0x3f7: {  	[tilespmem:s10+$0x80] =	vst v25;
	v25 =	vpop (erf)  }
0x3f8: {  	v18 =	vmul.f32 v18, v23;
	[tilespmem:s18+$0x30] =	vst v26;
	v23 =	vld [tilespmem:s24+$0x190];
	v26 =	vperm.xlane v25, v2  }
0x3f9: {  	[tilespmem:s9+$0xC0] =	vst v11;
	v7 =	vmul.f32 v7, v21;
	v11 =	vperm.xlane v28, v2  }
0x3fa: {  	[tilespmem:s9+$0xFFFFFF20] =	vst v18;
	v18 =	vperm.xlane v29, v2;
	v13 =	vmul.f32 v26, v13  }
0x3fb: {  	[tilespmem:s9+$0xFFFFFFA0] =	vst v7;
	v11 =	vmul.f32 v11, v17;
	v17 =	vperm.xlane v14, v0  }
0x3fc: {  	v16 =	vmul.f32 v18, v16;
	[tilespmem:s10+$0xFFFFFF00] =	vst v13  }
0x3fd: {  	[tilespmem:s10+$0xFFFFFF80] =	vst v11;
	v11 =	vmul.f32 v17, v23;
	v13 =	vld [tilespmem:s24+$0x10]  }
0x3fe: {  	v15 =	vmul.f32 v15, v22;
	[tilespmem:s10+$0x0] =	vst v16;
	v16 =	vld [tilespmem:s24+$0x90]  }
0x3ff: {  	v24 =	vmul.f32 v27, v24;
	[tilespmem:s10+$0x90] =	vst v11;
	v11 =	vld [tilespmem:s24+$0x110]  }
0x400: {  	[tilespmem:s9+$0x20] =	vst v15;
	v15 =	vld [tilespmem:s17+$0x30];
	v7 =	vperm.xlane v25, v0  }
0x401: {  	v9 =	vperm.xlane v9, v4;
	[tilespmem:s9+$0xB0] =	vst v24;
	v18 =	vperm.xlane v28, v0;
	v17 =	vld [tilespmem:s24+$0x1A0]  }
0x402: {  	v21 =	vperm.xlane v29, v0;
	[tilespmem:s9+$0xFFFFFF40] =	vst v19;
	v19 =	vld [tilespmem:s17+$0x130];
	v7 =	vmul.f32 v7, v13  }
0x403: {  	[tilespmem:s9+$0x40] =	vst v9;
	v16 =	vmul.f32 v18, v16;
	v13 =	vld [tilespmem:s17+$0xB0]  }
0x404: {  	v18 =	vperm.xlane v14, v1;
	[tilespmem:s10+$0xFFFFFF10] =	vst v7;
	v7 =	vmul.f32 v21, v11  }
0x405: {  	v9 =	vmul.f32 v10, v15;
	[tilespmem:s10+$0xFFFFFF90] =	vst v16;
	v11 =	vld [tilespmem:s24+$0x20]  }
0x406: {  	v16 =	vmul.f32 v18, v17;
	[tilespmem:s10+$0x10] =	vst v7;
	v7 =	vld [tilespmem:s24+$0xA0]  }
0x407: {  	[tilespmem:s9+$0xFFFFFF30] =	vst v9;
	v9 =	vmul.f32 v12, v19;
	v10 =	vld [tilespmem:s24+$0x120]  }
0x408: {  	v15 =	vperm.xlane v25, v1;
	[tilespmem:s10+$0xA0] =	vst v16;
	v8 =	vmul.f32 v8, v13  }
0x409: {  	[tilespmem:s9+$0x30] =	vst v9;
	v16 =	vld [tilespmem:s24+$0x1B0];
	v13 =	vperm.xlane v28, v1  }
0x40a: {  	v12 =	vperm.xlane v29, v1;
	[tilespmem:s9+$0xFFFFFFB0] =	vst v8;
	v8 =	vmul.f32 v15, v11  }
0x40b: {  	[tilespmem:s9+$0xFFFFFFC0] =	vst v20;
	v7 =	vmul.f32 v13, v7  }
0x40c: {  	v9 =	vperm.xlane v14, v3;
	[tilespmem:s10+$0xFFFFFF20] =	vst v8;
	v8 =	vmul.f32 v12, v10  }
0x40d: {  	v10 =	vperm.xlane v14, v4;
	[tilespmem:s10+$0xFFFFFFA0] =	vst v7;
	v7 =	vld [tilespmem:s24+$0x30]  }
0x40e: {  	v9 =	vmul.f32 v9, v16;
	[tilespmem:s10+$0x20] =	vst v8;
	v8 =	vld [tilespmem:s24+$0xB0]  }
0x40f: {  	v11 =	vperm.xlane v25, v4;
	[tilespmem:s10+$0xC0] =	vst v10;
	v10 =	vld [tilespmem:s24+$0x130]  }
0x410: {  	v13 =	vperm.xlane v28, v4;
	v12 =	vperm.xlane v25, v3;
	[tilespmem:s10+$0xB0] =	vst v9  }
0x411: {  	v14 =	vperm.xlane v29, v4;
	v9 =	vperm.xlane v28, v3;
	[tilespmem:s10+$0xFFFFFF40] =	vst v11  }
0x412: {  	v11 =	vperm.xlane v29, v3;
	[tilespmem:s10+$0xFFFFFFC0] =	vst v13;
	v7 =	vmul.f32 v12, v7  }
0x413: {  	[tilespmem:s10+$0x40] =	vst v14;
	v8 =	vmul.f32 v9, v8  }
0x414: {  	[tilespmem:s10+$0xFFFFFF30] =	vst v7;
	v7 =	vmul.f32 v11, v10  }
0x415: {  	[tilespmem:s10+$0xFFFFFFB0] =	vst v8  }
0x416: {  	s18 =	simm.s32 $0xC280;
	s9 =	simm.s32 @!p1 $0x7;
	s24 =	simm.s32 $0x9200;
	[tilespmem:s10+$0x30] =	vst v7  }
0x417: {  	[spmem:s2] =	stream.indirect.scatter.add.f32 [tilespmem:s24], [sflag:$0x4], $0x80, s18, s26, $0xb8;
	[tilespmem:$0x1FD80] =	vst v63  }
0x418: {  	_ =	swait.ge @!p1 [sflag:s9], $0x40  }
0x419: {  	[sflag:s9] =	ssyncset.done @!p1 $0x0  }
0x41a: {  	[sflag:s9] =	ssyncadd.s32 @!p1 $0xFFFFFFC0;
	s9 =	simm.s32 @!p1 $0x8  }
0x41b: {  	_ =	swait.ge @!p1 [sflag:s9], $0x40  }
0x41c: {  	s11 =	simm.s32 @!p1 $0x200;
	[sflag:s9] =	ssyncset.done @!p1 $0x0  }
0x41d: {  	s10 =	simm.s32 @!p1 $0x0;
	[sflag:s9] =	ssyncadd.s32 @!p1 $0xFFFFFFC0;
	s9 =	simm.s32 @!p1 $0x80  }
0x41e: {  	[tilespmem:s11], [sflag:$0x1] =	stream.indirect.gather @!p1 [hbm4b:s5+s9], $0x80, s10, s9, $0xb8;
	[tilespmem:$0x1FD80] =	vst v63  }
0x41f: {  	s9 =	rddreg [dreg:$0xe]  }
0x420: {  	s9 =	sadd.s32 @!p1 s16, s9  }
0x421: {  	s9 =	sshrl.u32 @!p1 s9, $0x3  }
0x422: {  	s11 =	simm.s32 @!p1 $0x140;
	s9 =	sadd.s32 @!p1 s6, s9  }
0x423: {  	[tilespmem:s11], [sflag:$0xC] =	stream.linear.gather @!p1 [hbm4b:s9+s10], $0x40, $0x38;
	[tilespmem:$0x1FD80] =	vst v63  }
0x424: {  	_ =	swait.ge [sflag:s8], $0x4000  }
0x425: {  	[sflag:s8] =	ssyncset.done $0x0  }
0x426: {  	[sflag:s8] =	ssyncadd.s32 $0xFFFFC000  }
0x427: {  	_ =	swait.ge [sflag:s31], $0x1000  }
0x428: {  	[sflag:s31] =	ssyncset.done $0x0  }
0x429: {  	[sflag:s31] =	ssyncadd.s32 $0xFFFFF000  }
0x42a: {  	v7 =	vld [tilespmem:$0x1A0]  }
0x42b: {  	v8 =	vld [tilespmem:$0x1B0];
	_ =	sdelay $0x3  }
0x42c: {  	[tilespmem:$0xC300] =	vst v7  }
0x42d: {  	s11 =	simm.s32 $0x4200;
	[tilespmem:$0xC310] =	vst v8  }
0x42e: {  	v7 =	vld [tilespmem:s11+$0x1C0]  }
0x42f: {  	v8 =	vld [tilespmem:s11+$0x11D0];
	_ =	sdelay $0x3  }
0x430: {  	v10 =	vld [tilespmem:s11+$0xC0]  }
0x431: {  	v11 =	vld [tilespmem:s11+$0x10D0];
	v7 =	vadd.f32 v8, v7  }
0x432: {  	v12 =	vld [tilespmem:s11+$0x1150]  }
0x433: {  	v8 =	vld [tilespmem:s11+$0x140];
	v13 =	vmul.f32 $2.000000030e-01, v7  }
0x434: {  	v9 =	vld [tilespmem:s11+$0x1050]  }
0x435: {  	v14 =	vld [tilespmem:s11+$0x40];
	v7 =	vmax.f32 v7, v13  }
0x436: {  	v7 =	vsub.f32 v7, v6  }
0x437: {  	v10 =	vadd.f32 v11, v10  }
0x438: {  	v8 =	vadd.f32 v12, v8;
	v7 =	vmul.f32 $1.442695020e+00, v7  }
0x439: {  	v11 =	vmul.f32 $2.000000030e-01, v10  }
0x43a: {  	v9 =	vadd.f32 v9, v14;
	v12 =	vmul.f32 $2.000000030e-01, v8;
	(erf) = vpow2.f32 v7  }
0x43b: {  	v7 =	vmax.f32 v10, v11  }
0x43c: {  	v10 =	vmul.f32 $2.000000030e-01, v9;
	v8 =	vmax.f32 v8, v12;
	v7 =	vsub.f32 v7, v6  }
0x43d: {  	v8 =	vsub.f32 v8, v6  }
0x43e: {  	s17 =	simm.s32 $0x4400;
	v9 =	vmax.f32 v9, v10;
	v7 =	vmul.f32 $1.442695020e+00, v7  }
0x43f: {  	v13 =	vld [tilespmem:s17+$0x11D0];
	v9 =	vsub.f32 v9, v6;
	v8 =	vmul.f32 $1.442695020e+00, v8  }
0x440: {  	v11 =	vld [tilespmem:s17+$0x1C0];
	(erf) = vpow2.f32 v7  }
0x441: {  	v7 =	vmul.f32 $1.442695020e+00, v9;
	(erf) = vpow2.f32 v8;
	v8 =	vld [tilespmem:s11+$0x180];
	_ =	sdelay $0x1  }
0x442: {  	(erf) = vpow2.f32 v7;
	v10 =	vpop (erf)  }
0x443: {  	v12 =	vperm.xlane v10, v2  }
0x444: {  	v15 =	vld [tilespmem:s17+$0x10D0]  }
0x445: {  	v20 =	vld [tilespmem:s17+$0x140];
	v11 =	vadd.f32 v13, v11;
	v8 =	vmul.f32 v12, v8  }
0x446: {  	v25 =	vld [tilespmem:s17+$0x40]  }
0x447: {  	v9 =	vld [tilespmem:s11+$0x0];
	v26 =	vmul.f32 $2.000000030e-01, v11  }
0x448: {  	s18 =	simm.s32 $0xA300;
	v7 =	vld [tilespmem:s11+$0x80]  }
0x449: {  	v11 =	vmax.f32 v11, v26;
	v12 =	vld [tilespmem:s17+$0xC0];
	[tilespmem:s18+$0x80] =	vst v8;
	v8 =	vpop (erf)  }
0x44a: {  	v11 =	vsub.f32 v11, v6;
	v16 =	vld [tilespmem:s11+$0x190];
	v19 =	vpop (erf)  }
0x44b: {  	v14 =	vld [tilespmem:s17+$0x1050];
	v17 =	vperm.xlane v10, v4;
	v18 =	vperm.xlane v8, v2;
	v22 =	vpop (erf)  }
0x44c: {  	v23 =	vld [tilespmem:s17+$0x1150];
	v11 =	vmul.f32 $1.442695020e+00, v11;
	v24 =	vperm.xlane v22, v2  }
0x44d: {  	v27 =	vld [tilespmem:s11+$0x100];
	v7 =	vmul.f32 v18, v7;
	v18 =	vperm.xlane v10, v0  }
0x44e: {  	v26 =	vperm.xlane v10, v1;
	v12 =	vadd.f32 v15, v12;
	v9 =	vmul.f32 v24, v9  }
0x44f: {  	s24 =	simm.s32 $0x4600;
	(erf) = vpow2.f32 v11;
	v16 =	vmul.f32 v18, v16  }
0x450: {  	v28 =	vld [tilespmem:s24+$0x1C0];
	v14 =	vadd.f32 v14, v25;
	v15 =	vperm.xlane v19, v2;
	v18 =	vmul.f32 $2.000000030e-01, v12;
	[tilespmem:s18+$0xFFFFFF00] =	vst v9  }
0x451: {  	v13 =	vperm.xlane v8, v0;
	v21 =	vperm.xlane v8, v1;
	v9 =	vadd.f32 v23, v20;
	[tilespmem:s18+$0x90] =	vst v16;
	v23 =	vld [tilespmem:s11+$0x10]  }
0x452: {  	v25 =	vperm.xlane v19, v1;
	v15 =	vmul.f32 v15, v27;
	[tilespmem:s18+$0xFFFFFF80] =	vst v7;
	v12 =	vmax.f32 v12, v18;
	v7 =	vld [tilespmem:s11+$0x1A0]  }
0x453: {  	v29 =	vld [tilespmem:s24+$0x11D0];
	v11 =	vperm.xlane v22, v1;
	v12 =	vsub.f32 v12, v6;
	v16 =	vmul.f32 $2.000000030e-01, v9  }
0x454: {  	[tilespmem:s18+$0x0] =	vst v15;
	v15 =	vld [tilespmem:s11+$0x90];
	v20 =	vperm.xlane v22, v0;
	v18 =	vmul.f32 $2.000000030e-01, v14  }
0x455: {  	v32 =	vld [tilespmem:s24+$0x10D0];
	v10 =	vperm.xlane v10, v3;
	v12 =	vmul.f32 $1.442695020e+00, v12;
	v9 =	vmax.f32 v9, v16  }
0x456: {  	v34 =	vld [tilespmem:s24+$0x1050];
	v14 =	vmax.f32 v14, v18;
	v9 =	vsub.f32 v9, v6;
	v20 =	vmul.f32 v20, v23  }
0x457: {  	v14 =	vsub.f32 v14, v6;
	v16 =	vld [tilespmem:s11+$0x110];
	(erf) = vpow2.f32 v12;
	v7 =	vmul.f32 v26, v7  }
0x458: {  	v38 =	vld [tilespmem:s24+$0x40];
	v24 =	vperm.xlane v19, v0;
	v9 =	vmul.f32 $1.442695020e+00, v9;
	[tilespmem:s18+$0xFFFFFF10] =	vst v20  }
0x459: {  	v27 =	vpop (erf);
	v13 =	vmul.f32 v13, v15;
	v14 =	vmul.f32 $1.442695020e+00, v14;
	[tilespmem:s18+$0xA0] =	vst v7;
	v7 =	vld [tilespmem:s17+$0x180]  }
0x45a: {  	v37 =	vperm.xlane v27, v0;
	v15 =	vld [tilespmem:s11+$0x20];
	(erf) = vpow2.f32 v9  }
0x45b: {  	[tilespmem:s18+$0xFFFFFF90] =	vst v13;
	v26 =	vperm.xlane v19, v3;
	v13 =	vld [tilespmem:s11+$0x1B0];
	(erf) = vpow2.f32 v14  }
0x45c: {  	v18 =	vld [tilespmem:s17+$0x0];
	v19 =	vperm.xlane v19, v4;
	v9 =	vmul.f32 v24, v16  }
0x45d: {  	v23 =	vld [tilespmem:s17+$0x80];
	v20 =	vperm.xlane v8, v3;
	v24 =	vperm.xlane v27, v2  }
0x45e: {  	v16 =	vperm.xlane v22, v4;
	v14 =	vperm.xlane v22, v3;
	[tilespmem:s18+$0x10] =	vst v9;
	v9 =	vld [tilespmem:s11+$0xA0]  }
0x45f: {  	v22 =	vperm.xlane v8, v4;
	v8 =	vld [tilespmem:s11+$0x120];
	v7 =	vmul.f32 v24, v7  }
0x460: {  	v12 =	vld [tilespmem:s17+$0x100];
	v15 =	vmul.f32 v11, v15;
	v10 =	vmul.f32 v10, v13;
	v30 =	vpop (erf)  }
0x461: {  	s9 =	simm.s32 $0xA500;
	[tilespmem:s18+$0xC0] =	vst v17;
	v11 =	vperm.xlane v27, v4;
	v13 =	vld [tilespmem:s24+$0xC0];
	v24 =	vperm.xlane v30, v2  }
0x462: {  	v17 =	vld [tilespmem:s24+$0x1150];
	v31 =	vperm.xlane v30, v0;
	[tilespmem:s9+$0x80] =	vst v7;
	v7 =	vperm.xlane v30, v1  }
0x463: {  	v59 =	vadd.f32 v34, v38;
	v21 =	vmul.f32 v21, v9;
	v33 =	vld [tilespmem:s17+$0x190];
	v23 =	vmul.f32 v24, v23;
	v9 =	vpop (erf)  }
0x464: {  	[tilespmem:s18+$0xFFFFFF20] =	vst v15;
	v24 =	vmul.f32 v25, v8;
	v8 =	vld [tilespmem:s24+$0x140];
	v25 =	vadd.f32 v29, v28;
	v35 =	vpop (erf);
	v28 =	vperm.xlane v9, v2  }
0x465: {  	[tilespmem:s18+$0xB0] =	vst v10;
	v36 =	vperm.xlane v9, v0;
	v29 =	vperm.xlane v35, v2  }
0x466: {  	v15 =	vmul.f32 $2.000000030e-01, v25;
	v32 =	vadd.f32 v32, v13;
	[tilespmem:s18+$0x20] =	vst v24;
	v24 =	vmul.f32 $2.000000030e-01, v59  }
0x467: {  	[tilespmem:s18+$0xFFFFFFA0] =	vst v21;
	v39 =	vperm.xlane v35, v0;
	v29 =	vmul.f32 v29, v18  }
0x468: {  	v13 =	vld [tilespmem:s24+$0x0];
	[tilespmem:s9+$0xFFFFFF80] =	vst v23;
	v10 =	vmul.f32 v37, v33;
	v15 =	vmax.f32 v25, v15;
	v25 =	vmul.f32 $2.000000030e-01, v32  }
0x469: {  	v60 =	vld [tilespmem:s17+$0x90];
	v12 =	vmul.f32 v28, v12;
	v28 =	vsub.f32 v15, v6;
	v17 =	vadd.f32 v17, v8;
	[tilespmem:s9+$0xFFFFFF00] =	vst v29  }
0x46a: {  	v18 =	vperm.xlane v35, v1;
	v15 =	vperm.xlane v9, v1;
	[tilespmem:s9+$0x90] =	vst v10;
	v25 =	vmax.f32 v32, v25;
	v29 =	vld [tilespmem:s17+$0x10]  }
0x46b: {  	[tilespmem:s9+$0x0] =	vst v12;
	v23 =	vld [tilespmem:s17+$0x1A0];
	v28 =	vmul.f32 $1.442695020e+00, v28;
	v21 =	vsub.f32 v25, v6;
	v25 =	vmul.f32 $2.000000030e-01, v17  }
0x46c: {  	v8 =	vperm.xlane v30, v3;
	v10 =	vperm.xlane v35, v3;
	v61 =	vld [tilespmem:s17+$0x110]  }
0x46d: {  	(erf) = vpow2.f32 v28;
	v28 =	vld [tilespmem:s11+$0x30];
	v21 =	vmul.f32 $1.442695020e+00, v21;
	v17 =	vmax.f32 v17, v25  }
0x46e: {  	v62 =	vld [tilespmem:s11+$0xB0];
	v25 =	vperm.xlane v27, v1;
	[tilespmem:s18+$0xFFFFFF40] =	vst v16;
	v16 =	vmax.f32 v59, v24;
	v24 =	vsub.f32 v17, v6  }
0x46f: {  	[tilespmem:s18+$0xFFFFFFC0] =	vst v22;
	v22 =	vld [tilespmem:s11+$0x130];
	(erf) = vpow2.f32 v21;
	v29 =	vmul.f32 v39, v29  }
0x470: {  	[tilespmem:s18+$0x40] =	vst v19;
	v17 =	vld [tilespmem:s24+$0x80];
	v33 =	vsub.f32 v16, v6;
	v21 =	vmul.f32 v25, v23;
	v19 =	vmul.f32 $1.442695020e+00, v24  }
0x471: {  	v16 =	vld [tilespmem:s24+$0x100];
	v24 =	vmul.f32 v31, v60;
	v63 =	vmul.f32 v36, v61;
	[tilespmem:s9+$0xFFFFFF10] =	vst v29  }
0x472: {  	[tilespmem:s9+$0xA0] =	vst v21;
	v14 =	vmul.f32 v14, v28;
	v29 =	vmul.f32 $1.442695020e+00, v33;
	v23 =	vld [tilespmem:s17+$0x20]  }
0x473: {  	v12 =	vperm.xlane v9, v3;
	(erf) = vpow2.f32 v19;
	[tilespmem:s9+$0xFFFFFF90] =	vst v24;
	v24 =	vld [tilespmem:s17+$0x1B0]  }
0x474: {  	v25 =	vld [tilespmem:s24+$0x180];
	[tilespmem:s9+$0x10] =	vst v63;
	v28 =	vmul.f32 v20, v62;
	(erf) = vpow2.f32 v29  }
0x475: {  	v26 =	vmul.f32 v26, v22;
	v27 =	vperm.xlane v27, v3;
	v21 =	vld [tilespmem:s17+$0xA0];
	[tilespmem:s18+$0xFFFFFF30] =	vst v14  }
0x476: {  	s10 =	simm.s32 $0x8;
	s11 =	simm.s32 $0x4800;
	v19 =	vperm.xlane v35, v4;
	v20 =	vperm.xlane v30, v4;
	v22 =	vld [tilespmem:s17+$0x120];
	[tilespmem:s18+$0xFFFFFFB0] =	vst v28;
	v14 =	vpop (erf)  }
.LBB2_23:
0x477: {  	v28 =	vld [tilespmem:s11+$0x1C0];
	v29 =	vperm.xlane v14, v2;
	v18 =	vmul.f32 v18, v23;
	[tilespmem:s18+$0x30] =	vst v26;
	s18 =	smov.u32 s9  }
0x478: {  	s10 =	sadd.s32 $0x4, s10;
	v26 =	vperm.xlane v9, v4;
	v23 =	vld [tilespmem:s11+$0x11D0];
	v9 =	vmul.f32 v27, v24;
	[tilespmem:s9+$0xC0] =	vst v11  }
0x479: {  	p2 =	slt.u32 s10, $0x1C;
	v11 =	vperm.xlane v14, v4;
	v24 =	vld [tilespmem:s11+$0x1050];
	v25 =	vmul.f32 v29, v25;
	v27 =	vpop (erf);
	[tilespmem:s9+$0xFFFFFF20] =	vst v18  }
0x47a: {  	s9 =	sadd.s32 $0x200, s9;
	v18 =	vld [tilespmem:s11+$0xC0];
	v29 =	vperm.xlane v27, v2;
	v30 =	vperm.xlane v27, v0;
	[tilespmem:s18+$0xB0] =	vst v9  }
0x47b: {  	v21 =	vmul.f32 v7, v21;
	v7 =	vperm.xlane v27, v1;
	v31 =	vld [tilespmem:s11+$0x10D0];
	[tilespmem:s9+$0x80] =	vst v25  }
0x47c: {  	v15 =	vmul.f32 v15, v22;
	v17 =	vmul.f32 v29, v17;
	v25 =	vld [tilespmem:s24+$0x190];
	v9 =	vpop (erf)  }
0x47d: {  	v22 =	vld [tilespmem:s11+$0x140];
	v23 =	vadd.f32 v23, v28;
	v28 =	vperm.xlane v9, v2;
	v29 =	vperm.xlane v9, v0;
	v32 =	vpop (erf);
	[tilespmem:s18+$0xFFFFFFA0] =	vst v21  }
0x47e: {  	v21 =	vld [tilespmem:s11+$0x1150];
	v33 =	vperm.xlane v32, v2;
	v34 =	vperm.xlane v32, v0;
	[tilespmem:s9+$0xFFFFFF80] =	vst v17  }
0x47f: {  	v37 =	vperm.xlane v14, v0;
	v35 =	vld [tilespmem:s11+$0x40];
	v36 =	vmul.f32 $2.000000030e-01, v23;
	[tilespmem:s18+$0x20] =	vst v15  }
0x480: {  	v28 =	vmul.f32 v28, v16;
	v31 =	vadd.f32 v31, v18;
	v15 =	vmul.f32 v33, v13;
	v13 =	vld [tilespmem:s11+$0x0]  }
0x481: {  	v18 =	vperm.xlane v32, v1;
	v17 =	vld [tilespmem:s11+$0x80];
	v23 =	vmax.f32 v23, v36;
	v25 =	vmul.f32 v37, v25  }
0x482: {  	v33 =	vmul.f32 $2.000000030e-01, v31;
	v16 =	vld [tilespmem:s11+$0x100];
	v23 =	vsub.f32 v23, v6;
	[tilespmem:s9+$0xFFFFFF00] =	vst v15;
	v15 =	vperm.xlane v9, v1  }
0x483: {  	v36 =	vperm.xlane v32, v3;
	v37 =	vperm.xlane v27, v3;
	v21 =	vadd.f32 v21, v22;
	v22 =	vld [tilespmem:s24+$0x10];
	[tilespmem:s9+$0x90] =	vst v25  }
0x484: {  	v24 =	vadd.f32 v24, v35;
	v25 =	vmax.f32 v31, v33;
	v23 =	vmul.f32 $1.442695020e+00, v23;
	[tilespmem:s9+$0x0] =	vst v28;
	v28 =	vld [tilespmem:s24+$0x1A0]  }
0x485: {  	v35 =	vperm.xlane v9, v3;
	v25 =	vsub.f32 v25, v6;
	v31 =	vmul.f32 $2.000000030e-01, v21;
	v33 =	vld [tilespmem:s24+$0x90]  }
0x486: {  	v38 =	vmul.f32 $2.000000030e-01, v24;
	(erf) = vpow2.f32 v23;
	v39 =	vld [tilespmem:s24+$0x110]  }
0x487: {  	v23 =	vmul.f32 $1.442695020e+00, v25;
	v21 =	vmax.f32 v21, v31;
	v25 =	vperm.xlane v14, v1;
	v31 =	vld [tilespmem:s17+$0x30];
	[tilespmem:s18+$0xFFFFFF40] =	vst v19  }
0x488: {  	v19 =	vmax.f32 v24, v38;
	v21 =	vsub.f32 v21, v6;
	v22 =	vmul.f32 v34, v22;
	v34 =	vld [tilespmem:s17+$0xB0];
	[tilespmem:s18+$0xFFFFFFC0] =	vst v20  }
0x489: {  	v19 =	vsub.f32 v19, v6;
	(erf) = vpow2.f32 v23;
	v20 =	vmul.f32 v25, v28;
	v28 =	vld [tilespmem:s17+$0x130];
	[tilespmem:s18+$0x40] =	vst v26;
	s17 =	smov.u32 s24;
	s24 =	smov.u32 s11  }
0x48a: {  	v21 =	vmul.f32 $1.442695020e+00, v21;
	[tilespmem:s9+$0xFFFFFF10] =	vst v22;
	v22 =	vmul.f32 v30, v33  }
.Ltmp12:
0x48b: {  	v19 =	vmul.f32 $1.442695020e+00, v19;
	v23 =	vld [tilespmem:s17+$0x20];
	v26 =	vmul.f32 v29, v39;
	[tilespmem:s9+$0xA0] =	vst v20;
	(pc) =	sbr.rel @p2 .LBB2_23-.Ltmp12, $4  }
0x48c: {  	(erf) = vpow2.f32 v21;
	[tilespmem:s9+$0xFFFFFF90] =	vst v22;
	v24 =	vld [tilespmem:s17+$0x1B0];
	v20 =	vmul.f32 v10, v31;
	v10 =	vmov v36  }
0x48d: {  	v25 =	vld [tilespmem:s11+$0x180];
	(erf) = vpow2.f32 v19;
	[tilespmem:s9+$0x10] =	vst v26;
	v29 =	vmul.f32 v8, v34;
	v8 =	vmov v37  }
0x48e: {  	v19 =	vperm.xlane v32, v4;
	v21 =	vld [tilespmem:s17+$0xA0];
	[tilespmem:s18+$0xFFFFFF30] =	vst v20;
	v26 =	vmul.f32 v12, v28;
	v12 =	vmov v35  }
0x48f: {  	s11 =	sadd.s32 $0x200, s11;
	v20 =	vperm.xlane v27, v4;
	v27 =	vperm.xlane v14, v3;
	v22 =	vld [tilespmem:s17+$0x120];
	v14 =	vpop (erf);
	[tilespmem:s18+$0xFFFFFFB0] =	vst v29  }
0x490: {  	v28 =	vperm.xlane v14, v2;
	_ =	sdelay $0x1  }
0x491: {  	v25 =	vmul.f32 v28, v25;
	_ =	sdelay $0x1  }
0x492: {  	v28 =	vpop (erf)  }
0x493: {  	s10 =	sadd.s32 $0x200, s9;
	v29 =	vpop (erf)  }
0x494: {  	[tilespmem:s10+$0x80] =	vst v25;
	v25 =	vpop (erf)  }
0x495: {  	v18 =	vmul.f32 v18, v23;
	[tilespmem:s18+$0x30] =	vst v26;
	v23 =	vld [tilespmem:s24+$0x190];
	v26 =	vperm.xlane v25, v2  }
0x496: {  	[tilespmem:s9+$0xC0] =	vst v11;
	v7 =	vmul.f32 v7, v21;
	v11 =	vperm.xlane v28, v2  }
0x497: {  	[tilespmem:s9+$0xFFFFFF20] =	vst v18;
	v18 =	vperm.xlane v29, v2;
	v13 =	vmul.f32 v26, v13  }
0x498: {  	[tilespmem:s9+$0xFFFFFFA0] =	vst v7;
	v11 =	vmul.f32 v11, v17;
	v17 =	vperm.xlane v14, v0  }
0x499: {  	v16 =	vmul.f32 v18, v16;
	[tilespmem:s10+$0xFFFFFF00] =	vst v13  }
0x49a: {  	[tilespmem:s10+$0xFFFFFF80] =	vst v11;
	v11 =	vmul.f32 v17, v23;
	v13 =	vld [tilespmem:s24+$0x10]  }
0x49b: {  	v15 =	vmul.f32 v15, v22;
	[tilespmem:s10+$0x0] =	vst v16;
	v16 =	vld [tilespmem:s24+$0x90]  }
0x49c: {  	v24 =	vmul.f32 v27, v24;
	[tilespmem:s10+$0x90] =	vst v11;
	v11 =	vld [tilespmem:s24+$0x110]  }
0x49d: {  	[tilespmem:s9+$0x20] =	vst v15;
	v15 =	vld [tilespmem:s17+$0x30];
	v7 =	vperm.xlane v25, v0  }
0x49e: {  	v9 =	vperm.xlane v9, v4;
	[tilespmem:s9+$0xB0] =	vst v24;
	v18 =	vperm.xlane v28, v0;
	v17 =	vld [tilespmem:s24+$0x1A0]  }
0x49f: {  	v21 =	vperm.xlane v29, v0;
	[tilespmem:s9+$0xFFFFFF40] =	vst v19;
	v19 =	vld [tilespmem:s17+$0x130];
	v7 =	vmul.f32 v7, v13  }
0x4a0: {  	[tilespmem:s9+$0x40] =	vst v9;
	v16 =	vmul.f32 v18, v16;
	v13 =	vld [tilespmem:s17+$0xB0]  }
0x4a1: {  	v18 =	vperm.xlane v14, v1;
	[tilespmem:s10+$0xFFFFFF10] =	vst v7;
	v7 =	vmul.f32 v21, v11  }
0x4a2: {  	v9 =	vmul.f32 v10, v15;
	[tilespmem:s10+$0xFFFFFF90] =	vst v16;
	v11 =	vld [tilespmem:s24+$0x20]  }
0x4a3: {  	v16 =	vmul.f32 v18, v17;
	[tilespmem:s10+$0x10] =	vst v7;
	v7 =	vld [tilespmem:s24+$0xA0]  }
0x4a4: {  	[tilespmem:s9+$0xFFFFFF30] =	vst v9;
	v9 =	vmul.f32 v12, v19;
	v10 =	vld [tilespmem:s24+$0x120]  }
0x4a5: {  	v15 =	vperm.xlane v25, v1;
	[tilespmem:s10+$0xA0] =	vst v16;
	v8 =	vmul.f32 v8, v13  }
0x4a6: {  	[tilespmem:s9+$0x30] =	vst v9;
	v16 =	vld [tilespmem:s24+$0x1B0];
	v13 =	vperm.xlane v28, v1  }
0x4a7: {  	v12 =	vperm.xlane v29, v1;
	[tilespmem:s9+$0xFFFFFFB0] =	vst v8;
	v8 =	vmul.f32 v15, v11  }
0x4a8: {  	[tilespmem:s9+$0xFFFFFFC0] =	vst v20;
	v7 =	vmul.f32 v13, v7  }
0x4a9: {  	v9 =	vperm.xlane v14, v3;
	[tilespmem:s10+$0xFFFFFF20] =	vst v8;
	v8 =	vmul.f32 v12, v10  }
0x4aa: {  	v10 =	vperm.xlane v14, v4;
	[tilespmem:s10+$0xFFFFFFA0] =	vst v7;
	v7 =	vld [tilespmem:s24+$0x30]  }
0x4ab: {  	v9 =	vmul.f32 v9, v16;
	[tilespmem:s10+$0x20] =	vst v8;
	v8 =	vld [tilespmem:s24+$0xB0]  }
0x4ac: {  	v11 =	vperm.xlane v25, v4;
	[tilespmem:s10+$0xC0] =	vst v10;
	v10 =	vld [tilespmem:s24+$0x130]  }
0x4ad: {  	v13 =	vperm.xlane v28, v4;
	v12 =	vperm.xlane v25, v3;
	[tilespmem:s10+$0xB0] =	vst v9  }
0x4ae: {  	v14 =	vperm.xlane v29, v4;
	v9 =	vperm.xlane v28, v3;
	[tilespmem:s10+$0xFFFFFF40] =	vst v11  }
0x4af: {  	v11 =	vperm.xlane v29, v3;
	[tilespmem:s10+$0xFFFFFFC0] =	vst v13;
	v7 =	vmul.f32 v12, v7  }
0x4b0: {  	[tilespmem:s10+$0x40] =	vst v14;
	v8 =	vmul.f32 v9, v8  }
0x4b1: {  	[tilespmem:s10+$0xFFFFFF30] =	vst v7;
	v7 =	vmul.f32 v11, v10  }
0x4b2: {  	[tilespmem:s10+$0xFFFFFFB0] =	vst v8  }
0x4b3: {  	[tilespmem:s10+$0x30] =	vst v7  }
0x4b4: {  	[spmem:s2] =	stream.indirect.scatter.add.f32 [tilespmem:s4], [sflag:$0x5], $0x80, s13, s26, $0xb8;
	[tilespmem:$0x1FD80] =	vst v63  }
0x4b5: {  	s9 =	rddreg [dreg:$0xf]  }
0x4b6: {  	s9 =	sadd.s32 @!p1 s16, s9  }
0x4b7: {  	s9 =	sshrl.u32 @!p1 s9, $0x3  }
0x4b8: {  	s11 =	simm.s32 @!p1 $0x180;
	s10 =	simm.s32 @!p1 $0x0;
	s9 =	sadd.s32 @!p1 s6, s9  }
0x4b9: {  	[tilespmem:s11], [sflag:$0xD] =	stream.linear.gather @!p1 [hbm4b:s9+s10], $0x40, $0x38;
	[tilespmem:$0x1FD80] =	vst v63  }
0x4ba: {  	_ =	swait.ge [sflag:s14], $0x1000  }
0x4bb: {  	[sflag:s14] =	ssyncset.done $0x0  }
0x4bc: {  	[sflag:s14] =	ssyncadd.s32 $0xFFFFF000  }
0x4bd: {  	v7 =	vld [tilespmem:$0x1E0]  }
0x4be: {  	v8 =	vld [tilespmem:$0x1F0];
	_ =	sdelay $0x3  }
0x4bf: {  	[tilespmem:$0xC380] =	vst v7  }
0x4c0: {  	s11 =	simm.s32 $0x6200;
	[tilespmem:$0xC390] =	vst v8  }
0x4c1: {  	v7 =	vld [tilespmem:s11+$0x1C0]  }
0x4c2: {  	v8 =	vld [tilespmem:s11+$0x11D0];
	_ =	sdelay $0x3  }
0x4c3: {  	v10 =	vld [tilespmem:s11+$0xC0]  }
0x4c4: {  	v11 =	vld [tilespmem:s11+$0x10D0];
	v7 =	vadd.f32 v8, v7  }
0x4c5: {  	v12 =	vld [tilespmem:s11+$0x1150]  }
0x4c6: {  	v8 =	vld [tilespmem:s11+$0x140];
	v13 =	vmul.f32 $2.000000030e-01, v7  }
0x4c7: {  	v9 =	vld [tilespmem:s11+$0x1050]  }
0x4c8: {  	v14 =	vld [tilespmem:s11+$0x40];
	v7 =	vmax.f32 v7, v13  }
0x4c9: {  	v7 =	vsub.f32 v7, v6  }
0x4ca: {  	v10 =	vadd.f32 v11, v10  }
0x4cb: {  	v8 =	vadd.f32 v12, v8;
	v7 =	vmul.f32 $1.442695020e+00, v7  }
0x4cc: {  	v11 =	vmul.f32 $2.000000030e-01, v10  }
0x4cd: {  	v9 =	vadd.f32 v9, v14;
	v12 =	vmul.f32 $2.000000030e-01, v8;
	(erf) = vpow2.f32 v7  }
0x4ce: {  	v7 =	vmax.f32 v10, v11  }
0x4cf: {  	v10 =	vmul.f32 $2.000000030e-01, v9;
	v8 =	vmax.f32 v8, v12;
	v7 =	vsub.f32 v7, v6  }
0x4d0: {  	v8 =	vsub.f32 v8, v6  }
0x4d1: {  	s17 =	simm.s32 $0x6400;
	v9 =	vmax.f32 v9, v10;
	v7 =	vmul.f32 $1.442695020e+00, v7  }
0x4d2: {  	v13 =	vld [tilespmem:s17+$0x11D0];
	v9 =	vsub.f32 v9, v6;
	v8 =	vmul.f32 $1.442695020e+00, v8  }
0x4d3: {  	v11 =	vld [tilespmem:s17+$0x1C0];
	(erf) = vpow2.f32 v7  }
0x4d4: {  	v7 =	vmul.f32 $1.442695020e+00, v9;
	(erf) = vpow2.f32 v8;
	v8 =	vld [tilespmem:s11+$0x180];
	_ =	sdelay $0x1  }
0x4d5: {  	(erf) = vpow2.f32 v7;
	v10 =	vpop (erf)  }
0x4d6: {  	v12 =	vperm.xlane v10, v2  }
0x4d7: {  	v15 =	vld [tilespmem:s17+$0x10D0]  }
0x4d8: {  	v20 =	vld [tilespmem:s17+$0x140];
	v11 =	vadd.f32 v13, v11;
	v8 =	vmul.f32 v12, v8  }
0x4d9: {  	v25 =	vld [tilespmem:s17+$0x40]  }
0x4da: {  	v9 =	vld [tilespmem:s11+$0x0];
	v26 =	vmul.f32 $2.000000030e-01, v11  }
0x4db: {  	s18 =	simm.s32 $0xB300;
	v7 =	vld [tilespmem:s11+$0x80]  }
0x4dc: {  	v11 =	vmax.f32 v11, v26;
	v12 =	vld [tilespmem:s17+$0xC0];
	[tilespmem:s18+$0x80] =	vst v8;
	v8 =	vpop (erf)  }
0x4dd: {  	v11 =	vsub.f32 v11, v6;
	v16 =	vld [tilespmem:s11+$0x190];
	v19 =	vpop (erf)  }
0x4de: {  	v14 =	vld [tilespmem:s17+$0x1050];
	v17 =	vperm.xlane v10, v4;
	v18 =	vperm.xlane v8, v2;
	v22 =	vpop (erf)  }
0x4df: {  	v23 =	vld [tilespmem:s17+$0x1150];
	v11 =	vmul.f32 $1.442695020e+00, v11;
	v24 =	vperm.xlane v22, v2  }
0x4e0: {  	v27 =	vld [tilespmem:s11+$0x100];
	v7 =	vmul.f32 v18, v7;
	v18 =	vperm.xlane v10, v0  }
0x4e1: {  	v26 =	vperm.xlane v10, v1;
	v12 =	vadd.f32 v15, v12;
	v9 =	vmul.f32 v24, v9  }
0x4e2: {  	s24 =	simm.s32 $0x6600;
	(erf) = vpow2.f32 v11;
	v16 =	vmul.f32 v18, v16  }
0x4e3: {  	v28 =	vld [tilespmem:s24+$0x1C0];
	v14 =	vadd.f32 v14, v25;
	v15 =	vperm.xlane v19, v2;
	v18 =	vmul.f32 $2.000000030e-01, v12;
	[tilespmem:s18+$0xFFFFFF00] =	vst v9  }
0x4e4: {  	v13 =	vperm.xlane v8, v0;
	v21 =	vperm.xlane v8, v1;
	v9 =	vadd.f32 v23, v20;
	[tilespmem:s18+$0x90] =	vst v16;
	v23 =	vld [tilespmem:s11+$0x10]  }
0x4e5: {  	v25 =	vperm.xlane v19, v1;
	v15 =	vmul.f32 v15, v27;
	[tilespmem:s18+$0xFFFFFF80] =	vst v7;
	v12 =	vmax.f32 v12, v18;
	v7 =	vld [tilespmem:s11+$0x1A0]  }
0x4e6: {  	v29 =	vld [tilespmem:s24+$0x11D0];
	v11 =	vperm.xlane v22, v1;
	v12 =	vsub.f32 v12, v6;
	v16 =	vmul.f32 $2.000000030e-01, v9  }
0x4e7: {  	[tilespmem:s18+$0x0] =	vst v15;
	v15 =	vld [tilespmem:s11+$0x90];
	v20 =	vperm.xlane v22, v0;
	v18 =	vmul.f32 $2.000000030e-01, v14  }
0x4e8: {  	v32 =	vld [tilespmem:s24+$0x10D0];
	v10 =	vperm.xlane v10, v3;
	v12 =	vmul.f32 $1.442695020e+00, v12;
	v9 =	vmax.f32 v9, v16  }
0x4e9: {  	v34 =	vld [tilespmem:s24+$0x1050];
	v14 =	vmax.f32 v14, v18;
	v9 =	vsub.f32 v9, v6;
	v20 =	vmul.f32 v20, v23  }
0x4ea: {  	v14 =	vsub.f32 v14, v6;
	v16 =	vld [tilespmem:s11+$0x110];
	(erf) = vpow2.f32 v12;
	v7 =	vmul.f32 v26, v7  }
0x4eb: {  	v38 =	vld [tilespmem:s24+$0x40];
	v24 =	vperm.xlane v19, v0;
	v9 =	vmul.f32 $1.442695020e+00, v9;
	[tilespmem:s18+$0xFFFFFF10] =	vst v20  }
0x4ec: {  	v27 =	vpop (erf);
	v13 =	vmul.f32 v13, v15;
	v14 =	vmul.f32 $1.442695020e+00, v14;
	[tilespmem:s18+$0xA0] =	vst v7;
	v7 =	vld [tilespmem:s17+$0x180]  }
0x4ed: {  	v37 =	vperm.xlane v27, v0;
	v15 =	vld [tilespmem:s11+$0x20];
	(erf) = vpow2.f32 v9  }
0x4ee: {  	[tilespmem:s18+$0xFFFFFF90] =	vst v13;
	v26 =	vperm.xlane v19, v3;
	v13 =	vld [tilespmem:s11+$0x1B0];
	(erf) = vpow2.f32 v14  }
0x4ef: {  	v18 =	vld [tilespmem:s17+$0x0];
	v19 =	vperm.xlane v19, v4;
	v9 =	vmul.f32 v24, v16  }
0x4f0: {  	v23 =	vld [tilespmem:s17+$0x80];
	v20 =	vperm.xlane v8, v3;
	v24 =	vperm.xlane v27, v2  }
0x4f1: {  	v16 =	vperm.xlane v22, v4;
	v14 =	vperm.xlane v22, v3;
	[tilespmem:s18+$0x10] =	vst v9;
	v9 =	vld [tilespmem:s11+$0xA0]  }
0x4f2: {  	v22 =	vperm.xlane v8, v4;
	v8 =	vld [tilespmem:s11+$0x120];
	v7 =	vmul.f32 v24, v7  }
0x4f3: {  	v12 =	vld [tilespmem:s17+$0x100];
	v15 =	vmul.f32 v11, v15;
	v10 =	vmul.f32 v10, v13;
	v30 =	vpop (erf)  }
0x4f4: {  	s9 =	simm.s32 $0xB500;
	[tilespmem:s18+$0xC0] =	vst v17;
	v11 =	vperm.xlane v27, v4;
	v13 =	vld [tilespmem:s24+$0xC0];
	v24 =	vperm.xlane v30, v2  }
0x4f5: {  	v17 =	vld [tilespmem:s24+$0x1150];
	v31 =	vperm.xlane v30, v0;
	[tilespmem:s9+$0x80] =	vst v7;
	v7 =	vperm.xlane v30, v1  }
0x4f6: {  	v59 =	vadd.f32 v34, v38;
	v21 =	vmul.f32 v21, v9;
	v33 =	vld [tilespmem:s17+$0x190];
	v23 =	vmul.f32 v24, v23;
	v9 =	vpop (erf)  }
0x4f7: {  	[tilespmem:s18+$0xFFFFFF20] =	vst v15;
	v24 =	vmul.f32 v25, v8;
	v8 =	vld [tilespmem:s24+$0x140];
	v25 =	vadd.f32 v29, v28;
	v35 =	vpop (erf);
	v28 =	vperm.xlane v9, v2  }
0x4f8: {  	[tilespmem:s18+$0xB0] =	vst v10;
	v36 =	vperm.xlane v9, v0;
	v29 =	vperm.xlane v35, v2  }
0x4f9: {  	v15 =	vmul.f32 $2.000000030e-01, v25;
	v32 =	vadd.f32 v32, v13;
	[tilespmem:s18+$0x20] =	vst v24;
	v24 =	vmul.f32 $2.000000030e-01, v59  }
0x4fa: {  	[tilespmem:s18+$0xFFFFFFA0] =	vst v21;
	v39 =	vperm.xlane v35, v0;
	v29 =	vmul.f32 v29, v18  }
0x4fb: {  	v13 =	vld [tilespmem:s24+$0x0];
	[tilespmem:s9+$0xFFFFFF80] =	vst v23;
	v10 =	vmul.f32 v37, v33;
	v15 =	vmax.f32 v25, v15;
	v25 =	vmul.f32 $2.000000030e-01, v32  }
0x4fc: {  	v60 =	vld [tilespmem:s17+$0x90];
	v12 =	vmul.f32 v28, v12;
	v28 =	vsub.f32 v15, v6;
	v17 =	vadd.f32 v17, v8;
	[tilespmem:s9+$0xFFFFFF00] =	vst v29  }
0x4fd: {  	v18 =	vperm.xlane v35, v1;
	v15 =	vperm.xlane v9, v1;
	[tilespmem:s9+$0x90] =	vst v10;
	v25 =	vmax.f32 v32, v25;
	v29 =	vld [tilespmem:s17+$0x10]  }
0x4fe: {  	[tilespmem:s9+$0x0] =	vst v12;
	v23 =	vld [tilespmem:s17+$0x1A0];
	v28 =	vmul.f32 $1.442695020e+00, v28;
	v21 =	vsub.f32 v25, v6;
	v25 =	vmul.f32 $2.000000030e-01, v17  }
0x4ff: {  	v8 =	vperm.xlane v30, v3;
	v10 =	vperm.xlane v35, v3;
	v61 =	vld [tilespmem:s17+$0x110]  }
0x500: {  	(erf) = vpow2.f32 v28;
	v28 =	vld [tilespmem:s11+$0x30];
	v21 =	vmul.f32 $1.442695020e+00, v21;
	v17 =	vmax.f32 v17, v25  }
0x501: {  	v62 =	vld [tilespmem:s11+$0xB0];
	v25 =	vperm.xlane v27, v1;
	[tilespmem:s18+$0xFFFFFF40] =	vst v16;
	v16 =	vmax.f32 v59, v24;
	v24 =	vsub.f32 v17, v6  }
0x502: {  	[tilespmem:s18+$0xFFFFFFC0] =	vst v22;
	v22 =	vld [tilespmem:s11+$0x130];
	(erf) = vpow2.f32 v21;
	v29 =	vmul.f32 v39, v29  }
0x503: {  	[tilespmem:s18+$0x40] =	vst v19;
	v17 =	vld [tilespmem:s24+$0x80];
	v33 =	vsub.f32 v16, v6;
	v21 =	vmul.f32 v25, v23;
	v19 =	vmul.f32 $1.442695020e+00, v24  }
0x504: {  	v16 =	vld [tilespmem:s24+$0x100];
	v24 =	vmul.f32 v31, v60;
	v63 =	vmul.f32 v36, v61;
	[tilespmem:s9+$0xFFFFFF10] =	vst v29  }
0x505: {  	[tilespmem:s9+$0xA0] =	vst v21;
	v14 =	vmul.f32 v14, v28;
	v29 =	vmul.f32 $1.442695020e+00, v33;
	v23 =	vld [tilespmem:s17+$0x20]  }
0x506: {  	v12 =	vperm.xlane v9, v3;
	(erf) = vpow2.f32 v19;
	[tilespmem:s9+$0xFFFFFF90] =	vst v24;
	v24 =	vld [tilespmem:s17+$0x1B0]  }
0x507: {  	v25 =	vld [tilespmem:s24+$0x180];
	[tilespmem:s9+$0x10] =	vst v63;
	v28 =	vmul.f32 v20, v62;
	(erf) = vpow2.f32 v29  }
0x508: {  	v26 =	vmul.f32 v26, v22;
	v27 =	vperm.xlane v27, v3;
	v21 =	vld [tilespmem:s17+$0xA0];
	[tilespmem:s18+$0xFFFFFF30] =	vst v14  }
0x509: {  	s10 =	simm.s32 $0x8;
	s11 =	simm.s32 $0x6800;
	v19 =	vperm.xlane v35, v4;
	v20 =	vperm.xlane v30, v4;
	v22 =	vld [tilespmem:s17+$0x120];
	[tilespmem:s18+$0xFFFFFFB0] =	vst v28;
	v14 =	vpop (erf)  }
.LBB2_25:
0x50a: {  	v28 =	vld [tilespmem:s11+$0x1C0];
	v29 =	vperm.xlane v14, v2;
	v18 =	vmul.f32 v18, v23;
	[tilespmem:s18+$0x30] =	vst v26;
	s18 =	smov.u32 s9  }
0x50b: {  	s10 =	sadd.s32 $0x4, s10;
	v26 =	vperm.xlane v9, v4;
	v23 =	vld [tilespmem:s11+$0x11D0];
	v9 =	vmul.f32 v27, v24;
	[tilespmem:s9+$0xC0] =	vst v11  }
0x50c: {  	p2 =	slt.u32 s10, $0x1C;
	v11 =	vperm.xlane v14, v4;
	v24 =	vld [tilespmem:s11+$0x1050];
	v25 =	vmul.f32 v29, v25;
	v27 =	vpop (erf);
	[tilespmem:s9+$0xFFFFFF20] =	vst v18  }
0x50d: {  	s9 =	sadd.s32 $0x200, s9;
	v18 =	vld [tilespmem:s11+$0xC0];
	v29 =	vperm.xlane v27, v2;
	v30 =	vperm.xlane v27, v0;
	[tilespmem:s18+$0xB0] =	vst v9  }
0x50e: {  	v21 =	vmul.f32 v7, v21;
	v7 =	vperm.xlane v27, v1;
	v31 =	vld [tilespmem:s11+$0x10D0];
	[tilespmem:s9+$0x80] =	vst v25  }
0x50f: {  	v15 =	vmul.f32 v15, v22;
	v17 =	vmul.f32 v29, v17;
	v25 =	vld [tilespmem:s24+$0x190];
	v9 =	vpop (erf)  }
0x510: {  	v22 =	vld [tilespmem:s11+$0x140];
	v23 =	vadd.f32 v23, v28;
	v28 =	vperm.xlane v9, v2;
	v29 =	vperm.xlane v9, v0;
	v32 =	vpop (erf);
	[tilespmem:s18+$0xFFFFFFA0] =	vst v21  }
0x511: {  	v21 =	vld [tilespmem:s11+$0x1150];
	v33 =	vperm.xlane v32, v2;
	v34 =	vperm.xlane v32, v0;
	[tilespmem:s9+$0xFFFFFF80] =	vst v17  }
0x512: {  	v37 =	vperm.xlane v14, v0;
	v35 =	vld [tilespmem:s11+$0x40];
	v36 =	vmul.f32 $2.000000030e-01, v23;
	[tilespmem:s18+$0x20] =	vst v15  }
0x513: {  	v28 =	vmul.f32 v28, v16;
	v31 =	vadd.f32 v31, v18;
	v15 =	vmul.f32 v33, v13;
	v13 =	vld [tilespmem:s11+$0x0]  }
0x514: {  	v18 =	vperm.xlane v32, v1;
	v17 =	vld [tilespmem:s11+$0x80];
	v23 =	vmax.f32 v23, v36;
	v25 =	vmul.f32 v37, v25  }
0x515: {  	v33 =	vmul.f32 $2.000000030e-01, v31;
	v16 =	vld [tilespmem:s11+$0x100];
	v23 =	vsub.f32 v23, v6;
	[tilespmem:s9+$0xFFFFFF00] =	vst v15;
	v15 =	vperm.xlane v9, v1  }
0x516: {  	v36 =	vperm.xlane v32, v3;
	v37 =	vperm.xlane v27, v3;
	v21 =	vadd.f32 v21, v22;
	v22 =	vld [tilespmem:s24+$0x10];
	[tilespmem:s9+$0x90] =	vst v25  }
0x517: {  	v24 =	vadd.f32 v24, v35;
	v25 =	vmax.f32 v31, v33;
	v23 =	vmul.f32 $1.442695020e+00, v23;
	[tilespmem:s9+$0x0] =	vst v28;
	v28 =	vld [tilespmem:s24+$0x1A0]  }
0x518: {  	v35 =	vperm.xlane v9, v3;
	v25 =	vsub.f32 v25, v6;
	v31 =	vmul.f32 $2.000000030e-01, v21;
	v33 =	vld [tilespmem:s24+$0x90]  }
0x519: {  	v38 =	vmul.f32 $2.000000030e-01, v24;
	(erf) = vpow2.f32 v23;
	v39 =	vld [tilespmem:s24+$0x110]  }
0x51a: {  	v23 =	vmul.f32 $1.442695020e+00, v25;
	v21 =	vmax.f32 v21, v31;
	v25 =	vperm.xlane v14, v1;
	v31 =	vld [tilespmem:s17+$0x30];
	[tilespmem:s18+$0xFFFFFF40] =	vst v19  }
0x51b: {  	v19 =	vmax.f32 v24, v38;
	v21 =	vsub.f32 v21, v6;
	v22 =	vmul.f32 v34, v22;
	v34 =	vld [tilespmem:s17+$0xB0];
	[tilespmem:s18+$0xFFFFFFC0] =	vst v20  }
0x51c: {  	v19 =	vsub.f32 v19, v6;
	(erf) = vpow2.f32 v23;
	v20 =	vmul.f32 v25, v28;
	v28 =	vld [tilespmem:s17+$0x130];
	[tilespmem:s18+$0x40] =	vst v26;
	s17 =	smov.u32 s24;
	s24 =	smov.u32 s11  }
0x51d: {  	v21 =	vmul.f32 $1.442695020e+00, v21;
	[tilespmem:s9+$0xFFFFFF10] =	vst v22;
	v22 =	vmul.f32 v30, v33  }
.Ltmp13:
0x51e: {  	v19 =	vmul.f32 $1.442695020e+00, v19;
	v23 =	vld [tilespmem:s17+$0x20];
	v26 =	vmul.f32 v29, v39;
	[tilespmem:s9+$0xA0] =	vst v20;
	(pc) =	sbr.rel @p2 .LBB2_25-.Ltmp13, $4  }
0x51f: {  	(erf) = vpow2.f32 v21;
	[tilespmem:s9+$0xFFFFFF90] =	vst v22;
	v24 =	vld [tilespmem:s17+$0x1B0];
	v20 =	vmul.f32 v10, v31;
	v10 =	vmov v36  }
0x520: {  	v25 =	vld [tilespmem:s11+$0x180];
	(erf) = vpow2.f32 v19;
	[tilespmem:s9+$0x10] =	vst v26;
	v29 =	vmul.f32 v8, v34;
	v8 =	vmov v37  }
0x521: {  	v19 =	vperm.xlane v32, v4;
	v21 =	vld [tilespmem:s17+$0xA0];
	[tilespmem:s18+$0xFFFFFF30] =	vst v20;
	v26 =	vmul.f32 v12, v28;
	v12 =	vmov v35  }
0x522: {  	s11 =	sadd.s32 $0x200, s11;
	v20 =	vperm.xlane v27, v4;
	v27 =	vperm.xlane v14, v3;
	v22 =	vld [tilespmem:s17+$0x120];
	v14 =	vpop (erf);
	[tilespmem:s18+$0xFFFFFFB0] =	vst v29  }
0x523: {  	_ =	sdelay $0x2  }
0x524: {  	v28 =	vperm.xlane v14, v2  }
0x525: {  	v63 =	vpop (erf)  }
0x526: {  	v25 =	vmul.f32 v28, v25;
	v29 =	vpop (erf)  }
0x527: {  	s10 =	sadd.s32 $0x200, s9;
	[tilespmem:s18+$0x30] =	vst v26;
	v31 =	vpop (erf)  }
0x528: {  	v18 =	vmul.f32 v18, v23;
	[tilespmem:s10+$0x80] =	vst v25;
	v33 =	vperm.xlane v31, v2  }
0x529: {  	[tilespmem:s9+$0xC0] =	vst v11;
	v24 =	vmul.f32 v27, v24;
	v34 =	vperm.xlane v63, v2;
	v32 =	vld [tilespmem:s24+$0x190]  }
0x52a: {  	[tilespmem:s9+$0xFFFFFF20] =	vst v18;
	v35 =	vperm.xlane v29, v2;
	v13 =	vmul.f32 v33, v13  }
0x52b: {  	[tilespmem:s9+$0xB0] =	vst v24;
	v11 =	vmul.f32 v34, v17  }
0x52c: {  	v36 =	vperm.xlane v14, v0;
	v16 =	vmul.f32 v35, v16;
	[tilespmem:s10+$0xFFFFFF00] =	vst v13  }
0x52d: {  	v7 =	vmul.f32 v7, v21;
	[tilespmem:s10+$0xFFFFFF80] =	vst v11;
	v13 =	vld [tilespmem:s24+$0x10]  }
0x52e: {  	v38 =	vld [tilespmem:s24+$0x90];
	v37 =	vmul.f32 v36, v32;
	[tilespmem:s10+$0x0] =	vst v16  }
0x52f: {  	[tilespmem:s9+$0xFFFFFFA0] =	vst v7;
	v39 =	vld [tilespmem:s24+$0x110]  }
0x530: {  	v42 =	vld [tilespmem:s17+$0x30];
	v15 =	vmul.f32 v15, v22;
	v7 =	vperm.xlane v31, v0;
	[tilespmem:s10+$0x90] =	vst v37  }
0x531: {  	v41 =	vperm.xlane v63, v0;
	[tilespmem:s9+$0xFFFFFF40] =	vst v19;
	v40 =	vld [tilespmem:s24+$0x1A0]  }
0x532: {  	[tilespmem:s9+$0x20] =	vst v15;
	v43 =	vperm.xlane v29, v0;
	v7 =	vmul.f32 v7, v13  }
0x533: {  	v44 =	vld [tilespmem:s17+$0xB0];
	[tilespmem:s9+$0xFFFFFFC0] =	vst v20;
	v16 =	vmul.f32 v41, v38  }
0x534: {  	v45 =	vperm.xlane v14, v1;
	v46 =	vld [tilespmem:s17+$0x130];
	[tilespmem:s10+$0xFFFFFF10] =	vst v7;
	v7 =	vmul.f32 v43, v39  }
0x535: {  	v9 =	vperm.xlane v9, v4;
	[tilespmem:s10+$0xFFFFFF90] =	vst v16;
	v47 =	vld [tilespmem:s24+$0x20]  }
0x536: {  	v48 =	vmul.f32 v45, v40;
	[tilespmem:s10+$0x10] =	vst v7;
	v7 =	vld [tilespmem:s24+$0xA0]  }
0x537: {  	[tilespmem:s9+$0x40] =	vst v9;
	v49 =	vmul.f32 v10, v42;
	v50 =	vld [tilespmem:s24+$0x120]  }
0x538: {  	v51 =	vperm.xlane v31, v1;
	v8 =	vmul.f32 v8, v44;
	[tilespmem:s10+$0xA0] =	vst v48  }
0x539: {  	v52 =	vperm.xlane v63, v1;
	[tilespmem:s9+$0xFFFFFF30] =	vst v49;
	v53 =	vmul.f32 v12, v46;
	v16 =	vld [tilespmem:s24+$0x1B0]  }
0x53a: {  	v54 =	vperm.xlane v29, v1;
	[tilespmem:s9+$0xFFFFFFB0] =	vst v8;
	v8 =	vmul.f32 v51, v47  }
0x53b: {  	[tilespmem:s9+$0x30] =	vst v53;
	v7 =	vmul.f32 v52, v7  }
0x53c: {  	v55 =	vperm.xlane v14, v3;
	[tilespmem:s10+$0xFFFFFF20] =	vst v8;
	v8 =	vmul.f32 v54, v50  }
0x53d: {  	v56 =	vperm.xlane v14, v4;
	[tilespmem:s10+$0xFFFFFFA0] =	vst v7;
	v7 =	vld [tilespmem:s24+$0x30]  }
0x53e: {  	v9 =	vmul.f32 v55, v16;
	[tilespmem:s10+$0x20] =	vst v8;
	v8 =	vld [tilespmem:s24+$0xB0]  }
0x53f: {  	v57 =	vperm.xlane v31, v4;
	[tilespmem:s10+$0xC0] =	vst v56;
	v58 =	vld [tilespmem:s24+$0x130]  }
0x540: {  	v60 =	vperm.xlane v63, v4;
	v59 =	vperm.xlane v31, v3;
	[tilespmem:s10+$0xB0] =	vst v9  }
0x541: {  	v61 =	vperm.xlane v63, v3;
	v62 =	vperm.xlane v29, v4;
	[tilespmem:s10+$0xFFFFFF40] =	vst v57  }
0x542: {  	v63 =	vperm.xlane v29, v3;
	[tilespmem:s10+$0xFFFFFFC0] =	vst v60;
	v7 =	vmul.f32 v59, v7  }
.Ltmp14:
0x543: {  	[tilespmem:s10+$0x40] =	vst v62;
	v8 =	vmul.f32 v61, v8;
	(pc) =	sbr.rel @p1 .LBB2_28-.Ltmp14, $4  }
0x544: {  	[tilespmem:s10+$0xFFFFFF30] =	vst v7;
	v7 =	vmul.f32 v63, v58  }
0x545: {  	[tilespmem:s10+$0xFFFFFFB0] =	vst v8  }
0x546: {  	[tilespmem:s10+$0x30] =	vst v7  }
0x547: {  	[spmem:s2] =	stream.indirect.scatter.add.f32 [tilespmem:s1], [sflag:$0x6], $0x80, s30, s26, $0xb8;
	[tilespmem:$0x1FD80] =	vst v63  }
0x548: {  	_ =	swait.ge [sflag:s20], $0x40  }
0x549: {  	[sflag:s20] =	ssyncset.done $0x0  }
0x54a: {  	[sflag:s20] =	ssyncadd.s32 $0xFFFFFFC0  }
0x54b: {  	_ =	swait.ge [sflag:s22], $0x40  }
0x54c: {  	[sflag:s22] =	ssyncset.done $0x0  }
0x54d: {  	s9 =	simm.s32 $0x4200;
	[sflag:s22] =	ssyncadd.s32 $0xFFFFFFC0  }
0x54e: {  	[tilespmem:s9], [sflag:$0x2] =	stream.indirect.gather [hbm4b:s5+s0], $0x80, s0, s0, $0xb8;
	[tilespmem:$0x1FD80] =	vst v63  }
.Ltmp15:
0x54f: {  	s24 =	rddreg [dreg:$0x10];
	(pc) =	sbr.rel .LBB2_6-.Ltmp15, $4  }
0x550: {  	s9 =	sadd.s32 s16, s24  }
0x551: {  	s10 =	simm.s32 $0x0;
	s9 =	sshrl.u32 s9, $0x3  }
0x552: {  	s11 =	simm.s32 $0x1C0;
	s15 =	sadd.s32 $0x1, s15;
	s9 =	sadd.s32 s6, s9  }
0x553: {  	[tilespmem:s11], [sflag:$0xE] =	stream.linear.gather [hbm4b:s9+s10], $0x40, $0x38;
	[tilespmem:$0x1FD80] =	vst v63  }
.LBB2_28:
0x554: {  	_ =	swait.ge [sflag:s19], $0x1000  }
0x555: {  	[sflag:s19] =	ssyncset.done $0x0  }
0x556: {  	[sflag:s19] =	ssyncadd.s32 $0xFFFFF000  }
0x557: {  	_ =	swait.ge [sflag:s12], $0x1000  }
0x558: {  	[sflag:s12] =	ssyncset.done $0x0  }
0x559: {  	[sflag:s12] =	ssyncadd.s32 $0xFFFFF000  }
0x55a: {  	_ =	swait.ge [sflag:s31], $0x1000  }
0x55b: {  	[sflag:s31] =	ssyncset.done $0x0  }
0x55c: {  	[sflag:s31] =	ssyncadd.s32 $0xFFFFF000  }
0x55d: {  	_ =	swait.ge [sflag:s14], $0x1000  }
0x55e: {  	[sflag:s14] =	ssyncset.done $0x0  }
0x55f: {  	[sflag:s14] =	ssyncadd.s32 $0xFFFFF000  }
0x560: {  	s9 =	stileid.u32;
	[bflag:$0x0] =	sbarrier.arrive $0xFFFF  }
.Ltmp16:
0x561: {  	s9 =	sshll.u32 s9, $0x6;
	s18 =	rddreg [dreg:$0x5];
	(pc) =	sbr.rel @!p0 .LBB2_30-.Ltmp16, $4  }
0x562: {  	s9 =	sor.u32 $0x1C0F, s9;
	s15 =	rddreg [dreg:$0x12];
	s10 =	sshrl.u32 s18, $0x3  }
0x563: {  	[hbm:s15], [sflag:s9] =	dma.local [spmem:s10], $0x100  }
0x564: {  	s17 =	rddreg [dreg:$0x4]  }
0x565: {  	s11 =	sadd.s32 $0x800, s18;
	_ =	swait.ge [sflag:s29], $0x100;
	s10 =	sadd.s32 $0xFFFFFFFF, s17  }
.LBB2_29:
0x566: {  	[sflag:s29] =	ssyncset.done $0x0;
	s15 =	sadd.s32 $0x100, s15;
	p0 =	sne.s32 s10, $0x1  }
.Ltmp17:
0x567: {  	s16 =	sshrl.u32 s11, $0x3;
	[sflag:s29] =	ssyncadd.s32 $0xFFFFFF00;
	(pc) =	sbr.rel @p0 .LBB2_29-.Ltmp17, $3  }
0x568: {  	[hbm:s15], [sflag:s9] =	dma.local [spmem:s16], $0x100  }
0x569: {  	s10 =	sadd.s32 $0xFFFFFFFF, s10;
	_ =	sdelay $0x1  }
0x56a: {  	s11 =	sadd.s32 $0x800, s11;
	_ =	swait.ge [sflag:s29], $0x100  }
.LBB2_30:
0x56b: {  	s10 =	rddreg [dreg:$0x18]  }
0x56c: {  	s9 =	rddreg [dreg:$0x11];
	s10 =	sadd.s32 $0x1, s10  }
0x56d: {  	p0 =	sne.s32 s10, s9  }
.Ltmp18:
0x56e: {  	_ = 	snop;
	(pc) =	sbr.rel @p0 .LBB2_1-.Ltmp18, $3  }
0x56f: {  	_ =	sdelay $0x1  }
0x570: {  	[sflag:s29] =	ssyncset.done $0x0  }
0x571: {  	[sflag:s29] =	ssyncadd.s32 $0xFFFFFF00  }
0x572: {  	_ =	sfence.sel $0x180000  }
0x573: {  	[bflag:$0x0] =	sbarrier.arrive $0xFFFF  }
0x574: {  	_ =	strace $0x90000047  }
0x575: {  	s0 =	stileid.u32;
	[bflag:$0x2] =	sbarrier.arrive $0xFFFF  }
0x576: {  	p0 =	sne.s32 s0, $0x0;
	s0 =	rddreg [dreg:$0x3]  }
0x577: {  	s0 =	sadd.s32 @!p0 $0x100000, s0  }
0x578: {  	[sflag:s0] =	ssyncadd.tile.s32 @!p0 $0x1;
	_ =	shalt  }
.Lfunc_end2:
_tile_overlayer_lowered:
.L_overlay_start_2:
0x579: {  	(tag) =	ssettag $0x2  }
0x57a: {  	s0 =	rddreg [dreg:$0x0];
	s2 =	stileid.u32  }
0x57b: {  	s1 =	rddreg [dreg:$0x1];
	p0 =	sne.s32 s2, $0x0  }
0x57c: {  	s3 =	rddreg [dreg:$0x2];
	[bflag:$0x3] =	sbarrier.arrive $0xFFFF;
	s2 =	simm.s32 @!p0 $0x1C0F  }
0x57d: {  	[timem:s3], [sflag:s2] =	dma.local @!p0 [hbm:s0], s1  }
0x57e: {  	s0 =	simm.s32 @!p0 $0xF  }
0x57f: {  	_ =	swait.ge @!p0 [sflag:s0], s1  }
0x580: {  	s1 =	ssub.s32 @!p0 $0x0, s1;
	[sflag:s0] =	ssyncset.done @!p0 $0x0  }
0x581: {  	[sflag:s0] =	ssyncadd.s32 @!p0 s1  }
0x582: {  	[bflag:$0x3] =	sbarrier.arrive $0xFFFF  }
0x583: {  	_ =	shalt  }

</sc_bundles>
